<compile_context>
chip_gen: v7x
topology: tpu7x:2x2x1
jax: 0.10.2.dev20260603
libtpu: 0.0.44.dev20260713+nightly
codegen_flags: <defaults>
</compile_context>

<pallas_src>
import functools

import jax
import jax.numpy as jnp
from jax import lax
from jax.experimental import pallas as pl
from jax.experimental.pallas import tpu as pltpu
from jax.experimental.pallas import tpu_sc as plsc

N_USERS = 5000
N_ITEMS = 5000
NN = N_USERS + N_ITEMS
D = 128
E = 320000
LAYERS = 3

NC = 2
NS = 16
NW = NC * NS
EPW = E // NW
CH = 80
NCHUNK = EPW // CH
NPAIR = (NCHUNK - 1) // 2
WB_OFF = 624
WB_SZ = 640
DEGW = 128

_MESH = plsc.VectorSubcoreMesh(core_axis_name="c", subcore_axis_name="s")


@functools.partial(
    pl.kernel,
    out_type=jax.ShapeDtypeStruct((NC, NN, DEGW), jnp.float32),
    mesh=_MESH,
    scratch_types=[
        pltpu.VMEM_SHARED((NN, DEGW), jnp.float32),
        pltpu.VMEM((CH,), jnp.int32),
        pltpu.VMEM((CH,), jnp.int32),
        pltpu.VMEM((CH, DEGW), jnp.float32),
        pltpu.SemaphoreType.DMA,
        pltpu.SemaphoreType.DMA,
        pltpu.SemaphoreType.DMA,
        pltpu.SemaphoreType.DMA,
    ],
)
def _degree_kernel(dst_hbm, zeros_hbm, ones_hbm, dpart_hbm,
                   hist_sh, ia_v, ib_v, ones_v,
                   sem_a, sem_b, sem_ia, sem_ib):
    c = lax.axis_index("c")
    s = lax.axis_index("s")
    w = s * NC + c
    pltpu.sync_copy(zeros_hbm.at[pl.ds(s * WB_OFF, WB_SZ)],
                    hist_sh.at[pl.ds(s * WB_OFF, WB_SZ)])
    pltpu.sync_copy(ones_hbm, ones_v)
    plsc.subcore_barrier()
    base = w * EPW

    def idx_off(i):
        return pl.multiple_of(base + i * CH, 16)

    pltpu.sync_copy(dst_hbm.at[pl.ds(idx_off(0), CH)], ia_v)
    pltpu.async_copy(ones_v, hist_sh.at[ia_v], sem_a, add=True)
    pltpu.async_copy(dst_hbm.at[pl.ds(idx_off(1), CH)], ib_v, sem_ib)

    def body(k, carry):
        i = 2 * k
        pltpu.make_async_copy(dst_hbm.at[pl.ds(idx_off(i + 1), CH)], ib_v,
                              sem_ib).wait()
        pltpu.async_copy(ones_v, hist_sh.at[ib_v], sem_b, add=True)
        pltpu.make_async_copy(ones_v, hist_sh.at[ia_v], sem_a).wait()
        pltpu.async_copy(dst_hbm.at[pl.ds(idx_off(i + 2), CH)], ia_v, sem_ia)
        pltpu.make_async_copy(dst_hbm.at[pl.ds(idx_off(i + 2), CH)], ia_v,
                              sem_ia).wait()
        pltpu.async_copy(ones_v, hist_sh.at[ia_v], sem_a, add=True)
        pltpu.make_async_copy(ones_v, hist_sh.at[ib_v], sem_b).wait()
        pltpu.async_copy(dst_hbm.at[pl.ds(idx_off(i + 3), CH)], ib_v, sem_ib)
        return carry

    lax.fori_loop(0, NPAIR, body, 0)
    pltpu.make_async_copy(ones_v, hist_sh.at[ia_v], sem_a).wait()
    pltpu.make_async_copy(dst_hbm.at[pl.ds(idx_off(NCHUNK), CH)], ib_v,
                          sem_ib).wait()
    plsc.subcore_barrier()
    pltpu.sync_copy(hist_sh.at[pl.ds(s * WB_OFF, WB_SZ)],
                    dpart_hbm.at[c, pl.ds(s * WB_OFF, WB_SZ)])


@functools.partial(
    pl.kernel,
    out_type=jax.ShapeDtypeStruct((NC, NN, D), jnp.float32),
    mesh=_MESH,
    scratch_types=(
        [pltpu.VMEM_SHARED((NN, D), jnp.float32)]
        + [pltpu.VMEM((CH,), jnp.int32) for _ in range(12)]
        + [pltpu.VMEM((CH, D), jnp.float32) for _ in range(3)]
        + [pltpu.SemaphoreType.DMA for _ in range(12)]
    ),
)
def _layer_kernel(x_hbm, src_hbm, dst_hbm, zeros_hbm, ypart_hbm,
                  acc_sh,
                  s0, s1, s2, s3, s4, s5, d0, d1, d2, d3, d4, d5,
                  r0, r1, r2,
                  g0, g1, g2, t0, t1, t2, i0, i1, i2, i3, i4, i5):
    c = lax.axis_index("c")
    s = lax.axis_index("s")
    w = s * NC + c
    pltpu.sync_copy(zeros_hbm.at[pl.ds(s * WB_OFF, WB_SZ)],
                    acc_sh.at[pl.ds(s * WB_OFF, WB_SZ)])
    plsc.subcore_barrier()
    base = w * EPW
    sv = [s0, s1, s2, s3, s4, s5]
    dv = [d0, d1, d2, d3, d4, d5]
    rv = [r0, r1, r2]
    gs = [g0, g1, g2]
    ts = [t0, t1, t2]
    iv = [i0, i1, i2, i3, i4, i5]

    def off(i):
        return pl.multiple_of(base + i * CH, 16)

    def afi(ci, m):
        pltpu.async_copy(src_hbm.at[pl.ds(off(ci), CH)], sv[m], iv[m])
        pltpu.async_copy(dst_hbm.at[pl.ds(off(ci), CH)], dv[m], iv[m])

    def wfi(ci, m):
        pltpu.make_async_copy(src_hbm.at[pl.ds(off(ci), CH)], sv[m],
                              iv[m]).wait()
        pltpu.make_async_copy(dst_hbm.at[pl.ds(off(ci), CH)], dv[m],
                              iv[m]).wait()

    def gather(ci, m, j):
        pltpu.async_copy(x_hbm.at[sv[m]], rv[j], gs[j])

    def wait_gather(m, j):
        pltpu.make_async_copy(x_hbm.at[sv[m]], rv[j], gs[j]).wait()

    def scatter(m, j):
        pltpu.async_copy(rv[j], acc_sh.at[dv[m]], ts[j], add=True)

    def wait_scatter(m, j):
        pltpu.make_async_copy(rv[j], acc_sh.at[dv[m]], ts[j]).wait()

    pltpu.sync_copy(src_hbm.at[pl.ds(off(0), CH)], s0)
    pltpu.sync_copy(dst_hbm.at[pl.ds(off(0), CH)], d0)
    gather(0, 0, 0)
    afi(1, 1)
    afi(2, 2)
    wfi(1, 1); gather(1, 1, 1); wait_gather(0, 0); scatter(0, 0); afi(3, 3)
    wfi(2, 2); gather(2, 2, 2); wait_gather(1, 1); scatter(1, 1); afi(4, 4)
    wfi(3, 3); wait_scatter(0, 0); gather(3, 3, 0)
    wait_gather(2, 2); scatter(2, 2); afi(5, 5)
    wfi(4, 4); wait_scatter(1, 1); gather(4, 4, 1)
    wait_gather(3, 0); scatter(3, 0); afi(6, 0); afi(7, 1)

    def body(k, carry):
        cc = 6 * k + 5

        def slot(p, j, m, jprev, mprev):
            wfi(cc + p, m)
            wait_scatter((m + 3) % 6, j)
            gather(cc + p, m, j)
            wait_gather(mprev, jprev)
            scatter(mprev, jprev)
            afi(cc + p + 3, (m + 3) % 6)

        slot(0, 2, 5, 1, 4)
        slot(1, 0, 0, 2, 5)
        slot(2, 1, 1, 0, 0)
        slot(3, 2, 2, 1, 1)
        slot(4, 0, 3, 2, 2)
        slot(5, 1, 4, 0, 3)
        return carry

    lax.fori_loop(0, (NCHUNK - 5) // 6, body, 0)
    wait_gather(4, 1)
    scatter(4, 1)
    wait_scatter(2, 2)
    wait_scatter(3, 0)
    wait_scatter(4, 1)
    wfi(NCHUNK, 5)
    wfi(NCHUNK + 1, 0)
    wfi(NCHUNK + 2, 1)
    plsc.subcore_barrier()
    pltpu.sync_copy(acc_sh.at[pl.ds(s * WB_OFF, WB_SZ)],
                    ypart_hbm.at[c, pl.ds(s * WB_OFF, WB_SZ)])


_RB = 1000


def _prep(dpart, emb0):
    def body(dp_ref, emb_ref, s_ref, x_ref):
        d = dp_ref[0, :, 0:1] + dp_ref[1, :, 0:1]
        sv = jnp.where(d > 0.0, lax.rsqrt(jnp.where(d > 0.0, d, 1.0)), 0.0)
        s_ref[...] = sv
        x_ref[...] = emb_ref[...] * sv

    return pl.pallas_call(
        body,
        grid=(NN // _RB,),
        in_specs=[
            pl.BlockSpec((NC, _RB, DEGW), lambda i: (0, i, 0)),
            pl.BlockSpec((_RB, D), lambda i: (i, 0)),
        ],
        out_specs=[
            pl.BlockSpec((_RB, 1), lambda i: (i, 0)),
            pl.BlockSpec((_RB, D), lambda i: (i, 0)),
        ],
        out_shape=[
            jax.ShapeDtypeStruct((NN, 1), jnp.float32),
            jax.ShapeDtypeStruct((NN, D), jnp.float32),
        ],
    )(dpart, emb0)


def _combine(ypart, s_col, acc, last):
    def body(yp_ref, s_ref, a_ref, ao_ref, *maybe_x):
        y = yp_ref[0] + yp_ref[1]
        sv = s_ref[...]
        e = y * sv
        anew = a_ref[...] + e
        if last:
            anew = anew * 0.25
        else:
            maybe_x[0][...] = e * sv
        ao_ref[...] = anew

    n_out = 1 if last else 2
    return pl.pallas_call(
        body,
        grid=(NN // _RB,),
        in_specs=[
            pl.BlockSpec((NC, _RB, D), lambda i: (0, i, 0)),
            pl.BlockSpec((_RB, 1), lambda i: (i, 0)),
            pl.BlockSpec((_RB, D), lambda i: (i, 0)),
        ],
        out_specs=[pl.BlockSpec((_RB, D), lambda i: (i, 0))] * n_out,
        out_shape=[jax.ShapeDtypeStruct((NN, D), jnp.float32)] * n_out,
    )(ypart, s_col, acc)


def kernel(edge_index, user_emb_weight, item_emb_weight):
    emb0 = jnp.concatenate([user_emb_weight, item_emb_weight], axis=0)
    pad = jnp.zeros((3 * CH,), jnp.int32)
    src = jnp.concatenate([edge_index[0], pad])
    dst = jnp.concatenate([edge_index[1], pad])
    zeros128 = jnp.zeros((NN, D), jnp.float32)
    ones128 = jnp.ones((CH, DEGW), jnp.float32)

    dpart = _degree_kernel(dst, zeros128, ones128)
    s_b, x = _prep(dpart, emb0)
    acc = emb0
    for layer in range(LAYERS):
        ypart = _layer_kernel(x, src, dst, zeros128)
        out = _combine(ypart, s_b, acc, layer == LAYERS - 1)
        acc = out[0]
        x = out[1] if len(out) > 1 else None
    return (acc, acc[:N_USERS], acc[N_USERS:])

# --- scband reference (transcript-rebuilt; emitter-appended) ---
"""Pipeline reference for scband-light-gcn-89928025244252 (READ-ONLY COPY).

The authoritative reference and input builder live on the scoring server;
editing this copy changes nothing except your own understanding.
"""

import jax, jax.numpy as jnp
import numpy as np

NUM_USERS = 5000
NUM_ITEMS = 5000
EMBED_DIM = 128
NUM_LAYERS = 3
NUM_EDGES = 320000
N = NUM_USERS + NUM_ITEMS


def setup_inputs(seed: int = 0) -> dict:
    key = jax.random.key(seed)
    k1, k2, k3 = jax.random.split(key, 3)
    edge_index = jax.random.randint(k1, (2, NUM_EDGES), 0, N, dtype=jnp.int64 if jax.config.jax_enable_x64 else jnp.int32).astype(jnp.int32)
    user_emb_weight = jax.random.normal(k2, (NUM_USERS, EMBED_DIM), dtype=jnp.float32) * 0.1
    item_emb_weight = jax.random.normal(k3, (NUM_ITEMS, EMBED_DIM), dtype=jnp.float32) * 0.1
    return {"edge_index": edge_index, "user_emb_weight": user_emb_weight, "item_emb_weight": item_emb_weight}


def reference(edge_index, user_emb_weight, item_emb_weight):
    # ego embeddings: concat users then items
    all_embeddings = jnp.concatenate([user_emb_weight, item_emb_weight], axis=0)
    embeddings_list = [all_embeddings]

    src = edge_index[0]
    dst = edge_index[1]

    # node degrees counted over destination nodes (scatter-add of ones)
    node_degrees = jnp.zeros((N,), dtype=jnp.float32).at[dst].add(1.0)

    # symmetric normalization per edge; non-finite -> 0 (matches torch guard)
    denom = jnp.sqrt(node_degrees[src]) * jnp.sqrt(node_degrees[dst])
    norm = jnp.where(denom > 0, 1.0 / jnp.where(denom > 0, denom, 1.0), 0.0)

    for _ in range(NUM_LAYERS):
        # gather source embeddings, scale by per-edge norm, scatter-add into dst
        messages = all_embeddings[src] * norm[:, None]
        all_embeddings = jnp.zeros_like(all_embeddings).at[dst].add(messages)
        embeddings_list.append(all_embeddings)

    all_embeddings = jnp.stack(embeddings_list, axis=1).mean(axis=1)
    user_embeddings = all_embeddings[:NUM_USERS]
    item_embeddings = all_embeddings[NUM_USERS:]
    return (all_embeddings, user_embeddings, item_embeddings)

if __name__ == "__main__":
    import jax
    _d = setup_inputs()
    print(jax.jit(kernel)(*tuple(_d.values())))

</pallas_src>

<mosaic_0001>
#map = affine_map<(d0, d1) -> (0, 0)>
#map1 = affine_map<(d0, d1) -> (0)>
#map2 = affine_map<(d0, d1) -> (0, 0, 0)>
module attributes {stable_mosaic.version = 14 : i64} {
  func.func @_layer_kernel(%arg0: i32, %arg1: i32, %arg2: memref<10000x128xf32, #tpu.memory_space<hbm>>, %arg3: memref<320240xi32, #tpu.memory_space<hbm>>, %arg4: memref<320240xi32, #tpu.memory_space<hbm>>, %arg5: memref<10000x128xf32, #tpu.memory_space<hbm>>, %arg6: memref<2x10000x128xf32, #tpu.memory_space<hbm>>, %arg7: memref<10000x128xf32, #tpu.memory_space<vmem_shared>>, %arg8: memref<80xi32, #tpu.memory_space<vmem>>, %arg9: memref<80xi32, #tpu.memory_space<vmem>>, %arg10: memref<80xi32, #tpu.memory_space<vmem>>, %arg11: memref<80xi32, #tpu.memory_space<vmem>>, %arg12: memref<80xi32, #tpu.memory_space<vmem>>, %arg13: memref<80xi32, #tpu.memory_space<vmem>>, %arg14: memref<80xi32, #tpu.memory_space<vmem>>, %arg15: memref<80xi32, #tpu.memory_space<vmem>>, %arg16: memref<80xi32, #tpu.memory_space<vmem>>, %arg17: memref<80xi32, #tpu.memory_space<vmem>>, %arg18: memref<80xi32, #tpu.memory_space<vmem>>, %arg19: memref<80xi32, #tpu.memory_space<vmem>>, %arg20: memref<80x128xf32, #tpu.memory_space<vmem>>, %arg21: memref<80x128xf32, #tpu.memory_space<vmem>>, %arg22: memref<80x128xf32, #tpu.memory_space<vmem>>, %arg23: memref<!tpu.dma_semaphore, #tpu.memory_space<semaphore_mem>>, %arg24: memref<!tpu.dma_semaphore, #tpu.memory_space<semaphore_mem>>, %arg25: memref<!tpu.dma_semaphore, #tpu.memory_space<semaphore_mem>>, %arg26: memref<!tpu.dma_semaphore, #tpu.memory_space<semaphore_mem>>, %arg27: memref<!tpu.dma_semaphore, #tpu.memory_space<semaphore_mem>>, %arg28: memref<!tpu.dma_semaphore, #tpu.memory_space<semaphore_mem>>, %arg29: memref<!tpu.dma_semaphore, #tpu.memory_space<semaphore_mem>>, %arg30: memref<!tpu.dma_semaphore, #tpu.memory_space<semaphore_mem>>, %arg31: memref<!tpu.dma_semaphore, #tpu.memory_space<semaphore_mem>>, %arg32: memref<!tpu.dma_semaphore, #tpu.memory_space<semaphore_mem>>, %arg33: memref<!tpu.dma_semaphore, #tpu.memory_space<semaphore_mem>>, %arg34: memref<!tpu.dma_semaphore, #tpu.memory_space<semaphore_mem>>) attributes {dimension_semantics = [#tpu.dimension_semantics<core_parallel>, #tpu.dimension_semantics<subcore_parallel>], iteration_bounds = array<i64: 2, 16>, scalar_prefetch = 0 : i64, scratch_operands = 28 : i64, tpu.core_type = #tpu.core_type<sc_vector_subcore>, window_params = [{transform_indices = #map}, {transform_indices = #map1}, {transform_indices = #map1}, {transform_indices = #map}, {transform_indices = #map2}]} {
    %mul3A = arith.constant 2 : i32
    %mul3A_0 = arith.muli %arg1, %mul3A : i32
    %add3A = arith.addi %mul3A_0, %arg0 : i32
    %mul3A_1 = arith.constant 624 : i32
    %mul3A_2 = arith.muli %arg1, %mul3A_1 : i32
    %mul3A_3 = arith.constant 624 : i32
    %mul3A_4 = arith.muli %arg1, %mul3A_3 : i32
    "tpu.region"() ({
      %run_scoped3A = tpu.sem_alloc : memref<!tpu.dma_semaphore, #tpu.memory_space<semaphore_mem>>
      %dma_start3A_220 = arith.constant 0 : i32
      %dma_start3A_221 = tpu.memref_slice %arg7[%mul3A_4, %dma_start3A_220] : memref<10000x128xf32, #tpu.memory_space<vmem_shared>> -> memref<640x128xf32, #tpu.memory_space<vmem_shared>>
      %dma_start3A_222 = arith.constant 0 : i32
      %dma_start3A_223 = tpu.memref_slice %arg5[%mul3A_2, %dma_start3A_222] : memref<10000x128xf32, #tpu.memory_space<hbm>> -> memref<640x128xf32, #tpu.memory_space<hbm>>
      tpu.enqueue_dma source(%dma_start3A_223 : memref<640x128xf32, #tpu.memory_space<hbm>>) target(%dma_start3A_221 : memref<640x128xf32, #tpu.memory_space<vmem_shared>>) target_semaphore(%run_scoped3A : memref<!tpu.dma_semaphore, #tpu.memory_space<semaphore_mem>>)
      %dma_wait3A_224 = arith.constant 0 : i32
      %dma_wait3A_225 = tpu.memref_slice %arg7[%mul3A_4, %dma_wait3A_224] : memref<10000x128xf32, #tpu.memory_space<vmem_shared>> -> memref<640x128xf32, #tpu.memory_space<vmem_shared>>
      %dma_wait3A_226 = arith.constant 0 : i32
      %dma_wait3A_227 = tpu.memref_slice %arg5[%mul3A_2, %dma_wait3A_226] : memref<10000x128xf32, #tpu.memory_space<hbm>> -> memref<640x128xf32, #tpu.memory_space<hbm>>
      tpu.wait_dma2 semaphore(%run_scoped3A : memref<!tpu.dma_semaphore, #tpu.memory_space<semaphore_mem>>) src(%dma_wait3A_227 : memref<640x128xf32, #tpu.memory_space<hbm>>) dst(%dma_wait3A_225 : memref<640x128xf32, #tpu.memory_space<vmem_shared>>)
      tpu.yield
    }) : () -> ()
    %barrier3A = arith.constant 0 : index
    tpu.barrier barrier_id(%barrier3A)
    %mul3A_5 = arith.constant 10000 : i32
    %mul3A_6 = arith.muli %add3A, %mul3A_5 : i32
    %add3A_7 = arith.constant 0 : i32
    %add3A_8 = arith.addi %mul3A_6, %add3A_7 : i32
    %multiple_of3A = tpu.assume_multiple %add3A_8, 16 : i32
    "tpu.region"() ({
      %run_scoped3A = tpu.sem_alloc : memref<!tpu.dma_semaphore, #tpu.memory_space<semaphore_mem>>
      %dma_start3A_220 = tpu.memref_slice %arg3[%multiple_of3A] : memref<320240xi32, #tpu.memory_space<hbm>> -> memref<80xi32, #tpu.memory_space<hbm>>
      %dma_start3A_221 = tpu.memref_slice %arg3[%multiple_of3A] : memref<320240xi32, #tpu.memory_space<hbm>> -> memref<80xi32, #tpu.memory_space<hbm>>
      tpu.enqueue_dma source(%dma_start3A_221 : memref<80xi32, #tpu.memory_space<hbm>>) target(%arg8 : memref<80xi32, #tpu.memory_space<vmem>>) target_semaphore(%run_scoped3A : memref<!tpu.dma_semaphore, #tpu.memory_space<semaphore_mem>>)
      %dma_wait3A_222 = tpu.memref_slice %arg3[%multiple_of3A] : memref<320240xi32, #tpu.memory_space<hbm>> -> memref<80xi32, #tpu.memory_space<hbm>>
      %dma_wait3A_223 = tpu.memref_slice %arg3[%multiple_of3A] : memref<320240xi32, #tpu.memory_space<hbm>> -> memref<80xi32, #tpu.memory_space<hbm>>
      tpu.wait_dma2 semaphore(%run_scoped3A : memref<!tpu.dma_semaphore, #tpu.memory_space<semaphore_mem>>) src(%dma_wait3A_223 : memref<80xi32, #tpu.memory_space<hbm>>) dst(%arg8 : memref<80xi32, #tpu.memory_space<vmem>>)
      tpu.yield
    }) : () -> ()
    %add3A_9 = arith.constant 0 : i32
    %add3A_10 = arith.addi %mul3A_6, %add3A_9 : i32
    %multiple_of3A_11 = tpu.assume_multiple %add3A_10, 16 : i32
    "tpu.region"() ({
      %run_scoped3A = tpu.sem_alloc : memref<!tpu.dma_semaphore, #tpu.memory_space<semaphore_mem>>
      %dma_start3A_220 = tpu.memref_slice %arg4[%multiple_of3A_11] : memref<320240xi32, #tpu.memory_space<hbm>> -> memref<80xi32, #tpu.memory_space<hbm>>
      %dma_start3A_221 = tpu.memref_slice %arg4[%multiple_of3A_11] : memref<320240xi32, #tpu.memory_space<hbm>> -> memref<80xi32, #tpu.memory_space<hbm>>
      tpu.enqueue_dma source(%dma_start3A_221 : memref<80xi32, #tpu.memory_space<hbm>>) target(%arg14 : memref<80xi32, #tpu.memory_space<vmem>>) target_semaphore(%run_scoped3A : memref<!tpu.dma_semaphore, #tpu.memory_space<semaphore_mem>>)
      %dma_wait3A_222 = tpu.memref_slice %arg4[%multiple_of3A_11] : memref<320240xi32, #tpu.memory_space<hbm>> -> memref<80xi32, #tpu.memory_space<hbm>>
      %dma_wait3A_223 = tpu.memref_slice %arg4[%multiple_of3A_11] : memref<320240xi32, #tpu.memory_space<hbm>> -> memref<80xi32, #tpu.memory_space<hbm>>
      tpu.wait_dma2 semaphore(%run_scoped3A : memref<!tpu.dma_semaphore, #tpu.memory_space<semaphore_mem>>) src(%dma_wait3A_223 : memref<80xi32, #tpu.memory_space<hbm>>) dst(%arg14 : memref<80xi32, #tpu.memory_space<vmem>>)
      tpu.yield
    }) : () -> ()
    %dma_start3A = arith.constant 0 : i32
    %dma_start3A_12 = arith.constant 0 : i32
    %dma_start3A_13 = tpu.memref_slice %arg2[%dma_start3A, %dma_start3A_12] : memref<10000x128xf32, #tpu.memory_space<hbm>> -> memref<10000x128xf32, #tpu.memory_space<hbm>>
    tpu.enqueue_indirect_dma source(%dma_start3A_13 : memref<10000x128xf32, #tpu.memory_space<hbm>>) target(%arg20 : memref<80x128xf32, #tpu.memory_space<vmem>>) offsets(%arg8 : memref<80xi32, #tpu.memory_space<vmem>>) semaphore(%arg23 : memref<!tpu.dma_semaphore, #tpu.memory_space<semaphore_mem>>)
    %add3A_14 = arith.constant 80 : i32
    %add3A_15 = arith.addi %mul3A_6, %add3A_14 : i32
    %multiple_of3A_16 = tpu.assume_multiple %add3A_15, 16 : i32
    %dma_start3A_17 = tpu.memref_slice %arg3[%multiple_of3A_16] : memref<320240xi32, #tpu.memory_space<hbm>> -> memref<80xi32, #tpu.memory_space<hbm>>
    %dma_start3A_18 = tpu.memref_slice %arg3[%multiple_of3A_16] : memref<320240xi32, #tpu.memory_space<hbm>> -> memref<80xi32, #tpu.memory_space<hbm>>
    tpu.enqueue_dma source(%dma_start3A_18 : memref<80xi32, #tpu.memory_space<hbm>>) target(%arg9 : memref<80xi32, #tpu.memory_space<vmem>>) target_semaphore(%arg30 : memref<!tpu.dma_semaphore, #tpu.memory_space<semaphore_mem>>)
    %add3A_19 = arith.constant 80 : i32
    %add3A_20 = arith.addi %mul3A_6, %add3A_19 : i32
    %multiple_of3A_21 = tpu.assume_multiple %add3A_20, 16 : i32
    %dma_start3A_22 = tpu.memref_slice %arg4[%multiple_of3A_21] : memref<320240xi32, #tpu.memory_space<hbm>> -> memref<80xi32, #tpu.memory_space<hbm>>
    %dma_start3A_23 = tpu.memref_slice %arg4[%multiple_of3A_21] : memref<320240xi32, #tpu.memory_space<hbm>> -> memref<80xi32, #tpu.memory_space<hbm>>
    tpu.enqueue_dma source(%dma_start3A_23 : memref<80xi32, #tpu.memory_space<hbm>>) target(%arg15 : memref<80xi32, #tpu.memory_space<vmem>>) target_semaphore(%arg30 : memref<!tpu.dma_semaphore, #tpu.memory_space<semaphore_mem>>)
    %add3A_24 = arith.constant 160 : i32
    %add3A_25 = arith.addi %mul3A_6, %add3A_24 : i32
    %multiple_of3A_26 = tpu.assume_multiple %add3A_25, 16 : i32
    %dma_start3A_27 = tpu.memref_slice %arg3[%multiple_of3A_26] : memref<320240xi32, #tpu.memory_space<hbm>> -> memref<80xi32, #tpu.memory_space<hbm>>
    %dma_start3A_28 = tpu.memref_slice %arg3[%multiple_of3A_26] : memref<320240xi32, #tpu.memory_space<hbm>> -> memref<80xi32, #tpu.memory_space<hbm>>
    tpu.enqueue_dma source(%dma_start3A_28 : memref<80xi32, #tpu.memory_space<hbm>>) target(%arg10 : memref<80xi32, #tpu.memory_space<vmem>>) target_semaphore(%arg31 : memref<!tpu.dma_semaphore, #tpu.memory_space<semaphore_mem>>)
    %add3A_29 = arith.constant 160 : i32
    %add3A_30 = arith.addi %mul3A_6, %add3A_29 : i32
    %multiple_of3A_31 = tpu.assume_multiple %add3A_30, 16 : i32
    %dma_start3A_32 = tpu.memref_slice %arg4[%multiple_of3A_31] : memref<320240xi32, #tpu.memory_space<hbm>> -> memref<80xi32, #tpu.memory_space<hbm>>
    %dma_start3A_33 = tpu.memref_slice %arg4[%multiple_of3A_31] : memref<320240xi32, #tpu.memory_space<hbm>> -> memref<80xi32, #tpu.memory_space<hbm>>
    tpu.enqueue_dma source(%dma_start3A_33 : memref<80xi32, #tpu.memory_space<hbm>>) target(%arg16 : memref<80xi32, #tpu.memory_space<vmem>>) target_semaphore(%arg31 : memref<!tpu.dma_semaphore, #tpu.memory_space<semaphore_mem>>)
    %add3A_34 = arith.constant 80 : i32
    %add3A_35 = arith.addi %mul3A_6, %add3A_34 : i32
    %multiple_of3A_36 = tpu.assume_multiple %add3A_35, 16 : i32
    %dma_wait3A = tpu.memref_slice %arg3[%multiple_of3A_36] : memref<320240xi32, #tpu.memory_space<hbm>> -> memref<80xi32, #tpu.memory_space<hbm>>
    %dma_wait3A_37 = tpu.memref_slice %arg3[%multiple_of3A_36] : memref<320240xi32, #tpu.memory_space<hbm>> -> memref<80xi32, #tpu.memory_space<hbm>>
    tpu.wait_dma2 semaphore(%arg30 : memref<!tpu.dma_semaphore, #tpu.memory_space<semaphore_mem>>) src(%dma_wait3A_37 : memref<80xi32, #tpu.memory_space<hbm>>) dst(%arg9 : memref<80xi32, #tpu.memory_space<vmem>>)
    %add3A_38 = arith.constant 80 : i32
    %add3A_39 = arith.addi %mul3A_6, %add3A_38 : i32
    %multiple_of3A_40 = tpu.assume_multiple %add3A_39, 16 : i32
    %dma_wait3A_41 = tpu.memref_slice %arg4[%multiple_of3A_40] : memref<320240xi32, #tpu.memory_space<hbm>> -> memref<80xi32, #tpu.memory_space<hbm>>
    %dma_wait3A_42 = tpu.memref_slice %arg4[%multiple_of3A_40] : memref<320240xi32, #tpu.memory_space<hbm>> -> memref<80xi32, #tpu.memory_space<hbm>>
    tpu.wait_dma2 semaphore(%arg30 : memref<!tpu.dma_semaphore, #tpu.memory_space<semaphore_mem>>) src(%dma_wait3A_42 : memref<80xi32, #tpu.memory_space<hbm>>) dst(%arg15 : memref<80xi32, #tpu.memory_space<vmem>>)
    %dma_start3A_43 = arith.constant 0 : i32
    %dma_start3A_44 = arith.constant 0 : i32
    %dma_start3A_45 = tpu.memref_slice %arg2[%dma_start3A_43, %dma_start3A_44] : memref<10000x128xf32, #tpu.memory_space<hbm>> -> memref<10000x128xf32, #tpu.memory_space<hbm>>
    tpu.enqueue_indirect_dma source(%dma_start3A_45 : memref<10000x128xf32, #tpu.memory_space<hbm>>) target(%arg21 : memref<80x128xf32, #tpu.memory_space<vmem>>) offsets(%arg9 : memref<80xi32, #tpu.memory_space<vmem>>) semaphore(%arg24 : memref<!tpu.dma_semaphore, #tpu.memory_space<semaphore_mem>>)
    %dma_wait3A_46 = arith.constant 0 : i32
    %dma_wait3A_47 = arith.constant 0 : i32
    %dma_wait3A_48 = tpu.memref_slice %arg2[%dma_wait3A_46, %dma_wait3A_47] : memref<10000x128xf32, #tpu.memory_space<hbm>> -> memref<10000x128xf32, #tpu.memory_space<hbm>>
    tpu.wait_indirect_dma semaphore(%arg23 : memref<!tpu.dma_semaphore, #tpu.memory_space<semaphore_mem>>) src(%dma_wait3A_48 : memref<10000x128xf32, #tpu.memory_space<hbm>>) dst(%arg20 : memref<80x128xf32, #tpu.memory_space<vmem>>)
    %dma_start3A_49 = arith.constant 0 : i32
    %dma_start3A_50 = arith.constant 0 : i32
    %dma_start3A_51 = tpu.memref_slice %arg7[%dma_start3A_49, %dma_start3A_50] : memref<10000x128xf32, #tpu.memory_space<vmem_shared>> -> memref<10000x128xf32, #tpu.memory_space<vmem_shared>>
    tpu.enqueue_indirect_dma source(%arg20 : memref<80x128xf32, #tpu.memory_space<vmem>>) target(%dma_start3A_51 : memref<10000x128xf32, #tpu.memory_space<vmem_shared>>) offsets(%arg14 : memref<80xi32, #tpu.memory_space<vmem>>) semaphore(%arg26 : memref<!tpu.dma_semaphore, #tpu.memory_space<semaphore_mem>>) {add = true}
    %add3A_52 = arith.constant 240 : i32
    %add3A_53 = arith.addi %mul3A_6, %add3A_52 : i32
    %multiple_of3A_54 = tpu.assume_multiple %add3A_53, 16 : i32
    %dma_start3A_55 = tpu.memref_slice %arg3[%multiple_of3A_54] : memref<320240xi32, #tpu.memory_space<hbm>> -> memref<80xi32, #tpu.memory_space<hbm>>
    %dma_start3A_56 = tpu.memref_slice %arg3[%multiple_of3A_54] : memref<320240xi32, #tpu.memory_space<hbm>> -> memref<80xi32, #tpu.memory_space<hbm>>
    tpu.enqueue_dma source(%dma_start3A_56 : memref<80xi32, #tpu.memory_space<hbm>>) target(%arg11 : memref<80xi32, #tpu.memory_space<vmem>>) target_semaphore(%arg32 : memref<!tpu.dma_semaphore, #tpu.memory_space<semaphore_mem>>)
    %add3A_57 = arith.constant 240 : i32
    %add3A_58 = arith.addi %mul3A_6, %add3A_57 : i32
    %multiple_of3A_59 = tpu.assume_multiple %add3A_58, 16 : i32
    %dma_start3A_60 = tpu.memref_slice %arg4[%multiple_of3A_59] : memref<320240xi32, #tpu.memory_space<hbm>> -> memref<80xi32, #tpu.memory_space<hbm>>
    %dma_start3A_61 = tpu.memref_slice %arg4[%multiple_of3A_59] : memref<320240xi32, #tpu.memory_space<hbm>> -> memref<80xi32, #tpu.memory_space<hbm>>
    tpu.enqueue_dma source(%dma_start3A_61 : memref<80xi32, #tpu.memory_space<hbm>>) target(%arg17 : memref<80xi32, #tpu.memory_space<vmem>>) target_semaphore(%arg32 : memref<!tpu.dma_semaphore, #tpu.memory_space<semaphore_mem>>)
    %add3A_62 = arith.constant 160 : i32
    %add3A_63 = arith.addi %mul3A_6, %add3A_62 : i32
    %multiple_of3A_64 = tpu.assume_multiple %add3A_63, 16 : i32
    %dma_wait3A_65 = tpu.memref_slice %arg3[%multiple_of3A_64] : memref<320240xi32, #tpu.memory_space<hbm>> -> memref<80xi32, #tpu.memory_space<hbm>>
    %dma_wait3A_66 = tpu.memref_slice %arg3[%multiple_of3A_64] : memref<320240xi32, #tpu.memory_space<hbm>> -> memref<80xi32, #tpu.memory_space<hbm>>
    tpu.wait_dma2 semaphore(%arg31 : memref<!tpu.dma_semaphore, #tpu.memory_space<semaphore_mem>>) src(%dma_wait3A_66 : memref<80xi32, #tpu.memory_space<hbm>>) dst(%arg10 : memref<80xi32, #tpu.memory_space<vmem>>)
    %add3A_67 = arith.constant 160 : i32
    %add3A_68 = arith.addi %mul3A_6, %add3A_67 : i32
    %multiple_of3A_69 = tpu.assume_multiple %add3A_68, 16 : i32
    %dma_wait3A_70 = tpu.memref_slice %arg4[%multiple_of3A_69] : memref<320240xi32, #tpu.memory_space<hbm>> -> memref<80xi32, #tpu.memory_space<hbm>>
    %dma_wait3A_71 = tpu.memref_slice %arg4[%multiple_of3A_69] : memref<320240xi32, #tpu.memory_space<hbm>> -> memref<80xi32, #tpu.memory_space<hbm>>
    tpu.wait_dma2 semaphore(%arg31 : memref<!tpu.dma_semaphore, #tpu.memory_space<semaphore_mem>>) src(%dma_wait3A_71 : memref<80xi32, #tpu.memory_space<hbm>>) dst(%arg16 : memref<80xi32, #tpu.memory_space<vmem>>)
    %dma_start3A_72 = arith.constant 0 : i32
    %dma_start3A_73 = arith.constant 0 : i32
    %dma_start3A_74 = tpu.memref_slice %arg2[%dma_start3A_72, %dma_start3A_73] : memref<10000x128xf32, #tpu.memory_space<hbm>> -> memref<10000x128xf32, #tpu.memory_space<hbm>>
    tpu.enqueue_indirect_dma source(%dma_start3A_74 : memref<10000x128xf32, #tpu.memory_space<hbm>>) target(%arg22 : memref<80x128xf32, #tpu.memory_space<vmem>>) offsets(%arg10 : memref<80xi32, #tpu.memory_space<vmem>>) semaphore(%arg25 : memref<!tpu.dma_semaphore, #tpu.memory_space<semaphore_mem>>)
    %dma_wait3A_75 = arith.constant 0 : i32
    %dma_wait3A_76 = arith.constant 0 : i32
    %dma_wait3A_77 = tpu.memref_slice %arg2[%dma_wait3A_75, %dma_wait3A_76] : memref<10000x128xf32, #tpu.memory_space<hbm>> -> memref<10000x128xf32, #tpu.memory_space<hbm>>
    tpu.wait_indirect_dma semaphore(%arg24 : memref<!tpu.dma_semaphore, #tpu.memory_space<semaphore_mem>>) src(%dma_wait3A_77 : memref<10000x128xf32, #tpu.memory_space<hbm>>) dst(%arg21 : memref<80x128xf32, #tpu.memory_space<vmem>>)
    %dma_start3A_78 = arith.constant 0 : i32
    %dma_start3A_79 = arith.constant 0 : i32
    %dma_start3A_80 = tpu.memref_slice %arg7[%dma_start3A_78, %dma_start3A_79] : memref<10000x128xf32, #tpu.memory_space<vmem_shared>> -> memref<10000x128xf32, #tpu.memory_space<vmem_shared>>
    tpu.enqueue_indirect_dma source(%arg21 : memref<80x128xf32, #tpu.memory_space<vmem>>) target(%dma_start3A_80 : memref<10000x128xf32, #tpu.memory_space<vmem_shared>>) offsets(%arg15 : memref<80xi32, #tpu.memory_space<vmem>>) semaphore(%arg27 : memref<!tpu.dma_semaphore, #tpu.memory_space<semaphore_mem>>) {add = true}
    %add3A_81 = arith.constant 320 : i32
    %add3A_82 = arith.addi %mul3A_6, %add3A_81 : i32
    %multiple_of3A_83 = tpu.assume_multiple %add3A_82, 16 : i32
    %dma_start3A_84 = tpu.memref_slice %arg3[%multiple_of3A_83] : memref<320240xi32, #tpu.memory_space<hbm>> -> memref<80xi32, #tpu.memory_space<hbm>>
    %dma_start3A_85 = tpu.memref_slice %arg3[%multiple_of3A_83] : memref<320240xi32, #tpu.memory_space<hbm>> -> memref<80xi32, #tpu.memory_space<hbm>>
    tpu.enqueue_dma source(%dma_start3A_85 : memref<80xi32, #tpu.memory_space<hbm>>) target(%arg12 : memref<80xi32, #tpu.memory_space<vmem>>) target_semaphore(%arg33 : memref<!tpu.dma_semaphore, #tpu.memory_space<semaphore_mem>>)
    %add3A_86 = arith.constant 320 : i32
    %add3A_87 = arith.addi %mul3A_6, %add3A_86 : i32
    %multiple_of3A_88 = tpu.assume_multiple %add3A_87, 16 : i32
    %dma_start3A_89 = tpu.memref_slice %arg4[%multiple_of3A_88] : memref<320240xi32, #tpu.memory_space<hbm>> -> memref<80xi32, #tpu.memory_space<hbm>>
    %dma_start3A_90 = tpu.memref_slice %arg4[%multiple_of3A_88] : memref<320240xi32, #tpu.memory_space<hbm>> -> memref<80xi32, #tpu.memory_space<hbm>>
    tpu.enqueue_dma source(%dma_start3A_90 : memref<80xi32, #tpu.memory_space<hbm>>) target(%arg18 : memref<80xi32, #tpu.memory_space<vmem>>) target_semaphore(%arg33 : memref<!tpu.dma_semaphore, #tpu.memory_space<semaphore_mem>>)
    %add3A_91 = arith.constant 240 : i32
    %add3A_92 = arith.addi %mul3A_6, %add3A_91 : i32
    %multiple_of3A_93 = tpu.assume_multiple %add3A_92, 16 : i32
    %dma_wait3A_94 = tpu.memref_slice %arg3[%multiple_of3A_93] : memref<320240xi32, #tpu.memory_space<hbm>> -> memref<80xi32, #tpu.memory_space<hbm>>
    %dma_wait3A_95 = tpu.memref_slice %arg3[%multiple_of3A_93] : memref<320240xi32, #tpu.memory_space<hbm>> -> memref<80xi32, #tpu.memory_space<hbm>>
    tpu.wait_dma2 semaphore(%arg32 : memref<!tpu.dma_semaphore, #tpu.memory_space<semaphore_mem>>) src(%dma_wait3A_95 : memref<80xi32, #tpu.memory_space<hbm>>) dst(%arg11 : memref<80xi32, #tpu.memory_space<vmem>>)
    %add3A_96 = arith.constant 240 : i32
    %add3A_97 = arith.addi %mul3A_6, %add3A_96 : i32
    %multiple_of3A_98 = tpu.assume_multiple %add3A_97, 16 : i32
    %dma_wait3A_99 = tpu.memref_slice %arg4[%multiple_of3A_98] : memref<320240xi32, #tpu.memory_space<hbm>> -> memref<80xi32, #tpu.memory_space<hbm>>
    %dma_wait3A_100 = tpu.memref_slice %arg4[%multiple_of3A_98] : memref<320240xi32, #tpu.memory_space<hbm>> -> memref<80xi32, #tpu.memory_space<hbm>>
    tpu.wait_dma2 semaphore(%arg32 : memref<!tpu.dma_semaphore, #tpu.memory_space<semaphore_mem>>) src(%dma_wait3A_100 : memref<80xi32, #tpu.memory_space<hbm>>) dst(%arg17 : memref<80xi32, #tpu.memory_space<vmem>>)
    %dma_wait3A_101 = arith.constant 0 : i32
    %dma_wait3A_102 = arith.constant 0 : i32
    %dma_wait3A_103 = tpu.memref_slice %arg7[%dma_wait3A_101, %dma_wait3A_102] : memref<10000x128xf32, #tpu.memory_space<vmem_shared>> -> memref<10000x128xf32, #tpu.memory_space<vmem_shared>>
    tpu.wait_indirect_dma semaphore(%arg26 : memref<!tpu.dma_semaphore, #tpu.memory_space<semaphore_mem>>) src(%arg20 : memref<80x128xf32, #tpu.memory_space<vmem>>) dst(%dma_wait3A_103 : memref<10000x128xf32, #tpu.memory_space<vmem_shared>>)
    %dma_start3A_104 = arith.constant 0 : i32
    %dma_start3A_105 = arith.constant 0 : i32
    %dma_start3A_106 = tpu.memref_slice %arg2[%dma_start3A_104, %dma_start3A_105] : memref<10000x128xf32, #tpu.memory_space<hbm>> -> memref<10000x128xf32, #tpu.memory_space<hbm>>
    tpu.enqueue_indirect_dma source(%dma_start3A_106 : memref<10000x128xf32, #tpu.memory_space<hbm>>) target(%arg20 : memref<80x128xf32, #tpu.memory_space<vmem>>) offsets(%arg11 : memref<80xi32, #tpu.memory_space<vmem>>) semaphore(%arg23 : memref<!tpu.dma_semaphore, #tpu.memory_space<semaphore_mem>>)
    %dma_wait3A_107 = arith.constant 0 : i32
    %dma_wait3A_108 = arith.constant 0 : i32
    %dma_wait3A_109 = tpu.memref_slice %arg2[%dma_wait3A_107, %dma_wait3A_108] : memref<10000x128xf32, #tpu.memory_space<hbm>> -> memref<10000x128xf32, #tpu.memory_space<hbm>>
    tpu.wait_indirect_dma semaphore(%arg25 : memref<!tpu.dma_semaphore, #tpu.memory_space<semaphore_mem>>) src(%dma_wait3A_109 : memref<10000x128xf32, #tpu.memory_space<hbm>>) dst(%arg22 : memref<80x128xf32, #tpu.memory_space<vmem>>)
    %dma_start3A_110 = arith.constant 0 : i32
    %dma_start3A_111 = arith.constant 0 : i32
    %dma_start3A_112 = tpu.memref_slice %arg7[%dma_start3A_110, %dma_start3A_111] : memref<10000x128xf32, #tpu.memory_space<vmem_shared>> -> memref<10000x128xf32, #tpu.memory_space<vmem_shared>>
    tpu.enqueue_indirect_dma source(%arg22 : memref<80x128xf32, #tpu.memory_space<vmem>>) target(%dma_start3A_112 : memref<10000x128xf32, #tpu.memory_space<vmem_shared>>) offsets(%arg16 : memref<80xi32, #tpu.memory_space<vmem>>) semaphore(%arg28 : memref<!tpu.dma_semaphore, #tpu.memory_space<semaphore_mem>>) {add = true}
    %add3A_113 = arith.constant 400 : i32
    %add3A_114 = arith.addi %mul3A_6, %add3A_113 : i32
    %multiple_of3A_115 = tpu.assume_multiple %add3A_114, 16 : i32
    %dma_start3A_116 = tpu.memref_slice %arg3[%multiple_of3A_115] : memref<320240xi32, #tpu.memory_space<hbm>> -> memref<80xi32, #tpu.memory_space<hbm>>
    %dma_start3A_117 = tpu.memref_slice %arg3[%multiple_of3A_115] : memref<320240xi32, #tpu.memory_space<hbm>> -> memref<80xi32, #tpu.memory_space<hbm>>
    tpu.enqueue_dma source(%dma_start3A_117 : memref<80xi32, #tpu.memory_space<hbm>>) target(%arg13 : memref<80xi32, #tpu.memory_space<vmem>>) target_semaphore(%arg34 : memref<!tpu.dma_semaphore, #tpu.memory_space<semaphore_mem>>)
    %add3A_118 = arith.constant 400 : i32
    %add3A_119 = arith.addi %mul3A_6, %add3A_118 : i32
    %multiple_of3A_120 = tpu.assume_multiple %add3A_119, 16 : i32
    %dma_start3A_121 = tpu.memref_slice %arg4[%multiple_of3A_120] : memref<320240xi32, #tpu.memory_space<hbm>> -> memref<80xi32, #tpu.memory_space<hbm>>
    %dma_start3A_122 = tpu.memref_slice %arg4[%multiple_of3A_120] : memref<320240xi32, #tpu.memory_space<hbm>> -> memref<80xi32, #tpu.memory_space<hbm>>
    tpu.enqueue_dma source(%dma_start3A_122 : memref<80xi32, #tpu.memory_space<hbm>>) target(%arg19 : memref<80xi32, #tpu.memory_space<vmem>>) target_semaphore(%arg34 : memref<!tpu.dma_semaphore, #tpu.memory_space<semaphore_mem>>)
    %add3A_123 = arith.constant 320 : i32
    %add3A_124 = arith.addi %mul3A_6, %add3A_123 : i32
    %multiple_of3A_125 = tpu.assume_multiple %add3A_124, 16 : i32
    %dma_wait3A_126 = tpu.memref_slice %arg3[%multiple_of3A_125] : memref<320240xi32, #tpu.memory_space<hbm>> -> memref<80xi32, #tpu.memory_space<hbm>>
    %dma_wait3A_127 = tpu.memref_slice %arg3[%multiple_of3A_125] : memref<320240xi32, #tpu.memory_space<hbm>> -> memref<80xi32, #tpu.memory_space<hbm>>
    tpu.wait_dma2 semaphore(%arg33 : memref<!tpu.dma_semaphore, #tpu.memory_space<semaphore_mem>>) src(%dma_wait3A_127 : memref<80xi32, #tpu.memory_space<hbm>>) dst(%arg12 : memref<80xi32, #tpu.memory_space<vmem>>)
    %add3A_128 = arith.constant 320 : i32
    %add3A_129 = arith.addi %mul3A_6, %add3A_128 : i32
    %multiple_of3A_130 = tpu.assume_multiple %add3A_129, 16 : i32
    %dma_wait3A_131 = tpu.memref_slice %arg4[%multiple_of3A_130] : memref<320240xi32, #tpu.memory_space<hbm>> -> memref<80xi32, #tpu.memory_space<hbm>>
    %dma_wait3A_132 = tpu.memref_slice %arg4[%multiple_of3A_130] : memref<320240xi32, #tpu.memory_space<hbm>> -> memref<80xi32, #tpu.memory_space<hbm>>
    tpu.wait_dma2 semaphore(%arg33 : memref<!tpu.dma_semaphore, #tpu.memory_space<semaphore_mem>>) src(%dma_wait3A_132 : memref<80xi32, #tpu.memory_space<hbm>>) dst(%arg18 : memref<80xi32, #tpu.memory_space<vmem>>)
    %dma_wait3A_133 = arith.constant 0 : i32
    %dma_wait3A_134 = arith.constant 0 : i32
    %dma_wait3A_135 = tpu.memref_slice %arg7[%dma_wait3A_133, %dma_wait3A_134] : memref<10000x128xf32, #tpu.memory_space<vmem_shared>> -> memref<10000x128xf32, #tpu.memory_space<vmem_shared>>
    tpu.wait_indirect_dma semaphore(%arg27 : memref<!tpu.dma_semaphore, #tpu.memory_space<semaphore_mem>>) src(%arg21 : memref<80x128xf32, #tpu.memory_space<vmem>>) dst(%dma_wait3A_135 : memref<10000x128xf32, #tpu.memory_space<vmem_shared>>)
    %dma_start3A_136 = arith.constant 0 : i32
    %dma_start3A_137 = arith.constant 0 : i32
    %dma_start3A_138 = tpu.memref_slice %arg2[%dma_start3A_136, %dma_start3A_137] : memref<10000x128xf32, #tpu.memory_space<hbm>> -> memref<10000x128xf32, #tpu.memory_space<hbm>>
    tpu.enqueue_indirect_dma source(%dma_start3A_138 : memref<10000x128xf32, #tpu.memory_space<hbm>>) target(%arg21 : memref<80x128xf32, #tpu.memory_space<vmem>>) offsets(%arg12 : memref<80xi32, #tpu.memory_space<vmem>>) semaphore(%arg24 : memref<!tpu.dma_semaphore, #tpu.memory_space<semaphore_mem>>)
    %dma_wait3A_139 = arith.constant 0 : i32
    %dma_wait3A_140 = arith.constant 0 : i32
    %dma_wait3A_141 = tpu.memref_slice %arg2[%dma_wait3A_139, %dma_wait3A_140] : memref<10000x128xf32, #tpu.memory_space<hbm>> -> memref<10000x128xf32, #tpu.memory_space<hbm>>
    tpu.wait_indirect_dma semaphore(%arg23 : memref<!tpu.dma_semaphore, #tpu.memory_space<semaphore_mem>>) src(%dma_wait3A_141 : memref<10000x128xf32, #tpu.memory_space<hbm>>) dst(%arg20 : memref<80x128xf32, #tpu.memory_space<vmem>>)
    %dma_start3A_142 = arith.constant 0 : i32
    %dma_start3A_143 = arith.constant 0 : i32
    %dma_start3A_144 = tpu.memref_slice %arg7[%dma_start3A_142, %dma_start3A_143] : memref<10000x128xf32, #tpu.memory_space<vmem_shared>> -> memref<10000x128xf32, #tpu.memory_space<vmem_shared>>
    tpu.enqueue_indirect_dma source(%arg20 : memref<80x128xf32, #tpu.memory_space<vmem>>) target(%dma_start3A_144 : memref<10000x128xf32, #tpu.memory_space<vmem_shared>>) offsets(%arg17 : memref<80xi32, #tpu.memory_space<vmem>>) semaphore(%arg26 : memref<!tpu.dma_semaphore, #tpu.memory_space<semaphore_mem>>) {add = true}
    %add3A_145 = arith.constant 480 : i32
    %add3A_146 = arith.addi %mul3A_6, %add3A_145 : i32
    %multiple_of3A_147 = tpu.assume_multiple %add3A_146, 16 : i32
    %dma_start3A_148 = tpu.memref_slice %arg3[%multiple_of3A_147] : memref<320240xi32, #tpu.memory_space<hbm>> -> memref<80xi32, #tpu.memory_space<hbm>>
    %dma_start3A_149 = tpu.memref_slice %arg3[%multiple_of3A_147] : memref<320240xi32, #tpu.memory_space<hbm>> -> memref<80xi32, #tpu.memory_space<hbm>>
    tpu.enqueue_dma source(%dma_start3A_149 : memref<80xi32, #tpu.memory_space<hbm>>) target(%arg8 : memref<80xi32, #tpu.memory_space<vmem>>) target_semaphore(%arg29 : memref<!tpu.dma_semaphore, #tpu.memory_space<semaphore_mem>>)
    %add3A_150 = arith.constant 480 : i32
    %add3A_151 = arith.addi %mul3A_6, %add3A_150 : i32
    %multiple_of3A_152 = tpu.assume_multiple %add3A_151, 16 : i32
    %dma_start3A_153 = tpu.memref_slice %arg4[%multiple_of3A_152] : memref<320240xi32, #tpu.memory_space<hbm>> -> memref<80xi32, #tpu.memory_space<hbm>>
    %dma_start3A_154 = tpu.memref_slice %arg4[%multiple_of3A_152] : memref<320240xi32, #tpu.memory_space<hbm>> -> memref<80xi32, #tpu.memory_space<hbm>>
    tpu.enqueue_dma source(%dma_start3A_154 : memref<80xi32, #tpu.memory_space<hbm>>) target(%arg14 : memref<80xi32, #tpu.memory_space<vmem>>) target_semaphore(%arg29 : memref<!tpu.dma_semaphore, #tpu.memory_space<semaphore_mem>>)
    %add3A_155 = arith.constant 560 : i32
    %add3A_156 = arith.addi %mul3A_6, %add3A_155 : i32
    %multiple_of3A_157 = tpu.assume_multiple %add3A_156, 16 : i32
    %dma_start3A_158 = tpu.memref_slice %arg3[%multiple_of3A_157] : memref<320240xi32, #tpu.memory_space<hbm>> -> memref<80xi32, #tpu.memory_space<hbm>>
    %dma_start3A_159 = tpu.memref_slice %arg3[%multiple_of3A_157] : memref<320240xi32, #tpu.memory_space<hbm>> -> memref<80xi32, #tpu.memory_space<hbm>>
    tpu.enqueue_dma source(%dma_start3A_159 : memref<80xi32, #tpu.memory_space<hbm>>) target(%arg9 : memref<80xi32, #tpu.memory_space<vmem>>) target_semaphore(%arg30 : memref<!tpu.dma_semaphore, #tpu.memory_space<semaphore_mem>>)
    %add3A_160 = arith.constant 560 : i32
    %add3A_161 = arith.addi %mul3A_6, %add3A_160 : i32
    %multiple_of3A_162 = tpu.assume_multiple %add3A_161, 16 : i32
    %dma_start3A_163 = tpu.memref_slice %arg4[%multiple_of3A_162] : memref<320240xi32, #tpu.memory_space<hbm>> -> memref<80xi32, #tpu.memory_space<hbm>>
    %dma_start3A_164 = tpu.memref_slice %arg4[%multiple_of3A_162] : memref<320240xi32, #tpu.memory_space<hbm>> -> memref<80xi32, #tpu.memory_space<hbm>>
    tpu.enqueue_dma source(%dma_start3A_164 : memref<80xi32, #tpu.memory_space<hbm>>) target(%arg15 : memref<80xi32, #tpu.memory_space<vmem>>) target_semaphore(%arg30 : memref<!tpu.dma_semaphore, #tpu.memory_space<semaphore_mem>>)
    %scan3A = arith.constant 0 : i32
    %scan3A_165 = arith.constant 0 : i32
    %scan3A_166 = arith.constant 20 : i32
    %scan3A_167 = arith.addi %scan3A_165, %scan3A_166 : i32
    %scan3A_168 = arith.constant 1 : i32
    scf.for %scan3A_220 = %scan3A_165 to %scan3A_167 step %scan3A_168  : i32 {
      %mul3A_221 = arith.constant 6 : i32
      %mul3A_222 = arith.muli %mul3A_221, %scan3A_220 : i32
      %add3A_223 = arith.constant 5 : i32
      %add3A_224 = arith.addi %mul3A_222, %add3A_223 : i32
      %add3A_225 = arith.constant 0 : i32
      %add3A_226 = arith.addi %add3A_224, %add3A_225 : i32
      %mul3A_227 = arith.constant 80 : i32
      %mul3A_228 = arith.muli %add3A_226, %mul3A_227 : i32
      %add3A_229 = arith.addi %mul3A_6, %mul3A_228 : i32
      %multiple_of3A_230 = tpu.assume_multiple %add3A_229, 16 : i32
      %dma_wait3A_231 = tpu.memref_slice %arg3[%multiple_of3A_230] : memref<320240xi32, #tpu.memory_space<hbm>> -> memref<80xi32, #tpu.memory_space<hbm>>
      %dma_wait3A_232 = tpu.memref_slice %arg3[%multiple_of3A_230] : memref<320240xi32, #tpu.memory_space<hbm>> -> memref<80xi32, #tpu.memory_space<hbm>>
      tpu.wait_dma2 semaphore(%arg34 : memref<!tpu.dma_semaphore, #tpu.memory_space<semaphore_mem>>) src(%dma_wait3A_232 : memref<80xi32, #tpu.memory_space<hbm>>) dst(%arg13 : memref<80xi32, #tpu.memory_space<vmem>>)
      %mul3A_233 = arith.constant 80 : i32
      %mul3A_234 = arith.muli %add3A_226, %mul3A_233 : i32
      %add3A_235 = arith.addi %mul3A_6, %mul3A_234 : i32
      %multiple_of3A_236 = tpu.assume_multiple %add3A_235, 16 : i32
      %dma_wait3A_237 = tpu.memref_slice %arg4[%multiple_of3A_236] : memref<320240xi32, #tpu.memory_space<hbm>> -> memref<80xi32, #tpu.memory_space<hbm>>
      %dma_wait3A_238 = tpu.memref_slice %arg4[%multiple_of3A_236] : memref<320240xi32, #tpu.memory_space<hbm>> -> memref<80xi32, #tpu.memory_space<hbm>>
      tpu.wait_dma2 semaphore(%arg34 : memref<!tpu.dma_semaphore, #tpu.memory_space<semaphore_mem>>) src(%dma_wait3A_238 : memref<80xi32, #tpu.memory_space<hbm>>) dst(%arg19 : memref<80xi32, #tpu.memory_space<vmem>>)
      %dma_wait3A_239 = arith.constant 0 : i32
      %dma_wait3A_240 = arith.constant 0 : i32
      %dma_wait3A_241 = tpu.memref_slice %arg7[%dma_wait3A_239, %dma_wait3A_240] : memref<10000x128xf32, #tpu.memory_space<vmem_shared>> -> memref<10000x128xf32, #tpu.memory_space<vmem_shared>>
      tpu.wait_indirect_dma semaphore(%arg28 : memref<!tpu.dma_semaphore, #tpu.memory_space<semaphore_mem>>) src(%arg22 : memref<80x128xf32, #tpu.memory_space<vmem>>) dst(%dma_wait3A_241 : memref<10000x128xf32, #tpu.memory_space<vmem_shared>>)
      %add3A_242 = arith.constant 0 : i32
      %add3A_243 = arith.addi %add3A_224, %add3A_242 : i32
      %dma_start3A_244 = arith.constant 0 : i32
      %dma_start3A_245 = arith.constant 0 : i32
      %dma_start3A_246 = tpu.memref_slice %arg2[%dma_start3A_244, %dma_start3A_245] : memref<10000x128xf32, #tpu.memory_space<hbm>> -> memref<10000x128xf32, #tpu.memory_space<hbm>>
      tpu.enqueue_indirect_dma source(%dma_start3A_246 : memref<10000x128xf32, #tpu.memory_space<hbm>>) target(%arg22 : memref<80x128xf32, #tpu.memory_space<vmem>>) offsets(%arg13 : memref<80xi32, #tpu.memory_space<vmem>>) semaphore(%arg25 : memref<!tpu.dma_semaphore, #tpu.memory_space<semaphore_mem>>)
      %dma_wait3A_247 = arith.constant 0 : i32
      %dma_wait3A_248 = arith.constant 0 : i32
      %dma_wait3A_249 = tpu.memref_slice %arg2[%dma_wait3A_247, %dma_wait3A_248] : memref<10000x128xf32, #tpu.memory_space<hbm>> -> memref<10000x128xf32, #tpu.memory_space<hbm>>
      tpu.wait_indirect_dma semaphore(%arg24 : memref<!tpu.dma_semaphore, #tpu.memory_space<semaphore_mem>>) src(%dma_wait3A_249 : memref<10000x128xf32, #tpu.memory_space<hbm>>) dst(%arg21 : memref<80x128xf32, #tpu.memory_space<vmem>>)
      %dma_start3A_250 = arith.constant 0 : i32
      %dma_start3A_251 = arith.constant 0 : i32
      %dma_start3A_252 = tpu.memref_slice %arg7[%dma_start3A_250, %dma_start3A_251] : memref<10000x128xf32, #tpu.memory_space<vmem_shared>> -> memref<10000x128xf32, #tpu.memory_space<vmem_shared>>
      tpu.enqueue_indirect_dma source(%arg21 : memref<80x128xf32, #tpu.memory_space<vmem>>) target(%dma_start3A_252 : memref<10000x128xf32, #tpu.memory_space<vmem_shared>>) offsets(%arg18 : memref<80xi32, #tpu.memory_space<vmem>>) semaphore(%arg27 : memref<!tpu.dma_semaphore, #tpu.memory_space<semaphore_mem>>) {add = true}
      %add3A_253 = arith.constant 0 : i32
      %add3A_254 = arith.addi %add3A_224, %add3A_253 : i32
      %add3A_255 = arith.constant 3 : i32
      %add3A_256 = arith.addi %add3A_254, %add3A_255 : i32
      %mul3A_257 = arith.constant 80 : i32
      %mul3A_258 = arith.muli %add3A_256, %mul3A_257 : i32
      %add3A_259 = arith.addi %mul3A_6, %mul3A_258 : i32
      %multiple_of3A_260 = tpu.assume_multiple %add3A_259, 16 : i32
      %dma_start3A_261 = tpu.memref_slice %arg3[%multiple_of3A_260] : memref<320240xi32, #tpu.memory_space<hbm>> -> memref<80xi32, #tpu.memory_space<hbm>>
      %dma_start3A_262 = tpu.memref_slice %arg3[%multiple_of3A_260] : memref<320240xi32, #tpu.memory_space<hbm>> -> memref<80xi32, #tpu.memory_space<hbm>>
      tpu.enqueue_dma source(%dma_start3A_262 : memref<80xi32, #tpu.memory_space<hbm>>) target(%arg10 : memref<80xi32, #tpu.memory_space<vmem>>) target_semaphore(%arg31 : memref<!tpu.dma_semaphore, #tpu.memory_space<semaphore_mem>>)
      %mul3A_263 = arith.constant 80 : i32
      %mul3A_264 = arith.muli %add3A_256, %mul3A_263 : i32
      %add3A_265 = arith.addi %mul3A_6, %mul3A_264 : i32
      %multiple_of3A_266 = tpu.assume_multiple %add3A_265, 16 : i32
      %dma_start3A_267 = tpu.memref_slice %arg4[%multiple_of3A_266] : memref<320240xi32, #tpu.memory_space<hbm>> -> memref<80xi32, #tpu.memory_space<hbm>>
      %dma_start3A_268 = tpu.memref_slice %arg4[%multiple_of3A_266] : memref<320240xi32, #tpu.memory_space<hbm>> -> memref<80xi32, #tpu.memory_space<hbm>>
      tpu.enqueue_dma source(%dma_start3A_268 : memref<80xi32, #tpu.memory_space<hbm>>) target(%arg16 : memref<80xi32, #tpu.memory_space<vmem>>) target_semaphore(%arg31 : memref<!tpu.dma_semaphore, #tpu.memory_space<semaphore_mem>>)
      %add3A_269 = arith.constant 1 : i32
      %add3A_270 = arith.addi %add3A_224, %add3A_269 : i32
      %mul3A_271 = arith.constant 80 : i32
      %mul3A_272 = arith.muli %add3A_270, %mul3A_271 : i32
      %add3A_273 = arith.addi %mul3A_6, %mul3A_272 : i32
      %multiple_of3A_274 = tpu.assume_multiple %add3A_273, 16 : i32
      %dma_wait3A_275 = tpu.memref_slice %arg3[%multiple_of3A_274] : memref<320240xi32, #tpu.memory_space<hbm>> -> memref<80xi32, #tpu.memory_space<hbm>>
      %dma_wait3A_276 = tpu.memref_slice %arg3[%multiple_of3A_274] : memref<320240xi32, #tpu.memory_space<hbm>> -> memref<80xi32, #tpu.memory_space<hbm>>
      tpu.wait_dma2 semaphore(%arg29 : memref<!tpu.dma_semaphore, #tpu.memory_space<semaphore_mem>>) src(%dma_wait3A_276 : memref<80xi32, #tpu.memory_space<hbm>>) dst(%arg8 : memref<80xi32, #tpu.memory_space<vmem>>)
      %mul3A_277 = arith.constant 80 : i32
      %mul3A_278 = arith.muli %add3A_270, %mul3A_277 : i32
      %add3A_279 = arith.addi %mul3A_6, %mul3A_278 : i32
      %multiple_of3A_280 = tpu.assume_multiple %add3A_279, 16 : i32
      %dma_wait3A_281 = tpu.memref_slice %arg4[%multiple_of3A_280] : memref<320240xi32, #tpu.memory_space<hbm>> -> memref<80xi32, #tpu.memory_space<hbm>>
      %dma_wait3A_282 = tpu.memref_slice %arg4[%multiple_of3A_280] : memref<320240xi32, #tpu.memory_space<hbm>> -> memref<80xi32, #tpu.memory_space<hbm>>
      tpu.wait_dma2 semaphore(%arg29 : memref<!tpu.dma_semaphore, #tpu.memory_space<semaphore_mem>>) src(%dma_wait3A_282 : memref<80xi32, #tpu.memory_space<hbm>>) dst(%arg14 : memref<80xi32, #tpu.memory_space<vmem>>)
      %dma_wait3A_283 = arith.constant 0 : i32
      %dma_wait3A_284 = arith.constant 0 : i32
      %dma_wait3A_285 = tpu.memref_slice %arg7[%dma_wait3A_283, %dma_wait3A_284] : memref<10000x128xf32, #tpu.memory_space<vmem_shared>> -> memref<10000x128xf32, #tpu.memory_space<vmem_shared>>
      tpu.wait_indirect_dma semaphore(%arg26 : memref<!tpu.dma_semaphore, #tpu.memory_space<semaphore_mem>>) src(%arg20 : memref<80x128xf32, #tpu.memory_space<vmem>>) dst(%dma_wait3A_285 : memref<10000x128xf32, #tpu.memory_space<vmem_shared>>)
      %add3A_286 = arith.constant 1 : i32
      %add3A_287 = arith.addi %add3A_224, %add3A_286 : i32
      %dma_start3A_288 = arith.constant 0 : i32
      %dma_start3A_289 = arith.constant 0 : i32
      %dma_start3A_290 = tpu.memref_slice %arg2[%dma_start3A_288, %dma_start3A_289] : memref<10000x128xf32, #tpu.memory_space<hbm>> -> memref<10000x128xf32, #tpu.memory_space<hbm>>
      tpu.enqueue_indirect_dma source(%dma_start3A_290 : memref<10000x128xf32, #tpu.memory_space<hbm>>) target(%arg20 : memref<80x128xf32, #tpu.memory_space<vmem>>) offsets(%arg8 : memref<80xi32, #tpu.memory_space<vmem>>) semaphore(%arg23 : memref<!tpu.dma_semaphore, #tpu.memory_space<semaphore_mem>>)
      %dma_wait3A_291 = arith.constant 0 : i32
      %dma_wait3A_292 = arith.constant 0 : i32
      %dma_wait3A_293 = tpu.memref_slice %arg2[%dma_wait3A_291, %dma_wait3A_292] : memref<10000x128xf32, #tpu.memory_space<hbm>> -> memref<10000x128xf32, #tpu.memory_space<hbm>>
      tpu.wait_indirect_dma semaphore(%arg25 : memref<!tpu.dma_semaphore, #tpu.memory_space<semaphore_mem>>) src(%dma_wait3A_293 : memref<10000x128xf32, #tpu.memory_space<hbm>>) dst(%arg22 : memref<80x128xf32, #tpu.memory_space<vmem>>)
      %dma_start3A_294 = arith.constant 0 : i32
      %dma_start3A_295 = arith.constant 0 : i32
      %dma_start3A_296 = tpu.memref_slice %arg7[%dma_start3A_294, %dma_start3A_295] : memref<10000x128xf32, #tpu.memory_space<vmem_shared>> -> memref<10000x128xf32, #tpu.memory_space<vmem_shared>>
      tpu.enqueue_indirect_dma source(%arg22 : memref<80x128xf32, #tpu.memory_space<vmem>>) target(%dma_start3A_296 : memref<10000x128xf32, #tpu.memory_space<vmem_shared>>) offsets(%arg19 : memref<80xi32, #tpu.memory_space<vmem>>) semaphore(%arg28 : memref<!tpu.dma_semaphore, #tpu.memory_space<semaphore_mem>>) {add = true}
      %add3A_297 = arith.constant 1 : i32
      %add3A_298 = arith.addi %add3A_224, %add3A_297 : i32
      %add3A_299 = arith.constant 3 : i32
      %add3A_300 = arith.addi %add3A_298, %add3A_299 : i32
      %mul3A_301 = arith.constant 80 : i32
      %mul3A_302 = arith.muli %add3A_300, %mul3A_301 : i32
      %add3A_303 = arith.addi %mul3A_6, %mul3A_302 : i32
      %multiple_of3A_304 = tpu.assume_multiple %add3A_303, 16 : i32
      %dma_start3A_305 = tpu.memref_slice %arg3[%multiple_of3A_304] : memref<320240xi32, #tpu.memory_space<hbm>> -> memref<80xi32, #tpu.memory_space<hbm>>
      %dma_start3A_306 = tpu.memref_slice %arg3[%multiple_of3A_304] : memref<320240xi32, #tpu.memory_space<hbm>> -> memref<80xi32, #tpu.memory_space<hbm>>
      tpu.enqueue_dma source(%dma_start3A_306 : memref<80xi32, #tpu.memory_space<hbm>>) target(%arg11 : memref<80xi32, #tpu.memory_space<vmem>>) target_semaphore(%arg32 : memref<!tpu.dma_semaphore, #tpu.memory_space<semaphore_mem>>)
      %mul3A_307 = arith.constant 80 : i32
      %mul3A_308 = arith.muli %add3A_300, %mul3A_307 : i32
      %add3A_309 = arith.addi %mul3A_6, %mul3A_308 : i32
      %multiple_of3A_310 = tpu.assume_multiple %add3A_309, 16 : i32
      %dma_start3A_311 = tpu.memref_slice %arg4[%multiple_of3A_310] : memref<320240xi32, #tpu.memory_space<hbm>> -> memref<80xi32, #tpu.memory_space<hbm>>
      %dma_start3A_312 = tpu.memref_slice %arg4[%multiple_of3A_310] : memref<320240xi32, #tpu.memory_space<hbm>> -> memref<80xi32, #tpu.memory_space<hbm>>
      tpu.enqueue_dma source(%dma_start3A_312 : memref<80xi32, #tpu.memory_space<hbm>>) target(%arg17 : memref<80xi32, #tpu.memory_space<vmem>>) target_semaphore(%arg32 : memref<!tpu.dma_semaphore, #tpu.memory_space<semaphore_mem>>)
      %add3A_313 = arith.constant 2 : i32
      %add3A_314 = arith.addi %add3A_224, %add3A_313 : i32
      %mul3A_315 = arith.constant 80 : i32
      %mul3A_316 = arith.muli %add3A_314, %mul3A_315 : i32
      %add3A_317 = arith.addi %mul3A_6, %mul3A_316 : i32
      %multiple_of3A_318 = tpu.assume_multiple %add3A_317, 16 : i32
      %dma_wait3A_319 = tpu.memref_slice %arg3[%multiple_of3A_318] : memref<320240xi32, #tpu.memory_space<hbm>> -> memref<80xi32, #tpu.memory_space<hbm>>
      %dma_wait3A_320 = tpu.memref_slice %arg3[%multiple_of3A_318] : memref<320240xi32, #tpu.memory_space<hbm>> -> memref<80xi32, #tpu.memory_space<hbm>>
      tpu.wait_dma2 semaphore(%arg30 : memref<!tpu.dma_semaphore, #tpu.memory_space<semaphore_mem>>) src(%dma_wait3A_320 : memref<80xi32, #tpu.memory_space<hbm>>) dst(%arg9 : memref<80xi32, #tpu.memory_space<vmem>>)
      %mul3A_321 = arith.constant 80 : i32
      %mul3A_322 = arith.muli %add3A_314, %mul3A_321 : i32
      %add3A_323 = arith.addi %mul3A_6, %mul3A_322 : i32
      %multiple_of3A_324 = tpu.assume_multiple %add3A_323, 16 : i32
      %dma_wait3A_325 = tpu.memref_slice %arg4[%multiple_of3A_324] : memref<320240xi32, #tpu.memory_space<hbm>> -> memref<80xi32, #tpu.memory_space<hbm>>
      %dma_wait3A_326 = tpu.memref_slice %arg4[%multiple_of3A_324] : memref<320240xi32, #tpu.memory_space<hbm>> -> memref<80xi32, #tpu.memory_space<hbm>>
      tpu.wait_dma2 semaphore(%arg30 : memref<!tpu.dma_semaphore, #tpu.memory_space<semaphore_mem>>) src(%dma_wait3A_326 : memref<80xi32, #tpu.memory_space<hbm>>) dst(%arg15 : memref<80xi32, #tpu.memory_space<vmem>>)
      %dma_wait3A_327 = arith.constant 0 : i32
      %dma_wait3A_328 = arith.constant 0 : i32
      %dma_wait3A_329 = tpu.memref_slice %arg7[%dma_wait3A_327, %dma_wait3A_328] : memref<10000x128xf32, #tpu.memory_space<vmem_shared>> -> memref<10000x128xf32, #tpu.memory_space<vmem_shared>>
      tpu.wait_indirect_dma semaphore(%arg27 : memref<!tpu.dma_semaphore, #tpu.memory_space<semaphore_mem>>) src(%arg21 : memref<80x128xf32, #tpu.memory_space<vmem>>) dst(%dma_wait3A_329 : memref<10000x128xf32, #tpu.memory_space<vmem_shared>>)
      %add3A_330 = arith.constant 2 : i32
      %add3A_331 = arith.addi %add3A_224, %add3A_330 : i32
      %dma_start3A_332 = arith.constant 0 : i32
      %dma_start3A_333 = arith.constant 0 : i32
      %dma_start3A_334 = tpu.memref_slice %arg2[%dma_start3A_332, %dma_start3A_333] : memref<10000x128xf32, #tpu.memory_space<hbm>> -> memref<10000x128xf32, #tpu.memory_space<hbm>>
      tpu.enqueue_indirect_dma source(%dma_start3A_334 : memref<10000x128xf32, #tpu.memory_space<hbm>>) target(%arg21 : memref<80x128xf32, #tpu.memory_space<vmem>>) offsets(%arg9 : memref<80xi32, #tpu.memory_space<vmem>>) semaphore(%arg24 : memref<!tpu.dma_semaphore, #tpu.memory_space<semaphore_mem>>)
      %dma_wait3A_335 = arith.constant 0 : i32
      %dma_wait3A_336 = arith.constant 0 : i32
      %dma_wait3A_337 = tpu.memref_slice %arg2[%dma_wait3A_335, %dma_wait3A_336] : memref<10000x128xf32, #tpu.memory_space<hbm>> -> memref<10000x128xf32, #tpu.memory_space<hbm>>
      tpu.wait_indirect_dma semaphore(%arg23 : memref<!tpu.dma_semaphore, #tpu.memory_space<semaphore_mem>>) src(%dma_wait3A_337 : memref<10000x128xf32, #tpu.memory_space<hbm>>) dst(%arg20 : memref<80x128xf32, #tpu.memory_space<vmem>>)
      %dma_start3A_338 = arith.constant 0 : i32
      %dma_start3A_339 = arith.constant 0 : i32
      %dma_start3A_340 = tpu.memref_slice %arg7[%dma_start3A_338, %dma_start3A_339] : memref<10000x128xf32, #tpu.memory_space<vmem_shared>> -> memref<10000x128xf32, #tpu.memory_space<vmem_shared>>
      tpu.enqueue_indirect_dma source(%arg20 : memref<80x128xf32, #tpu.memory_space<vmem>>) target(%dma_start3A_340 : memref<10000x128xf32, #tpu.memory_space<vmem_shared>>) offsets(%arg14 : memref<80xi32, #tpu.memory_space<vmem>>) semaphore(%arg26 : memref<!tpu.dma_semaphore, #tpu.memory_space<semaphore_mem>>) {add = true}
      %add3A_341 = arith.constant 2 : i32
      %add3A_342 = arith.addi %add3A_224, %add3A_341 : i32
      %add3A_343 = arith.constant 3 : i32
      %add3A_344 = arith.addi %add3A_342, %add3A_343 : i32
      %mul3A_345 = arith.constant 80 : i32
      %mul3A_346 = arith.muli %add3A_344, %mul3A_345 : i32
      %add3A_347 = arith.addi %mul3A_6, %mul3A_346 : i32
      %multiple_of3A_348 = tpu.assume_multiple %add3A_347, 16 : i32
      %dma_start3A_349 = tpu.memref_slice %arg3[%multiple_of3A_348] : memref<320240xi32, #tpu.memory_space<hbm>> -> memref<80xi32, #tpu.memory_space<hbm>>
      %dma_start3A_350 = tpu.memref_slice %arg3[%multiple_of3A_348] : memref<320240xi32, #tpu.memory_space<hbm>> -> memref<80xi32, #tpu.memory_space<hbm>>
      tpu.enqueue_dma source(%dma_start3A_350 : memref<80xi32, #tpu.memory_space<hbm>>) target(%arg12 : memref<80xi32, #tpu.memory_space<vmem>>) target_semaphore(%arg33 : memref<!tpu.dma_semaphore, #tpu.memory_space<semaphore_mem>>)
      %mul3A_351 = arith.constant 80 : i32
      %mul3A_352 = arith.muli %add3A_344, %mul3A_351 : i32
      %add3A_353 = arith.addi %mul3A_6, %mul3A_352 : i32
      %multiple_of3A_354 = tpu.assume_multiple %add3A_353, 16 : i32
      %dma_start3A_355 = tpu.memref_slice %arg4[%multiple_of3A_354] : memref<320240xi32, #tpu.memory_space<hbm>> -> memref<80xi32, #tpu.memory_space<hbm>>
      %dma_start3A_356 = tpu.memref_slice %arg4[%multiple_of3A_354] : memref<320240xi32, #tpu.memory_space<hbm>> -> memref<80xi32, #tpu.memory_space<hbm>>
      tpu.enqueue_dma source(%dma_start3A_356 : memref<80xi32, #tpu.memory_space<hbm>>) target(%arg18 : memref<80xi32, #tpu.memory_space<vmem>>) target_semaphore(%arg33 : memref<!tpu.dma_semaphore, #tpu.memory_space<semaphore_mem>>)
      %add3A_357 = arith.constant 3 : i32
      %add3A_358 = arith.addi %add3A_224, %add3A_357 : i32
      %mul3A_359 = arith.constant 80 : i32
      %mul3A_360 = arith.muli %add3A_358, %mul3A_359 : i32
      %add3A_361 = arith.addi %mul3A_6, %mul3A_360 : i32
      %multiple_of3A_362 = tpu.assume_multiple %add3A_361, 16 : i32
      %dma_wait3A_363 = tpu.memref_slice %arg3[%multiple_of3A_362] : memref<320240xi32, #tpu.memory_space<hbm>> -> memref<80xi32, #tpu.memory_space<hbm>>
      %dma_wait3A_364 = tpu.memref_slice %arg3[%multiple_of3A_362] : memref<320240xi32, #tpu.memory_space<hbm>> -> memref<80xi32, #tpu.memory_space<hbm>>
      tpu.wait_dma2 semaphore(%arg31 : memref<!tpu.dma_semaphore, #tpu.memory_space<semaphore_mem>>) src(%dma_wait3A_364 : memref<80xi32, #tpu.memory_space<hbm>>) dst(%arg10 : memref<80xi32, #tpu.memory_space<vmem>>)
      %mul3A_365 = arith.constant 80 : i32
      %mul3A_366 = arith.muli %add3A_358, %mul3A_365 : i32
      %add3A_367 = arith.addi %mul3A_6, %mul3A_366 : i32
      %multiple_of3A_368 = tpu.assume_multiple %add3A_367, 16 : i32
      %dma_wait3A_369 = tpu.memref_slice %arg4[%multiple_of3A_368] : memref<320240xi32, #tpu.memory_space<hbm>> -> memref<80xi32, #tpu.memory_space<hbm>>
      %dma_wait3A_370 = tpu.memref_slice %arg4[%multiple_of3A_368] : memref<320240xi32, #tpu.memory_space<hbm>> -> memref<80xi32, #tpu.memory_space<hbm>>
      tpu.wait_dma2 semaphore(%arg31 : memref<!tpu.dma_semaphore, #tpu.memory_space<semaphore_mem>>) src(%dma_wait3A_370 : memref<80xi32, #tpu.memory_space<hbm>>) dst(%arg16 : memref<80xi32, #tpu.memory_space<vmem>>)
      %dma_wait3A_371 = arith.constant 0 : i32
      %dma_wait3A_372 = arith.constant 0 : i32
      %dma_wait3A_373 = tpu.memref_slice %arg7[%dma_wait3A_371, %dma_wait3A_372] : memref<10000x128xf32, #tpu.memory_space<vmem_shared>> -> memref<10000x128xf32, #tpu.memory_space<vmem_shared>>
      tpu.wait_indirect_dma semaphore(%arg28 : memref<!tpu.dma_semaphore, #tpu.memory_space<semaphore_mem>>) src(%arg22 : memref<80x128xf32, #tpu.memory_space<vmem>>) dst(%dma_wait3A_373 : memref<10000x128xf32, #tpu.memory_space<vmem_shared>>)
      %add3A_374 = arith.constant 3 : i32
      %add3A_375 = arith.addi %add3A_224, %add3A_374 : i32
      %dma_start3A_376 = arith.constant 0 : i32
      %dma_start3A_377 = arith.constant 0 : i32
      %dma_start3A_378 = tpu.memref_slice %arg2[%dma_start3A_376, %dma_start3A_377] : memref<10000x128xf32, #tpu.memory_space<hbm>> -> memref<10000x128xf32, #tpu.memory_space<hbm>>
      tpu.enqueue_indirect_dma source(%dma_start3A_378 : memref<10000x128xf32, #tpu.memory_space<hbm>>) target(%arg22 : memref<80x128xf32, #tpu.memory_space<vmem>>) offsets(%arg10 : memref<80xi32, #tpu.memory_space<vmem>>) semaphore(%arg25 : memref<!tpu.dma_semaphore, #tpu.memory_space<semaphore_mem>>)
      %dma_wait3A_379 = arith.constant 0 : i32
      %dma_wait3A_380 = arith.constant 0 : i32
      %dma_wait3A_381 = tpu.memref_slice %arg2[%dma_wait3A_379, %dma_wait3A_380] : memref<10000x128xf32, #tpu.memory_space<hbm>> -> memref<10000x128xf32, #tpu.memory_space<hbm>>
      tpu.wait_indirect_dma semaphore(%arg24 : memref<!tpu.dma_semaphore, #tpu.memory_space<semaphore_mem>>) src(%dma_wait3A_381 : memref<10000x128xf32, #tpu.memory_space<hbm>>) dst(%arg21 : memref<80x128xf32, #tpu.memory_space<vmem>>)
      %dma_start3A_382 = arith.constant 0 : i32
      %dma_start3A_383 = arith.constant 0 : i32
      %dma_start3A_384 = tpu.memref_slice %arg7[%dma_start3A_382, %dma_start3A_383] : memref<10000x128xf32, #tpu.memory_space<vmem_shared>> -> memref<10000x128xf32, #tpu.memory_space<vmem_shared>>
      tpu.enqueue_indirect_dma source(%arg21 : memref<80x128xf32, #tpu.memory_space<vmem>>) target(%dma_start3A_384 : memref<10000x128xf32, #tpu.memory_space<vmem_shared>>) offsets(%arg15 : memref<80xi32, #tpu.memory_space<vmem>>) semaphore(%arg27 : memref<!tpu.dma_semaphore, #tpu.memory_space<semaphore_mem>>) {add = true}
      %add3A_385 = arith.constant 3 : i32
      %add3A_386 = arith.addi %add3A_224, %add3A_385 : i32
      %add3A_387 = arith.constant 3 : i32
      %add3A_388 = arith.addi %add3A_386, %add3A_387 : i32
      %mul3A_389 = arith.constant 80 : i32
      %mul3A_390 = arith.muli %add3A_388, %mul3A_389 : i32
      %add3A_391 = arith.addi %mul3A_6, %mul3A_390 : i32
      %multiple_of3A_392 = tpu.assume_multiple %add3A_391, 16 : i32
      %dma_start3A_393 = tpu.memref_slice %arg3[%multiple_of3A_392] : memref<320240xi32, #tpu.memory_space<hbm>> -> memref<80xi32, #tpu.memory_space<hbm>>
      %dma_start3A_394 = tpu.memref_slice %arg3[%multiple_of3A_392] : memref<320240xi32, #tpu.memory_space<hbm>> -> memref<80xi32, #tpu.memory_space<hbm>>
      tpu.enqueue_dma source(%dma_start3A_394 : memref<80xi32, #tpu.memory_space<hbm>>) target(%arg13 : memref<80xi32, #tpu.memory_space<vmem>>) target_semaphore(%arg34 : memref<!tpu.dma_semaphore, #tpu.memory_space<semaphore_mem>>)
      %mul3A_395 = arith.constant 80 : i32
      %mul3A_396 = arith.muli %add3A_388, %mul3A_395 : i32
      %add3A_397 = arith.addi %mul3A_6, %mul3A_396 : i32
      %multiple_of3A_398 = tpu.assume_multiple %add3A_397, 16 : i32
      %dma_start3A_399 = tpu.memref_slice %arg4[%multiple_of3A_398] : memref<320240xi32, #tpu.memory_space<hbm>> -> memref<80xi32, #tpu.memory_space<hbm>>
      %dma_start3A_400 = tpu.memref_slice %arg4[%multiple_of3A_398] : memref<320240xi32, #tpu.memory_space<hbm>> -> memref<80xi32, #tpu.memory_space<hbm>>
      tpu.enqueue_dma source(%dma_start3A_400 : memref<80xi32, #tpu.memory_space<hbm>>) target(%arg19 : memref<80xi32, #tpu.memory_space<vmem>>) target_semaphore(%arg34 : memref<!tpu.dma_semaphore, #tpu.memory_space<semaphore_mem>>)
      %add3A_401 = arith.constant 4 : i32
      %add3A_402 = arith.addi %add3A_224, %add3A_401 : i32
      %mul3A_403 = arith.constant 80 : i32
      %mul3A_404 = arith.muli %add3A_402, %mul3A_403 : i32
      %add3A_405 = arith.addi %mul3A_6, %mul3A_404 : i32
      %multiple_of3A_406 = tpu.assume_multiple %add3A_405, 16 : i32
      %dma_wait3A_407 = tpu.memref_slice %arg3[%multiple_of3A_406] : memref<320240xi32, #tpu.memory_space<hbm>> -> memref<80xi32, #tpu.memory_space<hbm>>
      %dma_wait3A_408 = tpu.memref_slice %arg3[%multiple_of3A_406] : memref<320240xi32, #tpu.memory_space<hbm>> -> memref<80xi32, #tpu.memory_space<hbm>>
      tpu.wait_dma2 semaphore(%arg32 : memref<!tpu.dma_semaphore, #tpu.memory_space<semaphore_mem>>) src(%dma_wait3A_408 : memref<80xi32, #tpu.memory_space<hbm>>) dst(%arg11 : memref<80xi32, #tpu.memory_space<vmem>>)
      %mul3A_409 = arith.constant 80 : i32
      %mul3A_410 = arith.muli %add3A_402, %mul3A_409 : i32
      %add3A_411 = arith.addi %mul3A_6, %mul3A_410 : i32
      %multiple_of3A_412 = tpu.assume_multiple %add3A_411, 16 : i32
      %dma_wait3A_413 = tpu.memref_slice %arg4[%multiple_of3A_412] : memref<320240xi32, #tpu.memory_space<hbm>> -> memref<80xi32, #tpu.memory_space<hbm>>
      %dma_wait3A_414 = tpu.memref_slice %arg4[%multiple_of3A_412] : memref<320240xi32, #tpu.memory_space<hbm>> -> memref<80xi32, #tpu.memory_space<hbm>>
      tpu.wait_dma2 semaphore(%arg32 : memref<!tpu.dma_semaphore, #tpu.memory_space<semaphore_mem>>) src(%dma_wait3A_414 : memref<80xi32, #tpu.memory_space<hbm>>) dst(%arg17 : memref<80xi32, #tpu.memory_space<vmem>>)
      %dma_wait3A_415 = arith.constant 0 : i32
      %dma_wait3A_416 = arith.constant 0 : i32
      %dma_wait3A_417 = tpu.memref_slice %arg7[%dma_wait3A_415, %dma_wait3A_416] : memref<10000x128xf32, #tpu.memory_space<vmem_shared>> -> memref<10000x128xf32, #tpu.memory_space<vmem_shared>>
      tpu.wait_indirect_dma semaphore(%arg26 : memref<!tpu.dma_semaphore, #tpu.memory_space<semaphore_mem>>) src(%arg20 : memref<80x128xf32, #tpu.memory_space<vmem>>) dst(%dma_wait3A_417 : memref<10000x128xf32, #tpu.memory_space<vmem_shared>>)
      %add3A_418 = arith.constant 4 : i32
      %add3A_419 = arith.addi %add3A_224, %add3A_418 : i32
      %dma_start3A_420 = arith.constant 0 : i32
      %dma_start3A_421 = arith.constant 0 : i32
      %dma_start3A_422 = tpu.memref_slice %arg2[%dma_start3A_420, %dma_start3A_421] : memref<10000x128xf32, #tpu.memory_space<hbm>> -> memref<10000x128xf32, #tpu.memory_space<hbm>>
      tpu.enqueue_indirect_dma source(%dma_start3A_422 : memref<10000x128xf32, #tpu.memory_space<hbm>>) target(%arg20 : memref<80x128xf32, #tpu.memory_space<vmem>>) offsets(%arg11 : memref<80xi32, #tpu.memory_space<vmem>>) semaphore(%arg23 : memref<!tpu.dma_semaphore, #tpu.memory_space<semaphore_mem>>)
      %dma_wait3A_423 = arith.constant 0 : i32
      %dma_wait3A_424 = arith.constant 0 : i32
      %dma_wait3A_425 = tpu.memref_slice %arg2[%dma_wait3A_423, %dma_wait3A_424] : memref<10000x128xf32, #tpu.memory_space<hbm>> -> memref<10000x128xf32, #tpu.memory_space<hbm>>
      tpu.wait_indirect_dma semaphore(%arg25 : memref<!tpu.dma_semaphore, #tpu.memory_space<semaphore_mem>>) src(%dma_wait3A_425 : memref<10000x128xf32, #tpu.memory_space<hbm>>) dst(%arg22 : memref<80x128xf32, #tpu.memory_space<vmem>>)
      %dma_start3A_426 = arith.constant 0 : i32
      %dma_start3A_427 = arith.constant 0 : i32
      %dma_start3A_428 = tpu.memref_slice %arg7[%dma_start3A_426, %dma_start3A_427] : memref<10000x128xf32, #tpu.memory_space<vmem_shared>> -> memref<10000x128xf32, #tpu.memory_space<vmem_shared>>
      tpu.enqueue_indirect_dma source(%arg22 : memref<80x128xf32, #tpu.memory_space<vmem>>) target(%dma_start3A_428 : memref<10000x128xf32, #tpu.memory_space<vmem_shared>>) offsets(%arg16 : memref<80xi32, #tpu.memory_space<vmem>>) semaphore(%arg28 : memref<!tpu.dma_semaphore, #tpu.memory_space<semaphore_mem>>) {add = true}
      %add3A_429 = arith.constant 4 : i32
      %add3A_430 = arith.addi %add3A_224, %add3A_429 : i32
      %add3A_431 = arith.constant 3 : i32
      %add3A_432 = arith.addi %add3A_430, %add3A_431 : i32
      %mul3A_433 = arith.constant 80 : i32
      %mul3A_434 = arith.muli %add3A_432, %mul3A_433 : i32
      %add3A_435 = arith.addi %mul3A_6, %mul3A_434 : i32
      %multiple_of3A_436 = tpu.assume_multiple %add3A_435, 16 : i32
      %dma_start3A_437 = tpu.memref_slice %arg3[%multiple_of3A_436] : memref<320240xi32, #tpu.memory_space<hbm>> -> memref<80xi32, #tpu.memory_space<hbm>>
      %dma_start3A_438 = tpu.memref_slice %arg3[%multiple_of3A_436] : memref<320240xi32, #tpu.memory_space<hbm>> -> memref<80xi32, #tpu.memory_space<hbm>>
      tpu.enqueue_dma source(%dma_start3A_438 : memref<80xi32, #tpu.memory_space<hbm>>) target(%arg8 : memref<80xi32, #tpu.memory_space<vmem>>) target_semaphore(%arg29 : memref<!tpu.dma_semaphore, #tpu.memory_space<semaphore_mem>>)
      %mul3A_439 = arith.constant 80 : i32
      %mul3A_440 = arith.muli %add3A_432, %mul3A_439 : i32
      %add3A_441 = arith.addi %mul3A_6, %mul3A_440 : i32
      %multiple_of3A_442 = tpu.assume_multiple %add3A_441, 16 : i32
      %dma_start3A_443 = tpu.memref_slice %arg4[%multiple_of3A_442] : memref<320240xi32, #tpu.memory_space<hbm>> -> memref<80xi32, #tpu.memory_space<hbm>>
      %dma_start3A_444 = tpu.memref_slice %arg4[%multiple_of3A_442] : memref<320240xi32, #tpu.memory_space<hbm>> -> memref<80xi32, #tpu.memory_space<hbm>>
      tpu.enqueue_dma source(%dma_start3A_444 : memref<80xi32, #tpu.memory_space<hbm>>) target(%arg14 : memref<80xi32, #tpu.memory_space<vmem>>) target_semaphore(%arg29 : memref<!tpu.dma_semaphore, #tpu.memory_space<semaphore_mem>>)
      %add3A_445 = arith.constant 5 : i32
      %add3A_446 = arith.addi %add3A_224, %add3A_445 : i32
      %mul3A_447 = arith.constant 80 : i32
      %mul3A_448 = arith.muli %add3A_446, %mul3A_447 : i32
      %add3A_449 = arith.addi %mul3A_6, %mul3A_448 : i32
      %multiple_of3A_450 = tpu.assume_multiple %add3A_449, 16 : i32
      %dma_wait3A_451 = tpu.memref_slice %arg3[%multiple_of3A_450] : memref<320240xi32, #tpu.memory_space<hbm>> -> memref<80xi32, #tpu.memory_space<hbm>>
      %dma_wait3A_452 = tpu.memref_slice %arg3[%multiple_of3A_450] : memref<320240xi32, #tpu.memory_space<hbm>> -> memref<80xi32, #tpu.memory_space<hbm>>
      tpu.wait_dma2 semaphore(%arg33 : memref<!tpu.dma_semaphore, #tpu.memory_space<semaphore_mem>>) src(%dma_wait3A_452 : memref<80xi32, #tpu.memory_space<hbm>>) dst(%arg12 : memref<80xi32, #tpu.memory_space<vmem>>)
      %mul3A_453 = arith.constant 80 : i32
      %mul3A_454 = arith.muli %add3A_446, %mul3A_453 : i32
      %add3A_455 = arith.addi %mul3A_6, %mul3A_454 : i32
      %multiple_of3A_456 = tpu.assume_multiple %add3A_455, 16 : i32
      %dma_wait3A_457 = tpu.memref_slice %arg4[%multiple_of3A_456] : memref<320240xi32, #tpu.memory_space<hbm>> -> memref<80xi32, #tpu.memory_space<hbm>>
      %dma_wait3A_458 = tpu.memref_slice %arg4[%multiple_of3A_456] : memref<320240xi32, #tpu.memory_space<hbm>> -> memref<80xi32, #tpu.memory_space<hbm>>
      tpu.wait_dma2 semaphore(%arg33 : memref<!tpu.dma_semaphore, #tpu.memory_space<semaphore_mem>>) src(%dma_wait3A_458 : memref<80xi32, #tpu.memory_space<hbm>>) dst(%arg18 : memref<80xi32, #tpu.memory_space<vmem>>)
      %dma_wait3A_459 = arith.constant 0 : i32
      %dma_wait3A_460 = arith.constant 0 : i32
      %dma_wait3A_461 = tpu.memref_slice %arg7[%dma_wait3A_459, %dma_wait3A_460] : memref<10000x128xf32, #tpu.memory_space<vmem_shared>> -> memref<10000x128xf32, #tpu.memory_space<vmem_shared>>
      tpu.wait_indirect_dma semaphore(%arg27 : memref<!tpu.dma_semaphore, #tpu.memory_space<semaphore_mem>>) src(%arg21 : memref<80x128xf32, #tpu.memory_space<vmem>>) dst(%dma_wait3A_461 : memref<10000x128xf32, #tpu.memory_space<vmem_shared>>)
      %add3A_462 = arith.constant 5 : i32
      %add3A_463 = arith.addi %add3A_224, %add3A_462 : i32
      %dma_start3A_464 = arith.constant 0 : i32
      %dma_start3A_465 = arith.constant 0 : i32
      %dma_start3A_466 = tpu.memref_slice %arg2[%dma_start3A_464, %dma_start3A_465] : memref<10000x128xf32, #tpu.memory_space<hbm>> -> memref<10000x128xf32, #tpu.memory_space<hbm>>
      tpu.enqueue_indirect_dma source(%dma_start3A_466 : memref<10000x128xf32, #tpu.memory_space<hbm>>) target(%arg21 : memref<80x128xf32, #tpu.memory_space<vmem>>) offsets(%arg12 : memref<80xi32, #tpu.memory_space<vmem>>) semaphore(%arg24 : memref<!tpu.dma_semaphore, #tpu.memory_space<semaphore_mem>>)
      %dma_wait3A_467 = arith.constant 0 : i32
      %dma_wait3A_468 = arith.constant 0 : i32
      %dma_wait3A_469 = tpu.memref_slice %arg2[%dma_wait3A_467, %dma_wait3A_468] : memref<10000x128xf32, #tpu.memory_space<hbm>> -> memref<10000x128xf32, #tpu.memory_space<hbm>>
      tpu.wait_indirect_dma semaphore(%arg23 : memref<!tpu.dma_semaphore, #tpu.memory_space<semaphore_mem>>) src(%dma_wait3A_469 : memref<10000x128xf32, #tpu.memory_space<hbm>>) dst(%arg20 : memref<80x128xf32, #tpu.memory_space<vmem>>)
      %dma_start3A_470 = arith.constant 0 : i32
      %dma_start3A_471 = arith.constant 0 : i32
      %dma_start3A_472 = tpu.memref_slice %arg7[%dma_start3A_470, %dma_start3A_471] : memref<10000x128xf32, #tpu.memory_space<vmem_shared>> -> memref<10000x128xf32, #tpu.memory_space<vmem_shared>>
      tpu.enqueue_indirect_dma source(%arg20 : memref<80x128xf32, #tpu.memory_space<vmem>>) target(%dma_start3A_472 : memref<10000x128xf32, #tpu.memory_space<vmem_shared>>) offsets(%arg17 : memref<80xi32, #tpu.memory_space<vmem>>) semaphore(%arg26 : memref<!tpu.dma_semaphore, #tpu.memory_space<semaphore_mem>>) {add = true}
      %add3A_473 = arith.constant 5 : i32
      %add3A_474 = arith.addi %add3A_224, %add3A_473 : i32
      %add3A_475 = arith.constant 3 : i32
      %add3A_476 = arith.addi %add3A_474, %add3A_475 : i32
      %mul3A_477 = arith.constant 80 : i32
      %mul3A_478 = arith.muli %add3A_476, %mul3A_477 : i32
      %add3A_479 = arith.addi %mul3A_6, %mul3A_478 : i32
      %multiple_of3A_480 = tpu.assume_multiple %add3A_479, 16 : i32
      %dma_start3A_481 = tpu.memref_slice %arg3[%multiple_of3A_480] : memref<320240xi32, #tpu.memory_space<hbm>> -> memref<80xi32, #tpu.memory_space<hbm>>
      %dma_start3A_482 = tpu.memref_slice %arg3[%multiple_of3A_480] : memref<320240xi32, #tpu.memory_space<hbm>> -> memref<80xi32, #tpu.memory_space<hbm>>
      tpu.enqueue_dma source(%dma_start3A_482 : memref<80xi32, #tpu.memory_space<hbm>>) target(%arg9 : memref<80xi32, #tpu.memory_space<vmem>>) target_semaphore(%arg30 : memref<!tpu.dma_semaphore, #tpu.memory_space<semaphore_mem>>)
      %mul3A_483 = arith.constant 80 : i32
      %mul3A_484 = arith.muli %add3A_476, %mul3A_483 : i32
      %add3A_485 = arith.addi %mul3A_6, %mul3A_484 : i32
      %multiple_of3A_486 = tpu.assume_multiple %add3A_485, 16 : i32
      %dma_start3A_487 = tpu.memref_slice %arg4[%multiple_of3A_486] : memref<320240xi32, #tpu.memory_space<hbm>> -> memref<80xi32, #tpu.memory_space<hbm>>
      %dma_start3A_488 = tpu.memref_slice %arg4[%multiple_of3A_486] : memref<320240xi32, #tpu.memory_space<hbm>> -> memref<80xi32, #tpu.memory_space<hbm>>
      tpu.enqueue_dma source(%dma_start3A_488 : memref<80xi32, #tpu.memory_space<hbm>>) target(%arg15 : memref<80xi32, #tpu.memory_space<vmem>>) target_semaphore(%arg30 : memref<!tpu.dma_semaphore, #tpu.memory_space<semaphore_mem>>)
    }
    %scan3A_169 = arith.constant 20 : i32
    %dma_wait3A_170 = arith.constant 0 : i32
    %dma_wait3A_171 = arith.constant 0 : i32
    %dma_wait3A_172 = tpu.memref_slice %arg2[%dma_wait3A_170, %dma_wait3A_171] : memref<10000x128xf32, #tpu.memory_space<hbm>> -> memref<10000x128xf32, #tpu.memory_space<hbm>>
    tpu.wait_indirect_dma semaphore(%arg24 : memref<!tpu.dma_semaphore, #tpu.memory_space<semaphore_mem>>) src(%dma_wait3A_172 : memref<10000x128xf32, #tpu.memory_space<hbm>>) dst(%arg21 : memref<80x128xf32, #tpu.memory_space<vmem>>)
    %dma_start3A_173 = arith.constant 0 : i32
    %dma_start3A_174 = arith.constant 0 : i32
    %dma_start3A_175 = tpu.memref_slice %arg7[%dma_start3A_173, %dma_start3A_174] : memref<10000x128xf32, #tpu.memory_space<vmem_shared>> -> memref<10000x128xf32, #tpu.memory_space<vmem_shared>>
    tpu.enqueue_indirect_dma source(%arg21 : memref<80x128xf32, #tpu.memory_space<vmem>>) target(%dma_start3A_175 : memref<10000x128xf32, #tpu.memory_space<vmem_shared>>) offsets(%arg18 : memref<80xi32, #tpu.memory_space<vmem>>) semaphore(%arg27 : memref<!tpu.dma_semaphore, #tpu.memory_space<semaphore_mem>>) {add = true}
    %dma_wait3A_176 = arith.constant 0 : i32
    %dma_wait3A_177 = arith.constant 0 : i32
    %dma_wait3A_178 = tpu.memref_slice %arg7[%dma_wait3A_176, %dma_wait3A_177] : memref<10000x128xf32, #tpu.memory_space<vmem_shared>> -> memref<10000x128xf32, #tpu.memory_space<vmem_shared>>
    tpu.wait_indirect_dma semaphore(%arg28 : memref<!tpu.dma_semaphore, #tpu.memory_space<semaphore_mem>>) src(%arg22 : memref<80x128xf32, #tpu.memory_space<vmem>>) dst(%dma_wait3A_178 : memref<10000x128xf32, #tpu.memory_space<vmem_shared>>)
    %dma_wait3A_179 = arith.constant 0 : i32
    %dma_wait3A_180 = arith.constant 0 : i32
    %dma_wait3A_181 = tpu.memref_slice %arg7[%dma_wait3A_179, %dma_wait3A_180] : memref<10000x128xf32, #tpu.memory_space<vmem_shared>> -> memref<10000x128xf32, #tpu.memory_space<vmem_shared>>
    tpu.wait_indirect_dma semaphore(%arg26 : memref<!tpu.dma_semaphore, #tpu.memory_space<semaphore_mem>>) src(%arg20 : memref<80x128xf32, #tpu.memory_space<vmem>>) dst(%dma_wait3A_181 : memref<10000x128xf32, #tpu.memory_space<vmem_shared>>)
    %dma_wait3A_182 = arith.constant 0 : i32
    %dma_wait3A_183 = arith.constant 0 : i32
    %dma_wait3A_184 = tpu.memref_slice %arg7[%dma_wait3A_182, %dma_wait3A_183] : memref<10000x128xf32, #tpu.memory_space<vmem_shared>> -> memref<10000x128xf32, #tpu.memory_space<vmem_shared>>
    tpu.wait_indirect_dma semaphore(%arg27 : memref<!tpu.dma_semaphore, #tpu.memory_space<semaphore_mem>>) src(%arg21 : memref<80x128xf32, #tpu.memory_space<vmem>>) dst(%dma_wait3A_184 : memref<10000x128xf32, #tpu.memory_space<vmem_shared>>)
    %add3A_185 = arith.constant 10000 : i32
    %add3A_186 = arith.addi %mul3A_6, %add3A_185 : i32
    %multiple_of3A_187 = tpu.assume_multiple %add3A_186, 16 : i32
    %dma_wait3A_188 = tpu.memref_slice %arg3[%multiple_of3A_187] : memref<320240xi32, #tpu.memory_space<hbm>> -> memref<80xi32, #tpu.memory_space<hbm>>
    %dma_wait3A_189 = tpu.memref_slice %arg3[%multiple_of3A_187] : memref<320240xi32, #tpu.memory_space<hbm>> -> memref<80xi32, #tpu.memory_space<hbm>>
    tpu.wait_dma2 semaphore(%arg34 : memref<!tpu.dma_semaphore, #tpu.memory_space<semaphore_mem>>) src(%dma_wait3A_189 : memref<80xi32, #tpu.memory_space<hbm>>) dst(%arg13 : memref<80xi32, #tpu.memory_space<vmem>>)
    %add3A_190 = arith.constant 10000 : i32
    %add3A_191 = arith.addi %mul3A_6, %add3A_190 : i32
    %multiple_of3A_192 = tpu.assume_multiple %add3A_191, 16 : i32
    %dma_wait3A_193 = tpu.memref_slice %arg4[%multiple_of3A_192] : memref<320240xi32, #tpu.memory_space<hbm>> -> memref<80xi32, #tpu.memory_space<hbm>>
    %dma_wait3A_194 = tpu.memref_slice %arg4[%multiple_of3A_192] : memref<320240xi32, #tpu.memory_space<hbm>> -> memref<80xi32, #tpu.memory_space<hbm>>
    tpu.wait_dma2 semaphore(%arg34 : memref<!tpu.dma_semaphore, #tpu.memory_space<semaphore_mem>>) src(%dma_wait3A_194 : memref<80xi32, #tpu.memory_space<hbm>>) dst(%arg19 : memref<80xi32, #tpu.memory_space<vmem>>)
    %add3A_195 = arith.constant 10080 : i32
    %add3A_196 = arith.addi %mul3A_6, %add3A_195 : i32
    %multiple_of3A_197 = tpu.assume_multiple %add3A_196, 16 : i32
    %dma_wait3A_198 = tpu.memref_slice %arg3[%multiple_of3A_197] : memref<320240xi32, #tpu.memory_space<hbm>> -> memref<80xi32, #tpu.memory_space<hbm>>
    %dma_wait3A_199 = tpu.memref_slice %arg3[%multiple_of3A_197] : memref<320240xi32, #tpu.memory_space<hbm>> -> memref<80xi32, #tpu.memory_space<hbm>>
    tpu.wait_dma2 semaphore(%arg29 : memref<!tpu.dma_semaphore, #tpu.memory_space<semaphore_mem>>) src(%dma_wait3A_199 : memref<80xi32, #tpu.memory_space<hbm>>) dst(%arg8 : memref<80xi32, #tpu.memory_space<vmem>>)
    %add3A_200 = arith.constant 10080 : i32
    %add3A_201 = arith.addi %mul3A_6, %add3A_200 : i32
    %multiple_of3A_202 = tpu.assume_multiple %add3A_201, 16 : i32
    %dma_wait3A_203 = tpu.memref_slice %arg4[%multiple_of3A_202] : memref<320240xi32, #tpu.memory_space<hbm>> -> memref<80xi32, #tpu.memory_space<hbm>>
    %dma_wait3A_204 = tpu.memref_slice %arg4[%multiple_of3A_202] : memref<320240xi32, #tpu.memory_space<hbm>> -> memref<80xi32, #tpu.memory_space<hbm>>
    tpu.wait_dma2 semaphore(%arg29 : memref<!tpu.dma_semaphore, #tpu.memory_space<semaphore_mem>>) src(%dma_wait3A_204 : memref<80xi32, #tpu.memory_space<hbm>>) dst(%arg14 : memref<80xi32, #tpu.memory_space<vmem>>)
    %add3A_205 = arith.constant 10160 : i32
    %add3A_206 = arith.addi %mul3A_6, %add3A_205 : i32
    %multiple_of3A_207 = tpu.assume_multiple %add3A_206, 16 : i32
    %dma_wait3A_208 = tpu.memref_slice %arg3[%multiple_of3A_207] : memref<320240xi32, #tpu.memory_space<hbm>> -> memref<80xi32, #tpu.memory_space<hbm>>
    %dma_wait3A_209 = tpu.memref_slice %arg3[%multiple_of3A_207] : memref<320240xi32, #tpu.memory_space<hbm>> -> memref<80xi32, #tpu.memory_space<hbm>>
    tpu.wait_dma2 semaphore(%arg30 : memref<!tpu.dma_semaphore, #tpu.memory_space<semaphore_mem>>) src(%dma_wait3A_209 : memref<80xi32, #tpu.memory_space<hbm>>) dst(%arg9 : memref<80xi32, #tpu.memory_space<vmem>>)
    %add3A_210 = arith.constant 10160 : i32
    %add3A_211 = arith.addi %mul3A_6, %add3A_210 : i32
    %multiple_of3A_212 = tpu.assume_multiple %add3A_211, 16 : i32
    %dma_wait3A_213 = tpu.memref_slice %arg4[%multiple_of3A_212] : memref<320240xi32, #tpu.memory_space<hbm>> -> memref<80xi32, #tpu.memory_space<hbm>>
    %dma_wait3A_214 = tpu.memref_slice %arg4[%multiple_of3A_212] : memref<320240xi32, #tpu.memory_space<hbm>> -> memref<80xi32, #tpu.memory_space<hbm>>
    tpu.wait_dma2 semaphore(%arg30 : memref<!tpu.dma_semaphore, #tpu.memory_space<semaphore_mem>>) src(%dma_wait3A_214 : memref<80xi32, #tpu.memory_space<hbm>>) dst(%arg15 : memref<80xi32, #tpu.memory_space<vmem>>)
    %barrier3A_215 = arith.constant 0 : index
    tpu.barrier barrier_id(%barrier3A_215)
    %mul3A_216 = arith.constant 624 : i32
    %mul3A_217 = arith.muli %arg1, %mul3A_216 : i32
    %mul3A_218 = arith.constant 624 : i32
    %mul3A_219 = arith.muli %arg1, %mul3A_218 : i32
    "tpu.region"() ({
      %run_scoped3A = tpu.sem_alloc : memref<!tpu.dma_semaphore, #tpu.memory_space<semaphore_mem>>
      %dma_start3A_220 = arith.constant 0 : i32
      %dma_start3A_221 = tpu.memref_slice %arg6[%arg0, %mul3A_219, %dma_start3A_220] : memref<2x10000x128xf32, #tpu.memory_space<hbm>> -> memref<1x640x128xf32, #tpu.memory_space<hbm>>
      %dma_start3A_222 = tpu.memref_squeeze %dma_start3A_221 : memref<1x640x128xf32, #tpu.memory_space<hbm>> -> memref<640x128xf32, #tpu.memory_space<hbm>>
      %dma_start3A_223 = arith.constant 0 : i32
      %dma_start3A_224 = tpu.memref_slice %arg7[%mul3A_217, %dma_start3A_223] : memref<10000x128xf32, #tpu.memory_space<vmem_shared>> -> memref<640x128xf32, #tpu.memory_space<vmem_shared>>
      tpu.enqueue_dma source(%dma_start3A_224 : memref<640x128xf32, #tpu.memory_space<vmem_shared>>) target(%dma_start3A_222 : memref<640x128xf32, #tpu.memory_space<hbm>>) target_semaphore(%run_scoped3A : memref<!tpu.dma_semaphore, #tpu.memory_space<semaphore_mem>>)
      %dma_wait3A_225 = arith.constant 0 : i32
      %dma_wait3A_226 = tpu.memref_slice %arg6[%arg0, %mul3A_219, %dma_wait3A_225] : memref<2x10000x128xf32, #tpu.memory_space<hbm>> -> memref<1x640x128xf32, #tpu.memory_space<hbm>>
      %dma_wait3A_227 = tpu.memref_squeeze %dma_wait3A_226 : memref<1x640x128xf32, #tpu.memory_space<hbm>> -> memref<640x128xf32, #tpu.memory_space<hbm>>
      %dma_wait3A_228 = arith.constant 0 : i32
      %dma_wait3A_229 = tpu.memref_slice %arg7[%mul3A_217, %dma_wait3A_228] : memref<10000x128xf32, #tpu.memory_space<vmem_shared>> -> memref<640x128xf32, #tpu.memory_space<vmem_shared>>
      tpu.wait_dma2 semaphore(%run_scoped3A : memref<!tpu.dma_semaphore, #tpu.memory_space<semaphore_mem>>) src(%dma_wait3A_229 : memref<640x128xf32, #tpu.memory_space<vmem_shared>>) dst(%dma_wait3A_227 : memref<640x128xf32, #tpu.memory_space<hbm>>)
      tpu.yield
    }) : () -> ()
    return
  }
}

#map = affine_map<(d0, d1) -> (0, 0)>
#map1 = affine_map<(d0, d1) -> (0)>
#map2 = affine_map<(d0, d1) -> (0, 0, 0)>
module attributes {stable_mosaic.version = 14 : i64} {
  func.func @_layer_kernel(%arg0: i32, %arg1: i32, %arg2: memref<10000x128xf32, #tpu.memory_space<hbm>>, %arg3: memref<320240xi32, #tpu.memory_space<hbm>>, %arg4: memref<320240xi32, #tpu.memory_space<hbm>>, %arg5: memref<10000x128xf32, #tpu.memory_space<hbm>>, %arg6: memref<2x10000x128xf32, #tpu.memory_space<hbm>>, %arg7: memref<10000x128xf32, #tpu.memory_space<vmem_shared>>, %arg8: memref<80xi32, #tpu.memory_space<vmem>>, %arg9: memref<80xi32, #tpu.memory_space<vmem>>, %arg10: memref<80xi32, #tpu.memory_space<vmem>>, %arg11: memref<80xi32, #tpu.memory_space<vmem>>, %arg12: memref<80xi32, #tpu.memory_space<vmem>>, %arg13: memref<80xi32, #tpu.memory_space<vmem>>, %arg14: memref<80xi32, #tpu.memory_space<vmem>>, %arg15: memref<80xi32, #tpu.memory_space<vmem>>, %arg16: memref<80xi32, #tpu.memory_space<vmem>>, %arg17: memref<80xi32, #tpu.memory_space<vmem>>, %arg18: memref<80xi32, #tpu.memory_space<vmem>>, %arg19: memref<80xi32, #tpu.memory_space<vmem>>, %arg20: memref<80x128xf32, #tpu.memory_space<vmem>>, %arg21: memref<80x128xf32, #tpu.memory_space<vmem>>, %arg22: memref<80x128xf32, #tpu.memory_space<vmem>>, %arg23: memref<!tpu.dma_semaphore, #tpu.memory_space<semaphore_mem>>, %arg24: memref<!tpu.dma_semaphore, #tpu.memory_space<semaphore_mem>>, %arg25: memref<!tpu.dma_semaphore, #tpu.memory_space<semaphore_mem>>, %arg26: memref<!tpu.dma_semaphore, #tpu.memory_space<semaphore_mem>>, %arg27: memref<!tpu.dma_semaphore, #tpu.memory_space<semaphore_mem>>, %arg28: memref<!tpu.dma_semaphore, #tpu.memory_space<semaphore_mem>>, %arg29: memref<!tpu.dma_semaphore, #tpu.memory_space<semaphore_mem>>, %arg30: memref<!tpu.dma_semaphore, #tpu.memory_space<semaphore_mem>>, %arg31: memref<!tpu.dma_semaphore, #tpu.memory_space<semaphore_mem>>, %arg32: memref<!tpu.dma_semaphore, #tpu.memory_space<semaphore_mem>>, %arg33: memref<!tpu.dma_semaphore, #tpu.memory_space<semaphore_mem>>, %arg34: memref<!tpu.dma_semaphore, #tpu.memory_space<semaphore_mem>>) attributes {dimension_semantics = [#tpu.dimension_semantics<core_parallel>, #tpu.dimension_semantics<subcore_parallel>], iteration_bounds = array<i64: 2, 16>, scalar_prefetch = 0 : i64, scratch_operands = 28 : i64, tpu.core_type = #tpu.core_type<sc_vector_subcore>, window_params = [{transform_indices = #map}, {transform_indices = #map1}, {transform_indices = #map1}, {transform_indices = #map}, {transform_indices = #map2}]} {
    %mul3A = arith.constant 2 : i32
    %mul3A_0 = arith.muli %arg1, %mul3A : i32
    %add3A = arith.addi %mul3A_0, %arg0 : i32
    %mul3A_1 = arith.constant 624 : i32
    %mul3A_2 = arith.muli %arg1, %mul3A_1 : i32
    %mul3A_3 = arith.constant 624 : i32
    %mul3A_4 = arith.muli %arg1, %mul3A_3 : i32
    "tpu.region"() ({
      %run_scoped3A = tpu.sem_alloc : memref<!tpu.dma_semaphore, #tpu.memory_space<semaphore_mem>>
      %dma_start3A_220 = arith.constant 0 : i32
      %dma_start3A_221 = tpu.memref_slice %arg7[%mul3A_4, %dma_start3A_220] : memref<10000x128xf32, #tpu.memory_space<vmem_shared>> -> memref<640x128xf32, #tpu.memory_space<vmem_shared>>
      %dma_start3A_222 = arith.constant 0 : i32
      %dma_start3A_223 = tpu.memref_slice %arg5[%mul3A_2, %dma_start3A_222] : memref<10000x128xf32, #tpu.memory_space<hbm>> -> memref<640x128xf32, #tpu.memory_space<hbm>>
      tpu.enqueue_dma source(%dma_start3A_223 : memref<640x128xf32, #tpu.memory_space<hbm>>) target(%dma_start3A_221 : memref<640x128xf32, #tpu.memory_space<vmem_shared>>) target_semaphore(%run_scoped3A : memref<!tpu.dma_semaphore, #tpu.memory_space<semaphore_mem>>)
      %dma_wait3A_224 = arith.constant 0 : i32
      %dma_wait3A_225 = tpu.memref_slice %arg7[%mul3A_4, %dma_wait3A_224] : memref<10000x128xf32, #tpu.memory_space<vmem_shared>> -> memref<640x128xf32, #tpu.memory_space<vmem_shared>>
      %dma_wait3A_226 = arith.constant 0 : i32
      %dma_wait3A_227 = tpu.memref_slice %arg5[%mul3A_2, %dma_wait3A_226] : memref<10000x128xf32, #tpu.memory_space<hbm>> -> memref<640x128xf32, #tpu.memory_space<hbm>>
      tpu.wait_dma2 semaphore(%run_scoped3A : memref<!tpu.dma_semaphore, #tpu.memory_space<semaphore_mem>>) src(%dma_wait3A_227 : memref<640x128xf32, #tpu.memory_space<hbm>>) dst(%dma_wait3A_225 : memref<640x128xf32, #tpu.memory_space<vmem_shared>>)
      tpu.yield
    }) : () -> ()
    %barrier3A = arith.constant 0 : index
    tpu.barrier barrier_id(%barrier3A)
    %mul3A_5 = arith.constant 10000 : i32
    %mul3A_6 = arith.muli %add3A, %mul3A_5 : i32
    %add3A_7 = arith.constant 0 : i32
    %add3A_8 = arith.addi %mul3A_6, %add3A_7 : i32
    %multiple_of3A = tpu.assume_multiple %add3A_8, 16 : i32
    "tpu.region"() ({
      %run_scoped3A = tpu.sem_alloc : memref<!tpu.dma_semaphore, #tpu.memory_space<semaphore_mem>>
      %dma_start3A_220 = tpu.memref_slice %arg3[%multiple_of3A] : memref<320240xi32, #tpu.memory_space<hbm>> -> memref<80xi32, #tpu.memory_space<hbm>>
      %dma_start3A_221 = tpu.memref_slice %arg3[%multiple_of3A] : memref<320240xi32, #tpu.memory_space<hbm>> -> memref<80xi32, #tpu.memory_space<hbm>>
      tpu.enqueue_dma source(%dma_start3A_221 : memref<80xi32, #tpu.memory_space<hbm>>) target(%arg8 : memref<80xi32, #tpu.memory_space<vmem>>) target_semaphore(%run_scoped3A : memref<!tpu.dma_semaphore, #tpu.memory_space<semaphore_mem>>)
      %dma_wait3A_222 = tpu.memref_slice %arg3[%multiple_of3A] : memref<320240xi32, #tpu.memory_space<hbm>> -> memref<80xi32, #tpu.memory_space<hbm>>
      %dma_wait3A_223 = tpu.memref_slice %arg3[%multiple_of3A] : memref<320240xi32, #tpu.memory_space<hbm>> -> memref<80xi32, #tpu.memory_space<hbm>>
      tpu.wait_dma2 semaphore(%run_scoped3A : memref<!tpu.dma_semaphore, #tpu.memory_space<semaphore_mem>>) src(%dma_wait3A_223 : memref<80xi32, #tpu.memory_space<hbm>>) dst(%arg8 : memref<80xi32, #tpu.memory_space<vmem>>)
      tpu.yield
    }) : () -> ()
    %add3A_9 = arith.constant 0 : i32
    %add3A_10 = arith.addi %mul3A_6, %add3A_9 : i32
    %multiple_of3A_11 = tpu.assume_multiple %add3A_10, 16 : i32
    "tpu.region"() ({
      %run_scoped3A = tpu.sem_alloc : memref<!tpu.dma_semaphore, #tpu.memory_space<semaphore_mem>>
      %dma_start3A_220 = tpu.memref_slice %arg4[%multiple_of3A_11] : memref<320240xi32, #tpu.memory_space<hbm>> -> memref<80xi32, #tpu.memory_space<hbm>>
      %dma_start3A_221 = tpu.memref_slice %arg4[%multiple_of3A_11] : memref<320240xi32, #tpu.memory_space<hbm>> -> memref<80xi32, #tpu.memory_space<hbm>>
      tpu.enqueue_dma source(%dma_start3A_221 : memref<80xi32, #tpu.memory_space<hbm>>) target(%arg14 : memref<80xi32, #tpu.memory_space<vmem>>) target_semaphore(%run_scoped3A : memref<!tpu.dma_semaphore, #tpu.memory_space<semaphore_mem>>)
      %dma_wait3A_222 = tpu.memref_slice %arg4[%multiple_of3A_11] : memref<320240xi32, #tpu.memory_space<hbm>> -> memref<80xi32, #tpu.memory_space<hbm>>
      %dma_wait3A_223 = tpu.memref_slice %arg4[%multiple_of3A_11] : memref<320240xi32, #tpu.memory_space<hbm>> -> memref<80xi32, #tpu.memory_space<hbm>>
      tpu.wait_dma2 semaphore(%run_scoped3A : memref<!tpu.dma_semaphore, #tpu.memory_space<semaphore_mem>>) src(%dma_wait3A_223 : memref<80xi32, #tpu.memory_space<hbm>>) dst(%arg14 : memref<80xi32, #tpu.memory_space<vmem>>)
      tpu.yield
    }) : () -> ()
    %dma_start3A = arith.constant 0 : i32
    %dma_start3A_12 = arith.constant 0 : i32
    %dma_start3A_13 = tpu.memref_slice %arg2[%dma_start3A, %dma_start3A_12] : memref<10000x128xf32, #tpu.memory_space<hbm>> -> memref<10000x128xf32, #tpu.memory_space<hbm>>
    tpu.enqueue_indirect_dma source(%dma_start3A_13 : memref<10000x128xf32, #tpu.memory_space<hbm>>) target(%arg20 : memref<80x128xf32, #tpu.memory_space<vmem>>) offsets(%arg8 : memref<80xi32, #tpu.memory_space<vmem>>) semaphore(%arg23 : memref<!tpu.dma_semaphore, #tpu.memory_space<semaphore_mem>>)
    %add3A_14 = arith.constant 80 : i32
    %add3A_15 = arith.addi %mul3A_6, %add3A_14 : i32
    %multiple_of3A_16 = tpu.assume_multiple %add3A_15, 16 : i32
    %dma_start3A_17 = tpu.memref_slice %arg3[%multiple_of3A_16] : memref<320240xi32, #tpu.memory_space<hbm>> -> memref<80xi32, #tpu.memory_space<hbm>>
    %dma_start3A_18 = tpu.memref_slice %arg3[%multiple_of3A_16] : memref<320240xi32, #tpu.memory_space<hbm>> -> memref<80xi32, #tpu.memory_space<hbm>>
    tpu.enqueue_dma source(%dma_start3A_18 : memref<80xi32, #tpu.memory_space<hbm>>) target(%arg9 : memref<80xi32, #tpu.memory_space<vmem>>) target_semaphore(%arg30 : memref<!tpu.dma_semaphore, #tpu.memory_space<semaphore_mem>>)
    %add3A_19 = arith.constant 80 : i32
    %add3A_20 = arith.addi %mul3A_6, %add3A_19 : i32
    %multiple_of3A_21 = tpu.assume_multiple %add3A_20, 16 : i32
    %dma_start3A_22 = tpu.memref_slice %arg4[%multiple_of3A_21] : memref<320240xi32, #tpu.memory_space<hbm>> -> memref<80xi32, #tpu.memory_space<hbm>>
    %dma_start3A_23 = tpu.memref_slice %arg4[%multiple_of3A_21] : memref<320240xi32, #tpu.memory_space<hbm>> -> memref<80xi32, #tpu.memory_space<hbm>>
    tpu.enqueue_dma source(%dma_start3A_23 : memref<80xi32, #tpu.memory_space<hbm>>) target(%arg15 : memref<80xi32, #tpu.memory_space<vmem>>) target_semaphore(%arg30 : memref<!tpu.dma_semaphore, #tpu.memory_space<semaphore_mem>>)
    %add3A_24 = arith.constant 160 : i32
    %add3A_25 = arith.addi %mul3A_6, %add3A_24 : i32
    %multiple_of3A_26 = tpu.assume_multiple %add3A_25, 16 : i32
    %dma_start3A_27 = tpu.memref_slice %arg3[%multiple_of3A_26] : memref<320240xi32, #tpu.memory_space<hbm>> -> memref<80xi32, #tpu.memory_space<hbm>>
    %dma_start3A_28 = tpu.memref_slice %arg3[%multiple_of3A_26] : memref<320240xi32, #tpu.memory_space<hbm>> -> memref<80xi32, #tpu.memory_space<hbm>>
    tpu.enqueue_dma source(%dma_start3A_28 : memref<80xi32, #tpu.memory_space<hbm>>) target(%arg10 : memref<80xi32, #tpu.memory_space<vmem>>) target_semaphore(%arg31 : memref<!tpu.dma_semaphore, #tpu.memory_space<semaphore_mem>>)
    %add3A_29 = arith.constant 160 : i32
    %add3A_30 = arith.addi %mul3A_6, %add3A_29 : i32
    %multiple_of3A_31 = tpu.assume_multiple %add3A_30, 16 : i32
    %dma_start3A_32 = tpu.memref_slice %arg4[%multiple_of3A_31] : memref<320240xi32, #tpu.memory_space<hbm>> -> memref<80xi32, #tpu.memory_space<hbm>>
    %dma_start3A_33 = tpu.memref_slice %arg4[%multiple_of3A_31] : memref<320240xi32, #tpu.memory_space<hbm>> -> memref<80xi32, #tpu.memory_space<hbm>>
    tpu.enqueue_dma source(%dma_start3A_33 : memref<80xi32, #tpu.memory_space<hbm>>) target(%arg16 : memref<80xi32, #tpu.memory_space<vmem>>) target_semaphore(%arg31 : memref<!tpu.dma_semaphore, #tpu.memory_space<semaphore_mem>>)
    %add3A_34 = arith.constant 80 : i32
    %add3A_35 = arith.addi %mul3A_6, %add3A_34 : i32
    %multiple_of3A_36 = tpu.assume_multiple %add3A_35, 16 : i32
    %dma_wait3A = tpu.memref_slice %arg3[%multiple_of3A_36] : memref<320240xi32, #tpu.memory_space<hbm>> -> memref<80xi32, #tpu.memory_space<hbm>>
    %dma_wait3A_37 = tpu.memref_slice %arg3[%multiple_of3A_36] : memref<320240xi32, #tpu.memory_space<hbm>> -> memref<80xi32, #tpu.memory_space<hbm>>
    tpu.wait_dma2 semaphore(%arg30 : memref<!tpu.dma_semaphore, #tpu.memory_space<semaphore_mem>>) src(%dma_wait3A_37 : memref<80xi32, #tpu.memory_space<hbm>>) dst(%arg9 : memref<80xi32, #tpu.memory_space<vmem>>)
    %add3A_38 = arith.constant 80 : i32
    %add3A_39 = arith.addi %mul3A_6, %add3A_38 : i32
    %multiple_of3A_40 = tpu.assume_multiple %add3A_39, 16 : i32
    %dma_wait3A_41 = tpu.memref_slice %arg4[%multiple_of3A_40] : memref<320240xi32, #tpu.memory_space<hbm>> -> memref<80xi32, #tpu.memory_space<hbm>>
    %dma_wait3A_42 = tpu.memref_slice %arg4[%multiple_of3A_40] : memref<320240xi32, #tpu.memory_space<hbm>> -> memref<80xi32, #tpu.memory_space<hbm>>
    tpu.wait_dma2 semaphore(%arg30 : memref<!tpu.dma_semaphore, #tpu.memory_space<semaphore_mem>>) src(%dma_wait3A_42 : memref<80xi32, #tpu.memory_space<hbm>>) dst(%arg15 : memref<80xi32, #tpu.memory_space<vmem>>)
    %dma_start3A_43 = arith.constant 0 : i32
    %dma_start3A_44 = arith.constant 0 : i32
    %dma_start3A_45 = tpu.memref_slice %arg2[%dma_start3A_43, %dma_start3A_44] : memref<10000x128xf32, #tpu.memory_space<hbm>> -> memref<10000x128xf32, #tpu.memory_space<hbm>>
    tpu.enqueue_indirect_dma source(%dma_start3A_45 : memref<10000x128xf32, #tpu.memory_space<hbm>>) target(%arg21 : memref<80x128xf32, #tpu.memory_space<vmem>>) offsets(%arg9 : memref<80xi32, #tpu.memory_space<vmem>>) semaphore(%arg24 : memref<!tpu.dma_semaphore, #tpu.memory_space<semaphore_mem>>)
    %dma_wait3A_46 = arith.constant 0 : i32
    %dma_wait3A_47 = arith.constant 0 : i32
    %dma_wait3A_48 = tpu.memref_slice %arg2[%dma_wait3A_46, %dma_wait3A_47] : memref<10000x128xf32, #tpu.memory_space<hbm>> -> memref<10000x128xf32, #tpu.memory_space<hbm>>
    tpu.wait_indirect_dma semaphore(%arg23 : memref<!tpu.dma_semaphore, #tpu.memory_space<semaphore_mem>>) src(%dma_wait3A_48 : memref<10000x128xf32, #tpu.memory_space<hbm>>) dst(%arg20 : memref<80x128xf32, #tpu.memory_space<vmem>>)
    %dma_start3A_49 = arith.constant 0 : i32
    %dma_start3A_50 = arith.constant 0 : i32
    %dma_start3A_51 = tpu.memref_slice %arg7[%dma_start3A_49, %dma_start3A_50] : memref<10000x128xf32, #tpu.memory_space<vmem_shared>> -> memref<10000x128xf32, #tpu.memory_space<vmem_shared>>
    tpu.enqueue_indirect_dma source(%arg20 : memref<80x128xf32, #tpu.memory_space<vmem>>) target(%dma_start3A_51 : memref<10000x128xf32, #tpu.memory_space<vmem_shared>>) offsets(%arg14 : memref<80xi32, #tpu.memory_space<vmem>>) semaphore(%arg26 : memref<!tpu.dma_semaphore, #tpu.memory_space<semaphore_mem>>) {add = true}
    %add3A_52 = arith.constant 240 : i32
    %add3A_53 = arith.addi %mul3A_6, %add3A_52 : i32
    %multiple_of3A_54 = tpu.assume_multiple %add3A_53, 16 : i32
    %dma_start3A_55 = tpu.memref_slice %arg3[%multiple_of3A_54] : memref<320240xi32, #tpu.memory_space<hbm>> -> memref<80xi32, #tpu.memory_space<hbm>>
    %dma_start3A_56 = tpu.memref_slice %arg3[%multiple_of3A_54] : memref<320240xi32, #tpu.memory_space<hbm>> -> memref<80xi32, #tpu.memory_space<hbm>>
    tpu.enqueue_dma source(%dma_start3A_56 : memref<80xi32, #tpu.memory_space<hbm>>) target(%arg11 : memref<80xi32, #tpu.memory_space<vmem>>) target_semaphore(%arg32 : memref<!tpu.dma_semaphore, #tpu.memory_space<semaphore_mem>>)
    %add3A_57 = arith.constant 240 : i32
    %add3A_58 = arith.addi %mul3A_6, %add3A_57 : i32
    %multiple_of3A_59 = tpu.assume_multiple %add3A_58, 16 : i32
    %dma_start3A_60 = tpu.memref_slice %arg4[%multiple_of3A_59] : memref<320240xi32, #tpu.memory_space<hbm>> -> memref<80xi32, #tpu.memory_space<hbm>>
    %dma_start3A_61 = tpu.memref_slice %arg4[%multiple_of3A_59] : memref<320240xi32, #tpu.memory_space<hbm>> -> memref<80xi32, #tpu.memory_space<hbm>>
    tpu.enqueue_dma source(%dma_start3A_61 : memref<80xi32, #tpu.memory_space<hbm>>) target(%arg17 : memref<80xi32, #tpu.memory_space<vmem>>) target_semaphore(%arg32 : memref<!tpu.dma_semaphore, #tpu.memory_space<semaphore_mem>>)
    %add3A_62 = arith.constant 160 : i32
    %add3A_63 = arith.addi %mul3A_6, %add3A_62 : i32
    %multiple_of3A_64 = tpu.assume_multiple %add3A_63, 16 : i32
    %dma_wait3A_65 = tpu.memref_slice %arg3[%multiple_of3A_64] : memref<320240xi32, #tpu.memory_space<hbm>> -> memref<80xi32, #tpu.memory_space<hbm>>
    %dma_wait3A_66 = tpu.memref_slice %arg3[%multiple_of3A_64] : memref<320240xi32, #tpu.memory_space<hbm>> -> memref<80xi32, #tpu.memory_space<hbm>>
    tpu.wait_dma2 semaphore(%arg31 : memref<!tpu.dma_semaphore, #tpu.memory_space<semaphore_mem>>) src(%dma_wait3A_66 : memref<80xi32, #tpu.memory_space<hbm>>) dst(%arg10 : memref<80xi32, #tpu.memory_space<vmem>>)
    %add3A_67 = arith.constant 160 : i32
    %add3A_68 = arith.addi %mul3A_6, %add3A_67 : i32
    %multiple_of3A_69 = tpu.assume_multiple %add3A_68, 16 : i32
    %dma_wait3A_70 = tpu.memref_slice %arg4[%multiple_of3A_69] : memref<320240xi32, #tpu.memory_space<hbm>> -> memref<80xi32, #tpu.memory_space<hbm>>
    %dma_wait3A_71 = tpu.memref_slice %arg4[%multiple_of3A_69] : memref<320240xi32, #tpu.memory_space<hbm>> -> memref<80xi32, #tpu.memory_space<hbm>>
    tpu.wait_dma2 semaphore(%arg31 : memref<!tpu.dma_semaphore, #tpu.memory_space<semaphore_mem>>) src(%dma_wait3A_71 : memref<80xi32, #tpu.memory_space<hbm>>) dst(%arg16 : memref<80xi32, #tpu.memory_space<vmem>>)
    %dma_start3A_72 = arith.constant 0 : i32
    %dma_start3A_73 = arith.constant 0 : i32
    %dma_start3A_74 = tpu.memref_slice %arg2[%dma_start3A_72, %dma_start3A_73] : memref<10000x128xf32, #tpu.memory_space<hbm>> -> memref<10000x128xf32, #tpu.memory_space<hbm>>
    tpu.enqueue_indirect_dma source(%dma_start3A_74 : memref<10000x128xf32, #tpu.memory_space<hbm>>) target(%arg22 : memref<80x128xf32, #tpu.memory_space<vmem>>) offsets(%arg10 : memref<80xi32, #tpu.memory_space<vmem>>) semaphore(%arg25 : memref<!tpu.dma_semaphore, #tpu.memory_space<semaphore_mem>>)
    %dma_wait3A_75 = arith.constant 0 : i32
    %dma_wait3A_76 = arith.constant 0 : i32
    %dma_wait3A_77 = tpu.memref_slice %arg2[%dma_wait3A_75, %dma_wait3A_76] : memref<10000x128xf32, #tpu.memory_space<hbm>> -> memref<10000x128xf32, #tpu.memory_space<hbm>>
    tpu.wait_indirect_dma semaphore(%arg24 : memref<!tpu.dma_semaphore, #tpu.memory_space<semaphore_mem>>) src(%dma_wait3A_77 : memref<10000x128xf32, #tpu.memory_space<hbm>>) dst(%arg21 : memref<80x128xf32, #tpu.memory_space<vmem>>)
    %dma_start3A_78 = arith.constant 0 : i32
    %dma_start3A_79 = arith.constant 0 : i32
    %dma_start3A_80 = tpu.memref_slice %arg7[%dma_start3A_78, %dma_start3A_79] : memref<10000x128xf32, #tpu.memory_space<vmem_shared>> -> memref<10000x128xf32, #tpu.memory_space<vmem_shared>>
    tpu.enqueue_indirect_dma source(%arg21 : memref<80x128xf32, #tpu.memory_space<vmem>>) target(%dma_start3A_80 : memref<10000x128xf32, #tpu.memory_space<vmem_shared>>) offsets(%arg15 : memref<80xi32, #tpu.memory_space<vmem>>) semaphore(%arg27 : memref<!tpu.dma_semaphore, #tpu.memory_space<semaphore_mem>>) {add = true}
    %add3A_81 = arith.constant 320 : i32
    %add3A_82 = arith.addi %mul3A_6, %add3A_81 : i32
    %multiple_of3A_83 = tpu.assume_multiple %add3A_82, 16 : i32
    %dma_start3A_84 = tpu.memref_slice %arg3[%multiple_of3A_83] : memref<320240xi32, #tpu.memory_space<hbm>> -> memref<80xi32, #tpu.memory_space<hbm>>
    %dma_start3A_85 = tpu.memref_slice %arg3[%multiple_of3A_83] : memref<320240xi32, #tpu.memory_space<hbm>> -> memref<80xi32, #tpu.memory_space<hbm>>
    tpu.enqueue_dma source(%dma_start3A_85 : memref<80xi32, #tpu.memory_space<hbm>>) target(%arg12 : memref<80xi32, #tpu.memory_space<vmem>>) target_semaphore(%arg33 : memref<!tpu.dma_semaphore, #tpu.memory_space<semaphore_mem>>)
    %add3A_86 = arith.constant 320 : i32
    %add3A_87 = arith.addi %mul3A_6, %add3A_86 : i32
    %multiple_of3A_88 = tpu.assume_multiple %add3A_87, 16 : i32
    %dma_start3A_89 = tpu.memref_slice %arg4[%multiple_of3A_88] : memref<320240xi32, #tpu.memory_space<hbm>> -> memref<80xi32, #tpu.memory_space<hbm>>
    %dma_start3A_90 = tpu.memref_slice %arg4[%multiple_of3A_88] : memref<320240xi32, #tpu.memory_space<hbm>> -> memref<80xi32, #tpu.memory_space<hbm>>
    tpu.enqueue_dma source(%dma_start3A_90 : memref<80xi32, #tpu.memory_space<hbm>>) target(%arg18 : memref<80xi32, #tpu.memory_space<vmem>>) target_semaphore(%arg33 : memref<!tpu.dma_semaphore, #tpu.memory_space<semaphore_mem>>)
    %add3A_91 = arith.constant 240 : i32
    %add3A_92 = arith.addi %mul3A_6, %add3A_91 : i32
    %multiple_of3A_93 = tpu.assume_multiple %add3A_92, 16 : i32
    %dma_wait3A_94 = tpu.memref_slice %arg3[%multiple_of3A_93] : memref<320240xi32, #tpu.memory_space<hbm>> -> memref<80xi32, #tpu.memory_space<hbm>>
    %dma_wait3A_95 = tpu.memref_slice %arg3[%multiple_of3A_93] : memref<320240xi32, #tpu.memory_space<hbm>> -> memref<80xi32, #tpu.memory_space<hbm>>
    tpu.wait_dma2 semaphore(%arg32 : memref<!tpu.dma_semaphore, #tpu.memory_space<semaphore_mem>>) src(%dma_wait3A_95 : memref<80xi32, #tpu.memory_space<hbm>>) dst(%arg11 : memref<80xi32, #tpu.memory_space<vmem>>)
    %add3A_96 = arith.constant 240 : i32
    %add3A_97 = arith.addi %mul3A_6, %add3A_96 : i32
    %multiple_of3A_98 = tpu.assume_multiple %add3A_97, 16 : i32
    %dma_wait3A_99 = tpu.memref_slice %arg4[%multiple_of3A_98] : memref<320240xi32, #tpu.memory_space<hbm>> -> memref<80xi32, #tpu.memory_space<hbm>>
    %dma_wait3A_100 = tpu.memref_slice %arg4[%multiple_of3A_98] : memref<320240xi32, #tpu.memory_space<hbm>> -> memref<80xi32, #tpu.memory_space<hbm>>
    tpu.wait_dma2 semaphore(%arg32 : memref<!tpu.dma_semaphore, #tpu.memory_space<semaphore_mem>>) src(%dma_wait3A_100 : memref<80xi32, #tpu.memory_space<hbm>>) dst(%arg17 : memref<80xi32, #tpu.memory_space<vmem>>)
    %dma_wait3A_101 = arith.constant 0 : i32
    %dma_wait3A_102 = arith.constant 0 : i32
    %dma_wait3A_103 = tpu.memref_slice %arg7[%dma_wait3A_101, %dma_wait3A_102] : memref<10000x128xf32, #tpu.memory_space<vmem_shared>> -> memref<10000x128xf32, #tpu.memory_space<vmem_shared>>
    tpu.wait_indirect_dma semaphore(%arg26 : memref<!tpu.dma_semaphore, #tpu.memory_space<semaphore_mem>>) src(%arg20 : memref<80x128xf32, #tpu.memory_space<vmem>>) dst(%dma_wait3A_103 : memref<10000x128xf32, #tpu.memory_space<vmem_shared>>)
    %dma_start3A_104 = arith.constant 0 : i32
    %dma_start3A_105 = arith.constant 0 : i32
    %dma_start3A_106 = tpu.memref_slice %arg2[%dma_start3A_104, %dma_start3A_105] : memref<10000x128xf32, #tpu.memory_space<hbm>> -> memref<10000x128xf32, #tpu.memory_space<hbm>>
    tpu.enqueue_indirect_dma source(%dma_start3A_106 : memref<10000x128xf32, #tpu.memory_space<hbm>>) target(%arg20 : memref<80x128xf32, #tpu.memory_space<vmem>>) offsets(%arg11 : memref<80xi32, #tpu.memory_space<vmem>>) semaphore(%arg23 : memref<!tpu.dma_semaphore, #tpu.memory_space<semaphore_mem>>)
    %dma_wait3A_107 = arith.constant 0 : i32
    %dma_wait3A_108 = arith.constant 0 : i32
    %dma_wait3A_109 = tpu.memref_slice %arg2[%dma_wait3A_107, %dma_wait3A_108] : memref<10000x128xf32, #tpu.memory_space<hbm>> -> memref<10000x128xf32, #tpu.memory_space<hbm>>
    tpu.wait_indirect_dma semaphore(%arg25 : memref<!tpu.dma_semaphore, #tpu.memory_space<semaphore_mem>>) src(%dma_wait3A_109 : memref<10000x128xf32, #tpu.memory_space<hbm>>) dst(%arg22 : memref<80x128xf32, #tpu.memory_space<vmem>>)
    %dma_start3A_110 = arith.constant 0 : i32
    %dma_start3A_111 = arith.constant 0 : i32
    %dma_start3A_112 = tpu.memref_slice %arg7[%dma_start3A_110, %dma_start3A_111] : memref<10000x128xf32, #tpu.memory_space<vmem_shared>> -> memref<10000x128xf32, #tpu.memory_space<vmem_shared>>
    tpu.enqueue_indirect_dma source(%arg22 : memref<80x128xf32, #tpu.memory_space<vmem>>) target(%dma_start3A_112 : memref<10000x128xf32, #tpu.memory_space<vmem_shared>>) offsets(%arg16 : memref<80xi32, #tpu.memory_space<vmem>>) semaphore(%arg28 : memref<!tpu.dma_semaphore, #tpu.memory_space<semaphore_mem>>) {add = true}
    %add3A_113 = arith.constant 400 : i32
    %add3A_114 = arith.addi %mul3A_6, %add3A_113 : i32
    %multiple_of3A_115 = tpu.assume_multiple %add3A_114, 16 : i32
    %dma_start3A_116 = tpu.memref_slice %arg3[%multiple_of3A_115] : memref<320240xi32, #tpu.memory_space<hbm>> -> memref<80xi32, #tpu.memory_space<hbm>>
    %dma_start3A_117 = tpu.memref_slice %arg3[%multiple_of3A_115] : memref<320240xi32, #tpu.memory_space<hbm>> -> memref<80xi32, #tpu.memory_space<hbm>>
    tpu.enqueue_dma source(%dma_start3A_117 : memref<80xi32, #tpu.memory_space<hbm>>) target(%arg13 : memref<80xi32, #tpu.memory_space<vmem>>) target_semaphore(%arg34 : memref<!tpu.dma_semaphore, #tpu.memory_space<semaphore_mem>>)
    %add3A_118 = arith.constant 400 : i32
    %add3A_119 = arith.addi %mul3A_6, %add3A_118 : i32
    %multiple_of3A_120 = tpu.assume_multiple %add3A_119, 16 : i32
    %dma_start3A_121 = tpu.memref_slice %arg4[%multiple_of3A_120] : memref<320240xi32, #tpu.memory_space<hbm>> -> memref<80xi32, #tpu.memory_space<hbm>>
    %dma_start3A_122 = tpu.memref_slice %arg4[%multiple_of3A_120] : memref<320240xi32, #tpu.memory_space<hbm>> -> memref<80xi32, #tpu.memory_space<hbm>>
    tpu.enqueue_dma source(%dma_start3A_122 : memref<80xi32, #tpu.memory_space<hbm>>) target(%arg19 : memref<80xi32, #tpu.memory_space<vmem>>) target_semaphore(%arg34 : memref<!tpu.dma_semaphore, #tpu.memory_space<semaphore_mem>>)
    %add3A_123 = arith.constant 320 : i32
    %add3A_124 = arith.addi %mul3A_6, %add3A_123 : i32
    %multiple_of3A_125 = tpu.assume_multiple %add3A_124, 16 : i32
    %dma_wait3A_126 = tpu.memref_slice %arg3[%multiple_of3A_125] : memref<320240xi32, #tpu.memory_space<hbm>> -> memref<80xi32, #tpu.memory_space<hbm>>
    %dma_wait3A_127 = tpu.memref_slice %arg3[%multiple_of3A_125] : memref<320240xi32, #tpu.memory_space<hbm>> -> memref<80xi32, #tpu.memory_space<hbm>>
    tpu.wait_dma2 semaphore(%arg33 : memref<!tpu.dma_semaphore, #tpu.memory_space<semaphore_mem>>) src(%dma_wait3A_127 : memref<80xi32, #tpu.memory_space<hbm>>) dst(%arg12 : memref<80xi32, #tpu.memory_space<vmem>>)
    %add3A_128 = arith.constant 320 : i32
    %add3A_129 = arith.addi %mul3A_6, %add3A_128 : i32
    %multiple_of3A_130 = tpu.assume_multiple %add3A_129, 16 : i32
    %dma_wait3A_131 = tpu.memref_slice %arg4[%multiple_of3A_130] : memref<320240xi32, #tpu.memory_space<hbm>> -> memref<80xi32, #tpu.memory_space<hbm>>
    %dma_wait3A_132 = tpu.memref_slice %arg4[%multiple_of3A_130] : memref<320240xi32, #tpu.memory_space<hbm>> -> memref<80xi32, #tpu.memory_space<hbm>>
    tpu.wait_dma2 semaphore(%arg33 : memref<!tpu.dma_semaphore, #tpu.memory_space<semaphore_mem>>) src(%dma_wait3A_132 : memref<80xi32, #tpu.memory_space<hbm>>) dst(%arg18 : memref<80xi32, #tpu.memory_space<vmem>>)
    %dma_wait3A_133 = arith.constant 0 : i32
    %dma_wait3A_134 = arith.constant 0 : i32
    %dma_wait3A_135 = tpu.memref_slice %arg7[%dma_wait3A_133, %dma_wait3A_134] : memref<10000x128xf32, #tpu.memory_space<vmem_shared>> -> memref<10000x128xf32, #tpu.memory_space<vmem_shared>>
    tpu.wait_indirect_dma semaphore(%arg27 : memref<!tpu.dma_semaphore, #tpu.memory_space<semaphore_mem>>) src(%arg21 : memref<80x128xf32, #tpu.memory_space<vmem>>) dst(%dma_wait3A_135 : memref<10000x128xf32, #tpu.memory_space<vmem_shared>>)
    %dma_start3A_136 = arith.constant 0 : i32
    %dma_start3A_137 = arith.constant 0 : i32
    %dma_start3A_138 = tpu.memref_slice %arg2[%dma_start3A_136, %dma_start3A_137] : memref<10000x128xf32, #tpu.memory_space<hbm>> -> memref<10000x128xf32, #tpu.memory_space<hbm>>
    tpu.enqueue_indirect_dma source(%dma_start3A_138 : memref<10000x128xf32, #tpu.memory_space<hbm>>) target(%arg21 : memref<80x128xf32, #tpu.memory_space<vmem>>) offsets(%arg12 : memref<80xi32, #tpu.memory_space<vmem>>) semaphore(%arg24 : memref<!tpu.dma_semaphore, #tpu.memory_space<semaphore_mem>>)
    %dma_wait3A_139 = arith.constant 0 : i32
    %dma_wait3A_140 = arith.constant 0 : i32
    %dma_wait3A_141 = tpu.memref_slice %arg2[%dma_wait3A_139, %dma_wait3A_140] : memref<10000x128xf32, #tpu.memory_space<hbm>> -> memref<10000x128xf32, #tpu.memory_space<hbm>>
    tpu.wait_indirect_dma semaphore(%arg23 : memref<!tpu.dma_semaphore, #tpu.memory_space<semaphore_mem>>) src(%dma_wait3A_141 : memref<10000x128xf32, #tpu.memory_space<hbm>>) dst(%arg20 : memref<80x128xf32, #tpu.memory_space<vmem>>)
    %dma_start3A_142 = arith.constant 0 : i32
    %dma_start3A_143 = arith.constant 0 : i32
    %dma_start3A_144 = tpu.memref_slice %arg7[%dma_start3A_142, %dma_start3A_143] : memref<10000x128xf32, #tpu.memory_space<vmem_shared>> -> memref<10000x128xf32, #tpu.memory_space<vmem_shared>>
    tpu.enqueue_indirect_dma source(%arg20 : memref<80x128xf32, #tpu.memory_space<vmem>>) target(%dma_start3A_144 : memref<10000x128xf32, #tpu.memory_space<vmem_shared>>) offsets(%arg17 : memref<80xi32, #tpu.memory_space<vmem>>) semaphore(%arg26 : memref<!tpu.dma_semaphore, #tpu.memory_space<semaphore_mem>>) {add = true}
    %add3A_145 = arith.constant 480 : i32
    %add3A_146 = arith.addi %mul3A_6, %add3A_145 : i32
    %multiple_of3A_147 = tpu.assume_multiple %add3A_146, 16 : i32
    %dma_start3A_148 = tpu.memref_slice %arg3[%multiple_of3A_147] : memref<320240xi32, #tpu.memory_space<hbm>> -> memref<80xi32, #tpu.memory_space<hbm>>
    %dma_start3A_149 = tpu.memref_slice %arg3[%multiple_of3A_147] : memref<320240xi32, #tpu.memory_space<hbm>> -> memref<80xi32, #tpu.memory_space<hbm>>
    tpu.enqueue_dma source(%dma_start3A_149 : memref<80xi32, #tpu.memory_space<hbm>>) target(%arg8 : memref<80xi32, #tpu.memory_space<vmem>>) target_semaphore(%arg29 : memref<!tpu.dma_semaphore, #tpu.memory_space<semaphore_mem>>)
    %add3A_150 = arith.constant 480 : i32
    %add3A_151 = arith.addi %mul3A_6, %add3A_150 : i32
    %multiple_of3A_152 = tpu.assume_multiple %add3A_151, 16 : i32
    %dma_start3A_153 = tpu.memref_slice %arg4[%multiple_of3A_152] : memref<320240xi32, #tpu.memory_space<hbm>> -> memref<80xi32, #tpu.memory_space<hbm>>
    %dma_start3A_154 = tpu.memref_slice %arg4[%multiple_of3A_152] : memref<320240xi32, #tpu.memory_space<hbm>> -> memref<80xi32, #tpu.memory_space<hbm>>
    tpu.enqueue_dma source(%dma_start3A_154 : memref<80xi32, #tpu.memory_space<hbm>>) target(%arg14 : memref<80xi32, #tpu.memory_space<vmem>>) target_semaphore(%arg29 : memref<!tpu.dma_semaphore, #tpu.memory_space<semaphore_mem>>)
    %add3A_155 = arith.constant 560 : i32
    %add3A_156 = arith.addi %mul3A_6, %add3A_155 : i32
    %multiple_of3A_157 = tpu.assume_multiple %add3A_156, 16 : i32
    %dma_start3A_158 = tpu.memref_slice %arg3[%multiple_of3A_157] : memref<320240xi32, #tpu.memory_space<hbm>> -> memref<80xi32, #tpu.memory_space<hbm>>
    %dma_start3A_159 = tpu.memref_slice %arg3[%multiple_of3A_157] : memref<320240xi32, #tpu.memory_space<hbm>> -> memref<80xi32, #tpu.memory_space<hbm>>
    tpu.enqueue_dma source(%dma_start3A_159 : memref<80xi32, #tpu.memory_space<hbm>>) target(%arg9 : memref<80xi32, #tpu.memory_space<vmem>>) target_semaphore(%arg30 : memref<!tpu.dma_semaphore, #tpu.memory_space<semaphore_mem>>)
    %add3A_160 = arith.constant 560 : i32
    %add3A_161 = arith.addi %mul3A_6, %add3A_160 : i32
    %multiple_of3A_162 = tpu.assume_multiple %add3A_161, 16 : i32
    %dma_start3A_163 = tpu.memref_slice %arg4[%multiple_of3A_162] : memref<320240xi32, #tpu.memory_space<hbm>> -> memref<80xi32, #tpu.memory_space<hbm>>
    %dma_start3A_164 = tpu.memref_slice %arg4[%multiple_of3A_162] : memref<320240xi32, #tpu.memory_space<hbm>> -> memref<80xi32, #tpu.memory_space<hbm>>
    tpu.enqueue_dma source(%dma_start3A_164 : memref<80xi32, #tpu.memory_space<hbm>>) target(%arg15 : memref<80xi32, #tpu.memory_space<vmem>>) target_semaphore(%arg30 : memref<!tpu.dma_semaphore, #tpu.memory_space<semaphore_mem>>)
    %scan3A = arith.constant 0 : i32
    %scan3A_165 = arith.constant 0 : i32
    %scan3A_166 = arith.constant 20 : i32
    %scan3A_167 = arith.addi %scan3A_165, %scan3A_166 : i32
    %scan3A_168 = arith.constant 1 : i32
    scf.for %scan3A_220 = %scan3A_165 to %scan3A_167 step %scan3A_168  : i32 {
      %mul3A_221 = arith.constant 6 : i32
      %mul3A_222 = arith.muli %mul3A_221, %scan3A_220 : i32
      %add3A_223 = arith.constant 5 : i32
      %add3A_224 = arith.addi %mul3A_222, %add3A_223 : i32
      %add3A_225 = arith.constant 0 : i32
      %add3A_226 = arith.addi %add3A_224, %add3A_225 : i32
      %mul3A_227 = arith.constant 80 : i32
      %mul3A_228 = arith.muli %add3A_226, %mul3A_227 : i32
      %add3A_229 = arith.addi %mul3A_6, %mul3A_228 : i32
      %multiple_of3A_230 = tpu.assume_multiple %add3A_229, 16 : i32
      %dma_wait3A_231 = tpu.memref_slice %arg3[%multiple_of3A_230] : memref<320240xi32, #tpu.memory_space<hbm>> -> memref<80xi32, #tpu.memory_space<hbm>>
      %dma_wait3A_232 = tpu.memref_slice %arg3[%multiple_of3A_230] : memref<320240xi32, #tpu.memory_space<hbm>> -> memref<80xi32, #tpu.memory_space<hbm>>
      tpu.wait_dma2 semaphore(%arg34 : memref<!tpu.dma_semaphore, #tpu.memory_space<semaphore_mem>>) src(%dma_wait3A_232 : memref<80xi32, #tpu.memory_space<hbm>>) dst(%arg13 : memref<80xi32, #tpu.memory_space<vmem>>)
      %mul3A_233 = arith.constant 80 : i32
      %mul3A_234 = arith.muli %add3A_226, %mul3A_233 : i32
      %add3A_235 = arith.addi %mul3A_6, %mul3A_234 : i32
      %multiple_of3A_236 = tpu.assume_multiple %add3A_235, 16 : i32
      %dma_wait3A_237 = tpu.memref_slice %arg4[%multiple_of3A_236] : memref<320240xi32, #tpu.memory_space<hbm>> -> memref<80xi32, #tpu.memory_space<hbm>>
      %dma_wait3A_238 = tpu.memref_slice %arg4[%multiple_of3A_236] : memref<320240xi32, #tpu.memory_space<hbm>> -> memref<80xi32, #tpu.memory_space<hbm>>
      tpu.wait_dma2 semaphore(%arg34 : memref<!tpu.dma_semaphore, #tpu.memory_space<semaphore_mem>>) src(%dma_wait3A_238 : memref<80xi32, #tpu.memory_space<hbm>>) dst(%arg19 : memref<80xi32, #tpu.memory_space<vmem>>)
      %dma_wait3A_239 = arith.constant 0 : i32
      %dma_wait3A_240 = arith.constant 0 : i32
      %dma_wait3A_241 = tpu.memref_slice %arg7[%dma_wait3A_239, %dma_wait3A_240] : memref<10000x128xf32, #tpu.memory_space<vmem_shared>> -> memref<10000x128xf32, #tpu.memory_space<vmem_shared>>
      tpu.wait_indirect_dma semaphore(%arg28 : memref<!tpu.dma_semaphore, #tpu.memory_space<semaphore_mem>>) src(%arg22 : memref<80x128xf32, #tpu.memory_space<vmem>>) dst(%dma_wait3A_241 : memref<10000x128xf32, #tpu.memory_space<vmem_shared>>)
      %add3A_242 = arith.constant 0 : i32
      %add3A_243 = arith.addi %add3A_224, %add3A_242 : i32
      %dma_start3A_244 = arith.constant 0 : i32
      %dma_start3A_245 = arith.constant 0 : i32
      %dma_start3A_246 = tpu.memref_slice %arg2[%dma_start3A_244, %dma_start3A_245] : memref<10000x128xf32, #tpu.memory_space<hbm>> -> memref<10000x128xf32, #tpu.memory_space<hbm>>
      tpu.enqueue_indirect_dma source(%dma_start3A_246 : memref<10000x128xf32, #tpu.memory_space<hbm>>) target(%arg22 : memref<80x128xf32, #tpu.memory_space<vmem>>) offsets(%arg13 : memref<80xi32, #tpu.memory_space<vmem>>) semaphore(%arg25 : memref<!tpu.dma_semaphore, #tpu.memory_space<semaphore_mem>>)
      %dma_wait3A_247 = arith.constant 0 : i32
      %dma_wait3A_248 = arith.constant 0 : i32
      %dma_wait3A_249 = tpu.memref_slice %arg2[%dma_wait3A_247, %dma_wait3A_248] : memref<10000x128xf32, #tpu.memory_space<hbm>> -> memref<10000x128xf32, #tpu.memory_space<hbm>>
      tpu.wait_indirect_dma semaphore(%arg24 : memref<!tpu.dma_semaphore, #tpu.memory_space<semaphore_mem>>) src(%dma_wait3A_249 : memref<10000x128xf32, #tpu.memory_space<hbm>>) dst(%arg21 : memref<80x128xf32, #tpu.memory_space<vmem>>)
      %dma_start3A_250 = arith.constant 0 : i32
      %dma_start3A_251 = arith.constant 0 : i32
      %dma_start3A_252 = tpu.memref_slice %arg7[%dma_start3A_250, %dma_start3A_251] : memref<10000x128xf32, #tpu.memory_space<vmem_shared>> -> memref<10000x128xf32, #tpu.memory_space<vmem_shared>>
      tpu.enqueue_indirect_dma source(%arg21 : memref<80x128xf32, #tpu.memory_space<vmem>>) target(%dma_start3A_252 : memref<10000x128xf32, #tpu.memory_space<vmem_shared>>) offsets(%arg18 : memref<80xi32, #tpu.memory_space<vmem>>) semaphore(%arg27 : memref<!tpu.dma_semaphore, #tpu.memory_space<semaphore_mem>>) {add = true}
      %add3A_253 = arith.constant 0 : i32
      %add3A_254 = arith.addi %add3A_224, %add3A_253 : i32
      %add3A_255 = arith.constant 3 : i32
      %add3A_256 = arith.addi %add3A_254, %add3A_255 : i32
      %mul3A_257 = arith.constant 80 : i32
      %mul3A_258 = arith.muli %add3A_256, %mul3A_257 : i32
      %add3A_259 = arith.addi %mul3A_6, %mul3A_258 : i32
      %multiple_of3A_260 = tpu.assume_multiple %add3A_259, 16 : i32
      %dma_start3A_261 = tpu.memref_slice %arg3[%multiple_of3A_260] : memref<320240xi32, #tpu.memory_space<hbm>> -> memref<80xi32, #tpu.memory_space<hbm>>
      %dma_start3A_262 = tpu.memref_slice %arg3[%multiple_of3A_260] : memref<320240xi32, #tpu.memory_space<hbm>> -> memref<80xi32, #tpu.memory_space<hbm>>
      tpu.enqueue_dma source(%dma_start3A_262 : memref<80xi32, #tpu.memory_space<hbm>>) target(%arg10 : memref<80xi32, #tpu.memory_space<vmem>>) target_semaphore(%arg31 : memref<!tpu.dma_semaphore, #tpu.memory_space<semaphore_mem>>)
      %mul3A_263 = arith.constant 80 : i32
      %mul3A_264 = arith.muli %add3A_256, %mul3A_263 : i32
      %add3A_265 = arith.addi %mul3A_6, %mul3A_264 : i32
      %multiple_of3A_266 = tpu.assume_multiple %add3A_265, 16 : i32
      %dma_start3A_267 = tpu.memref_slice %arg4[%multiple_of3A_266] : memref<320240xi32, #tpu.memory_space<hbm>> -> memref<80xi32, #tpu.memory_space<hbm>>
      %dma_start3A_268 = tpu.memref_slice %arg4[%multiple_of3A_266] : memref<320240xi32, #tpu.memory_space<hbm>> -> memref<80xi32, #tpu.memory_space<hbm>>
      tpu.enqueue_dma source(%dma_start3A_268 : memref<80xi32, #tpu.memory_space<hbm>>) target(%arg16 : memref<80xi32, #tpu.memory_space<vmem>>) target_semaphore(%arg31 : memref<!tpu.dma_semaphore, #tpu.memory_space<semaphore_mem>>)
      %add3A_269 = arith.constant 1 : i32
      %add3A_270 = arith.addi %add3A_224, %add3A_269 : i32
      %mul3A_271 = arith.constant 80 : i32
      %mul3A_272 = arith.muli %add3A_270, %mul3A_271 : i32
      %add3A_273 = arith.addi %mul3A_6, %mul3A_272 : i32
      %multiple_of3A_274 = tpu.assume_multiple %add3A_273, 16 : i32
      %dma_wait3A_275 = tpu.memref_slice %arg3[%multiple_of3A_274] : memref<320240xi32, #tpu.memory_space<hbm>> -> memref<80xi32, #tpu.memory_space<hbm>>
      %dma_wait3A_276 = tpu.memref_slice %arg3[%multiple_of3A_274] : memref<320240xi32, #tpu.memory_space<hbm>> -> memref<80xi32, #tpu.memory_space<hbm>>
      tpu.wait_dma2 semaphore(%arg29 : memref<!tpu.dma_semaphore, #tpu.memory_space<semaphore_mem>>) src(%dma_wait3A_276 : memref<80xi32, #tpu.memory_space<hbm>>) dst(%arg8 : memref<80xi32, #tpu.memory_space<vmem>>)
      %mul3A_277 = arith.constant 80 : i32
      %mul3A_278 = arith.muli %add3A_270, %mul3A_277 : i32
      %add3A_279 = arith.addi %mul3A_6, %mul3A_278 : i32
      %multiple_of3A_280 = tpu.assume_multiple %add3A_279, 16 : i32
      %dma_wait3A_281 = tpu.memref_slice %arg4[%multiple_of3A_280] : memref<320240xi32, #tpu.memory_space<hbm>> -> memref<80xi32, #tpu.memory_space<hbm>>
      %dma_wait3A_282 = tpu.memref_slice %arg4[%multiple_of3A_280] : memref<320240xi32, #tpu.memory_space<hbm>> -> memref<80xi32, #tpu.memory_space<hbm>>
      tpu.wait_dma2 semaphore(%arg29 : memref<!tpu.dma_semaphore, #tpu.memory_space<semaphore_mem>>) src(%dma_wait3A_282 : memref<80xi32, #tpu.memory_space<hbm>>) dst(%arg14 : memref<80xi32, #tpu.memory_space<vmem>>)
      %dma_wait3A_283 = arith.constant 0 : i32
      %dma_wait3A_284 = arith.constant 0 : i32
      %dma_wait3A_285 = tpu.memref_slice %arg7[%dma_wait3A_283, %dma_wait3A_284] : memref<10000x128xf32, #tpu.memory_space<vmem_shared>> -> memref<10000x128xf32, #tpu.memory_space<vmem_shared>>
      tpu.wait_indirect_dma semaphore(%arg26 : memref<!tpu.dma_semaphore, #tpu.memory_space<semaphore_mem>>) src(%arg20 : memref<80x128xf32, #tpu.memory_space<vmem>>) dst(%dma_wait3A_285 : memref<10000x128xf32, #tpu.memory_space<vmem_shared>>)
      %add3A_286 = arith.constant 1 : i32
      %add3A_287 = arith.addi %add3A_224, %add3A_286 : i32
      %dma_start3A_288 = arith.constant 0 : i32
      %dma_start3A_289 = arith.constant 0 : i32
      %dma_start3A_290 = tpu.memref_slice %arg2[%dma_start3A_288, %dma_start3A_289] : memref<10000x128xf32, #tpu.memory_space<hbm>> -> memref<10000x128xf32, #tpu.memory_space<hbm>>
      tpu.enqueue_indirect_dma source(%dma_start3A_290 : memref<10000x128xf32, #tpu.memory_space<hbm>>) target(%arg20 : memref<80x128xf32, #tpu.memory_space<vmem>>) offsets(%arg8 : memref<80xi32, #tpu.memory_space<vmem>>) semaphore(%arg23 : memref<!tpu.dma_semaphore, #tpu.memory_space<semaphore_mem>>)
      %dma_wait3A_291 = arith.constant 0 : i32
      %dma_wait3A_292 = arith.constant 0 : i32
      %dma_wait3A_293 = tpu.memref_slice %arg2[%dma_wait3A_291, %dma_wait3A_292] : memref<10000x128xf32, #tpu.memory_space<hbm>> -> memref<10000x128xf32, #tpu.memory_space<hbm>>
      tpu.wait_indirect_dma semaphore(%arg25 : memref<!tpu.dma_semaphore, #tpu.memory_space<semaphore_mem>>) src(%dma_wait3A_293 : memref<10000x128xf32, #tpu.memory_space<hbm>>) dst(%arg22 : memref<80x128xf32, #tpu.memory_space<vmem>>)
      %dma_start3A_294 = arith.constant 0 : i32
      %dma_start3A_295 = arith.constant 0 : i32
      %dma_start3A_296 = tpu.memref_slice %arg7[%dma_start3A_294, %dma_start3A_295] : memref<10000x128xf32, #tpu.memory_space<vmem_shared>> -> memref<10000x128xf32, #tpu.memory_space<vmem_shared>>
      tpu.enqueue_indirect_dma source(%arg22 : memref<80x128xf32, #tpu.memory_space<vmem>>) target(%dma_start3A_296 : memref<10000x128xf32, #tpu.memory_space<vmem_shared>>) offsets(%arg19 : memref<80xi32, #tpu.memory_space<vmem>>) semaphore(%arg28 : memref<!tpu.dma_semaphore, #tpu.memory_space<semaphore_mem>>) {add = true}
      %add3A_297 = arith.constant 1 : i32
      %add3A_298 = arith.addi %add3A_224, %add3A_297 : i32
      %add3A_299 = arith.constant 3 : i32
      %add3A_300 = arith.addi %add3A_298, %add3A_299 : i32
      %mul3A_301 = arith.constant 80 : i32
      %mul3A_302 = arith.muli %add3A_300, %mul3A_301 : i32
      %add3A_303 = arith.addi %mul3A_6, %mul3A_302 : i32
      %multiple_of3A_304 = tpu.assume_multiple %add3A_303, 16 : i32
      %dma_start3A_305 = tpu.memref_slice %arg3[%multiple_of3A_304] : memref<320240xi32, #tpu.memory_space<hbm>> -> memref<80xi32, #tpu.memory_space<hbm>>
      %dma_start3A_306 = tpu.memref_slice %arg3[%multiple_of3A_304] : memref<320240xi32, #tpu.memory_space<hbm>> -> memref<80xi32, #tpu.memory_space<hbm>>
      tpu.enqueue_dma source(%dma_start3A_306 : memref<80xi32, #tpu.memory_space<hbm>>) target(%arg11 : memref<80xi32, #tpu.memory_space<vmem>>) target_semaphore(%arg32 : memref<!tpu.dma_semaphore, #tpu.memory_space<semaphore_mem>>)
      %mul3A_307 = arith.constant 80 : i32
      %mul3A_308 = arith.muli %add3A_300, %mul3A_307 : i32
      %add3A_309 = arith.addi %mul3A_6, %mul3A_308 : i32
      %multiple_of3A_310 = tpu.assume_multiple %add3A_309, 16 : i32
      %dma_start3A_311 = tpu.memref_slice %arg4[%multiple_of3A_310] : memref<320240xi32, #tpu.memory_space<hbm>> -> memref<80xi32, #tpu.memory_space<hbm>>
      %dma_start3A_312 = tpu.memref_slice %arg4[%multiple_of3A_310] : memref<320240xi32, #tpu.memory_space<hbm>> -> memref<80xi32, #tpu.memory_space<hbm>>
      tpu.enqueue_dma source(%dma_start3A_312 : memref<80xi32, #tpu.memory_space<hbm>>) target(%arg17 : memref<80xi32, #tpu.memory_space<vmem>>) target_semaphore(%arg32 : memref<!tpu.dma_semaphore, #tpu.memory_space<semaphore_mem>>)
      %add3A_313 = arith.constant 2 : i32
      %add3A_314 = arith.addi %add3A_224, %add3A_313 : i32
      %mul3A_315 = arith.constant 80 : i32
      %mul3A_316 = arith.muli %add3A_314, %mul3A_315 : i32
      %add3A_317 = arith.addi %mul3A_6, %mul3A_316 : i32
      %multiple_of3A_318 = tpu.assume_multiple %add3A_317, 16 : i32
      %dma_wait3A_319 = tpu.memref_slice %arg3[%multiple_of3A_318] : memref<320240xi32, #tpu.memory_space<hbm>> -> memref<80xi32, #tpu.memory_space<hbm>>
      %dma_wait3A_320 = tpu.memref_slice %arg3[%multiple_of3A_318] : memref<320240xi32, #tpu.memory_space<hbm>> -> memref<80xi32, #tpu.memory_space<hbm>>
      tpu.wait_dma2 semaphore(%arg30 : memref<!tpu.dma_semaphore, #tpu.memory_space<semaphore_mem>>) src(%dma_wait3A_320 : memref<80xi32, #tpu.memory_space<hbm>>) dst(%arg9 : memref<80xi32, #tpu.memory_space<vmem>>)
      %mul3A_321 = arith.constant 80 : i32
      %mul3A_322 = arith.muli %add3A_314, %mul3A_321 : i32
      %add3A_323 = arith.addi %mul3A_6, %mul3A_322 : i32
      %multiple_of3A_324 = tpu.assume_multiple %add3A_323, 16 : i32
      %dma_wait3A_325 = tpu.memref_slice %arg4[%multiple_of3A_324] : memref<320240xi32, #tpu.memory_space<hbm>> -> memref<80xi32, #tpu.memory_space<hbm>>
      %dma_wait3A_326 = tpu.memref_slice %arg4[%multiple_of3A_324] : memref<320240xi32, #tpu.memory_space<hbm>> -> memref<80xi32, #tpu.memory_space<hbm>>
      tpu.wait_dma2 semaphore(%arg30 : memref<!tpu.dma_semaphore, #tpu.memory_space<semaphore_mem>>) src(%dma_wait3A_326 : memref<80xi32, #tpu.memory_space<hbm>>) dst(%arg15 : memref<80xi32, #tpu.memory_space<vmem>>)
      %dma_wait3A_327 = arith.constant 0 : i32
      %dma_wait3A_328 = arith.constant 0 : i32
      %dma_wait3A_329 = tpu.memref_slice %arg7[%dma_wait3A_327, %dma_wait3A_328] : memref<10000x128xf32, #tpu.memory_space<vmem_shared>> -> memref<10000x128xf32, #tpu.memory_space<vmem_shared>>
      tpu.wait_indirect_dma semaphore(%arg27 : memref<!tpu.dma_semaphore, #tpu.memory_space<semaphore_mem>>) src(%arg21 : memref<80x128xf32, #tpu.memory_space<vmem>>) dst(%dma_wait3A_329 : memref<10000x128xf32, #tpu.memory_space<vmem_shared>>)
      %add3A_330 = arith.constant 2 : i32
      %add3A_331 = arith.addi %add3A_224, %add3A_330 : i32
      %dma_start3A_332 = arith.constant 0 : i32
      %dma_start3A_333 = arith.constant 0 : i32
      %dma_start3A_334 = tpu.memref_slice %arg2[%dma_start3A_332, %dma_start3A_333] : memref<10000x128xf32, #tpu.memory_space<hbm>> -> memref<10000x128xf32, #tpu.memory_space<hbm>>
      tpu.enqueue_indirect_dma source(%dma_start3A_334 : memref<10000x128xf32, #tpu.memory_space<hbm>>) target(%arg21 : memref<80x128xf32, #tpu.memory_space<vmem>>) offsets(%arg9 : memref<80xi32, #tpu.memory_space<vmem>>) semaphore(%arg24 : memref<!tpu.dma_semaphore, #tpu.memory_space<semaphore_mem>>)
      %dma_wait3A_335 = arith.constant 0 : i32
      %dma_wait3A_336 = arith.constant 0 : i32
      %dma_wait3A_337 = tpu.memref_slice %arg2[%dma_wait3A_335, %dma_wait3A_336] : memref<10000x128xf32, #tpu.memory_space<hbm>> -> memref<10000x128xf32, #tpu.memory_space<hbm>>
      tpu.wait_indirect_dma semaphore(%arg23 : memref<!tpu.dma_semaphore, #tpu.memory_space<semaphore_mem>>) src(%dma_wait3A_337 : memref<10000x128xf32, #tpu.memory_space<hbm>>) dst(%arg20 : memref<80x128xf32, #tpu.memory_space<vmem>>)
      %dma_start3A_338 = arith.constant 0 : i32
      %dma_start3A_339 = arith.constant 0 : i32
      %dma_start3A_340 = tpu.memref_slice %arg7[%dma_start3A_338, %dma_start3A_339] : memref<10000x128xf32, #tpu.memory_space<vmem_shared>> -> memref<10000x128xf32, #tpu.memory_space<vmem_shared>>
      tpu.enqueue_indirect_dma source(%arg20 : memref<80x128xf32, #tpu.memory_space<vmem>>) target(%dma_start3A_340 : memref<10000x128xf32, #tpu.memory_space<vmem_shared>>) offsets(%arg14 : memref<80xi32, #tpu.memory_space<vmem>>) semaphore(%arg26 : memref<!tpu.dma_semaphore, #tpu.memory_space<semaphore_mem>>) {add = true}
      %add3A_341 = arith.constant 2 : i32
      %add3A_342 = arith.addi %add3A_224, %add3A_341 : i32
      %add3A_343 = arith.constant 3 : i32
      %add3A_344 = arith.addi %add3A_342, %add3A_343 : i32
      %mul3A_345 = arith.constant 80 : i32
      %mul3A_346 = arith.muli %add3A_344, %mul3A_345 : i32
      %add3A_347 = arith.addi %mul3A_6, %mul3A_346 : i32
      %multiple_of3A_348 = tpu.assume_multiple %add3A_347, 16 : i32
      %dma_start3A_349 = tpu.memref_slice %arg3[%multiple_of3A_348] : memref<320240xi32, #tpu.memory_space<hbm>> -> memref<80xi32, #tpu.memory_space<hbm>>
      %dma_start3A_350 = tpu.memref_slice %arg3[%multiple_of3A_348] : memref<320240xi32, #tpu.memory_space<hbm>> -> memref<80xi32, #tpu.memory_space<hbm>>
      tpu.enqueue_dma source(%dma_start3A_350 : memref<80xi32, #tpu.memory_space<hbm>>) target(%arg12 : memref<80xi32, #tpu.memory_space<vmem>>) target_semaphore(%arg33 : memref<!tpu.dma_semaphore, #tpu.memory_space<semaphore_mem>>)
      %mul3A_351 = arith.constant 80 : i32
      %mul3A_352 = arith.muli %add3A_344, %mul3A_351 : i32
      %add3A_353 = arith.addi %mul3A_6, %mul3A_352 : i32
      %multiple_of3A_354 = tpu.assume_multiple %add3A_353, 16 : i32
      %dma_start3A_355 = tpu.memref_slice %arg4[%multiple_of3A_354] : memref<320240xi32, #tpu.memory_space<hbm>> -> memref<80xi32, #tpu.memory_space<hbm>>
      %dma_start3A_356 = tpu.memref_slice %arg4[%multiple_of3A_354] : memref<320240xi32, #tpu.memory_space<hbm>> -> memref<80xi32, #tpu.memory_space<hbm>>
      tpu.enqueue_dma source(%dma_start3A_356 : memref<80xi32, #tpu.memory_space<hbm>>) target(%arg18 : memref<80xi32, #tpu.memory_space<vmem>>) target_semaphore(%arg33 : memref<!tpu.dma_semaphore, #tpu.memory_space<semaphore_mem>>)
      %add3A_357 = arith.constant 3 : i32
      %add3A_358 = arith.addi %add3A_224, %add3A_357 : i32
      %mul3A_359 = arith.constant 80 : i32
      %mul3A_360 = arith.muli %add3A_358, %mul3A_359 : i32
      %add3A_361 = arith.addi %mul3A_6, %mul3A_360 : i32
      %multiple_of3A_362 = tpu.assume_multiple %add3A_361, 16 : i32
      %dma_wait3A_363 = tpu.memref_slice %arg3[%multiple_of3A_362] : memref<320240xi32, #tpu.memory_space<hbm>> -> memref<80xi32, #tpu.memory_space<hbm>>
      %dma_wait3A_364 = tpu.memref_slice %arg3[%multiple_of3A_362] : memref<320240xi32, #tpu.memory_space<hbm>> -> memref<80xi32, #tpu.memory_space<hbm>>
      tpu.wait_dma2 semaphore(%arg31 : memref<!tpu.dma_semaphore, #tpu.memory_space<semaphore_mem>>) src(%dma_wait3A_364 : memref<80xi32, #tpu.memory_space<hbm>>) dst(%arg10 : memref<80xi32, #tpu.memory_space<vmem>>)
      %mul3A_365 = arith.constant 80 : i32
      %mul3A_366 = arith.muli %add3A_358, %mul3A_365 : i32
      %add3A_367 = arith.addi %mul3A_6, %mul3A_366 : i32
      %multiple_of3A_368 = tpu.assume_multiple %add3A_367, 16 : i32
      %dma_wait3A_369 = tpu.memref_slice %arg4[%multiple_of3A_368] : memref<320240xi32, #tpu.memory_space<hbm>> -> memref<80xi32, #tpu.memory_space<hbm>>
      %dma_wait3A_370 = tpu.memref_slice %arg4[%multiple_of3A_368] : memref<320240xi32, #tpu.memory_space<hbm>> -> memref<80xi32, #tpu.memory_space<hbm>>
      tpu.wait_dma2 semaphore(%arg31 : memref<!tpu.dma_semaphore, #tpu.memory_space<semaphore_mem>>) src(%dma_wait3A_370 : memref<80xi32, #tpu.memory_space<hbm>>) dst(%arg16 : memref<80xi32, #tpu.memory_space<vmem>>)
      %dma_wait3A_371 = arith.constant 0 : i32
      %dma_wait3A_372 = arith.constant 0 : i32
      %dma_wait3A_373 = tpu.memref_slice %arg7[%dma_wait3A_371, %dma_wait3A_372] : memref<10000x128xf32, #tpu.memory_space<vmem_shared>> -> memref<10000x128xf32, #tpu.memory_space<vmem_shared>>
      tpu.wait_indirect_dma semaphore(%arg28 : memref<!tpu.dma_semaphore, #tpu.memory_space<semaphore_mem>>) src(%arg22 : memref<80x128xf32, #tpu.memory_space<vmem>>) dst(%dma_wait3A_373 : memref<10000x128xf32, #tpu.memory_space<vmem_shared>>)
      %add3A_374 = arith.constant 3 : i32
      %add3A_375 = arith.addi %add3A_224, %add3A_374 : i32
      %dma_start3A_376 = arith.constant 0 : i32
      %dma_start3A_377 = arith.constant 0 : i32
      %dma_start3A_378 = tpu.memref_slice %arg2[%dma_start3A_376, %dma_start3A_377] : memref<10000x128xf32, #tpu.memory_space<hbm>> -> memref<10000x128xf32, #tpu.memory_space<hbm>>
      tpu.enqueue_indirect_dma source(%dma_start3A_378 : memref<10000x128xf32, #tpu.memory_space<hbm>>) target(%arg22 : memref<80x128xf32, #tpu.memory_space<vmem>>) offsets(%arg10 : memref<80xi32, #tpu.memory_space<vmem>>) semaphore(%arg25 : memref<!tpu.dma_semaphore, #tpu.memory_space<semaphore_mem>>)
      %dma_wait3A_379 = arith.constant 0 : i32
      %dma_wait3A_380 = arith.constant 0 : i32
      %dma_wait3A_381 = tpu.memref_slice %arg2[%dma_wait3A_379, %dma_wait3A_380] : memref<10000x128xf32, #tpu.memory_space<hbm>> -> memref<10000x128xf32, #tpu.memory_space<hbm>>
      tpu.wait_indirect_dma semaphore(%arg24 : memref<!tpu.dma_semaphore, #tpu.memory_space<semaphore_mem>>) src(%dma_wait3A_381 : memref<10000x128xf32, #tpu.memory_space<hbm>>) dst(%arg21 : memref<80x128xf32, #tpu.memory_space<vmem>>)
      %dma_start3A_382 = arith.constant 0 : i32
      %dma_start3A_383 = arith.constant 0 : i32
      %dma_start3A_384 = tpu.memref_slice %arg7[%dma_start3A_382, %dma_start3A_383] : memref<10000x128xf32, #tpu.memory_space<vmem_shared>> -> memref<10000x128xf32, #tpu.memory_space<vmem_shared>>
      tpu.enqueue_indirect_dma source(%arg21 : memref<80x128xf32, #tpu.memory_space<vmem>>) target(%dma_start3A_384 : memref<10000x128xf32, #tpu.memory_space<vmem_shared>>) offsets(%arg15 : memref<80xi32, #tpu.memory_space<vmem>>) semaphore(%arg27 : memref<!tpu.dma_semaphore, #tpu.memory_space<semaphore_mem>>) {add = true}
      %add3A_385 = arith.constant 3 : i32
      %add3A_386 = arith.addi %add3A_224, %add3A_385 : i32
      %add3A_387 = arith.constant 3 : i32
      %add3A_388 = arith.addi %add3A_386, %add3A_387 : i32
      %mul3A_389 = arith.constant 80 : i32
      %mul3A_390 = arith.muli %add3A_388, %mul3A_389 : i32
      %add3A_391 = arith.addi %mul3A_6, %mul3A_390 : i32
      %multiple_of3A_392 = tpu.assume_multiple %add3A_391, 16 : i32
      %dma_start3A_393 = tpu.memref_slice %arg3[%multiple_of3A_392] : memref<320240xi32, #tpu.memory_space<hbm>> -> memref<80xi32, #tpu.memory_space<hbm>>
      %dma_start3A_394 = tpu.memref_slice %arg3[%multiple_of3A_392] : memref<320240xi32, #tpu.memory_space<hbm>> -> memref<80xi32, #tpu.memory_space<hbm>>
      tpu.enqueue_dma source(%dma_start3A_394 : memref<80xi32, #tpu.memory_space<hbm>>) target(%arg13 : memref<80xi32, #tpu.memory_space<vmem>>) target_semaphore(%arg34 : memref<!tpu.dma_semaphore, #tpu.memory_space<semaphore_mem>>)
      %mul3A_395 = arith.constant 80 : i32
      %mul3A_396 = arith.muli %add3A_388, %mul3A_395 : i32
      %add3A_397 = arith.addi %mul3A_6, %mul3A_396 : i32
      %multiple_of3A_398 = tpu.assume_multiple %add3A_397, 16 : i32
      %dma_start3A_399 = tpu.memref_slice %arg4[%multiple_of3A_398] : memref<320240xi32, #tpu.memory_space<hbm>> -> memref<80xi32, #tpu.memory_space<hbm>>
      %dma_start3A_400 = tpu.memref_slice %arg4[%multiple_of3A_398] : memref<320240xi32, #tpu.memory_space<hbm>> -> memref<80xi32, #tpu.memory_space<hbm>>
      tpu.enqueue_dma source(%dma_start3A_400 : memref<80xi32, #tpu.memory_space<hbm>>) target(%arg19 : memref<80xi32, #tpu.memory_space<vmem>>) target_semaphore(%arg34 : memref<!tpu.dma_semaphore, #tpu.memory_space<semaphore_mem>>)
      %add3A_401 = arith.constant 4 : i32
      %add3A_402 = arith.addi %add3A_224, %add3A_401 : i32
      %mul3A_403 = arith.constant 80 : i32
      %mul3A_404 = arith.muli %add3A_402, %mul3A_403 : i32
      %add3A_405 = arith.addi %mul3A_6, %mul3A_404 : i32
      %multiple_of3A_406 = tpu.assume_multiple %add3A_405, 16 : i32
      %dma_wait3A_407 = tpu.memref_slice %arg3[%multiple_of3A_406] : memref<320240xi32, #tpu.memory_space<hbm>> -> memref<80xi32, #tpu.memory_space<hbm>>
      %dma_wait3A_408 = tpu.memref_slice %arg3[%multiple_of3A_406] : memref<320240xi32, #tpu.memory_space<hbm>> -> memref<80xi32, #tpu.memory_space<hbm>>
      tpu.wait_dma2 semaphore(%arg32 : memref<!tpu.dma_semaphore, #tpu.memory_space<semaphore_mem>>) src(%dma_wait3A_408 : memref<80xi32, #tpu.memory_space<hbm>>) dst(%arg11 : memref<80xi32, #tpu.memory_space<vmem>>)
      %mul3A_409 = arith.constant 80 : i32
      %mul3A_410 = arith.muli %add3A_402, %mul3A_409 : i32
      %add3A_411 = arith.addi %mul3A_6, %mul3A_410 : i32
      %multiple_of3A_412 = tpu.assume_multiple %add3A_411, 16 : i32
      %dma_wait3A_413 = tpu.memref_slice %arg4[%multiple_of3A_412] : memref<320240xi32, #tpu.memory_space<hbm>> -> memref<80xi32, #tpu.memory_space<hbm>>
      %dma_wait3A_414 = tpu.memref_slice %arg4[%multiple_of3A_412] : memref<320240xi32, #tpu.memory_space<hbm>> -> memref<80xi32, #tpu.memory_space<hbm>>
      tpu.wait_dma2 semaphore(%arg32 : memref<!tpu.dma_semaphore, #tpu.memory_space<semaphore_mem>>) src(%dma_wait3A_414 : memref<80xi32, #tpu.memory_space<hbm>>) dst(%arg17 : memref<80xi32, #tpu.memory_space<vmem>>)
      %dma_wait3A_415 = arith.constant 0 : i32
      %dma_wait3A_416 = arith.constant 0 : i32
      %dma_wait3A_417 = tpu.memref_slice %arg7[%dma_wait3A_415, %dma_wait3A_416] : memref<10000x128xf32, #tpu.memory_space<vmem_shared>> -> memref<10000x128xf32, #tpu.memory_space<vmem_shared>>
      tpu.wait_indirect_dma semaphore(%arg26 : memref<!tpu.dma_semaphore, #tpu.memory_space<semaphore_mem>>) src(%arg20 : memref<80x128xf32, #tpu.memory_space<vmem>>) dst(%dma_wait3A_417 : memref<10000x128xf32, #tpu.memory_space<vmem_shared>>)
      %add3A_418 = arith.constant 4 : i32
      %add3A_419 = arith.addi %add3A_224, %add3A_418 : i32
      %dma_start3A_420 = arith.constant 0 : i32
      %dma_start3A_421 = arith.constant 0 : i32
      %dma_start3A_422 = tpu.memref_slice %arg2[%dma_start3A_420, %dma_start3A_421] : memref<10000x128xf32, #tpu.memory_space<hbm>> -> memref<10000x128xf32, #tpu.memory_space<hbm>>
      tpu.enqueue_indirect_dma source(%dma_start3A_422 : memref<10000x128xf32, #tpu.memory_space<hbm>>) target(%arg20 : memref<80x128xf32, #tpu.memory_space<vmem>>) offsets(%arg11 : memref<80xi32, #tpu.memory_space<vmem>>) semaphore(%arg23 : memref<!tpu.dma_semaphore, #tpu.memory_space<semaphore_mem>>)
      %dma_wait3A_423 = arith.constant 0 : i32
      %dma_wait3A_424 = arith.constant 0 : i32
      %dma_wait3A_425 = tpu.memref_slice %arg2[%dma_wait3A_423, %dma_wait3A_424] : memref<10000x128xf32, #tpu.memory_space<hbm>> -> memref<10000x128xf32, #tpu.memory_space<hbm>>
      tpu.wait_indirect_dma semaphore(%arg25 : memref<!tpu.dma_semaphore, #tpu.memory_space<semaphore_mem>>) src(%dma_wait3A_425 : memref<10000x128xf32, #tpu.memory_space<hbm>>) dst(%arg22 : memref<80x128xf32, #tpu.memory_space<vmem>>)
      %dma_start3A_426 = arith.constant 0 : i32
      %dma_start3A_427 = arith.constant 0 : i32
      %dma_start3A_428 = tpu.memref_slice %arg7[%dma_start3A_426, %dma_start3A_427] : memref<10000x128xf32, #tpu.memory_space<vmem_shared>> -> memref<10000x128xf32, #tpu.memory_space<vmem_shared>>
      tpu.enqueue_indirect_dma source(%arg22 : memref<80x128xf32, #tpu.memory_space<vmem>>) target(%dma_start3A_428 : memref<10000x128xf32, #tpu.memory_space<vmem_shared>>) offsets(%arg16 : memref<80xi32, #tpu.memory_space<vmem>>) semaphore(%arg28 : memref<!tpu.dma_semaphore, #tpu.memory_space<semaphore_mem>>) {add = true}
      %add3A_429 = arith.constant 4 : i32
      %add3A_430 = arith.addi %add3A_224, %add3A_429 : i32
      %add3A_431 = arith.constant 3 : i32
      %add3A_432 = arith.addi %add3A_430, %add3A_431 : i32
      %mul3A_433 = arith.constant 80 : i32
      %mul3A_434 = arith.muli %add3A_432, %mul3A_433 : i32
      %add3A_435 = arith.addi %mul3A_6, %mul3A_434 : i32
      %multiple_of3A_436 = tpu.assume_multiple %add3A_435, 16 : i32
      %dma_start3A_437 = tpu.memref_slice %arg3[%multiple_of3A_436] : memref<320240xi32, #tpu.memory_space<hbm>> -> memref<80xi32, #tpu.memory_space<hbm>>
      %dma_start3A_438 = tpu.memref_slice %arg3[%multiple_of3A_436] : memref<320240xi32, #tpu.memory_space<hbm>> -> memref<80xi32, #tpu.memory_space<hbm>>
      tpu.enqueue_dma source(%dma_start3A_438 : memref<80xi32, #tpu.memory_space<hbm>>) target(%arg8 : memref<80xi32, #tpu.memory_space<vmem>>) target_semaphore(%arg29 : memref<!tpu.dma_semaphore, #tpu.memory_space<semaphore_mem>>)
      %mul3A_439 = arith.constant 80 : i32
      %mul3A_440 = arith.muli %add3A_432, %mul3A_439 : i32
      %add3A_441 = arith.addi %mul3A_6, %mul3A_440 : i32
      %multiple_of3A_442 = tpu.assume_multiple %add3A_441, 16 : i32
      %dma_start3A_443 = tpu.memref_slice %arg4[%multiple_of3A_442] : memref<320240xi32, #tpu.memory_space<hbm>> -> memref<80xi32, #tpu.memory_space<hbm>>
      %dma_start3A_444 = tpu.memref_slice %arg4[%multiple_of3A_442] : memref<320240xi32, #tpu.memory_space<hbm>> -> memref<80xi32, #tpu.memory_space<hbm>>
      tpu.enqueue_dma source(%dma_start3A_444 : memref<80xi32, #tpu.memory_space<hbm>>) target(%arg14 : memref<80xi32, #tpu.memory_space<vmem>>) target_semaphore(%arg29 : memref<!tpu.dma_semaphore, #tpu.memory_space<semaphore_mem>>)
      %add3A_445 = arith.constant 5 : i32
      %add3A_446 = arith.addi %add3A_224, %add3A_445 : i32
      %mul3A_447 = arith.constant 80 : i32
      %mul3A_448 = arith.muli %add3A_446, %mul3A_447 : i32
      %add3A_449 = arith.addi %mul3A_6, %mul3A_448 : i32
      %multiple_of3A_450 = tpu.assume_multiple %add3A_449, 16 : i32
      %dma_wait3A_451 = tpu.memref_slice %arg3[%multiple_of3A_450] : memref<320240xi32, #tpu.memory_space<hbm>> -> memref<80xi32, #tpu.memory_space<hbm>>
      %dma_wait3A_452 = tpu.memref_slice %arg3[%multiple_of3A_450] : memref<320240xi32, #tpu.memory_space<hbm>> -> memref<80xi32, #tpu.memory_space<hbm>>
      tpu.wait_dma2 semaphore(%arg33 : memref<!tpu.dma_semaphore, #tpu.memory_space<semaphore_mem>>) src(%dma_wait3A_452 : memref<80xi32, #tpu.memory_space<hbm>>) dst(%arg12 : memref<80xi32, #tpu.memory_space<vmem>>)
      %mul3A_453 = arith.constant 80 : i32
      %mul3A_454 = arith.muli %add3A_446, %mul3A_453 : i32
      %add3A_455 = arith.addi %mul3A_6, %mul3A_454 : i32
      %multiple_of3A_456 = tpu.assume_multiple %add3A_455, 16 : i32
      %dma_wait3A_457 = tpu.memref_slice %arg4[%multiple_of3A_456] : memref<320240xi32, #tpu.memory_space<hbm>> -> memref<80xi32, #tpu.memory_space<hbm>>
      %dma_wait3A_458 = tpu.memref_slice %arg4[%multiple_of3A_456] : memref<320240xi32, #tpu.memory_space<hbm>> -> memref<80xi32, #tpu.memory_space<hbm>>
      tpu.wait_dma2 semaphore(%arg33 : memref<!tpu.dma_semaphore, #tpu.memory_space<semaphore_mem>>) src(%dma_wait3A_458 : memref<80xi32, #tpu.memory_space<hbm>>) dst(%arg18 : memref<80xi32, #tpu.memory_space<vmem>>)
      %dma_wait3A_459 = arith.constant 0 : i32
      %dma_wait3A_460 = arith.constant 0 : i32
      %dma_wait3A_461 = tpu.memref_slice %arg7[%dma_wait3A_459, %dma_wait3A_460] : memref<10000x128xf32, #tpu.memory_space<vmem_shared>> -> memref<10000x128xf32, #tpu.memory_space<vmem_shared>>
      tpu.wait_indirect_dma semaphore(%arg27 : memref<!tpu.dma_semaphore, #tpu.memory_space<semaphore_mem>>) src(%arg21 : memref<80x128xf32, #tpu.memory_space<vmem>>) dst(%dma_wait3A_461 : memref<10000x128xf32, #tpu.memory_space<vmem_shared>>)
      %add3A_462 = arith.constant 5 : i32
      %add3A_463 = arith.addi %add3A_224, %add3A_462 : i32
      %dma_start3A_464 = arith.constant 0 : i32
      %dma_start3A_465 = arith.constant 0 : i32
      %dma_start3A_466 = tpu.memref_slice %arg2[%dma_start3A_464, %dma_start3A_465] : memref<10000x128xf32, #tpu.memory_space<hbm>> -> memref<10000x128xf32, #tpu.memory_space<hbm>>
      tpu.enqueue_indirect_dma source(%dma_start3A_466 : memref<10000x128xf32, #tpu.memory_space<hbm>>) target(%arg21 : memref<80x128xf32, #tpu.memory_space<vmem>>) offsets(%arg12 : memref<80xi32, #tpu.memory_space<vmem>>) semaphore(%arg24 : memref<!tpu.dma_semaphore, #tpu.memory_space<semaphore_mem>>)
      %dma_wait3A_467 = arith.constant 0 : i32
      %dma_wait3A_468 = arith.constant 0 : i32
      %dma_wait3A_469 = tpu.memref_slice %arg2[%dma_wait3A_467, %dma_wait3A_468] : memref<10000x128xf32, #tpu.memory_space<hbm>> -> memref<10000x128xf32, #tpu.memory_space<hbm>>
      tpu.wait_indirect_dma semaphore(%arg23 : memref<!tpu.dma_semaphore, #tpu.memory_space<semaphore_mem>>) src(%dma_wait3A_469 : memref<10000x128xf32, #tpu.memory_space<hbm>>) dst(%arg20 : memref<80x128xf32, #tpu.memory_space<vmem>>)
      %dma_start3A_470 = arith.constant 0 : i32
      %dma_start3A_471 = arith.constant 0 : i32
      %dma_start3A_472 = tpu.memref_slice %arg7[%dma_start3A_470, %dma_start3A_471] : memref<10000x128xf32, #tpu.memory_space<vmem_shared>> -> memref<10000x128xf32, #tpu.memory_space<vmem_shared>>
      tpu.enqueue_indirect_dma source(%arg20 : memref<80x128xf32, #tpu.memory_space<vmem>>) target(%dma_start3A_472 : memref<10000x128xf32, #tpu.memory_space<vmem_shared>>) offsets(%arg17 : memref<80xi32, #tpu.memory_space<vmem>>) semaphore(%arg26 : memref<!tpu.dma_semaphore, #tpu.memory_space<semaphore_mem>>) {add = true}
      %add3A_473 = arith.constant 5 : i32
      %add3A_474 = arith.addi %add3A_224, %add3A_473 : i32
      %add3A_475 = arith.constant 3 : i32
      %add3A_476 = arith.addi %add3A_474, %add3A_475 : i32
      %mul3A_477 = arith.constant 80 : i32
      %mul3A_478 = arith.muli %add3A_476, %mul3A_477 : i32
      %add3A_479 = arith.addi %mul3A_6, %mul3A_478 : i32
      %multiple_of3A_480 = tpu.assume_multiple %add3A_479, 16 : i32
      %dma_start3A_481 = tpu.memref_slice %arg3[%multiple_of3A_480] : memref<320240xi32, #tpu.memory_space<hbm>> -> memref<80xi32, #tpu.memory_space<hbm>>
      %dma_start3A_482 = tpu.memref_slice %arg3[%multiple_of3A_480] : memref<320240xi32, #tpu.memory_space<hbm>> -> memref<80xi32, #tpu.memory_space<hbm>>
      tpu.enqueue_dma source(%dma_start3A_482 : memref<80xi32, #tpu.memory_space<hbm>>) target(%arg9 : memref<80xi32, #tpu.memory_space<vmem>>) target_semaphore(%arg30 : memref<!tpu.dma_semaphore, #tpu.memory_space<semaphore_mem>>)
      %mul3A_483 = arith.constant 80 : i32
      %mul3A_484 = arith.muli %add3A_476, %mul3A_483 : i32
      %add3A_485 = arith.addi %mul3A_6, %mul3A_484 : i32
      %multiple_of3A_486 = tpu.assume_multiple %add3A_485, 16 : i32
      %dma_start3A_487 = tpu.memref_slice %arg4[%multiple_of3A_486] : memref<320240xi32, #tpu.memory_space<hbm>> -> memref<80xi32, #tpu.memory_space<hbm>>
      %dma_start3A_488 = tpu.memref_slice %arg4[%multiple_of3A_486] : memref<320240xi32, #tpu.memory_space<hbm>> -> memref<80xi32, #tpu.memory_space<hbm>>
      tpu.enqueue_dma source(%dma_start3A_488 : memref<80xi32, #tpu.memory_space<hbm>>) target(%arg15 : memref<80xi32, #tpu.memory_space<vmem>>) target_semaphore(%arg30 : memref<!tpu.dma_semaphore, #tpu.memory_space<semaphore_mem>>)
    }
    %scan3A_169 = arith.constant 20 : i32
    %dma_wait3A_170 = arith.constant 0 : i32
    %dma_wait3A_171 = arith.constant 0 : i32
    %dma_wait3A_172 = tpu.memref_slice %arg2[%dma_wait3A_170, %dma_wait3A_171] : memref<10000x128xf32, #tpu.memory_space<hbm>> -> memref<10000x128xf32, #tpu.memory_space<hbm>>
    tpu.wait_indirect_dma semaphore(%arg24 : memref<!tpu.dma_semaphore, #tpu.memory_space<semaphore_mem>>) src(%dma_wait3A_172 : memref<10000x128xf32, #tpu.memory_space<hbm>>) dst(%arg21 : memref<80x128xf32, #tpu.memory_space<vmem>>)
    %dma_start3A_173 = arith.constant 0 : i32
    %dma_start3A_174 = arith.constant 0 : i32
    %dma_start3A_175 = tpu.memref_slice %arg7[%dma_start3A_173, %dma_start3A_174] : memref<10000x128xf32, #tpu.memory_space<vmem_shared>> -> memref<10000x128xf32, #tpu.memory_space<vmem_shared>>
    tpu.enqueue_indirect_dma source(%arg21 : memref<80x128xf32, #tpu.memory_space<vmem>>) target(%dma_start3A_175 : memref<10000x128xf32, #tpu.memory_space<vmem_shared>>) offsets(%arg18 : memref<80xi32, #tpu.memory_space<vmem>>) semaphore(%arg27 : memref<!tpu.dma_semaphore, #tpu.memory_space<semaphore_mem>>) {add = true}
    %dma_wait3A_176 = arith.constant 0 : i32
    %dma_wait3A_177 = arith.constant 0 : i32
    %dma_wait3A_178 = tpu.memref_slice %arg7[%dma_wait3A_176, %dma_wait3A_177] : memref<10000x128xf32, #tpu.memory_space<vmem_shared>> -> memref<10000x128xf32, #tpu.memory_space<vmem_shared>>
    tpu.wait_indirect_dma semaphore(%arg28 : memref<!tpu.dma_semaphore, #tpu.memory_space<semaphore_mem>>) src(%arg22 : memref<80x128xf32, #tpu.memory_space<vmem>>) dst(%dma_wait3A_178 : memref<10000x128xf32, #tpu.memory_space<vmem_shared>>)
    %dma_wait3A_179 = arith.constant 0 : i32
    %dma_wait3A_180 = arith.constant 0 : i32
    %dma_wait3A_181 = tpu.memref_slice %arg7[%dma_wait3A_179, %dma_wait3A_180] : memref<10000x128xf32, #tpu.memory_space<vmem_shared>> -> memref<10000x128xf32, #tpu.memory_space<vmem_shared>>
    tpu.wait_indirect_dma semaphore(%arg26 : memref<!tpu.dma_semaphore, #tpu.memory_space<semaphore_mem>>) src(%arg20 : memref<80x128xf32, #tpu.memory_space<vmem>>) dst(%dma_wait3A_181 : memref<10000x128xf32, #tpu.memory_space<vmem_shared>>)
    %dma_wait3A_182 = arith.constant 0 : i32
    %dma_wait3A_183 = arith.constant 0 : i32
    %dma_wait3A_184 = tpu.memref_slice %arg7[%dma_wait3A_182, %dma_wait3A_183] : memref<10000x128xf32, #tpu.memory_space<vmem_shared>> -> memref<10000x128xf32, #tpu.memory_space<vmem_shared>>
    tpu.wait_indirect_dma semaphore(%arg27 : memref<!tpu.dma_semaphore, #tpu.memory_space<semaphore_mem>>) src(%arg21 : memref<80x128xf32, #tpu.memory_space<vmem>>) dst(%dma_wait3A_184 : memref<10000x128xf32, #tpu.memory_space<vmem_shared>>)
    %add3A_185 = arith.constant 10000 : i32
    %add3A_186 = arith.addi %mul3A_6, %add3A_185 : i32
    %multiple_of3A_187 = tpu.assume_multiple %add3A_186, 16 : i32
    %dma_wait3A_188 = tpu.memref_slice %arg3[%multiple_of3A_187] : memref<320240xi32, #tpu.memory_space<hbm>> -> memref<80xi32, #tpu.memory_space<hbm>>
    %dma_wait3A_189 = tpu.memref_slice %arg3[%multiple_of3A_187] : memref<320240xi32, #tpu.memory_space<hbm>> -> memref<80xi32, #tpu.memory_space<hbm>>
    tpu.wait_dma2 semaphore(%arg34 : memref<!tpu.dma_semaphore, #tpu.memory_space<semaphore_mem>>) src(%dma_wait3A_189 : memref<80xi32, #tpu.memory_space<hbm>>) dst(%arg13 : memref<80xi32, #tpu.memory_space<vmem>>)
    %add3A_190 = arith.constant 10000 : i32
    %add3A_191 = arith.addi %mul3A_6, %add3A_190 : i32
    %multiple_of3A_192 = tpu.assume_multiple %add3A_191, 16 : i32
    %dma_wait3A_193 = tpu.memref_slice %arg4[%multiple_of3A_192] : memref<320240xi32, #tpu.memory_space<hbm>> -> memref<80xi32, #tpu.memory_space<hbm>>
    %dma_wait3A_194 = tpu.memref_slice %arg4[%multiple_of3A_192] : memref<320240xi32, #tpu.memory_space<hbm>> -> memref<80xi32, #tpu.memory_space<hbm>>
    tpu.wait_dma2 semaphore(%arg34 : memref<!tpu.dma_semaphore, #tpu.memory_space<semaphore_mem>>) src(%dma_wait3A_194 : memref<80xi32, #tpu.memory_space<hbm>>) dst(%arg19 : memref<80xi32, #tpu.memory_space<vmem>>)
    %add3A_195 = arith.constant 10080 : i32
    %add3A_196 = arith.addi %mul3A_6, %add3A_195 : i32
    %multiple_of3A_197 = tpu.assume_multiple %add3A_196, 16 : i32
    %dma_wait3A_198 = tpu.memref_slice %arg3[%multiple_of3A_197] : memref<320240xi32, #tpu.memory_space<hbm>> -> memref<80xi32, #tpu.memory_space<hbm>>
    %dma_wait3A_199 = tpu.memref_slice %arg3[%multiple_of3A_197] : memref<320240xi32, #tpu.memory_space<hbm>> -> memref<80xi32, #tpu.memory_space<hbm>>
    tpu.wait_dma2 semaphore(%arg29 : memref<!tpu.dma_semaphore, #tpu.memory_space<semaphore_mem>>) src(%dma_wait3A_199 : memref<80xi32, #tpu.memory_space<hbm>>) dst(%arg8 : memref<80xi32, #tpu.memory_space<vmem>>)
    %add3A_200 = arith.constant 10080 : i32
    %add3A_201 = arith.addi %mul3A_6, %add3A_200 : i32
    %multiple_of3A_202 = tpu.assume_multiple %add3A_201, 16 : i32
    %dma_wait3A_203 = tpu.memref_slice %arg4[%multiple_of3A_202] : memref<320240xi32, #tpu.memory_space<hbm>> -> memref<80xi32, #tpu.memory_space<hbm>>
    %dma_wait3A_204 = tpu.memref_slice %arg4[%multiple_of3A_202] : memref<320240xi32, #tpu.memory_space<hbm>> -> memref<80xi32, #tpu.memory_space<hbm>>
    tpu.wait_dma2 semaphore(%arg29 : memref<!tpu.dma_semaphore, #tpu.memory_space<semaphore_mem>>) src(%dma_wait3A_204 : memref<80xi32, #tpu.memory_space<hbm>>) dst(%arg14 : memref<80xi32, #tpu.memory_space<vmem>>)
    %add3A_205 = arith.constant 10160 : i32
    %add3A_206 = arith.addi %mul3A_6, %add3A_205 : i32
    %multiple_of3A_207 = tpu.assume_multiple %add3A_206, 16 : i32
    %dma_wait3A_208 = tpu.memref_slice %arg3[%multiple_of3A_207] : memref<320240xi32, #tpu.memory_space<hbm>> -> memref<80xi32, #tpu.memory_space<hbm>>
    %dma_wait3A_209 = tpu.memref_slice %arg3[%multiple_of3A_207] : memref<320240xi32, #tpu.memory_space<hbm>> -> memref<80xi32, #tpu.memory_space<hbm>>
    tpu.wait_dma2 semaphore(%arg30 : memref<!tpu.dma_semaphore, #tpu.memory_space<semaphore_mem>>) src(%dma_wait3A_209 : memref<80xi32, #tpu.memory_space<hbm>>) dst(%arg9 : memref<80xi32, #tpu.memory_space<vmem>>)
    %add3A_210 = arith.constant 10160 : i32
    %add3A_211 = arith.addi %mul3A_6, %add3A_210 : i32
    %multiple_of3A_212 = tpu.assume_multiple %add3A_211, 16 : i32
    %dma_wait3A_213 = tpu.memref_slice %arg4[%multiple_of3A_212] : memref<320240xi32, #tpu.memory_space<hbm>> -> memref<80xi32, #tpu.memory_space<hbm>>
    %dma_wait3A_214 = tpu.memref_slice %arg4[%multiple_of3A_212] : memref<320240xi32, #tpu.memory_space<hbm>> -> memref<80xi32, #tpu.memory_space<hbm>>
    tpu.wait_dma2 semaphore(%arg30 : memref<!tpu.dma_semaphore, #tpu.memory_space<semaphore_mem>>) src(%dma_wait3A_214 : memref<80xi32, #tpu.memory_space<hbm>>) dst(%arg15 : memref<80xi32, #tpu.memory_space<vmem>>)
    %barrier3A_215 = arith.constant 0 : index
    tpu.barrier barrier_id(%barrier3A_215)
    %mul3A_216 = arith.constant 624 : i32
    %mul3A_217 = arith.muli %arg1, %mul3A_216 : i32
    %mul3A_218 = arith.constant 624 : i32
    %mul3A_219 = arith.muli %arg1, %mul3A_218 : i32
    "tpu.region"() ({
      %run_scoped3A = tpu.sem_alloc : memref<!tpu.dma_semaphore, #tpu.memory_space<semaphore_mem>>
      %dma_start3A_220 = arith.constant 0 : i32
      %dma_start3A_221 = tpu.memref_slice %arg6[%arg0, %mul3A_219, %dma_start3A_220] : memref<2x10000x128xf32, #tpu.memory_space<hbm>> -> memref<1x640x128xf32, #tpu.memory_space<hbm>>
      %dma_start3A_222 = tpu.memref_squeeze %dma_start3A_221 : memref<1x640x128xf32, #tpu.memory_space<hbm>> -> memref<640x128xf32, #tpu.memory_space<hbm>>
      %dma_start3A_223 = arith.constant 0 : i32
      %dma_start3A_224 = tpu.memref_slice %arg7[%mul3A_217, %dma_start3A_223] : memref<10000x128xf32, #tpu.memory_space<vmem_shared>> -> memref<640x128xf32, #tpu.memory_space<vmem_shared>>
      tpu.enqueue_dma source(%dma_start3A_224 : memref<640x128xf32, #tpu.memory_space<vmem_shared>>) target(%dma_start3A_222 : memref<640x128xf32, #tpu.memory_space<hbm>>) target_semaphore(%run_scoped3A : memref<!tpu.dma_semaphore, #tpu.memory_space<semaphore_mem>>)
      %dma_wait3A_225 = arith.constant 0 : i32
      %dma_wait3A_226 = tpu.memref_slice %arg6[%arg0, %mul3A_219, %dma_wait3A_225] : memref<2x10000x128xf32, #tpu.memory_space<hbm>> -> memref<1x640x128xf32, #tpu.memory_space<hbm>>
      %dma_wait3A_227 = tpu.memref_squeeze %dma_wait3A_226 : memref<1x640x128xf32, #tpu.memory_space<hbm>> -> memref<640x128xf32, #tpu.memory_space<hbm>>
      %dma_wait3A_228 = arith.constant 0 : i32
      %dma_wait3A_229 = tpu.memref_slice %arg7[%mul3A_217, %dma_wait3A_228] : memref<10000x128xf32, #tpu.memory_space<vmem_shared>> -> memref<640x128xf32, #tpu.memory_space<vmem_shared>>
      tpu.wait_dma2 semaphore(%run_scoped3A : memref<!tpu.dma_semaphore, #tpu.memory_space<semaphore_mem>>) src(%dma_wait3A_229 : memref<640x128xf32, #tpu.memory_space<vmem_shared>>) dst(%dma_wait3A_227 : memref<640x128xf32, #tpu.memory_space<hbm>>)
      tpu.yield
    }) : () -> ()
    return
  }
}

#map = affine_map<(d0, d1) -> (0)>
#map1 = affine_map<(d0, d1) -> (0, 0)>
#map2 = affine_map<(d0, d1) -> (0, 0, 0)>
module attributes {stable_mosaic.version = 14 : i64} {
  func.func @_degree_kernel(%arg0: i32, %arg1: i32, %arg2: memref<320240xi32, #tpu.memory_space<hbm>>, %arg3: memref<10000x128xf32, #tpu.memory_space<hbm>>, %arg4: memref<80x128xf32, #tpu.memory_space<hbm>>, %arg5: memref<2x10000x128xf32, #tpu.memory_space<hbm>>, %arg6: memref<10000x128xf32, #tpu.memory_space<vmem_shared>>, %arg7: memref<80xi32, #tpu.memory_space<vmem>>, %arg8: memref<80xi32, #tpu.memory_space<vmem>>, %arg9: memref<80x128xf32, #tpu.memory_space<vmem>>, %arg10: memref<!tpu.dma_semaphore, #tpu.memory_space<semaphore_mem>>, %arg11: memref<!tpu.dma_semaphore, #tpu.memory_space<semaphore_mem>>, %arg12: memref<!tpu.dma_semaphore, #tpu.memory_space<semaphore_mem>>, %arg13: memref<!tpu.dma_semaphore, #tpu.memory_space<semaphore_mem>>) attributes {dimension_semantics = [#tpu.dimension_semantics<core_parallel>, #tpu.dimension_semantics<subcore_parallel>], iteration_bounds = array<i64: 2, 16>, scalar_prefetch = 0 : i64, scratch_operands = 8 : i64, tpu.core_type = #tpu.core_type<sc_vector_subcore>, window_params = [{transform_indices = #map}, {transform_indices = #map1}, {transform_indices = #map1}, {transform_indices = #map2}]} {
    %mul3A = arith.constant 2 : i32
    %mul3A_0 = arith.muli %arg1, %mul3A : i32
    %add3A = arith.addi %mul3A_0, %arg0 : i32
    %mul3A_1 = arith.constant 624 : i32
    %mul3A_2 = arith.muli %arg1, %mul3A_1 : i32
    %mul3A_3 = arith.constant 624 : i32
    %mul3A_4 = arith.muli %arg1, %mul3A_3 : i32
    "tpu.region"() ({
      %run_scoped3A = tpu.sem_alloc : memref<!tpu.dma_semaphore, #tpu.memory_space<semaphore_mem>>
      %dma_start3A_33 = arith.constant 0 : i32
      %dma_start3A_34 = tpu.memref_slice %arg6[%mul3A_4, %dma_start3A_33] : memref<10000x128xf32, #tpu.memory_space<vmem_shared>> -> memref<640x128xf32, #tpu.memory_space<vmem_shared>>
      %dma_start3A_35 = arith.constant 0 : i32
      %dma_start3A_36 = tpu.memref_slice %arg3[%mul3A_2, %dma_start3A_35] : memref<10000x128xf32, #tpu.memory_space<hbm>> -> memref<640x128xf32, #tpu.memory_space<hbm>>
      tpu.enqueue_dma source(%dma_start3A_36 : memref<640x128xf32, #tpu.memory_space<hbm>>) target(%dma_start3A_34 : memref<640x128xf32, #tpu.memory_space<vmem_shared>>) target_semaphore(%run_scoped3A : memref<!tpu.dma_semaphore, #tpu.memory_space<semaphore_mem>>)
      %dma_wait3A_37 = arith.constant 0 : i32
      %dma_wait3A_38 = tpu.memref_slice %arg6[%mul3A_4, %dma_wait3A_37] : memref<10000x128xf32, #tpu.memory_space<vmem_shared>> -> memref<640x128xf32, #tpu.memory_space<vmem_shared>>
      %dma_wait3A_39 = arith.constant 0 : i32
      %dma_wait3A_40 = tpu.memref_slice %arg3[%mul3A_2, %dma_wait3A_39] : memref<10000x128xf32, #tpu.memory_space<hbm>> -> memref<640x128xf32, #tpu.memory_space<hbm>>
      tpu.wait_dma2 semaphore(%run_scoped3A : memref<!tpu.dma_semaphore, #tpu.memory_space<semaphore_mem>>) src(%dma_wait3A_40 : memref<640x128xf32, #tpu.memory_space<hbm>>) dst(%dma_wait3A_38 : memref<640x128xf32, #tpu.memory_space<vmem_shared>>)
      tpu.yield
    }) : () -> ()
    "tpu.region"() ({
      %run_scoped3A = tpu.sem_alloc : memref<!tpu.dma_semaphore, #tpu.memory_space<semaphore_mem>>
      tpu.enqueue_dma source(%arg4 : memref<80x128xf32, #tpu.memory_space<hbm>>) target(%arg9 : memref<80x128xf32, #tpu.memory_space<vmem>>) target_semaphore(%run_scoped3A : memref<!tpu.dma_semaphore, #tpu.memory_space<semaphore_mem>>)
      tpu.wait_dma2 semaphore(%run_scoped3A : memref<!tpu.dma_semaphore, #tpu.memory_space<semaphore_mem>>) src(%arg4 : memref<80x128xf32, #tpu.memory_space<hbm>>) dst(%arg9 : memref<80x128xf32, #tpu.memory_space<vmem>>)
      tpu.yield
    }) : () -> ()
    %barrier3A = arith.constant 0 : index
    tpu.barrier barrier_id(%barrier3A)
    %mul3A_5 = arith.constant 10000 : i32
    %mul3A_6 = arith.muli %add3A, %mul3A_5 : i32
    %add3A_7 = arith.constant 0 : i32
    %add3A_8 = arith.addi %mul3A_6, %add3A_7 : i32
    %multiple_of3A = tpu.assume_multiple %add3A_8, 16 : i32
    "tpu.region"() ({
      %run_scoped3A = tpu.sem_alloc : memref<!tpu.dma_semaphore, #tpu.memory_space<semaphore_mem>>
      %dma_start3A_33 = tpu.memref_slice %arg2[%multiple_of3A] : memref<320240xi32, #tpu.memory_space<hbm>> -> memref<80xi32, #tpu.memory_space<hbm>>
      %dma_start3A_34 = tpu.memref_slice %arg2[%multiple_of3A] : memref<320240xi32, #tpu.memory_space<hbm>> -> memref<80xi32, #tpu.memory_space<hbm>>
      tpu.enqueue_dma source(%dma_start3A_34 : memref<80xi32, #tpu.memory_space<hbm>>) target(%arg7 : memref<80xi32, #tpu.memory_space<vmem>>) target_semaphore(%run_scoped3A : memref<!tpu.dma_semaphore, #tpu.memory_space<semaphore_mem>>)
      %dma_wait3A_35 = tpu.memref_slice %arg2[%multiple_of3A] : memref<320240xi32, #tpu.memory_space<hbm>> -> memref<80xi32, #tpu.memory_space<hbm>>
      %dma_wait3A_36 = tpu.memref_slice %arg2[%multiple_of3A] : memref<320240xi32, #tpu.memory_space<hbm>> -> memref<80xi32, #tpu.memory_space<hbm>>
      tpu.wait_dma2 semaphore(%run_scoped3A : memref<!tpu.dma_semaphore, #tpu.memory_space<semaphore_mem>>) src(%dma_wait3A_36 : memref<80xi32, #tpu.memory_space<hbm>>) dst(%arg7 : memref<80xi32, #tpu.memory_space<vmem>>)
      tpu.yield
    }) : () -> ()
    %dma_start3A = arith.constant 0 : i32
    %dma_start3A_9 = arith.constant 0 : i32
    %dma_start3A_10 = tpu.memref_slice %arg6[%dma_start3A, %dma_start3A_9] : memref<10000x128xf32, #tpu.memory_space<vmem_shared>> -> memref<10000x128xf32, #tpu.memory_space<vmem_shared>>
    tpu.enqueue_indirect_dma source(%arg9 : memref<80x128xf32, #tpu.memory_space<vmem>>) target(%dma_start3A_10 : memref<10000x128xf32, #tpu.memory_space<vmem_shared>>) offsets(%arg7 : memref<80xi32, #tpu.memory_space<vmem>>) semaphore(%arg10 : memref<!tpu.dma_semaphore, #tpu.memory_space<semaphore_mem>>) {add = true}
    %add3A_11 = arith.constant 80 : i32
    %add3A_12 = arith.addi %mul3A_6, %add3A_11 : i32
    %multiple_of3A_13 = tpu.assume_multiple %add3A_12, 16 : i32
    %dma_start3A_14 = tpu.memref_slice %arg2[%multiple_of3A_13] : memref<320240xi32, #tpu.memory_space<hbm>> -> memref<80xi32, #tpu.memory_space<hbm>>
    %dma_start3A_15 = tpu.memref_slice %arg2[%multiple_of3A_13] : memref<320240xi32, #tpu.memory_space<hbm>> -> memref<80xi32, #tpu.memory_space<hbm>>
    tpu.enqueue_dma source(%dma_start3A_15 : memref<80xi32, #tpu.memory_space<hbm>>) target(%arg8 : memref<80xi32, #tpu.memory_space<vmem>>) target_semaphore(%arg13 : memref<!tpu.dma_semaphore, #tpu.memory_space<semaphore_mem>>)
    %scan3A = arith.constant 0 : i32
    %scan3A_16 = arith.constant 0 : i32
    %scan3A_17 = arith.constant 62 : i32
    %scan3A_18 = arith.addi %scan3A_16, %scan3A_17 : i32
    %scan3A_19 = arith.constant 1 : i32
    scf.for %scan3A_33 = %scan3A_16 to %scan3A_18 step %scan3A_19  : i32 {
      %mul3A_34 = arith.constant 2 : i32
      %mul3A_35 = arith.muli %mul3A_34, %scan3A_33 : i32
      %add3A_36 = arith.constant 1 : i32
      %add3A_37 = arith.addi %mul3A_35, %add3A_36 : i32
      %mul3A_38 = arith.constant 80 : i32
      %mul3A_39 = arith.muli %add3A_37, %mul3A_38 : i32
      %add3A_40 = arith.addi %mul3A_6, %mul3A_39 : i32
      %multiple_of3A_41 = tpu.assume_multiple %add3A_40, 16 : i32
      %dma_wait3A_42 = tpu.memref_slice %arg2[%multiple_of3A_41] : memref<320240xi32, #tpu.memory_space<hbm>> -> memref<80xi32, #tpu.memory_space<hbm>>
      %dma_wait3A_43 = tpu.memref_slice %arg2[%multiple_of3A_41] : memref<320240xi32, #tpu.memory_space<hbm>> -> memref<80xi32, #tpu.memory_space<hbm>>
      tpu.wait_dma2 semaphore(%arg13 : memref<!tpu.dma_semaphore, #tpu.memory_space<semaphore_mem>>) src(%dma_wait3A_43 : memref<80xi32, #tpu.memory_space<hbm>>) dst(%arg8 : memref<80xi32, #tpu.memory_space<vmem>>)
      %dma_start3A_44 = arith.constant 0 : i32
      %dma_start3A_45 = arith.constant 0 : i32
      %dma_start3A_46 = tpu.memref_slice %arg6[%dma_start3A_44, %dma_start3A_45] : memref<10000x128xf32, #tpu.memory_space<vmem_shared>> -> memref<10000x128xf32, #tpu.memory_space<vmem_shared>>
      tpu.enqueue_indirect_dma source(%arg9 : memref<80x128xf32, #tpu.memory_space<vmem>>) target(%dma_start3A_46 : memref<10000x128xf32, #tpu.memory_space<vmem_shared>>) offsets(%arg8 : memref<80xi32, #tpu.memory_space<vmem>>) semaphore(%arg11 : memref<!tpu.dma_semaphore, #tpu.memory_space<semaphore_mem>>) {add = true}
      %dma_wait3A_47 = arith.constant 0 : i32
      %dma_wait3A_48 = arith.constant 0 : i32
      %dma_wait3A_49 = tpu.memref_slice %arg6[%dma_wait3A_47, %dma_wait3A_48] : memref<10000x128xf32, #tpu.memory_space<vmem_shared>> -> memref<10000x128xf32, #tpu.memory_space<vmem_shared>>
      tpu.wait_indirect_dma semaphore(%arg10 : memref<!tpu.dma_semaphore, #tpu.memory_space<semaphore_mem>>) src(%arg9 : memref<80x128xf32, #tpu.memory_space<vmem>>) dst(%dma_wait3A_49 : memref<10000x128xf32, #tpu.memory_space<vmem_shared>>)
      %add3A_50 = arith.constant 2 : i32
      %add3A_51 = arith.addi %mul3A_35, %add3A_50 : i32
      %mul3A_52 = arith.constant 80 : i32
      %mul3A_53 = arith.muli %add3A_51, %mul3A_52 : i32
      %add3A_54 = arith.addi %mul3A_6, %mul3A_53 : i32
      %multiple_of3A_55 = tpu.assume_multiple %add3A_54, 16 : i32
      %dma_start3A_56 = tpu.memref_slice %arg2[%multiple_of3A_55] : memref<320240xi32, #tpu.memory_space<hbm>> -> memref<80xi32, #tpu.memory_space<hbm>>
      %dma_start3A_57 = tpu.memref_slice %arg2[%multiple_of3A_55] : memref<320240xi32, #tpu.memory_space<hbm>> -> memref<80xi32, #tpu.memory_space<hbm>>
      tpu.enqueue_dma source(%dma_start3A_57 : memref<80xi32, #tpu.memory_space<hbm>>) target(%arg7 : memref<80xi32, #tpu.memory_space<vmem>>) target_semaphore(%arg12 : memref<!tpu.dma_semaphore, #tpu.memory_space<semaphore_mem>>)
      %add3A_58 = arith.constant 2 : i32
      %add3A_59 = arith.addi %mul3A_35, %add3A_58 : i32
      %mul3A_60 = arith.constant 80 : i32
      %mul3A_61 = arith.muli %add3A_59, %mul3A_60 : i32
      %add3A_62 = arith.addi %mul3A_6, %mul3A_61 : i32
      %multiple_of3A_63 = tpu.assume_multiple %add3A_62, 16 : i32
      %dma_wait3A_64 = tpu.memref_slice %arg2[%multiple_of3A_63] : memref<320240xi32, #tpu.memory_space<hbm>> -> memref<80xi32, #tpu.memory_space<hbm>>
      %dma_wait3A_65 = tpu.memref_slice %arg2[%multiple_of3A_63] : memref<320240xi32, #tpu.memory_space<hbm>> -> memref<80xi32, #tpu.memory_space<hbm>>
      tpu.wait_dma2 semaphore(%arg12 : memref<!tpu.dma_semaphore, #tpu.memory_space<semaphore_mem>>) src(%dma_wait3A_65 : memref<80xi32, #tpu.memory_space<hbm>>) dst(%arg7 : memref<80xi32, #tpu.memory_space<vmem>>)
      %dma_start3A_66 = arith.constant 0 : i32
      %dma_start3A_67 = arith.constant 0 : i32
      %dma_start3A_68 = tpu.memref_slice %arg6[%dma_start3A_66, %dma_start3A_67] : memref<10000x128xf32, #tpu.memory_space<vmem_shared>> -> memref<10000x128xf32, #tpu.memory_space<vmem_shared>>
      tpu.enqueue_indirect_dma source(%arg9 : memref<80x128xf32, #tpu.memory_space<vmem>>) target(%dma_start3A_68 : memref<10000x128xf32, #tpu.memory_space<vmem_shared>>) offsets(%arg7 : memref<80xi32, #tpu.memory_space<vmem>>) semaphore(%arg10 : memref<!tpu.dma_semaphore, #tpu.memory_space<semaphore_mem>>) {add = true}
      %dma_wait3A_69 = arith.constant 0 : i32
      %dma_wait3A_70 = arith.constant 0 : i32
      %dma_wait3A_71 = tpu.memref_slice %arg6[%dma_wait3A_69, %dma_wait3A_70] : memref<10000x128xf32, #tpu.memory_space<vmem_shared>> -> memref<10000x128xf32, #tpu.memory_space<vmem_shared>>
      tpu.wait_indirect_dma semaphore(%arg11 : memref<!tpu.dma_semaphore, #tpu.memory_space<semaphore_mem>>) src(%arg9 : memref<80x128xf32, #tpu.memory_space<vmem>>) dst(%dma_wait3A_71 : memref<10000x128xf32, #tpu.memory_space<vmem_shared>>)
      %add3A_72 = arith.constant 3 : i32
      %add3A_73 = arith.addi %mul3A_35, %add3A_72 : i32
      %mul3A_74 = arith.constant 80 : i32
      %mul3A_75 = arith.muli %add3A_73, %mul3A_74 : i32
      %add3A_76 = arith.addi %mul3A_6, %mul3A_75 : i32
      %multiple_of3A_77 = tpu.assume_multiple %add3A_76, 16 : i32
      %dma_start3A_78 = tpu.memref_slice %arg2[%multiple_of3A_77] : memref<320240xi32, #tpu.memory_space<hbm>> -> memref<80xi32, #tpu.memory_space<hbm>>
      %dma_start3A_79 = tpu.memref_slice %arg2[%multiple_of3A_77] : memref<320240xi32, #tpu.memory_space<hbm>> -> memref<80xi32, #tpu.memory_space<hbm>>
      tpu.enqueue_dma source(%dma_start3A_79 : memref<80xi32, #tpu.memory_space<hbm>>) target(%arg8 : memref<80xi32, #tpu.memory_space<vmem>>) target_semaphore(%arg13 : memref<!tpu.dma_semaphore, #tpu.memory_space<semaphore_mem>>)
    }
    %scan3A_20 = arith.constant 62 : i32
    %dma_wait3A = arith.constant 0 : i32
    %dma_wait3A_21 = arith.constant 0 : i32
    %dma_wait3A_22 = tpu.memref_slice %arg6[%dma_wait3A, %dma_wait3A_21] : memref<10000x128xf32, #tpu.memory_space<vmem_shared>> -> memref<10000x128xf32, #tpu.memory_space<vmem_shared>>
    tpu.wait_indirect_dma semaphore(%arg10 : memref<!tpu.dma_semaphore, #tpu.memory_space<semaphore_mem>>) src(%arg9 : memref<80x128xf32, #tpu.memory_space<vmem>>) dst(%dma_wait3A_22 : memref<10000x128xf32, #tpu.memory_space<vmem_shared>>)
    %add3A_23 = arith.constant 10000 : i32
    %add3A_24 = arith.addi %mul3A_6, %add3A_23 : i32
    %multiple_of3A_25 = tpu.assume_multiple %add3A_24, 16 : i32
    %dma_wait3A_26 = tpu.memref_slice %arg2[%multiple_of3A_25] : memref<320240xi32, #tpu.memory_space<hbm>> -> memref<80xi32, #tpu.memory_space<hbm>>
    %dma_wait3A_27 = tpu.memref_slice %arg2[%multiple_of3A_25] : memref<320240xi32, #tpu.memory_space<hbm>> -> memref<80xi32, #tpu.memory_space<hbm>>
    tpu.wait_dma2 semaphore(%arg13 : memref<!tpu.dma_semaphore, #tpu.memory_space<semaphore_mem>>) src(%dma_wait3A_27 : memref<80xi32, #tpu.memory_space<hbm>>) dst(%arg8 : memref<80xi32, #tpu.memory_space<vmem>>)
    %barrier3A_28 = arith.constant 0 : index
    tpu.barrier barrier_id(%barrier3A_28)
    %mul3A_29 = arith.constant 624 : i32
    %mul3A_30 = arith.muli %arg1, %mul3A_29 : i32
    %mul3A_31 = arith.constant 624 : i32
    %mul3A_32 = arith.muli %arg1, %mul3A_31 : i32
    "tpu.region"() ({
      %run_scoped3A = tpu.sem_alloc : memref<!tpu.dma_semaphore, #tpu.memory_space<semaphore_mem>>
      %dma_start3A_33 = arith.constant 0 : i32
      %dma_start3A_34 = tpu.memref_slice %arg5[%arg0, %mul3A_32, %dma_start3A_33] : memref<2x10000x128xf32, #tpu.memory_space<hbm>> -> memref<1x640x128xf32, #tpu.memory_space<hbm>>
      %dma_start3A_35 = tpu.memref_squeeze %dma_start3A_34 : memref<1x640x128xf32, #tpu.memory_space<hbm>> -> memref<640x128xf32, #tpu.memory_space<hbm>>
      %dma_start3A_36 = arith.constant 0 : i32
      %dma_start3A_37 = tpu.memref_slice %arg6[%mul3A_30, %dma_start3A_36] : memref<10000x128xf32, #tpu.memory_space<vmem_shared>> -> memref<640x128xf32, #tpu.memory_space<vmem_shared>>
      tpu.enqueue_dma source(%dma_start3A_37 : memref<640x128xf32, #tpu.memory_space<vmem_shared>>) target(%dma_start3A_35 : memref<640x128xf32, #tpu.memory_space<hbm>>) target_semaphore(%run_scoped3A : memref<!tpu.dma_semaphore, #tpu.memory_space<semaphore_mem>>)
      %dma_wait3A_38 = arith.constant 0 : i32
      %dma_wait3A_39 = tpu.memref_slice %arg5[%arg0, %mul3A_32, %dma_wait3A_38] : memref<2x10000x128xf32, #tpu.memory_space<hbm>> -> memref<1x640x128xf32, #tpu.memory_space<hbm>>
      %dma_wait3A_40 = tpu.memref_squeeze %dma_wait3A_39 : memref<1x640x128xf32, #tpu.memory_space<hbm>> -> memref<640x128xf32, #tpu.memory_space<hbm>>
      %dma_wait3A_41 = arith.constant 0 : i32
      %dma_wait3A_42 = tpu.memref_slice %arg6[%mul3A_30, %dma_wait3A_41] : memref<10000x128xf32, #tpu.memory_space<vmem_shared>> -> memref<640x128xf32, #tpu.memory_space<vmem_shared>>
      tpu.wait_dma2 semaphore(%run_scoped3A : memref<!tpu.dma_semaphore, #tpu.memory_space<semaphore_mem>>) src(%dma_wait3A_42 : memref<640x128xf32, #tpu.memory_space<vmem_shared>>) dst(%dma_wait3A_40 : memref<640x128xf32, #tpu.memory_space<hbm>>)
      tpu.yield
    }) : () -> ()
    return
  }
}

#map = affine_map<(d0, d1) -> (0, 0)>
#map1 = affine_map<(d0, d1) -> (0)>
#map2 = affine_map<(d0, d1) -> (0, 0, 0)>
module attributes {stable_mosaic.version = 14 : i64} {
  func.func @_layer_kernel(%arg0: i32, %arg1: i32, %arg2: memref<10000x128xf32, #tpu.memory_space<hbm>>, %arg3: memref<320240xi32, #tpu.memory_space<hbm>>, %arg4: memref<320240xi32, #tpu.memory_space<hbm>>, %arg5: memref<10000x128xf32, #tpu.memory_space<hbm>>, %arg6: memref<2x10000x128xf32, #tpu.memory_space<hbm>>, %arg7: memref<10000x128xf32, #tpu.memory_space<vmem_shared>>, %arg8: memref<80xi32, #tpu.memory_space<vmem>>, %arg9: memref<80xi32, #tpu.memory_space<vmem>>, %arg10: memref<80xi32, #tpu.memory_space<vmem>>, %arg11: memref<80xi32, #tpu.memory_space<vmem>>, %arg12: memref<80xi32, #tpu.memory_space<vmem>>, %arg13: memref<80xi32, #tpu.memory_space<vmem>>, %arg14: memref<80xi32, #tpu.memory_space<vmem>>, %arg15: memref<80xi32, #tpu.memory_space<vmem>>, %arg16: memref<80xi32, #tpu.memory_space<vmem>>, %arg17: memref<80xi32, #tpu.memory_space<vmem>>, %arg18: memref<80xi32, #tpu.memory_space<vmem>>, %arg19: memref<80xi32, #tpu.memory_space<vmem>>, %arg20: memref<80x128xf32, #tpu.memory_space<vmem>>, %arg21: memref<80x128xf32, #tpu.memory_space<vmem>>, %arg22: memref<80x128xf32, #tpu.memory_space<vmem>>, %arg23: memref<!tpu.dma_semaphore, #tpu.memory_space<semaphore_mem>>, %arg24: memref<!tpu.dma_semaphore, #tpu.memory_space<semaphore_mem>>, %arg25: memref<!tpu.dma_semaphore, #tpu.memory_space<semaphore_mem>>, %arg26: memref<!tpu.dma_semaphore, #tpu.memory_space<semaphore_mem>>, %arg27: memref<!tpu.dma_semaphore, #tpu.memory_space<semaphore_mem>>, %arg28: memref<!tpu.dma_semaphore, #tpu.memory_space<semaphore_mem>>, %arg29: memref<!tpu.dma_semaphore, #tpu.memory_space<semaphore_mem>>, %arg30: memref<!tpu.dma_semaphore, #tpu.memory_space<semaphore_mem>>, %arg31: memref<!tpu.dma_semaphore, #tpu.memory_space<semaphore_mem>>, %arg32: memref<!tpu.dma_semaphore, #tpu.memory_space<semaphore_mem>>, %arg33: memref<!tpu.dma_semaphore, #tpu.memory_space<semaphore_mem>>, %arg34: memref<!tpu.dma_semaphore, #tpu.memory_space<semaphore_mem>>) attributes {dimension_semantics = [#tpu.dimension_semantics<core_parallel>, #tpu.dimension_semantics<subcore_parallel>], iteration_bounds = array<i64: 2, 16>, scalar_prefetch = 0 : i64, scratch_operands = 28 : i64, tpu.core_type = #tpu.core_type<sc_vector_subcore>, window_params = [{transform_indices = #map}, {transform_indices = #map1}, {transform_indices = #map1}, {transform_indices = #map}, {transform_indices = #map2}]} {
    %mul3A = arith.constant 2 : i32
    %mul3A_0 = arith.muli %arg1, %mul3A : i32
    %add3A = arith.addi %mul3A_0, %arg0 : i32
    %mul3A_1 = arith.constant 624 : i32
    %mul3A_2 = arith.muli %arg1, %mul3A_1 : i32
    %mul3A_3 = arith.constant 624 : i32
    %mul3A_4 = arith.muli %arg1, %mul3A_3 : i32
    "tpu.region"() ({
      %run_scoped3A = tpu.sem_alloc : memref<!tpu.dma_semaphore, #tpu.memory_space<semaphore_mem>>
      %dma_start3A_220 = arith.constant 0 : i32
      %dma_start3A_221 = tpu.memref_slice %arg7[%mul3A_4, %dma_start3A_220] : memref<10000x128xf32, #tpu.memory_space<vmem_shared>> -> memref<640x128xf32, #tpu.memory_space<vmem_shared>>
      %dma_start3A_222 = arith.constant 0 : i32
      %dma_start3A_223 = tpu.memref_slice %arg5[%mul3A_2, %dma_start3A_222] : memref<10000x128xf32, #tpu.memory_space<hbm>> -> memref<640x128xf32, #tpu.memory_space<hbm>>
      tpu.enqueue_dma source(%dma_start3A_223 : memref<640x128xf32, #tpu.memory_space<hbm>>) target(%dma_start3A_221 : memref<640x128xf32, #tpu.memory_space<vmem_shared>>) target_semaphore(%run_scoped3A : memref<!tpu.dma_semaphore, #tpu.memory_space<semaphore_mem>>)
      %dma_wait3A_224 = arith.constant 0 : i32
      %dma_wait3A_225 = tpu.memref_slice %arg7[%mul3A_4, %dma_wait3A_224] : memref<10000x128xf32, #tpu.memory_space<vmem_shared>> -> memref<640x128xf32, #tpu.memory_space<vmem_shared>>
      %dma_wait3A_226 = arith.constant 0 : i32
      %dma_wait3A_227 = tpu.memref_slice %arg5[%mul3A_2, %dma_wait3A_226] : memref<10000x128xf32, #tpu.memory_space<hbm>> -> memref<640x128xf32, #tpu.memory_space<hbm>>
      tpu.wait_dma2 semaphore(%run_scoped3A : memref<!tpu.dma_semaphore, #tpu.memory_space<semaphore_mem>>) src(%dma_wait3A_227 : memref<640x128xf32, #tpu.memory_space<hbm>>) dst(%dma_wait3A_225 : memref<640x128xf32, #tpu.memory_space<vmem_shared>>)
      tpu.yield
    }) : () -> ()
    %barrier3A = arith.constant 0 : index
    tpu.barrier barrier_id(%barrier3A)
    %mul3A_5 = arith.constant 10000 : i32
    %mul3A_6 = arith.muli %add3A, %mul3A_5 : i32
    %add3A_7 = arith.constant 0 : i32
    %add3A_8 = arith.addi %mul3A_6, %add3A_7 : i32
    %multiple_of3A = tpu.assume_multiple %add3A_8, 16 : i32
    "tpu.region"() ({
      %run_scoped3A = tpu.sem_alloc : memref<!tpu.dma_semaphore, #tpu.memory_space<semaphore_mem>>
      %dma_start3A_220 = tpu.memref_slice %arg3[%multiple_of3A] : memref<320240xi32, #tpu.memory_space<hbm>> -> memref<80xi32, #tpu.memory_space<hbm>>
      %dma_start3A_221 = tpu.memref_slice %arg3[%multiple_of3A] : memref<320240xi32, #tpu.memory_space<hbm>> -> memref<80xi32, #tpu.memory_space<hbm>>
      tpu.enqueue_dma source(%dma_start3A_221 : memref<80xi32, #tpu.memory_space<hbm>>) target(%arg8 : memref<80xi32, #tpu.memory_space<vmem>>) target_semaphore(%run_scoped3A : memref<!tpu.dma_semaphore, #tpu.memory_space<semaphore_mem>>)
      %dma_wait3A_222 = tpu.memref_slice %arg3[%multiple_of3A] : memref<320240xi32, #tpu.memory_space<hbm>> -> memref<80xi32, #tpu.memory_space<hbm>>
      %dma_wait3A_223 = tpu.memref_slice %arg3[%multiple_of3A] : memref<320240xi32, #tpu.memory_space<hbm>> -> memref<80xi32, #tpu.memory_space<hbm>>
      tpu.wait_dma2 semaphore(%run_scoped3A : memref<!tpu.dma_semaphore, #tpu.memory_space<semaphore_mem>>) src(%dma_wait3A_223 : memref<80xi32, #tpu.memory_space<hbm>>) dst(%arg8 : memref<80xi32, #tpu.memory_space<vmem>>)
      tpu.yield
    }) : () -> ()
    %add3A_9 = arith.constant 0 : i32
    %add3A_10 = arith.addi %mul3A_6, %add3A_9 : i32
    %multiple_of3A_11 = tpu.assume_multiple %add3A_10, 16 : i32
    "tpu.region"() ({
      %run_scoped3A = tpu.sem_alloc : memref<!tpu.dma_semaphore, #tpu.memory_space<semaphore_mem>>
      %dma_start3A_220 = tpu.memref_slice %arg4[%multiple_of3A_11] : memref<320240xi32, #tpu.memory_space<hbm>> -> memref<80xi32, #tpu.memory_space<hbm>>
      %dma_start3A_221 = tpu.memref_slice %arg4[%multiple_of3A_11] : memref<320240xi32, #tpu.memory_space<hbm>> -> memref<80xi32, #tpu.memory_space<hbm>>
      tpu.enqueue_dma source(%dma_start3A_221 : memref<80xi32, #tpu.memory_space<hbm>>) target(%arg14 : memref<80xi32, #tpu.memory_space<vmem>>) target_semaphore(%run_scoped3A : memref<!tpu.dma_semaphore, #tpu.memory_space<semaphore_mem>>)
      %dma_wait3A_222 = tpu.memref_slice %arg4[%multiple_of3A_11] : memref<320240xi32, #tpu.memory_space<hbm>> -> memref<80xi32, #tpu.memory_space<hbm>>
      %dma_wait3A_223 = tpu.memref_slice %arg4[%multiple_of3A_11] : memref<320240xi32, #tpu.memory_space<hbm>> -> memref<80xi32, #tpu.memory_space<hbm>>
      tpu.wait_dma2 semaphore(%run_scoped3A : memref<!tpu.dma_semaphore, #tpu.memory_space<semaphore_mem>>) src(%dma_wait3A_223 : memref<80xi32, #tpu.memory_space<hbm>>) dst(%arg14 : memref<80xi32, #tpu.memory_space<vmem>>)
      tpu.yield
    }) : () -> ()
    %dma_start3A = arith.constant 0 : i32
    %dma_start3A_12 = arith.constant 0 : i32
    %dma_start3A_13 = tpu.memref_slice %arg2[%dma_start3A, %dma_start3A_12] : memref<10000x128xf32, #tpu.memory_space<hbm>> -> memref<10000x128xf32, #tpu.memory_space<hbm>>
    tpu.enqueue_indirect_dma source(%dma_start3A_13 : memref<10000x128xf32, #tpu.memory_space<hbm>>) target(%arg20 : memref<80x128xf32, #tpu.memory_space<vmem>>) offsets(%arg8 : memref<80xi32, #tpu.memory_space<vmem>>) semaphore(%arg23 : memref<!tpu.dma_semaphore, #tpu.memory_space<semaphore_mem>>)
    %add3A_14 = arith.constant 80 : i32
    %add3A_15 = arith.addi %mul3A_6, %add3A_14 : i32
    %multiple_of3A_16 = tpu.assume_multiple %add3A_15, 16 : i32
    %dma_start3A_17 = tpu.memref_slice %arg3[%multiple_of3A_16] : memref<320240xi32, #tpu.memory_space<hbm>> -> memref<80xi32, #tpu.memory_space<hbm>>
    %dma_start3A_18 = tpu.memref_slice %arg3[%multiple_of3A_16] : memref<320240xi32, #tpu.memory_space<hbm>> -> memref<80xi32, #tpu.memory_space<hbm>>
    tpu.enqueue_dma source(%dma_start3A_18 : memref<80xi32, #tpu.memory_space<hbm>>) target(%arg9 : memref<80xi32, #tpu.memory_space<vmem>>) target_semaphore(%arg30 : memref<!tpu.dma_semaphore, #tpu.memory_space<semaphore_mem>>)
    %add3A_19 = arith.constant 80 : i32
    %add3A_20 = arith.addi %mul3A_6, %add3A_19 : i32
    %multiple_of3A_21 = tpu.assume_multiple %add3A_20, 16 : i32
    %dma_start3A_22 = tpu.memref_slice %arg4[%multiple_of3A_21] : memref<320240xi32, #tpu.memory_space<hbm>> -> memref<80xi32, #tpu.memory_space<hbm>>
    %dma_start3A_23 = tpu.memref_slice %arg4[%multiple_of3A_21] : memref<320240xi32, #tpu.memory_space<hbm>> -> memref<80xi32, #tpu.memory_space<hbm>>
    tpu.enqueue_dma source(%dma_start3A_23 : memref<80xi32, #tpu.memory_space<hbm>>) target(%arg15 : memref<80xi32, #tpu.memory_space<vmem>>) target_semaphore(%arg30 : memref<!tpu.dma_semaphore, #tpu.memory_space<semaphore_mem>>)
    %add3A_24 = arith.constant 160 : i32
    %add3A_25 = arith.addi %mul3A_6, %add3A_24 : i32
    %multiple_of3A_26 = tpu.assume_multiple %add3A_25, 16 : i32
    %dma_start3A_27 = tpu.memref_slice %arg3[%multiple_of3A_26] : memref<320240xi32, #tpu.memory_space<hbm>> -> memref<80xi32, #tpu.memory_space<hbm>>
    %dma_start3A_28 = tpu.memref_slice %arg3[%multiple_of3A_26] : memref<320240xi32, #tpu.memory_space<hbm>> -> memref<80xi32, #tpu.memory_space<hbm>>
    tpu.enqueue_dma source(%dma_start3A_28 : memref<80xi32, #tpu.memory_space<hbm>>) target(%arg10 : memref<80xi32, #tpu.memory_space<vmem>>) target_semaphore(%arg31 : memref<!tpu.dma_semaphore, #tpu.memory_space<semaphore_mem>>)
    %add3A_29 = arith.constant 160 : i32
    %add3A_30 = arith.addi %mul3A_6, %add3A_29 : i32
    %multiple_of3A_31 = tpu.assume_multiple %add3A_30, 16 : i32
    %dma_start3A_32 = tpu.memref_slice %arg4[%multiple_of3A_31] : memref<320240xi32, #tpu.memory_space<hbm>> -> memref<80xi32, #tpu.memory_space<hbm>>
    %dma_start3A_33 = tpu.memref_slice %arg4[%multiple_of3A_31] : memref<320240xi32, #tpu.memory_space<hbm>> -> memref<80xi32, #tpu.memory_space<hbm>>
    tpu.enqueue_dma source(%dma_start3A_33 : memref<80xi32, #tpu.memory_space<hbm>>) target(%arg16 : memref<80xi32, #tpu.memory_space<vmem>>) target_semaphore(%arg31 : memref<!tpu.dma_semaphore, #tpu.memory_space<semaphore_mem>>)
    %add3A_34 = arith.constant 80 : i32
    %add3A_35 = arith.addi %mul3A_6, %add3A_34 : i32
    %multiple_of3A_36 = tpu.assume_multiple %add3A_35, 16 : i32
    %dma_wait3A = tpu.memref_slice %arg3[%multiple_of3A_36] : memref<320240xi32, #tpu.memory_space<hbm>> -> memref<80xi32, #tpu.memory_space<hbm>>
    %dma_wait3A_37 = tpu.memref_slice %arg3[%multiple_of3A_36] : memref<320240xi32, #tpu.memory_space<hbm>> -> memref<80xi32, #tpu.memory_space<hbm>>
    tpu.wait_dma2 semaphore(%arg30 : memref<!tpu.dma_semaphore, #tpu.memory_space<semaphore_mem>>) src(%dma_wait3A_37 : memref<80xi32, #tpu.memory_space<hbm>>) dst(%arg9 : memref<80xi32, #tpu.memory_space<vmem>>)
    %add3A_38 = arith.constant 80 : i32
    %add3A_39 = arith.addi %mul3A_6, %add3A_38 : i32
    %multiple_of3A_40 = tpu.assume_multiple %add3A_39, 16 : i32
    %dma_wait3A_41 = tpu.memref_slice %arg4[%multiple_of3A_40] : memref<320240xi32, #tpu.memory_space<hbm>> -> memref<80xi32, #tpu.memory_space<hbm>>
    %dma_wait3A_42 = tpu.memref_slice %arg4[%multiple_of3A_40] : memref<320240xi32, #tpu.memory_space<hbm>> -> memref<80xi32, #tpu.memory_space<hbm>>
    tpu.wait_dma2 semaphore(%arg30 : memref<!tpu.dma_semaphore, #tpu.memory_space<semaphore_mem>>) src(%dma_wait3A_42 : memref<80xi32, #tpu.memory_space<hbm>>) dst(%arg15 : memref<80xi32, #tpu.memory_space<vmem>>)
    %dma_start3A_43 = arith.constant 0 : i32
    %dma_start3A_44 = arith.constant 0 : i32
    %dma_start3A_45 = tpu.memref_slice %arg2[%dma_start3A_43, %dma_start3A_44] : memref<10000x128xf32, #tpu.memory_space<hbm>> -> memref<10000x128xf32, #tpu.memory_space<hbm>>
    tpu.enqueue_indirect_dma source(%dma_start3A_45 : memref<10000x128xf32, #tpu.memory_space<hbm>>) target(%arg21 : memref<80x128xf32, #tpu.memory_space<vmem>>) offsets(%arg9 : memref<80xi32, #tpu.memory_space<vmem>>) semaphore(%arg24 : memref<!tpu.dma_semaphore, #tpu.memory_space<semaphore_mem>>)
    %dma_wait3A_46 = arith.constant 0 : i32
    %dma_wait3A_47 = arith.constant 0 : i32
    %dma_wait3A_48 = tpu.memref_slice %arg2[%dma_wait3A_46, %dma_wait3A_47] : memref<10000x128xf32, #tpu.memory_space<hbm>> -> memref<10000x128xf32, #tpu.memory_space<hbm>>
    tpu.wait_indirect_dma semaphore(%arg23 : memref<!tpu.dma_semaphore, #tpu.memory_space<semaphore_mem>>) src(%dma_wait3A_48 : memref<10000x128xf32, #tpu.memory_space<hbm>>) dst(%arg20 : memref<80x128xf32, #tpu.memory_space<vmem>>)
    %dma_start3A_49 = arith.constant 0 : i32
    %dma_start3A_50 = arith.constant 0 : i32
    %dma_start3A_51 = tpu.memref_slice %arg7[%dma_start3A_49, %dma_start3A_50] : memref<10000x128xf32, #tpu.memory_space<vmem_shared>> -> memref<10000x128xf32, #tpu.memory_space<vmem_shared>>
    tpu.enqueue_indirect_dma source(%arg20 : memref<80x128xf32, #tpu.memory_space<vmem>>) target(%dma_start3A_51 : memref<10000x128xf32, #tpu.memory_space<vmem_shared>>) offsets(%arg14 : memref<80xi32, #tpu.memory_space<vmem>>) semaphore(%arg26 : memref<!tpu.dma_semaphore, #tpu.memory_space<semaphore_mem>>) {add = true}
    %add3A_52 = arith.constant 240 : i32
    %add3A_53 = arith.addi %mul3A_6, %add3A_52 : i32
    %multiple_of3A_54 = tpu.assume_multiple %add3A_53, 16 : i32
    %dma_start3A_55 = tpu.memref_slice %arg3[%multiple_of3A_54] : memref<320240xi32, #tpu.memory_space<hbm>> -> memref<80xi32, #tpu.memory_space<hbm>>
    %dma_start3A_56 = tpu.memref_slice %arg3[%multiple_of3A_54] : memref<320240xi32, #tpu.memory_space<hbm>> -> memref<80xi32, #tpu.memory_space<hbm>>
    tpu.enqueue_dma source(%dma_start3A_56 : memref<80xi32, #tpu.memory_space<hbm>>) target(%arg11 : memref<80xi32, #tpu.memory_space<vmem>>) target_semaphore(%arg32 : memref<!tpu.dma_semaphore, #tpu.memory_space<semaphore_mem>>)
    %add3A_57 = arith.constant 240 : i32
    %add3A_58 = arith.addi %mul3A_6, %add3A_57 : i32
    %multiple_of3A_59 = tpu.assume_multiple %add3A_58, 16 : i32
    %dma_start3A_60 = tpu.memref_slice %arg4[%multiple_of3A_59] : memref<320240xi32, #tpu.memory_space<hbm>> -> memref<80xi32, #tpu.memory_space<hbm>>
    %dma_start3A_61 = tpu.memref_slice %arg4[%multiple_of3A_59] : memref<320240xi32, #tpu.memory_space<hbm>> -> memref<80xi32, #tpu.memory_space<hbm>>
    tpu.enqueue_dma source(%dma_start3A_61 : memref<80xi32, #tpu.memory_space<hbm>>) target(%arg17 : memref<80xi32, #tpu.memory_space<vmem>>) target_semaphore(%arg32 : memref<!tpu.dma_semaphore, #tpu.memory_space<semaphore_mem>>)
    %add3A_62 = arith.constant 160 : i32
    %add3A_63 = arith.addi %mul3A_6, %add3A_62 : i32
    %multiple_of3A_64 = tpu.assume_multiple %add3A_63, 16 : i32
    %dma_wait3A_65 = tpu.memref_slice %arg3[%multiple_of3A_64] : memref<320240xi32, #tpu.memory_space<hbm>> -> memref<80xi32, #tpu.memory_space<hbm>>
    %dma_wait3A_66 = tpu.memref_slice %arg3[%multiple_of3A_64] : memref<320240xi32, #tpu.memory_space<hbm>> -> memref<80xi32, #tpu.memory_space<hbm>>
    tpu.wait_dma2 semaphore(%arg31 : memref<!tpu.dma_semaphore, #tpu.memory_space<semaphore_mem>>) src(%dma_wait3A_66 : memref<80xi32, #tpu.memory_space<hbm>>) dst(%arg10 : memref<80xi32, #tpu.memory_space<vmem>>)
    %add3A_67 = arith.constant 160 : i32
    %add3A_68 = arith.addi %mul3A_6, %add3A_67 : i32
    %multiple_of3A_69 = tpu.assume_multiple %add3A_68, 16 : i32
    %dma_wait3A_70 = tpu.memref_slice %arg4[%multiple_of3A_69] : memref<320240xi32, #tpu.memory_space<hbm>> -> memref<80xi32, #tpu.memory_space<hbm>>
    %dma_wait3A_71 = tpu.memref_slice %arg4[%multiple_of3A_69] : memref<320240xi32, #tpu.memory_space<hbm>> -> memref<80xi32, #tpu.memory_space<hbm>>
    tpu.wait_dma2 semaphore(%arg31 : memref<!tpu.dma_semaphore, #tpu.memory_space<semaphore_mem>>) src(%dma_wait3A_71 : memref<80xi32, #tpu.memory_space<hbm>>) dst(%arg16 : memref<80xi32, #tpu.memory_space<vmem>>)
    %dma_start3A_72 = arith.constant 0 : i32
    %dma_start3A_73 = arith.constant 0 : i32
    %dma_start3A_74 = tpu.memref_slice %arg2[%dma_start3A_72, %dma_start3A_73] : memref<10000x128xf32, #tpu.memory_space<hbm>> -> memref<10000x128xf32, #tpu.memory_space<hbm>>
    tpu.enqueue_indirect_dma source(%dma_start3A_74 : memref<10000x128xf32, #tpu.memory_space<hbm>>) target(%arg22 : memref<80x128xf32, #tpu.memory_space<vmem>>) offsets(%arg10 : memref<80xi32, #tpu.memory_space<vmem>>) semaphore(%arg25 : memref<!tpu.dma_semaphore, #tpu.memory_space<semaphore_mem>>)
    %dma_wait3A_75 = arith.constant 0 : i32
    %dma_wait3A_76 = arith.constant 0 : i32
    %dma_wait3A_77 = tpu.memref_slice %arg2[%dma_wait3A_75, %dma_wait3A_76] : memref<10000x128xf32, #tpu.memory_space<hbm>> -> memref<10000x128xf32, #tpu.memory_space<hbm>>
    tpu.wait_indirect_dma semaphore(%arg24 : memref<!tpu.dma_semaphore, #tpu.memory_space<semaphore_mem>>) src(%dma_wait3A_77 : memref<10000x128xf32, #tpu.memory_space<hbm>>) dst(%arg21 : memref<80x128xf32, #tpu.memory_space<vmem>>)
    %dma_start3A_78 = arith.constant 0 : i32
    %dma_start3A_79 = arith.constant 0 : i32
    %dma_start3A_80 = tpu.memref_slice %arg7[%dma_start3A_78, %dma_start3A_79] : memref<10000x128xf32, #tpu.memory_space<vmem_shared>> -> memref<10000x128xf32, #tpu.memory_space<vmem_shared>>
    tpu.enqueue_indirect_dma source(%arg21 : memref<80x128xf32, #tpu.memory_space<vmem>>) target(%dma_start3A_80 : memref<10000x128xf32, #tpu.memory_space<vmem_shared>>) offsets(%arg15 : memref<80xi32, #tpu.memory_space<vmem>>) semaphore(%arg27 : memref<!tpu.dma_semaphore, #tpu.memory_space<semaphore_mem>>) {add = true}
    %add3A_81 = arith.constant 320 : i32
    %add3A_82 = arith.addi %mul3A_6, %add3A_81 : i32
    %multiple_of3A_83 = tpu.assume_multiple %add3A_82, 16 : i32
    %dma_start3A_84 = tpu.memref_slice %arg3[%multiple_of3A_83] : memref<320240xi32, #tpu.memory_space<hbm>> -> memref<80xi32, #tpu.memory_space<hbm>>
    %dma_start3A_85 = tpu.memref_slice %arg3[%multiple_of3A_83] : memref<320240xi32, #tpu.memory_space<hbm>> -> memref<80xi32, #tpu.memory_space<hbm>>
    tpu.enqueue_dma source(%dma_start3A_85 : memref<80xi32, #tpu.memory_space<hbm>>) target(%arg12 : memref<80xi32, #tpu.memory_space<vmem>>) target_semaphore(%arg33 : memref<!tpu.dma_semaphore, #tpu.memory_space<semaphore_mem>>)
    %add3A_86 = arith.constant 320 : i32
    %add3A_87 = arith.addi %mul3A_6, %add3A_86 : i32
    %multiple_of3A_88 = tpu.assume_multiple %add3A_87, 16 : i32
    %dma_start3A_89 = tpu.memref_slice %arg4[%multiple_of3A_88] : memref<320240xi32, #tpu.memory_space<hbm>> -> memref<80xi32, #tpu.memory_space<hbm>>
    %dma_start3A_90 = tpu.memref_slice %arg4[%multiple_of3A_88] : memref<320240xi32, #tpu.memory_space<hbm>> -> memref<80xi32, #tpu.memory_space<hbm>>
    tpu.enqueue_dma source(%dma_start3A_90 : memref<80xi32, #tpu.memory_space<hbm>>) target(%arg18 : memref<80xi32, #tpu.memory_space<vmem>>) target_semaphore(%arg33 : memref<!tpu.dma_semaphore, #tpu.memory_space<semaphore_mem>>)
    %add3A_91 = arith.constant 240 : i32
    %add3A_92 = arith.addi %mul3A_6, %add3A_91 : i32
    %multiple_of3A_93 = tpu.assume_multiple %add3A_92, 16 : i32
    %dma_wait3A_94 = tpu.memref_slice %arg3[%multiple_of3A_93] : memref<320240xi32, #tpu.memory_space<hbm>> -> memref<80xi32, #tpu.memory_space<hbm>>
    %dma_wait3A_95 = tpu.memref_slice %arg3[%multiple_of3A_93] : memref<320240xi32, #tpu.memory_space<hbm>> -> memref<80xi32, #tpu.memory_space<hbm>>
    tpu.wait_dma2 semaphore(%arg32 : memref<!tpu.dma_semaphore, #tpu.memory_space<semaphore_mem>>) src(%dma_wait3A_95 : memref<80xi32, #tpu.memory_space<hbm>>) dst(%arg11 : memref<80xi32, #tpu.memory_space<vmem>>)
    %add3A_96 = arith.constant 240 : i32
    %add3A_97 = arith.addi %mul3A_6, %add3A_96 : i32
    %multiple_of3A_98 = tpu.assume_multiple %add3A_97, 16 : i32
    %dma_wait3A_99 = tpu.memref_slice %arg4[%multiple_of3A_98] : memref<320240xi32, #tpu.memory_space<hbm>> -> memref<80xi32, #tpu.memory_space<hbm>>
    %dma_wait3A_100 = tpu.memref_slice %arg4[%multiple_of3A_98] : memref<320240xi32, #tpu.memory_space<hbm>> -> memref<80xi32, #tpu.memory_space<hbm>>
    tpu.wait_dma2 semaphore(%arg32 : memref<!tpu.dma_semaphore, #tpu.memory_space<semaphore_mem>>) src(%dma_wait3A_100 : memref<80xi32, #tpu.memory_space<hbm>>) dst(%arg17 : memref<80xi32, #tpu.memory_space<vmem>>)
    %dma_wait3A_101 = arith.constant 0 : i32
    %dma_wait3A_102 = arith.constant 0 : i32
    %dma_wait3A_103 = tpu.memref_slice %arg7[%dma_wait3A_101, %dma_wait3A_102] : memref<10000x128xf32, #tpu.memory_space<vmem_shared>> -> memref<10000x128xf32, #tpu.memory_space<vmem_shared>>
    tpu.wait_indirect_dma semaphore(%arg26 : memref<!tpu.dma_semaphore, #tpu.memory_space<semaphore_mem>>) src(%arg20 : memref<80x128xf32, #tpu.memory_space<vmem>>) dst(%dma_wait3A_103 : memref<10000x128xf32, #tpu.memory_space<vmem_shared>>)
    %dma_start3A_104 = arith.constant 0 : i32
    %dma_start3A_105 = arith.constant 0 : i32
    %dma_start3A_106 = tpu.memref_slice %arg2[%dma_start3A_104, %dma_start3A_105] : memref<10000x128xf32, #tpu.memory_space<hbm>> -> memref<10000x128xf32, #tpu.memory_space<hbm>>
    tpu.enqueue_indirect_dma source(%dma_start3A_106 : memref<10000x128xf32, #tpu.memory_space<hbm>>) target(%arg20 : memref<80x128xf32, #tpu.memory_space<vmem>>) offsets(%arg11 : memref<80xi32, #tpu.memory_space<vmem>>) semaphore(%arg23 : memref<!tpu.dma_semaphore, #tpu.memory_space<semaphore_mem>>)
    %dma_wait3A_107 = arith.constant 0 : i32
    %dma_wait3A_108 = arith.constant 0 : i32
    %dma_wait3A_109 = tpu.memref_slice %arg2[%dma_wait3A_107, %dma_wait3A_108] : memref<10000x128xf32, #tpu.memory_space<hbm>> -> memref<10000x128xf32, #tpu.memory_space<hbm>>
    tpu.wait_indirect_dma semaphore(%arg25 : memref<!tpu.dma_semaphore, #tpu.memory_space<semaphore_mem>>) src(%dma_wait3A_109 : memref<10000x128xf32, #tpu.memory_space<hbm>>) dst(%arg22 : memref<80x128xf32, #tpu.memory_space<vmem>>)
    %dma_start3A_110 = arith.constant 0 : i32
    %dma_start3A_111 = arith.constant 0 : i32
    %dma_start3A_112 = tpu.memref_slice %arg7[%dma_start3A_110, %dma_start3A_111] : memref<10000x128xf32, #tpu.memory_space<vmem_shared>> -> memref<10000x128xf32, #tpu.memory_space<vmem_shared>>
    tpu.enqueue_indirect_dma source(%arg22 : memref<80x128xf32, #tpu.memory_space<vmem>>) target(%dma_start3A_112 : memref<10000x128xf32, #tpu.memory_space<vmem_shared>>) offsets(%arg16 : memref<80xi32, #tpu.memory_space<vmem>>) semaphore(%arg28 : memref<!tpu.dma_semaphore, #tpu.memory_space<semaphore_mem>>) {add = true}
    %add3A_113 = arith.constant 400 : i32
    %add3A_114 = arith.addi %mul3A_6, %add3A_113 : i32
    %multiple_of3A_115 = tpu.assume_multiple %add3A_114, 16 : i32
    %dma_start3A_116 = tpu.memref_slice %arg3[%multiple_of3A_115] : memref<320240xi32, #tpu.memory_space<hbm>> -> memref<80xi32, #tpu.memory_space<hbm>>
    %dma_start3A_117 = tpu.memref_slice %arg3[%multiple_of3A_115] : memref<320240xi32, #tpu.memory_space<hbm>> -> memref<80xi32, #tpu.memory_space<hbm>>
    tpu.enqueue_dma source(%dma_start3A_117 : memref<80xi32, #tpu.memory_space<hbm>>) target(%arg13 : memref<80xi32, #tpu.memory_space<vmem>>) target_semaphore(%arg34 : memref<!tpu.dma_semaphore, #tpu.memory_space<semaphore_mem>>)
    %add3A_118 = arith.constant 400 : i32
    %add3A_119 = arith.addi %mul3A_6, %add3A_118 : i32
    %multiple_of3A_120 = tpu.assume_multiple %add3A_119, 16 : i32
    %dma_start3A_121 = tpu.memref_slice %arg4[%multiple_of3A_120] : memref<320240xi32, #tpu.memory_space<hbm>> -> memref<80xi32, #tpu.memory_space<hbm>>
    %dma_start3A_122 = tpu.memref_slice %arg4[%multiple_of3A_120] : memref<320240xi32, #tpu.memory_space<hbm>> -> memref<80xi32, #tpu.memory_space<hbm>>
    tpu.enqueue_dma source(%dma_start3A_122 : memref<80xi32, #tpu.memory_space<hbm>>) target(%arg19 : memref<80xi32, #tpu.memory_space<vmem>>) target_semaphore(%arg34 : memref<!tpu.dma_semaphore, #tpu.memory_space<semaphore_mem>>)
    %add3A_123 = arith.constant 320 : i32
    %add3A_124 = arith.addi %mul3A_6, %add3A_123 : i32
    %multiple_of3A_125 = tpu.assume_multiple %add3A_124, 16 : i32
    %dma_wait3A_126 = tpu.memref_slice %arg3[%multiple_of3A_125] : memref<320240xi32, #tpu.memory_space<hbm>> -> memref<80xi32, #tpu.memory_space<hbm>>
    %dma_wait3A_127 = tpu.memref_slice %arg3[%multiple_of3A_125] : memref<320240xi32, #tpu.memory_space<hbm>> -> memref<80xi32, #tpu.memory_space<hbm>>
    tpu.wait_dma2 semaphore(%arg33 : memref<!tpu.dma_semaphore, #tpu.memory_space<semaphore_mem>>) src(%dma_wait3A_127 : memref<80xi32, #tpu.memory_space<hbm>>) dst(%arg12 : memref<80xi32, #tpu.memory_space<vmem>>)
    %add3A_128 = arith.constant 320 : i32
    %add3A_129 = arith.addi %mul3A_6, %add3A_128 : i32
    %multiple_of3A_130 = tpu.assume_multiple %add3A_129, 16 : i32
    %dma_wait3A_131 = tpu.memref_slice %arg4[%multiple_of3A_130] : memref<320240xi32, #tpu.memory_space<hbm>> -> memref<80xi32, #tpu.memory_space<hbm>>
    %dma_wait3A_132 = tpu.memref_slice %arg4[%multiple_of3A_130] : memref<320240xi32, #tpu.memory_space<hbm>> -> memref<80xi32, #tpu.memory_space<hbm>>
    tpu.wait_dma2 semaphore(%arg33 : memref<!tpu.dma_semaphore, #tpu.memory_space<semaphore_mem>>) src(%dma_wait3A_132 : memref<80xi32, #tpu.memory_space<hbm>>) dst(%arg18 : memref<80xi32, #tpu.memory_space<vmem>>)
    %dma_wait3A_133 = arith.constant 0 : i32
    %dma_wait3A_134 = arith.constant 0 : i32
    %dma_wait3A_135 = tpu.memref_slice %arg7[%dma_wait3A_133, %dma_wait3A_134] : memref<10000x128xf32, #tpu.memory_space<vmem_shared>> -> memref<10000x128xf32, #tpu.memory_space<vmem_shared>>
    tpu.wait_indirect_dma semaphore(%arg27 : memref<!tpu.dma_semaphore, #tpu.memory_space<semaphore_mem>>) src(%arg21 : memref<80x128xf32, #tpu.memory_space<vmem>>) dst(%dma_wait3A_135 : memref<10000x128xf32, #tpu.memory_space<vmem_shared>>)
    %dma_start3A_136 = arith.constant 0 : i32
    %dma_start3A_137 = arith.constant 0 : i32
    %dma_start3A_138 = tpu.memref_slice %arg2[%dma_start3A_136, %dma_start3A_137] : memref<10000x128xf32, #tpu.memory_space<hbm>> -> memref<10000x128xf32, #tpu.memory_space<hbm>>
    tpu.enqueue_indirect_dma source(%dma_start3A_138 : memref<10000x128xf32, #tpu.memory_space<hbm>>) target(%arg21 : memref<80x128xf32, #tpu.memory_space<vmem>>) offsets(%arg12 : memref<80xi32, #tpu.memory_space<vmem>>) semaphore(%arg24 : memref<!tpu.dma_semaphore, #tpu.memory_space<semaphore_mem>>)
    %dma_wait3A_139 = arith.constant 0 : i32
    %dma_wait3A_140 = arith.constant 0 : i32
    %dma_wait3A_141 = tpu.memref_slice %arg2[%dma_wait3A_139, %dma_wait3A_140] : memref<10000x128xf32, #tpu.memory_space<hbm>> -> memref<10000x128xf32, #tpu.memory_space<hbm>>
    tpu.wait_indirect_dma semaphore(%arg23 : memref<!tpu.dma_semaphore, #tpu.memory_space<semaphore_mem>>) src(%dma_wait3A_141 : memref<10000x128xf32, #tpu.memory_space<hbm>>) dst(%arg20 : memref<80x128xf32, #tpu.memory_space<vmem>>)
    %dma_start3A_142 = arith.constant 0 : i32
    %dma_start3A_143 = arith.constant 0 : i32
    %dma_start3A_144 = tpu.memref_slice %arg7[%dma_start3A_142, %dma_start3A_143] : memref<10000x128xf32, #tpu.memory_space<vmem_shared>> -> memref<10000x128xf32, #tpu.memory_space<vmem_shared>>
    tpu.enqueue_indirect_dma source(%arg20 : memref<80x128xf32, #tpu.memory_space<vmem>>) target(%dma_start3A_144 : memref<10000x128xf32, #tpu.memory_space<vmem_shared>>) offsets(%arg17 : memref<80xi32, #tpu.memory_space<vmem>>) semaphore(%arg26 : memref<!tpu.dma_semaphore, #tpu.memory_space<semaphore_mem>>) {add = true}
    %add3A_145 = arith.constant 480 : i32
    %add3A_146 = arith.addi %mul3A_6, %add3A_145 : i32
    %multiple_of3A_147 = tpu.assume_multiple %add3A_146, 16 : i32
    %dma_start3A_148 = tpu.memref_slice %arg3[%multiple_of3A_147] : memref<320240xi32, #tpu.memory_space<hbm>> -> memref<80xi32, #tpu.memory_space<hbm>>
    %dma_start3A_149 = tpu.memref_slice %arg3[%multiple_of3A_147] : memref<320240xi32, #tpu.memory_space<hbm>> -> memref<80xi32, #tpu.memory_space<hbm>>
    tpu.enqueue_dma source(%dma_start3A_149 : memref<80xi32, #tpu.memory_space<hbm>>) target(%arg8 : memref<80xi32, #tpu.memory_space<vmem>>) target_semaphore(%arg29 : memref<!tpu.dma_semaphore, #tpu.memory_space<semaphore_mem>>)
    %add3A_150 = arith.constant 480 : i32
    %add3A_151 = arith.addi %mul3A_6, %add3A_150 : i32
    %multiple_of3A_152 = tpu.assume_multiple %add3A_151, 16 : i32
    %dma_start3A_153 = tpu.memref_slice %arg4[%multiple_of3A_152] : memref<320240xi32, #tpu.memory_space<hbm>> -> memref<80xi32, #tpu.memory_space<hbm>>
    %dma_start3A_154 = tpu.memref_slice %arg4[%multiple_of3A_152] : memref<320240xi32, #tpu.memory_space<hbm>> -> memref<80xi32, #tpu.memory_space<hbm>>
    tpu.enqueue_dma source(%dma_start3A_154 : memref<80xi32, #tpu.memory_space<hbm>>) target(%arg14 : memref<80xi32, #tpu.memory_space<vmem>>) target_semaphore(%arg29 : memref<!tpu.dma_semaphore, #tpu.memory_space<semaphore_mem>>)
    %add3A_155 = arith.constant 560 : i32
    %add3A_156 = arith.addi %mul3A_6, %add3A_155 : i32
    %multiple_of3A_157 = tpu.assume_multiple %add3A_156, 16 : i32
    %dma_start3A_158 = tpu.memref_slice %arg3[%multiple_of3A_157] : memref<320240xi32, #tpu.memory_space<hbm>> -> memref<80xi32, #tpu.memory_space<hbm>>
    %dma_start3A_159 = tpu.memref_slice %arg3[%multiple_of3A_157] : memref<320240xi32, #tpu.memory_space<hbm>> -> memref<80xi32, #tpu.memory_space<hbm>>
    tpu.enqueue_dma source(%dma_start3A_159 : memref<80xi32, #tpu.memory_space<hbm>>) target(%arg9 : memref<80xi32, #tpu.memory_space<vmem>>) target_semaphore(%arg30 : memref<!tpu.dma_semaphore, #tpu.memory_space<semaphore_mem>>)
    %add3A_160 = arith.constant 560 : i32
    %add3A_161 = arith.addi %mul3A_6, %add3A_160 : i32
    %multiple_of3A_162 = tpu.assume_multiple %add3A_161, 16 : i32
    %dma_start3A_163 = tpu.memref_slice %arg4[%multiple_of3A_162] : memref<320240xi32, #tpu.memory_space<hbm>> -> memref<80xi32, #tpu.memory_space<hbm>>
    %dma_start3A_164 = tpu.memref_slice %arg4[%multiple_of3A_162] : memref<320240xi32, #tpu.memory_space<hbm>> -> memref<80xi32, #tpu.memory_space<hbm>>
    tpu.enqueue_dma source(%dma_start3A_164 : memref<80xi32, #tpu.memory_space<hbm>>) target(%arg15 : memref<80xi32, #tpu.memory_space<vmem>>) target_semaphore(%arg30 : memref<!tpu.dma_semaphore, #tpu.memory_space<semaphore_mem>>)
    %scan3A = arith.constant 0 : i32
    %scan3A_165 = arith.constant 0 : i32
    %scan3A_166 = arith.constant 20 : i32
    %scan3A_167 = arith.addi %scan3A_165, %scan3A_166 : i32
    %scan3A_168 = arith.constant 1 : i32
    scf.for %scan3A_220 = %scan3A_165 to %scan3A_167 step %scan3A_168  : i32 {
      %mul3A_221 = arith.constant 6 : i32
      %mul3A_222 = arith.muli %mul3A_221, %scan3A_220 : i32
      %add3A_223 = arith.constant 5 : i32
      %add3A_224 = arith.addi %mul3A_222, %add3A_223 : i32
      %add3A_225 = arith.constant 0 : i32
      %add3A_226 = arith.addi %add3A_224, %add3A_225 : i32
      %mul3A_227 = arith.constant 80 : i32
      %mul3A_228 = arith.muli %add3A_226, %mul3A_227 : i32
      %add3A_229 = arith.addi %mul3A_6, %mul3A_228 : i32
      %multiple_of3A_230 = tpu.assume_multiple %add3A_229, 16 : i32
      %dma_wait3A_231 = tpu.memref_slice %arg3[%multiple_of3A_230] : memref<320240xi32, #tpu.memory_space<hbm>> -> memref<80xi32, #tpu.memory_space<hbm>>
      %dma_wait3A_232 = tpu.memref_slice %arg3[%multiple_of3A_230] : memref<320240xi32, #tpu.memory_space<hbm>> -> memref<80xi32, #tpu.memory_space<hbm>>
      tpu.wait_dma2 semaphore(%arg34 : memref<!tpu.dma_semaphore, #tpu.memory_space<semaphore_mem>>) src(%dma_wait3A_232 : memref<80xi32, #tpu.memory_space<hbm>>) dst(%arg13 : memref<80xi32, #tpu.memory_space<vmem>>)
      %mul3A_233 = arith.constant 80 : i32
      %mul3A_234 = arith.muli %add3A_226, %mul3A_233 : i32
      %add3A_235 = arith.addi %mul3A_6, %mul3A_234 : i32
      %multiple_of3A_236 = tpu.assume_multiple %add3A_235, 16 : i32
      %dma_wait3A_237 = tpu.memref_slice %arg4[%multiple_of3A_236] : memref<320240xi32, #tpu.memory_space<hbm>> -> memref<80xi32, #tpu.memory_space<hbm>>
      %dma_wait3A_238 = tpu.memref_slice %arg4[%multiple_of3A_236] : memref<320240xi32, #tpu.memory_space<hbm>> -> memref<80xi32, #tpu.memory_space<hbm>>
      tpu.wait_dma2 semaphore(%arg34 : memref<!tpu.dma_semaphore, #tpu.memory_space<semaphore_mem>>) src(%dma_wait3A_238 : memref<80xi32, #tpu.memory_space<hbm>>) dst(%arg19 : memref<80xi32, #tpu.memory_space<vmem>>)
      %dma_wait3A_239 = arith.constant 0 : i32
      %dma_wait3A_240 = arith.constant 0 : i32
      %dma_wait3A_241 = tpu.memref_slice %arg7[%dma_wait3A_239, %dma_wait3A_240] : memref<10000x128xf32, #tpu.memory_space<vmem_shared>> -> memref<10000x128xf32, #tpu.memory_space<vmem_shared>>
      tpu.wait_indirect_dma semaphore(%arg28 : memref<!tpu.dma_semaphore, #tpu.memory_space<semaphore_mem>>) src(%arg22 : memref<80x128xf32, #tpu.memory_space<vmem>>) dst(%dma_wait3A_241 : memref<10000x128xf32, #tpu.memory_space<vmem_shared>>)
      %add3A_242 = arith.constant 0 : i32
      %add3A_243 = arith.addi %add3A_224, %add3A_242 : i32
      %dma_start3A_244 = arith.constant 0 : i32
      %dma_start3A_245 = arith.constant 0 : i32
      %dma_start3A_246 = tpu.memref_slice %arg2[%dma_start3A_244, %dma_start3A_245] : memref<10000x128xf32, #tpu.memory_space<hbm>> -> memref<10000x128xf32, #tpu.memory_space<hbm>>
      tpu.enqueue_indirect_dma source(%dma_start3A_246 : memref<10000x128xf32, #tpu.memory_space<hbm>>) target(%arg22 : memref<80x128xf32, #tpu.memory_space<vmem>>) offsets(%arg13 : memref<80xi32, #tpu.memory_space<vmem>>) semaphore(%arg25 : memref<!tpu.dma_semaphore, #tpu.memory_space<semaphore_mem>>)
      %dma_wait3A_247 = arith.constant 0 : i32
      %dma_wait3A_248 = arith.constant 0 : i32
      %dma_wait3A_249 = tpu.memref_slice %arg2[%dma_wait3A_247, %dma_wait3A_248] : memref<10000x128xf32, #tpu.memory_space<hbm>> -> memref<10000x128xf32, #tpu.memory_space<hbm>>
      tpu.wait_indirect_dma semaphore(%arg24 : memref<!tpu.dma_semaphore, #tpu.memory_space<semaphore_mem>>) src(%dma_wait3A_249 : memref<10000x128xf32, #tpu.memory_space<hbm>>) dst(%arg21 : memref<80x128xf32, #tpu.memory_space<vmem>>)
      %dma_start3A_250 = arith.constant 0 : i32
      %dma_start3A_251 = arith.constant 0 : i32
      %dma_start3A_252 = tpu.memref_slice %arg7[%dma_start3A_250, %dma_start3A_251] : memref<10000x128xf32, #tpu.memory_space<vmem_shared>> -> memref<10000x128xf32, #tpu.memory_space<vmem_shared>>
      tpu.enqueue_indirect_dma source(%arg21 : memref<80x128xf32, #tpu.memory_space<vmem>>) target(%dma_start3A_252 : memref<10000x128xf32, #tpu.memory_space<vmem_shared>>) offsets(%arg18 : memref<80xi32, #tpu.memory_space<vmem>>) semaphore(%arg27 : memref<!tpu.dma_semaphore, #tpu.memory_space<semaphore_mem>>) {add = true}
      %add3A_253 = arith.constant 0 : i32
      %add3A_254 = arith.addi %add3A_224, %add3A_253 : i32
      %add3A_255 = arith.constant 3 : i32
      %add3A_256 = arith.addi %add3A_254, %add3A_255 : i32
      %mul3A_257 = arith.constant 80 : i32
      %mul3A_258 = arith.muli %add3A_256, %mul3A_257 : i32
      %add3A_259 = arith.addi %mul3A_6, %mul3A_258 : i32
      %multiple_of3A_260 = tpu.assume_multiple %add3A_259, 16 : i32
      %dma_start3A_261 = tpu.memref_slice %arg3[%multiple_of3A_260] : memref<320240xi32, #tpu.memory_space<hbm>> -> memref<80xi32, #tpu.memory_space<hbm>>
      %dma_start3A_262 = tpu.memref_slice %arg3[%multiple_of3A_260] : memref<320240xi32, #tpu.memory_space<hbm>> -> memref<80xi32, #tpu.memory_space<hbm>>
      tpu.enqueue_dma source(%dma_start3A_262 : memref<80xi32, #tpu.memory_space<hbm>>) target(%arg10 : memref<80xi32, #tpu.memory_space<vmem>>) target_semaphore(%arg31 : memref<!tpu.dma_semaphore, #tpu.memory_space<semaphore_mem>>)
      %mul3A_263 = arith.constant 80 : i32
      %mul3A_264 = arith.muli %add3A_256, %mul3A_263 : i32
      %add3A_265 = arith.addi %mul3A_6, %mul3A_264 : i32
      %multiple_of3A_266 = tpu.assume_multiple %add3A_265, 16 : i32
      %dma_start3A_267 = tpu.memref_slice %arg4[%multiple_of3A_266] : memref<320240xi32, #tpu.memory_space<hbm>> -> memref<80xi32, #tpu.memory_space<hbm>>
      %dma_start3A_268 = tpu.memref_slice %arg4[%multiple_of3A_266] : memref<320240xi32, #tpu.memory_space<hbm>> -> memref<80xi32, #tpu.memory_space<hbm>>
      tpu.enqueue_dma source(%dma_start3A_268 : memref<80xi32, #tpu.memory_space<hbm>>) target(%arg16 : memref<80xi32, #tpu.memory_space<vmem>>) target_semaphore(%arg31 : memref<!tpu.dma_semaphore, #tpu.memory_space<semaphore_mem>>)
      %add3A_269 = arith.constant 1 : i32
      %add3A_270 = arith.addi %add3A_224, %add3A_269 : i32
      %mul3A_271 = arith.constant 80 : i32
      %mul3A_272 = arith.muli %add3A_270, %mul3A_271 : i32
      %add3A_273 = arith.addi %mul3A_6, %mul3A_272 : i32
      %multiple_of3A_274 = tpu.assume_multiple %add3A_273, 16 : i32
      %dma_wait3A_275 = tpu.memref_slice %arg3[%multiple_of3A_274] : memref<320240xi32, #tpu.memory_space<hbm>> -> memref<80xi32, #tpu.memory_space<hbm>>
      %dma_wait3A_276 = tpu.memref_slice %arg3[%multiple_of3A_274] : memref<320240xi32, #tpu.memory_space<hbm>> -> memref<80xi32, #tpu.memory_space<hbm>>
      tpu.wait_dma2 semaphore(%arg29 : memref<!tpu.dma_semaphore, #tpu.memory_space<semaphore_mem>>) src(%dma_wait3A_276 : memref<80xi32, #tpu.memory_space<hbm>>) dst(%arg8 : memref<80xi32, #tpu.memory_space<vmem>>)
      %mul3A_277 = arith.constant 80 : i32
      %mul3A_278 = arith.muli %add3A_270, %mul3A_277 : i32
      %add3A_279 = arith.addi %mul3A_6, %mul3A_278 : i32
      %multiple_of3A_280 = tpu.assume_multiple %add3A_279, 16 : i32
      %dma_wait3A_281 = tpu.memref_slice %arg4[%multiple_of3A_280] : memref<320240xi32, #tpu.memory_space<hbm>> -> memref<80xi32, #tpu.memory_space<hbm>>
      %dma_wait3A_282 = tpu.memref_slice %arg4[%multiple_of3A_280] : memref<320240xi32, #tpu.memory_space<hbm>> -> memref<80xi32, #tpu.memory_space<hbm>>
      tpu.wait_dma2 semaphore(%arg29 : memref<!tpu.dma_semaphore, #tpu.memory_space<semaphore_mem>>) src(%dma_wait3A_282 : memref<80xi32, #tpu.memory_space<hbm>>) dst(%arg14 : memref<80xi32, #tpu.memory_space<vmem>>)
      %dma_wait3A_283 = arith.constant 0 : i32
      %dma_wait3A_284 = arith.constant 0 : i32
      %dma_wait3A_285 = tpu.memref_slice %arg7[%dma_wait3A_283, %dma_wait3A_284] : memref<10000x128xf32, #tpu.memory_space<vmem_shared>> -> memref<10000x128xf32, #tpu.memory_space<vmem_shared>>
      tpu.wait_indirect_dma semaphore(%arg26 : memref<!tpu.dma_semaphore, #tpu.memory_space<semaphore_mem>>) src(%arg20 : memref<80x128xf32, #tpu.memory_space<vmem>>) dst(%dma_wait3A_285 : memref<10000x128xf32, #tpu.memory_space<vmem_shared>>)
      %add3A_286 = arith.constant 1 : i32
      %add3A_287 = arith.addi %add3A_224, %add3A_286 : i32
      %dma_start3A_288 = arith.constant 0 : i32
      %dma_start3A_289 = arith.constant 0 : i32
      %dma_start3A_290 = tpu.memref_slice %arg2[%dma_start3A_288, %dma_start3A_289] : memref<10000x128xf32, #tpu.memory_space<hbm>> -> memref<10000x128xf32, #tpu.memory_space<hbm>>
      tpu.enqueue_indirect_dma source(%dma_start3A_290 : memref<10000x128xf32, #tpu.memory_space<hbm>>) target(%arg20 : memref<80x128xf32, #tpu.memory_space<vmem>>) offsets(%arg8 : memref<80xi32, #tpu.memory_space<vmem>>) semaphore(%arg23 : memref<!tpu.dma_semaphore, #tpu.memory_space<semaphore_mem>>)
      %dma_wait3A_291 = arith.constant 0 : i32
      %dma_wait3A_292 = arith.constant 0 : i32
      %dma_wait3A_293 = tpu.memref_slice %arg2[%dma_wait3A_291, %dma_wait3A_292] : memref<10000x128xf32, #tpu.memory_space<hbm>> -> memref<10000x128xf32, #tpu.memory_space<hbm>>
      tpu.wait_indirect_dma semaphore(%arg25 : memref<!tpu.dma_semaphore, #tpu.memory_space<semaphore_mem>>) src(%dma_wait3A_293 : memref<10000x128xf32, #tpu.memory_space<hbm>>) dst(%arg22 : memref<80x128xf32, #tpu.memory_space<vmem>>)
      %dma_start3A_294 = arith.constant 0 : i32
      %dma_start3A_295 = arith.constant 0 : i32
      %dma_start3A_296 = tpu.memref_slice %arg7[%dma_start3A_294, %dma_start3A_295] : memref<10000x128xf32, #tpu.memory_space<vmem_shared>> -> memref<10000x128xf32, #tpu.memory_space<vmem_shared>>
      tpu.enqueue_indirect_dma source(%arg22 : memref<80x128xf32, #tpu.memory_space<vmem>>) target(%dma_start3A_296 : memref<10000x128xf32, #tpu.memory_space<vmem_shared>>) offsets(%arg19 : memref<80xi32, #tpu.memory_space<vmem>>) semaphore(%arg28 : memref<!tpu.dma_semaphore, #tpu.memory_space<semaphore_mem>>) {add = true}
      %add3A_297 = arith.constant 1 : i32
      %add3A_298 = arith.addi %add3A_224, %add3A_297 : i32
      %add3A_299 = arith.constant 3 : i32
      %add3A_300 = arith.addi %add3A_298, %add3A_299 : i32
      %mul3A_301 = arith.constant 80 : i32
      %mul3A_302 = arith.muli %add3A_300, %mul3A_301 : i32
      %add3A_303 = arith.addi %mul3A_6, %mul3A_302 : i32
      %multiple_of3A_304 = tpu.assume_multiple %add3A_303, 16 : i32
      %dma_start3A_305 = tpu.memref_slice %arg3[%multiple_of3A_304] : memref<320240xi32, #tpu.memory_space<hbm>> -> memref<80xi32, #tpu.memory_space<hbm>>
      %dma_start3A_306 = tpu.memref_slice %arg3[%multiple_of3A_304] : memref<320240xi32, #tpu.memory_space<hbm>> -> memref<80xi32, #tpu.memory_space<hbm>>
      tpu.enqueue_dma source(%dma_start3A_306 : memref<80xi32, #tpu.memory_space<hbm>>) target(%arg11 : memref<80xi32, #tpu.memory_space<vmem>>) target_semaphore(%arg32 : memref<!tpu.dma_semaphore, #tpu.memory_space<semaphore_mem>>)
      %mul3A_307 = arith.constant 80 : i32
      %mul3A_308 = arith.muli %add3A_300, %mul3A_307 : i32
      %add3A_309 = arith.addi %mul3A_6, %mul3A_308 : i32
      %multiple_of3A_310 = tpu.assume_multiple %add3A_309, 16 : i32
      %dma_start3A_311 = tpu.memref_slice %arg4[%multiple_of3A_310] : memref<320240xi32, #tpu.memory_space<hbm>> -> memref<80xi32, #tpu.memory_space<hbm>>
      %dma_start3A_312 = tpu.memref_slice %arg4[%multiple_of3A_310] : memref<320240xi32, #tpu.memory_space<hbm>> -> memref<80xi32, #tpu.memory_space<hbm>>
      tpu.enqueue_dma source(%dma_start3A_312 : memref<80xi32, #tpu.memory_space<hbm>>) target(%arg17 : memref<80xi32, #tpu.memory_space<vmem>>) target_semaphore(%arg32 : memref<!tpu.dma_semaphore, #tpu.memory_space<semaphore_mem>>)
      %add3A_313 = arith.constant 2 : i32
      %add3A_314 = arith.addi %add3A_224, %add3A_313 : i32
      %mul3A_315 = arith.constant 80 : i32
      %mul3A_316 = arith.muli %add3A_314, %mul3A_315 : i32
      %add3A_317 = arith.addi %mul3A_6, %mul3A_316 : i32
      %multiple_of3A_318 = tpu.assume_multiple %add3A_317, 16 : i32
      %dma_wait3A_319 = tpu.memref_slice %arg3[%multiple_of3A_318] : memref<320240xi32, #tpu.memory_space<hbm>> -> memref<80xi32, #tpu.memory_space<hbm>>
      %dma_wait3A_320 = tpu.memref_slice %arg3[%multiple_of3A_318] : memref<320240xi32, #tpu.memory_space<hbm>> -> memref<80xi32, #tpu.memory_space<hbm>>
      tpu.wait_dma2 semaphore(%arg30 : memref<!tpu.dma_semaphore, #tpu.memory_space<semaphore_mem>>) src(%dma_wait3A_320 : memref<80xi32, #tpu.memory_space<hbm>>) dst(%arg9 : memref<80xi32, #tpu.memory_space<vmem>>)
      %mul3A_321 = arith.constant 80 : i32
      %mul3A_322 = arith.muli %add3A_314, %mul3A_321 : i32
      %add3A_323 = arith.addi %mul3A_6, %mul3A_322 : i32
      %multiple_of3A_324 = tpu.assume_multiple %add3A_323, 16 : i32
      %dma_wait3A_325 = tpu.memref_slice %arg4[%multiple_of3A_324] : memref<320240xi32, #tpu.memory_space<hbm>> -> memref<80xi32, #tpu.memory_space<hbm>>
      %dma_wait3A_326 = tpu.memref_slice %arg4[%multiple_of3A_324] : memref<320240xi32, #tpu.memory_space<hbm>> -> memref<80xi32, #tpu.memory_space<hbm>>
      tpu.wait_dma2 semaphore(%arg30 : memref<!tpu.dma_semaphore, #tpu.memory_space<semaphore_mem>>) src(%dma_wait3A_326 : memref<80xi32, #tpu.memory_space<hbm>>) dst(%arg15 : memref<80xi32, #tpu.memory_space<vmem>>)
      %dma_wait3A_327 = arith.constant 0 : i32
      %dma_wait3A_328 = arith.constant 0 : i32
      %dma_wait3A_329 = tpu.memref_slice %arg7[%dma_wait3A_327, %dma_wait3A_328] : memref<10000x128xf32, #tpu.memory_space<vmem_shared>> -> memref<10000x128xf32, #tpu.memory_space<vmem_shared>>
      tpu.wait_indirect_dma semaphore(%arg27 : memref<!tpu.dma_semaphore, #tpu.memory_space<semaphore_mem>>) src(%arg21 : memref<80x128xf32, #tpu.memory_space<vmem>>) dst(%dma_wait3A_329 : memref<10000x128xf32, #tpu.memory_space<vmem_shared>>)
      %add3A_330 = arith.constant 2 : i32
      %add3A_331 = arith.addi %add3A_224, %add3A_330 : i32
      %dma_start3A_332 = arith.constant 0 : i32
      %dma_start3A_333 = arith.constant 0 : i32
      %dma_start3A_334 = tpu.memref_slice %arg2[%dma_start3A_332, %dma_start3A_333] : memref<10000x128xf32, #tpu.memory_space<hbm>> -> memref<10000x128xf32, #tpu.memory_space<hbm>>
      tpu.enqueue_indirect_dma source(%dma_start3A_334 : memref<10000x128xf32, #tpu.memory_space<hbm>>) target(%arg21 : memref<80x128xf32, #tpu.memory_space<vmem>>) offsets(%arg9 : memref<80xi32, #tpu.memory_space<vmem>>) semaphore(%arg24 : memref<!tpu.dma_semaphore, #tpu.memory_space<semaphore_mem>>)
      %dma_wait3A_335 = arith.constant 0 : i32
      %dma_wait3A_336 = arith.constant 0 : i32
      %dma_wait3A_337 = tpu.memref_slice %arg2[%dma_wait3A_335, %dma_wait3A_336] : memref<10000x128xf32, #tpu.memory_space<hbm>> -> memref<10000x128xf32, #tpu.memory_space<hbm>>
      tpu.wait_indirect_dma semaphore(%arg23 : memref<!tpu.dma_semaphore, #tpu.memory_space<semaphore_mem>>) src(%dma_wait3A_337 : memref<10000x128xf32, #tpu.memory_space<hbm>>) dst(%arg20 : memref<80x128xf32, #tpu.memory_space<vmem>>)
      %dma_start3A_338 = arith.constant 0 : i32
      %dma_start3A_339 = arith.constant 0 : i32
      %dma_start3A_340 = tpu.memref_slice %arg7[%dma_start3A_338, %dma_start3A_339] : memref<10000x128xf32, #tpu.memory_space<vmem_shared>> -> memref<10000x128xf32, #tpu.memory_space<vmem_shared>>
      tpu.enqueue_indirect_dma source(%arg20 : memref<80x128xf32, #tpu.memory_space<vmem>>) target(%dma_start3A_340 : memref<10000x128xf32, #tpu.memory_space<vmem_shared>>) offsets(%arg14 : memref<80xi32, #tpu.memory_space<vmem>>) semaphore(%arg26 : memref<!tpu.dma_semaphore, #tpu.memory_space<semaphore_mem>>) {add = true}
      %add3A_341 = arith.constant 2 : i32
      %add3A_342 = arith.addi %add3A_224, %add3A_341 : i32
      %add3A_343 = arith.constant 3 : i32
      %add3A_344 = arith.addi %add3A_342, %add3A_343 : i32
      %mul3A_345 = arith.constant 80 : i32
      %mul3A_346 = arith.muli %add3A_344, %mul3A_345 : i32
      %add3A_347 = arith.addi %mul3A_6, %mul3A_346 : i32
      %multiple_of3A_348 = tpu.assume_multiple %add3A_347, 16 : i32
      %dma_start3A_349 = tpu.memref_slice %arg3[%multiple_of3A_348] : memref<320240xi32, #tpu.memory_space<hbm>> -> memref<80xi32, #tpu.memory_space<hbm>>
      %dma_start3A_350 = tpu.memref_slice %arg3[%multiple_of3A_348] : memref<320240xi32, #tpu.memory_space<hbm>> -> memref<80xi32, #tpu.memory_space<hbm>>
      tpu.enqueue_dma source(%dma_start3A_350 : memref<80xi32, #tpu.memory_space<hbm>>) target(%arg12 : memref<80xi32, #tpu.memory_space<vmem>>) target_semaphore(%arg33 : memref<!tpu.dma_semaphore, #tpu.memory_space<semaphore_mem>>)
      %mul3A_351 = arith.constant 80 : i32
      %mul3A_352 = arith.muli %add3A_344, %mul3A_351 : i32
      %add3A_353 = arith.addi %mul3A_6, %mul3A_352 : i32
      %multiple_of3A_354 = tpu.assume_multiple %add3A_353, 16 : i32
      %dma_start3A_355 = tpu.memref_slice %arg4[%multiple_of3A_354] : memref<320240xi32, #tpu.memory_space<hbm>> -> memref<80xi32, #tpu.memory_space<hbm>>
      %dma_start3A_356 = tpu.memref_slice %arg4[%multiple_of3A_354] : memref<320240xi32, #tpu.memory_space<hbm>> -> memref<80xi32, #tpu.memory_space<hbm>>
      tpu.enqueue_dma source(%dma_start3A_356 : memref<80xi32, #tpu.memory_space<hbm>>) target(%arg18 : memref<80xi32, #tpu.memory_space<vmem>>) target_semaphore(%arg33 : memref<!tpu.dma_semaphore, #tpu.memory_space<semaphore_mem>>)
      %add3A_357 = arith.constant 3 : i32
      %add3A_358 = arith.addi %add3A_224, %add3A_357 : i32
      %mul3A_359 = arith.constant 80 : i32
      %mul3A_360 = arith.muli %add3A_358, %mul3A_359 : i32
      %add3A_361 = arith.addi %mul3A_6, %mul3A_360 : i32
      %multiple_of3A_362 = tpu.assume_multiple %add3A_361, 16 : i32
      %dma_wait3A_363 = tpu.memref_slice %arg3[%multiple_of3A_362] : memref<320240xi32, #tpu.memory_space<hbm>> -> memref<80xi32, #tpu.memory_space<hbm>>
      %dma_wait3A_364 = tpu.memref_slice %arg3[%multiple_of3A_362] : memref<320240xi32, #tpu.memory_space<hbm>> -> memref<80xi32, #tpu.memory_space<hbm>>
      tpu.wait_dma2 semaphore(%arg31 : memref<!tpu.dma_semaphore, #tpu.memory_space<semaphore_mem>>) src(%dma_wait3A_364 : memref<80xi32, #tpu.memory_space<hbm>>) dst(%arg10 : memref<80xi32, #tpu.memory_space<vmem>>)
      %mul3A_365 = arith.constant 80 : i32
      %mul3A_366 = arith.muli %add3A_358, %mul3A_365 : i32
      %add3A_367 = arith.addi %mul3A_6, %mul3A_366 : i32
      %multiple_of3A_368 = tpu.assume_multiple %add3A_367, 16 : i32
      %dma_wait3A_369 = tpu.memref_slice %arg4[%multiple_of3A_368] : memref<320240xi32, #tpu.memory_space<hbm>> -> memref<80xi32, #tpu.memory_space<hbm>>
      %dma_wait3A_370 = tpu.memref_slice %arg4[%multiple_of3A_368] : memref<320240xi32, #tpu.memory_space<hbm>> -> memref<80xi32, #tpu.memory_space<hbm>>
      tpu.wait_dma2 semaphore(%arg31 : memref<!tpu.dma_semaphore, #tpu.memory_space<semaphore_mem>>) src(%dma_wait3A_370 : memref<80xi32, #tpu.memory_space<hbm>>) dst(%arg16 : memref<80xi32, #tpu.memory_space<vmem>>)
      %dma_wait3A_371 = arith.constant 0 : i32
      %dma_wait3A_372 = arith.constant 0 : i32
      %dma_wait3A_373 = tpu.memref_slice %arg7[%dma_wait3A_371, %dma_wait3A_372] : memref<10000x128xf32, #tpu.memory_space<vmem_shared>> -> memref<10000x128xf32, #tpu.memory_space<vmem_shared>>
      tpu.wait_indirect_dma semaphore(%arg28 : memref<!tpu.dma_semaphore, #tpu.memory_space<semaphore_mem>>) src(%arg22 : memref<80x128xf32, #tpu.memory_space<vmem>>) dst(%dma_wait3A_373 : memref<10000x128xf32, #tpu.memory_space<vmem_shared>>)
      %add3A_374 = arith.constant 3 : i32
      %add3A_375 = arith.addi %add3A_224, %add3A_374 : i32
      %dma_start3A_376 = arith.constant 0 : i32
      %dma_start3A_377 = arith.constant 0 : i32
      %dma_start3A_378 = tpu.memref_slice %arg2[%dma_start3A_376, %dma_start3A_377] : memref<10000x128xf32, #tpu.memory_space<hbm>> -> memref<10000x128xf32, #tpu.memory_space<hbm>>
      tpu.enqueue_indirect_dma source(%dma_start3A_378 : memref<10000x128xf32, #tpu.memory_space<hbm>>) target(%arg22 : memref<80x128xf32, #tpu.memory_space<vmem>>) offsets(%arg10 : memref<80xi32, #tpu.memory_space<vmem>>) semaphore(%arg25 : memref<!tpu.dma_semaphore, #tpu.memory_space<semaphore_mem>>)
      %dma_wait3A_379 = arith.constant 0 : i32
      %dma_wait3A_380 = arith.constant 0 : i32
      %dma_wait3A_381 = tpu.memref_slice %arg2[%dma_wait3A_379, %dma_wait3A_380] : memref<10000x128xf32, #tpu.memory_space<hbm>> -> memref<10000x128xf32, #tpu.memory_space<hbm>>
      tpu.wait_indirect_dma semaphore(%arg24 : memref<!tpu.dma_semaphore, #tpu.memory_space<semaphore_mem>>) src(%dma_wait3A_381 : memref<10000x128xf32, #tpu.memory_space<hbm>>) dst(%arg21 : memref<80x128xf32, #tpu.memory_space<vmem>>)
      %dma_start3A_382 = arith.constant 0 : i32
      %dma_start3A_383 = arith.constant 0 : i32
      %dma_start3A_384 = tpu.memref_slice %arg7[%dma_start3A_382, %dma_start3A_383] : memref<10000x128xf32, #tpu.memory_space<vmem_shared>> -> memref<10000x128xf32, #tpu.memory_space<vmem_shared>>
      tpu.enqueue_indirect_dma source(%arg21 : memref<80x128xf32, #tpu.memory_space<vmem>>) target(%dma_start3A_384 : memref<10000x128xf32, #tpu.memory_space<vmem_shared>>) offsets(%arg15 : memref<80xi32, #tpu.memory_space<vmem>>) semaphore(%arg27 : memref<!tpu.dma_semaphore, #tpu.memory_space<semaphore_mem>>) {add = true}
      %add3A_385 = arith.constant 3 : i32
      %add3A_386 = arith.addi %add3A_224, %add3A_385 : i32
      %add3A_387 = arith.constant 3 : i32
      %add3A_388 = arith.addi %add3A_386, %add3A_387 : i32
      %mul3A_389 = arith.constant 80 : i32
      %mul3A_390 = arith.muli %add3A_388, %mul3A_389 : i32
      %add3A_391 = arith.addi %mul3A_6, %mul3A_390 : i32
      %multiple_of3A_392 = tpu.assume_multiple %add3A_391, 16 : i32
      %dma_start3A_393 = tpu.memref_slice %arg3[%multiple_of3A_392] : memref<320240xi32, #tpu.memory_space<hbm>> -> memref<80xi32, #tpu.memory_space<hbm>>
      %dma_start3A_394 = tpu.memref_slice %arg3[%multiple_of3A_392] : memref<320240xi32, #tpu.memory_space<hbm>> -> memref<80xi32, #tpu.memory_space<hbm>>
      tpu.enqueue_dma source(%dma_start3A_394 : memref<80xi32, #tpu.memory_space<hbm>>) target(%arg13 : memref<80xi32, #tpu.memory_space<vmem>>) target_semaphore(%arg34 : memref<!tpu.dma_semaphore, #tpu.memory_space<semaphore_mem>>)
      %mul3A_395 = arith.constant 80 : i32
      %mul3A_396 = arith.muli %add3A_388, %mul3A_395 : i32
      %add3A_397 = arith.addi %mul3A_6, %mul3A_396 : i32
      %multiple_of3A_398 = tpu.assume_multiple %add3A_397, 16 : i32
      %dma_start3A_399 = tpu.memref_slice %arg4[%multiple_of3A_398] : memref<320240xi32, #tpu.memory_space<hbm>> -> memref<80xi32, #tpu.memory_space<hbm>>
      %dma_start3A_400 = tpu.memref_slice %arg4[%multiple_of3A_398] : memref<320240xi32, #tpu.memory_space<hbm>> -> memref<80xi32, #tpu.memory_space<hbm>>
      tpu.enqueue_dma source(%dma_start3A_400 : memref<80xi32, #tpu.memory_space<hbm>>) target(%arg19 : memref<80xi32, #tpu.memory_space<vmem>>) target_semaphore(%arg34 : memref<!tpu.dma_semaphore, #tpu.memory_space<semaphore_mem>>)
      %add3A_401 = arith.constant 4 : i32
      %add3A_402 = arith.addi %add3A_224, %add3A_401 : i32
      %mul3A_403 = arith.constant 80 : i32
      %mul3A_404 = arith.muli %add3A_402, %mul3A_403 : i32
      %add3A_405 = arith.addi %mul3A_6, %mul3A_404 : i32
      %multiple_of3A_406 = tpu.assume_multiple %add3A_405, 16 : i32
      %dma_wait3A_407 = tpu.memref_slice %arg3[%multiple_of3A_406] : memref<320240xi32, #tpu.memory_space<hbm>> -> memref<80xi32, #tpu.memory_space<hbm>>
      %dma_wait3A_408 = tpu.memref_slice %arg3[%multiple_of3A_406] : memref<320240xi32, #tpu.memory_space<hbm>> -> memref<80xi32, #tpu.memory_space<hbm>>
      tpu.wait_dma2 semaphore(%arg32 : memref<!tpu.dma_semaphore, #tpu.memory_space<semaphore_mem>>) src(%dma_wait3A_408 : memref<80xi32, #tpu.memory_space<hbm>>) dst(%arg11 : memref<80xi32, #tpu.memory_space<vmem>>)
      %mul3A_409 = arith.constant 80 : i32
      %mul3A_410 = arith.muli %add3A_402, %mul3A_409 : i32
      %add3A_411 = arith.addi %mul3A_6, %mul3A_410 : i32
      %multiple_of3A_412 = tpu.assume_multiple %add3A_411, 16 : i32
      %dma_wait3A_413 = tpu.memref_slice %arg4[%multiple_of3A_412] : memref<320240xi32, #tpu.memory_space<hbm>> -> memref<80xi32, #tpu.memory_space<hbm>>
      %dma_wait3A_414 = tpu.memref_slice %arg4[%multiple_of3A_412] : memref<320240xi32, #tpu.memory_space<hbm>> -> memref<80xi32, #tpu.memory_space<hbm>>
      tpu.wait_dma2 semaphore(%arg32 : memref<!tpu.dma_semaphore, #tpu.memory_space<semaphore_mem>>) src(%dma_wait3A_414 : memref<80xi32, #tpu.memory_space<hbm>>) dst(%arg17 : memref<80xi32, #tpu.memory_space<vmem>>)
      %dma_wait3A_415 = arith.constant 0 : i32
      %dma_wait3A_416 = arith.constant 0 : i32
      %dma_wait3A_417 = tpu.memref_slice %arg7[%dma_wait3A_415, %dma_wait3A_416] : memref<10000x128xf32, #tpu.memory_space<vmem_shared>> -> memref<10000x128xf32, #tpu.memory_space<vmem_shared>>
      tpu.wait_indirect_dma semaphore(%arg26 : memref<!tpu.dma_semaphore, #tpu.memory_space<semaphore_mem>>) src(%arg20 : memref<80x128xf32, #tpu.memory_space<vmem>>) dst(%dma_wait3A_417 : memref<10000x128xf32, #tpu.memory_space<vmem_shared>>)
      %add3A_418 = arith.constant 4 : i32
      %add3A_419 = arith.addi %add3A_224, %add3A_418 : i32
      %dma_start3A_420 = arith.constant 0 : i32
      %dma_start3A_421 = arith.constant 0 : i32
      %dma_start3A_422 = tpu.memref_slice %arg2[%dma_start3A_420, %dma_start3A_421] : memref<10000x128xf32, #tpu.memory_space<hbm>> -> memref<10000x128xf32, #tpu.memory_space<hbm>>
      tpu.enqueue_indirect_dma source(%dma_start3A_422 : memref<10000x128xf32, #tpu.memory_space<hbm>>) target(%arg20 : memref<80x128xf32, #tpu.memory_space<vmem>>) offsets(%arg11 : memref<80xi32, #tpu.memory_space<vmem>>) semaphore(%arg23 : memref<!tpu.dma_semaphore, #tpu.memory_space<semaphore_mem>>)
      %dma_wait3A_423 = arith.constant 0 : i32
      %dma_wait3A_424 = arith.constant 0 : i32
      %dma_wait3A_425 = tpu.memref_slice %arg2[%dma_wait3A_423, %dma_wait3A_424] : memref<10000x128xf32, #tpu.memory_space<hbm>> -> memref<10000x128xf32, #tpu.memory_space<hbm>>
      tpu.wait_indirect_dma semaphore(%arg25 : memref<!tpu.dma_semaphore, #tpu.memory_space<semaphore_mem>>) src(%dma_wait3A_425 : memref<10000x128xf32, #tpu.memory_space<hbm>>) dst(%arg22 : memref<80x128xf32, #tpu.memory_space<vmem>>)
      %dma_start3A_426 = arith.constant 0 : i32
      %dma_start3A_427 = arith.constant 0 : i32
      %dma_start3A_428 = tpu.memref_slice %arg7[%dma_start3A_426, %dma_start3A_427] : memref<10000x128xf32, #tpu.memory_space<vmem_shared>> -> memref<10000x128xf32, #tpu.memory_space<vmem_shared>>
      tpu.enqueue_indirect_dma source(%arg22 : memref<80x128xf32, #tpu.memory_space<vmem>>) target(%dma_start3A_428 : memref<10000x128xf32, #tpu.memory_space<vmem_shared>>) offsets(%arg16 : memref<80xi32, #tpu.memory_space<vmem>>) semaphore(%arg28 : memref<!tpu.dma_semaphore, #tpu.memory_space<semaphore_mem>>) {add = true}
      %add3A_429 = arith.constant 4 : i32
      %add3A_430 = arith.addi %add3A_224, %add3A_429 : i32
      %add3A_431 = arith.constant 3 : i32
      %add3A_432 = arith.addi %add3A_430, %add3A_431 : i32
      %mul3A_433 = arith.constant 80 : i32
      %mul3A_434 = arith.muli %add3A_432, %mul3A_433 : i32
      %add3A_435 = arith.addi %mul3A_6, %mul3A_434 : i32
      %multiple_of3A_436 = tpu.assume_multiple %add3A_435, 16 : i32
      %dma_start3A_437 = tpu.memref_slice %arg3[%multiple_of3A_436] : memref<320240xi32, #tpu.memory_space<hbm>> -> memref<80xi32, #tpu.memory_space<hbm>>
      %dma_start3A_438 = tpu.memref_slice %arg3[%multiple_of3A_436] : memref<320240xi32, #tpu.memory_space<hbm>> -> memref<80xi32, #tpu.memory_space<hbm>>
      tpu.enqueue_dma source(%dma_start3A_438 : memref<80xi32, #tpu.memory_space<hbm>>) target(%arg8 : memref<80xi32, #tpu.memory_space<vmem>>) target_semaphore(%arg29 : memref<!tpu.dma_semaphore, #tpu.memory_space<semaphore_mem>>)
      %mul3A_439 = arith.constant 80 : i32
      %mul3A_440 = arith.muli %add3A_432, %mul3A_439 : i32
      %add3A_441 = arith.addi %mul3A_6, %mul3A_440 : i32
      %multiple_of3A_442 = tpu.assume_multiple %add3A_441, 16 : i32
      %dma_start3A_443 = tpu.memref_slice %arg4[%multiple_of3A_442] : memref<320240xi32, #tpu.memory_space<hbm>> -> memref<80xi32, #tpu.memory_space<hbm>>
      %dma_start3A_444 = tpu.memref_slice %arg4[%multiple_of3A_442] : memref<320240xi32, #tpu.memory_space<hbm>> -> memref<80xi32, #tpu.memory_space<hbm>>
      tpu.enqueue_dma source(%dma_start3A_444 : memref<80xi32, #tpu.memory_space<hbm>>) target(%arg14 : memref<80xi32, #tpu.memory_space<vmem>>) target_semaphore(%arg29 : memref<!tpu.dma_semaphore, #tpu.memory_space<semaphore_mem>>)
      %add3A_445 = arith.constant 5 : i32
      %add3A_446 = arith.addi %add3A_224, %add3A_445 : i32
      %mul3A_447 = arith.constant 80 : i32
      %mul3A_448 = arith.muli %add3A_446, %mul3A_447 : i32
      %add3A_449 = arith.addi %mul3A_6, %mul3A_448 : i32
      %multiple_of3A_450 = tpu.assume_multiple %add3A_449, 16 : i32
      %dma_wait3A_451 = tpu.memref_slice %arg3[%multiple_of3A_450] : memref<320240xi32, #tpu.memory_space<hbm>> -> memref<80xi32, #tpu.memory_space<hbm>>
      %dma_wait3A_452 = tpu.memref_slice %arg3[%multiple_of3A_450] : memref<320240xi32, #tpu.memory_space<hbm>> -> memref<80xi32, #tpu.memory_space<hbm>>
      tpu.wait_dma2 semaphore(%arg33 : memref<!tpu.dma_semaphore, #tpu.memory_space<semaphore_mem>>) src(%dma_wait3A_452 : memref<80xi32, #tpu.memory_space<hbm>>) dst(%arg12 : memref<80xi32, #tpu.memory_space<vmem>>)
      %mul3A_453 = arith.constant 80 : i32
      %mul3A_454 = arith.muli %add3A_446, %mul3A_453 : i32
      %add3A_455 = arith.addi %mul3A_6, %mul3A_454 : i32
      %multiple_of3A_456 = tpu.assume_multiple %add3A_455, 16 : i32
      %dma_wait3A_457 = tpu.memref_slice %arg4[%multiple_of3A_456] : memref<320240xi32, #tpu.memory_space<hbm>> -> memref<80xi32, #tpu.memory_space<hbm>>
      %dma_wait3A_458 = tpu.memref_slice %arg4[%multiple_of3A_456] : memref<320240xi32, #tpu.memory_space<hbm>> -> memref<80xi32, #tpu.memory_space<hbm>>
      tpu.wait_dma2 semaphore(%arg33 : memref<!tpu.dma_semaphore, #tpu.memory_space<semaphore_mem>>) src(%dma_wait3A_458 : memref<80xi32, #tpu.memory_space<hbm>>) dst(%arg18 : memref<80xi32, #tpu.memory_space<vmem>>)
      %dma_wait3A_459 = arith.constant 0 : i32
      %dma_wait3A_460 = arith.constant 0 : i32
      %dma_wait3A_461 = tpu.memref_slice %arg7[%dma_wait3A_459, %dma_wait3A_460] : memref<10000x128xf32, #tpu.memory_space<vmem_shared>> -> memref<10000x128xf32, #tpu.memory_space<vmem_shared>>
      tpu.wait_indirect_dma semaphore(%arg27 : memref<!tpu.dma_semaphore, #tpu.memory_space<semaphore_mem>>) src(%arg21 : memref<80x128xf32, #tpu.memory_space<vmem>>) dst(%dma_wait3A_461 : memref<10000x128xf32, #tpu.memory_space<vmem_shared>>)
      %add3A_462 = arith.constant 5 : i32
      %add3A_463 = arith.addi %add3A_224, %add3A_462 : i32
      %dma_start3A_464 = arith.constant 0 : i32
      %dma_start3A_465 = arith.constant 0 : i32
      %dma_start3A_466 = tpu.memref_slice %arg2[%dma_start3A_464, %dma_start3A_465] : memref<10000x128xf32, #tpu.memory_space<hbm>> -> memref<10000x128xf32, #tpu.memory_space<hbm>>
      tpu.enqueue_indirect_dma source(%dma_start3A_466 : memref<10000x128xf32, #tpu.memory_space<hbm>>) target(%arg21 : memref<80x128xf32, #tpu.memory_space<vmem>>) offsets(%arg12 : memref<80xi32, #tpu.memory_space<vmem>>) semaphore(%arg24 : memref<!tpu.dma_semaphore, #tpu.memory_space<semaphore_mem>>)
      %dma_wait3A_467 = arith.constant 0 : i32
      %dma_wait3A_468 = arith.constant 0 : i32
      %dma_wait3A_469 = tpu.memref_slice %arg2[%dma_wait3A_467, %dma_wait3A_468] : memref<10000x128xf32, #tpu.memory_space<hbm>> -> memref<10000x128xf32, #tpu.memory_space<hbm>>
      tpu.wait_indirect_dma semaphore(%arg23 : memref<!tpu.dma_semaphore, #tpu.memory_space<semaphore_mem>>) src(%dma_wait3A_469 : memref<10000x128xf32, #tpu.memory_space<hbm>>) dst(%arg20 : memref<80x128xf32, #tpu.memory_space<vmem>>)
      %dma_start3A_470 = arith.constant 0 : i32
      %dma_start3A_471 = arith.constant 0 : i32
      %dma_start3A_472 = tpu.memref_slice %arg7[%dma_start3A_470, %dma_start3A_471] : memref<10000x128xf32, #tpu.memory_space<vmem_shared>> -> memref<10000x128xf32, #tpu.memory_space<vmem_shared>>
      tpu.enqueue_indirect_dma source(%arg20 : memref<80x128xf32, #tpu.memory_space<vmem>>) target(%dma_start3A_472 : memref<10000x128xf32, #tpu.memory_space<vmem_shared>>) offsets(%arg17 : memref<80xi32, #tpu.memory_space<vmem>>) semaphore(%arg26 : memref<!tpu.dma_semaphore, #tpu.memory_space<semaphore_mem>>) {add = true}
      %add3A_473 = arith.constant 5 : i32
      %add3A_474 = arith.addi %add3A_224, %add3A_473 : i32
      %add3A_475 = arith.constant 3 : i32
      %add3A_476 = arith.addi %add3A_474, %add3A_475 : i32
      %mul3A_477 = arith.constant 80 : i32
      %mul3A_478 = arith.muli %add3A_476, %mul3A_477 : i32
      %add3A_479 = arith.addi %mul3A_6, %mul3A_478 : i32
      %multiple_of3A_480 = tpu.assume_multiple %add3A_479, 16 : i32
      %dma_start3A_481 = tpu.memref_slice %arg3[%multiple_of3A_480] : memref<320240xi32, #tpu.memory_space<hbm>> -> memref<80xi32, #tpu.memory_space<hbm>>
      %dma_start3A_482 = tpu.memref_slice %arg3[%multiple_of3A_480] : memref<320240xi32, #tpu.memory_space<hbm>> -> memref<80xi32, #tpu.memory_space<hbm>>
      tpu.enqueue_dma source(%dma_start3A_482 : memref<80xi32, #tpu.memory_space<hbm>>) target(%arg9 : memref<80xi32, #tpu.memory_space<vmem>>) target_semaphore(%arg30 : memref<!tpu.dma_semaphore, #tpu.memory_space<semaphore_mem>>)
      %mul3A_483 = arith.constant 80 : i32
      %mul3A_484 = arith.muli %add3A_476, %mul3A_483 : i32
      %add3A_485 = arith.addi %mul3A_6, %mul3A_484 : i32
      %multiple_of3A_486 = tpu.assume_multiple %add3A_485, 16 : i32
      %dma_start3A_487 = tpu.memref_slice %arg4[%multiple_of3A_486] : memref<320240xi32, #tpu.memory_space<hbm>> -> memref<80xi32, #tpu.memory_space<hbm>>
      %dma_start3A_488 = tpu.memref_slice %arg4[%multiple_of3A_486] : memref<320240xi32, #tpu.memory_space<hbm>> -> memref<80xi32, #tpu.memory_space<hbm>>
      tpu.enqueue_dma source(%dma_start3A_488 : memref<80xi32, #tpu.memory_space<hbm>>) target(%arg15 : memref<80xi32, #tpu.memory_space<vmem>>) target_semaphore(%arg30 : memref<!tpu.dma_semaphore, #tpu.memory_space<semaphore_mem>>)
    }
    %scan3A_169 = arith.constant 20 : i32
    %dma_wait3A_170 = arith.constant 0 : i32
    %dma_wait3A_171 = arith.constant 0 : i32
    %dma_wait3A_172 = tpu.memref_slice %arg2[%dma_wait3A_170, %dma_wait3A_171] : memref<10000x128xf32, #tpu.memory_space<hbm>> -> memref<10000x128xf32, #tpu.memory_space<hbm>>
    tpu.wait_indirect_dma semaphore(%arg24 : memref<!tpu.dma_semaphore, #tpu.memory_space<semaphore_mem>>) src(%dma_wait3A_172 : memref<10000x128xf32, #tpu.memory_space<hbm>>) dst(%arg21 : memref<80x128xf32, #tpu.memory_space<vmem>>)
    %dma_start3A_173 = arith.constant 0 : i32
    %dma_start3A_174 = arith.constant 0 : i32
    %dma_start3A_175 = tpu.memref_slice %arg7[%dma_start3A_173, %dma_start3A_174] : memref<10000x128xf32, #tpu.memory_space<vmem_shared>> -> memref<10000x128xf32, #tpu.memory_space<vmem_shared>>
    tpu.enqueue_indirect_dma source(%arg21 : memref<80x128xf32, #tpu.memory_space<vmem>>) target(%dma_start3A_175 : memref<10000x128xf32, #tpu.memory_space<vmem_shared>>) offsets(%arg18 : memref<80xi32, #tpu.memory_space<vmem>>) semaphore(%arg27 : memref<!tpu.dma_semaphore, #tpu.memory_space<semaphore_mem>>) {add = true}
    %dma_wait3A_176 = arith.constant 0 : i32
    %dma_wait3A_177 = arith.constant 0 : i32
    %dma_wait3A_178 = tpu.memref_slice %arg7[%dma_wait3A_176, %dma_wait3A_177] : memref<10000x128xf32, #tpu.memory_space<vmem_shared>> -> memref<10000x128xf32, #tpu.memory_space<vmem_shared>>
    tpu.wait_indirect_dma semaphore(%arg28 : memref<!tpu.dma_semaphore, #tpu.memory_space<semaphore_mem>>) src(%arg22 : memref<80x128xf32, #tpu.memory_space<vmem>>) dst(%dma_wait3A_178 : memref<10000x128xf32, #tpu.memory_space<vmem_shared>>)
    %dma_wait3A_179 = arith.constant 0 : i32
    %dma_wait3A_180 = arith.constant 0 : i32
    %dma_wait3A_181 = tpu.memref_slice %arg7[%dma_wait3A_179, %dma_wait3A_180] : memref<10000x128xf32, #tpu.memory_space<vmem_shared>> -> memref<10000x128xf32, #tpu.memory_space<vmem_shared>>
    tpu.wait_indirect_dma semaphore(%arg26 : memref<!tpu.dma_semaphore, #tpu.memory_space<semaphore_mem>>) src(%arg20 : memref<80x128xf32, #tpu.memory_space<vmem>>) dst(%dma_wait3A_181 : memref<10000x128xf32, #tpu.memory_space<vmem_shared>>)
    %dma_wait3A_182 = arith.constant 0 : i32
    %dma_wait3A_183 = arith.constant 0 : i32
    %dma_wait3A_184 = tpu.memref_slice %arg7[%dma_wait3A_182, %dma_wait3A_183] : memref<10000x128xf32, #tpu.memory_space<vmem_shared>> -> memref<10000x128xf32, #tpu.memory_space<vmem_shared>>
    tpu.wait_indirect_dma semaphore(%arg27 : memref<!tpu.dma_semaphore, #tpu.memory_space<semaphore_mem>>) src(%arg21 : memref<80x128xf32, #tpu.memory_space<vmem>>) dst(%dma_wait3A_184 : memref<10000x128xf32, #tpu.memory_space<vmem_shared>>)
    %add3A_185 = arith.constant 10000 : i32
    %add3A_186 = arith.addi %mul3A_6, %add3A_185 : i32
    %multiple_of3A_187 = tpu.assume_multiple %add3A_186, 16 : i32
    %dma_wait3A_188 = tpu.memref_slice %arg3[%multiple_of3A_187] : memref<320240xi32, #tpu.memory_space<hbm>> -> memref<80xi32, #tpu.memory_space<hbm>>
    %dma_wait3A_189 = tpu.memref_slice %arg3[%multiple_of3A_187] : memref<320240xi32, #tpu.memory_space<hbm>> -> memref<80xi32, #tpu.memory_space<hbm>>
    tpu.wait_dma2 semaphore(%arg34 : memref<!tpu.dma_semaphore, #tpu.memory_space<semaphore_mem>>) src(%dma_wait3A_189 : memref<80xi32, #tpu.memory_space<hbm>>) dst(%arg13 : memref<80xi32, #tpu.memory_space<vmem>>)
    %add3A_190 = arith.constant 10000 : i32
    %add3A_191 = arith.addi %mul3A_6, %add3A_190 : i32
    %multiple_of3A_192 = tpu.assume_multiple %add3A_191, 16 : i32
    %dma_wait3A_193 = tpu.memref_slice %arg4[%multiple_of3A_192] : memref<320240xi32, #tpu.memory_space<hbm>> -> memref<80xi32, #tpu.memory_space<hbm>>
    %dma_wait3A_194 = tpu.memref_slice %arg4[%multiple_of3A_192] : memref<320240xi32, #tpu.memory_space<hbm>> -> memref<80xi32, #tpu.memory_space<hbm>>
    tpu.wait_dma2 semaphore(%arg34 : memref<!tpu.dma_semaphore, #tpu.memory_space<semaphore_mem>>) src(%dma_wait3A_194 : memref<80xi32, #tpu.memory_space<hbm>>) dst(%arg19 : memref<80xi32, #tpu.memory_space<vmem>>)
    %add3A_195 = arith.constant 10080 : i32
    %add3A_196 = arith.addi %mul3A_6, %add3A_195 : i32
    %multiple_of3A_197 = tpu.assume_multiple %add3A_196, 16 : i32
    %dma_wait3A_198 = tpu.memref_slice %arg3[%multiple_of3A_197] : memref<320240xi32, #tpu.memory_space<hbm>> -> memref<80xi32, #tpu.memory_space<hbm>>
    %dma_wait3A_199 = tpu.memref_slice %arg3[%multiple_of3A_197] : memref<320240xi32, #tpu.memory_space<hbm>> -> memref<80xi32, #tpu.memory_space<hbm>>
    tpu.wait_dma2 semaphore(%arg29 : memref<!tpu.dma_semaphore, #tpu.memory_space<semaphore_mem>>) src(%dma_wait3A_199 : memref<80xi32, #tpu.memory_space<hbm>>) dst(%arg8 : memref<80xi32, #tpu.memory_space<vmem>>)
    %add3A_200 = arith.constant 10080 : i32
    %add3A_201 = arith.addi %mul3A_6, %add3A_200 : i32
    %multiple_of3A_202 = tpu.assume_multiple %add3A_201, 16 : i32
    %dma_wait3A_203 = tpu.memref_slice %arg4[%multiple_of3A_202] : memref<320240xi32, #tpu.memory_space<hbm>> -> memref<80xi32, #tpu.memory_space<hbm>>
    %dma_wait3A_204 = tpu.memref_slice %arg4[%multiple_of3A_202] : memref<320240xi32, #tpu.memory_space<hbm>> -> memref<80xi32, #tpu.memory_space<hbm>>
    tpu.wait_dma2 semaphore(%arg29 : memref<!tpu.dma_semaphore, #tpu.memory_space<semaphore_mem>>) src(%dma_wait3A_204 : memref<80xi32, #tpu.memory_space<hbm>>) dst(%arg14 : memref<80xi32, #tpu.memory_space<vmem>>)
    %add3A_205 = arith.constant 10160 : i32
    %add3A_206 = arith.addi %mul3A_6, %add3A_205 : i32
    %multiple_of3A_207 = tpu.assume_multiple %add3A_206, 16 : i32
    %dma_wait3A_208 = tpu.memref_slice %arg3[%multiple_of3A_207] : memref<320240xi32, #tpu.memory_space<hbm>> -> memref<80xi32, #tpu.memory_space<hbm>>
    %dma_wait3A_209 = tpu.memref_slice %arg3[%multiple_of3A_207] : memref<320240xi32, #tpu.memory_space<hbm>> -> memref<80xi32, #tpu.memory_space<hbm>>
    tpu.wait_dma2 semaphore(%arg30 : memref<!tpu.dma_semaphore, #tpu.memory_space<semaphore_mem>>) src(%dma_wait3A_209 : memref<80xi32, #tpu.memory_space<hbm>>) dst(%arg9 : memref<80xi32, #tpu.memory_space<vmem>>)
    %add3A_210 = arith.constant 10160 : i32
    %add3A_211 = arith.addi %mul3A_6, %add3A_210 : i32
    %multiple_of3A_212 = tpu.assume_multiple %add3A_211, 16 : i32
    %dma_wait3A_213 = tpu.memref_slice %arg4[%multiple_of3A_212] : memref<320240xi32, #tpu.memory_space<hbm>> -> memref<80xi32, #tpu.memory_space<hbm>>
    %dma_wait3A_214 = tpu.memref_slice %arg4[%multiple_of3A_212] : memref<320240xi32, #tpu.memory_space<hbm>> -> memref<80xi32, #tpu.memory_space<hbm>>
    tpu.wait_dma2 semaphore(%arg30 : memref<!tpu.dma_semaphore, #tpu.memory_space<semaphore_mem>>) src(%dma_wait3A_214 : memref<80xi32, #tpu.memory_space<hbm>>) dst(%arg15 : memref<80xi32, #tpu.memory_space<vmem>>)
    %barrier3A_215 = arith.constant 0 : index
    tpu.barrier barrier_id(%barrier3A_215)
    %mul3A_216 = arith.constant 624 : i32
    %mul3A_217 = arith.muli %arg1, %mul3A_216 : i32
    %mul3A_218 = arith.constant 624 : i32
    %mul3A_219 = arith.muli %arg1, %mul3A_218 : i32
    "tpu.region"() ({
      %run_scoped3A = tpu.sem_alloc : memref<!tpu.dma_semaphore, #tpu.memory_space<semaphore_mem>>
      %dma_start3A_220 = arith.constant 0 : i32
      %dma_start3A_221 = tpu.memref_slice %arg6[%arg0, %mul3A_219, %dma_start3A_220] : memref<2x10000x128xf32, #tpu.memory_space<hbm>> -> memref<1x640x128xf32, #tpu.memory_space<hbm>>
      %dma_start3A_222 = tpu.memref_squeeze %dma_start3A_221 : memref<1x640x128xf32, #tpu.memory_space<hbm>> -> memref<640x128xf32, #tpu.memory_space<hbm>>
      %dma_start3A_223 = arith.constant 0 : i32
      %dma_start3A_224 = tpu.memref_slice %arg7[%mul3A_217, %dma_start3A_223] : memref<10000x128xf32, #tpu.memory_space<vmem_shared>> -> memref<640x128xf32, #tpu.memory_space<vmem_shared>>
      tpu.enqueue_dma source(%dma_start3A_224 : memref<640x128xf32, #tpu.memory_space<vmem_shared>>) target(%dma_start3A_222 : memref<640x128xf32, #tpu.memory_space<hbm>>) target_semaphore(%run_scoped3A : memref<!tpu.dma_semaphore, #tpu.memory_space<semaphore_mem>>)
      %dma_wait3A_225 = arith.constant 0 : i32
      %dma_wait3A_226 = tpu.memref_slice %arg6[%arg0, %mul3A_219, %dma_wait3A_225] : memref<2x10000x128xf32, #tpu.memory_space<hbm>> -> memref<1x640x128xf32, #tpu.memory_space<hbm>>
      %dma_wait3A_227 = tpu.memref_squeeze %dma_wait3A_226 : memref<1x640x128xf32, #tpu.memory_space<hbm>> -> memref<640x128xf32, #tpu.memory_space<hbm>>
      %dma_wait3A_228 = arith.constant 0 : i32
      %dma_wait3A_229 = tpu.memref_slice %arg7[%mul3A_217, %dma_wait3A_228] : memref<10000x128xf32, #tpu.memory_space<vmem_shared>> -> memref<640x128xf32, #tpu.memory_space<vmem_shared>>
      tpu.wait_dma2 semaphore(%run_scoped3A : memref<!tpu.dma_semaphore, #tpu.memory_space<semaphore_mem>>) src(%dma_wait3A_229 : memref<640x128xf32, #tpu.memory_space<vmem_shared>>) dst(%dma_wait3A_227 : memref<640x128xf32, #tpu.memory_space<hbm>>)
      tpu.yield
    }) : () -> ()
    return
  }
}

module attributes {stable_mosaic.version = 14 : i64} {
  func.func @body(%arg0: i32, %arg1: memref<2x1000x128xf32, #tpu.memory_space<vmem>>, %arg2: memref<1000x128xf32, #tpu.memory_space<vmem>>, %arg3: memref<1000x1xf32, #tpu.memory_space<vmem>>, %arg4: memref<1000x128xf32, #tpu.memory_space<vmem>>) attributes {dimension_semantics = [#tpu.dimension_semantics<arbitrary>], iteration_bounds = array<i64: 10>, scalar_prefetch = 0 : i64, scratch_operands = 0 : i64, tpu.core_type = #tpu.core_type<tc>, window_params = [{transform_indices = @transform_0, window_bounds = array<i64: 2, 1000, 128>}, {transform_indices = @transform_1, window_bounds = array<i64: 1000, 128>}, {transform_indices = @transform_2, window_bounds = array<i64: 1000, 1>}, {transform_indices = @transform_3, window_bounds = array<i64: 1000, 128>}]} {
    %get3A = arith.constant 0 : index
    %get3A_0 = arith.constant 0 : index
    %get3A_1 = arith.constant 0 : index
    %get3A_2 = vector.load %arg1[%get3A, %get3A_0, %get3A_1] : memref<2x1000x128xf32, #tpu.memory_space<vmem>>, vector<1x1000x1xf32>
    %get3A_3 = vector.shape_cast %get3A_2 : vector<1x1000x1xf32> to vector<1000x1xf32>
    %get3A_4 = arith.constant 1 : index
    %get3A_5 = arith.constant 0 : index
    %get3A_6 = arith.constant 0 : index
    %get3A_7 = vector.load %arg1[%get3A_4, %get3A_5, %get3A_6] : memref<2x1000x128xf32, #tpu.memory_space<vmem>>, vector<1x1000x1xf32>
    %get3A_8 = vector.shape_cast %get3A_7 : vector<1x1000x1xf32> to vector<1000x1xf32>
    %add3A = arith.addf %get3A_3, %get3A_8 : vector<1000x1xf32>
    %gt3A = arith.constant 0.000000e+00 : f32
    %gt3A_9 = vector.broadcast %gt3A : f32 to vector<1000x1xf32>
    %gt3A_10 = arith.cmpf ogt, %add3A, %gt3A_9 : vector<1000x1xf32>
    %gt3A_11 = arith.constant 0.000000e+00 : f32
    %gt3A_12 = vector.broadcast %gt3A_11 : f32 to vector<1000x1xf32>
    %gt3A_13 = arith.cmpf ogt, %add3A, %gt3A_12 : vector<1000x1xf32>
    %jit3A = arith.constant 1.000000e+00 : f32
    %broadcast_in_dim3A = vector.broadcast %jit3A : f32 to vector<1000x1xf32>
    %select_n3A = arith.select %gt3A_13, %add3A, %broadcast_in_dim3A : vector<1000x1xi1>, vector<1000x1xf32>
    %rsqrt3A = math.rsqrt %select_n3A : vector<1000x1xf32>
    %jit3A_14 = arith.constant 0.000000e+00 : f32
    %broadcast_in_dim3A_15 = vector.broadcast %jit3A_14 : f32 to vector<1000x1xf32>
    %select_n3A_16 = arith.select %gt3A_10, %rsqrt3A, %broadcast_in_dim3A_15 : vector<1000x1xi1>, vector<1000x1xf32>
    %swap3A = arith.constant 0 : index
    %swap3A_17 = arith.constant 0 : index
    %swap3A_18 = vector.load %arg3[%swap3A, %swap3A_17] : memref<1000x1xf32, #tpu.memory_space<vmem>>, vector<1000x1xf32>
    tpu.vector_store %arg3[%swap3A, %swap3A_17], %select_n3A_16 {strides = array<i32>} : memref<1000x1xf32, #tpu.memory_space<vmem>>, vector<1000x1xf32>,
    %get3A_19 = arith.constant 0 : index
    %get3A_20 = arith.constant 0 : index
    %get3A_21 = vector.load %arg2[%get3A_19, %get3A_20] : memref<1000x128xf32, #tpu.memory_space<vmem>>, vector<1000x128xf32>
    %mul3A = vector.broadcast %select_n3A_16 : vector<1000x1xf32> to vector<1000x128xf32>
    %mul3A_22 = arith.mulf %get3A_21, %mul3A : vector<1000x128xf32>
    %swap3A_23 = arith.constant 0 : index
    %swap3A_24 = arith.constant 0 : index
    %swap3A_25 = vector.load %arg4[%swap3A_23, %swap3A_24] : memref<1000x128xf32, #tpu.memory_space<vmem>>, vector<1000x128xf32>
    tpu.vector_store %arg4[%swap3A_23, %swap3A_24], %mul3A_22 {strides = array<i32>} : memref<1000x128xf32, #tpu.memory_space<vmem>>, vector<1000x128xf32>,
    return
  }
  func.func @transform_0(%arg0: i32) -> (i32, i32, i32) {
    %c0_i32 = arith.constant 0 : i32
    %c0_i32_0 = arith.constant 0 : i32
    %c0_i32_1 = arith.constant 0 : i32
    return %c0_i32, %arg0, %c0_i32_0 : i32, i32, i32
  }
  func.func @transform_1(%arg0: i32) -> (i32, i32) {
    %c0_i32 = arith.constant 0 : i32
    %c0_i32_0 = arith.constant 0 : i32
    return %arg0, %c0_i32 : i32, i32
  }
  func.func @transform_2(%arg0: i32) -> (i32, i32) {
    %c0_i32 = arith.constant 0 : i32
    %c0_i32_0 = arith.constant 0 : i32
    return %arg0, %c0_i32 : i32, i32
  }
  func.func @transform_3(%arg0: i32) -> (i32, i32) {
    %c0_i32 = arith.constant 0 : i32
    %c0_i32_0 = arith.constant 0 : i32
    return %arg0, %c0_i32 : i32, i32
  }
}

module attributes {stable_mosaic.version = 14 : i64} {
  func.func @body(%arg0: i32, %arg1: memref<2x1000x128xf32, #tpu.memory_space<vmem>>, %arg2: memref<1000x1xf32, #tpu.memory_space<vmem>>, %arg3: memref<1000x128xf32, #tpu.memory_space<vmem>>, %arg4: memref<1000x128xf32, #tpu.memory_space<vmem>>, %arg5: memref<1000x128xf32, #tpu.memory_space<vmem>>) attributes {dimension_semantics = [#tpu.dimension_semantics<arbitrary>], iteration_bounds = array<i64: 10>, scalar_prefetch = 0 : i64, scratch_operands = 0 : i64, tpu.core_type = #tpu.core_type<tc>, window_params = [{transform_indices = @transform_0, window_bounds = array<i64: 2, 1000, 128>}, {transform_indices = @transform_1, window_bounds = array<i64: 1000, 1>}, {transform_indices = @transform_2, window_bounds = array<i64: 1000, 128>}, {transform_indices = @transform_3, window_bounds = array<i64: 1000, 128>}, {transform_indices = @transform_4, window_bounds = array<i64: 1000, 128>}]} {
    %get3A = arith.constant 0 : index
    %get3A_0 = arith.constant 0 : index
    %get3A_1 = arith.constant 0 : index
    %get3A_2 = vector.load %arg1[%get3A, %get3A_0, %get3A_1] : memref<2x1000x128xf32, #tpu.memory_space<vmem>>, vector<1x1000x128xf32>
    %get3A_3 = vector.shape_cast %get3A_2 : vector<1x1000x128xf32> to vector<1000x128xf32>
    %get3A_4 = arith.constant 1 : index
    %get3A_5 = arith.constant 0 : index
    %get3A_6 = arith.constant 0 : index
    %get3A_7 = vector.load %arg1[%get3A_4, %get3A_5, %get3A_6] : memref<2x1000x128xf32, #tpu.memory_space<vmem>>, vector<1x1000x128xf32>
    %get3A_8 = vector.shape_cast %get3A_7 : vector<1x1000x128xf32> to vector<1000x128xf32>
    %add3A = arith.addf %get3A_3, %get3A_8 : vector<1000x128xf32>
    %get3A_9 = arith.constant 0 : index
    %get3A_10 = arith.constant 0 : index
    %get3A_11 = vector.load %arg2[%get3A_9, %get3A_10] : memref<1000x1xf32, #tpu.memory_space<vmem>>, vector<1000x1xf32>
    %mul3A = vector.broadcast %get3A_11 : vector<1000x1xf32> to vector<1000x128xf32>
    %mul3A_12 = arith.mulf %add3A, %mul3A : vector<1000x128xf32>
    %get3A_13 = arith.constant 0 : index
    %get3A_14 = arith.constant 0 : index
    %get3A_15 = vector.load %arg3[%get3A_13, %get3A_14] : memref<1000x128xf32, #tpu.memory_space<vmem>>, vector<1000x128xf32>
    %add3A_16 = arith.addf %get3A_15, %mul3A_12 : vector<1000x128xf32>
    %mul3A_17 = vector.broadcast %get3A_11 : vector<1000x1xf32> to vector<1000x128xf32>
    %mul3A_18 = arith.mulf %mul3A_12, %mul3A_17 : vector<1000x128xf32>
    %swap3A = arith.constant 0 : index
    %swap3A_19 = arith.constant 0 : index
    %swap3A_20 = vector.load %arg5[%swap3A, %swap3A_19] : memref<1000x128xf32, #tpu.memory_space<vmem>>, vector<1000x128xf32>
    tpu.vector_store %arg5[%swap3A, %swap3A_19], %mul3A_18 {strides = array<i32>} : memref<1000x128xf32, #tpu.memory_space<vmem>>, vector<1000x128xf32>,
    %swap3A_21 = arith.constant 0 : index
    %swap3A_22 = arith.constant 0 : index
    %swap3A_23 = vector.load %arg4[%swap3A_21, %swap3A_22] : memref<1000x128xf32, #tpu.memory_space<vmem>>, vector<1000x128xf32>
    tpu.vector_store %arg4[%swap3A_21, %swap3A_22], %add3A_16 {strides = array<i32>} : memref<1000x128xf32, #tpu.memory_space<vmem>>, vector<1000x128xf32>,
    return
  }
  func.func @transform_0(%arg0: i32) -> (i32, i32, i32) {
    %c0_i32 = arith.constant 0 : i32
    %c0_i32_0 = arith.constant 0 : i32
    %c0_i32_1 = arith.constant 0 : i32
    return %c0_i32, %arg0, %c0_i32_0 : i32, i32, i32
  }
  func.func @transform_1(%arg0: i32) -> (i32, i32) {
    %c0_i32 = arith.constant 0 : i32
    %c0_i32_0 = arith.constant 0 : i32
    return %arg0, %c0_i32 : i32, i32
  }
  func.func @transform_2(%arg0: i32) -> (i32, i32) {
    %c0_i32 = arith.constant 0 : i32
    %c0_i32_0 = arith.constant 0 : i32
    return %arg0, %c0_i32 : i32, i32
  }
  func.func @transform_3(%arg0: i32) -> (i32, i32) {
    %c0_i32 = arith.constant 0 : i32
    %c0_i32_0 = arith.constant 0 : i32
    return %arg0, %c0_i32 : i32, i32
  }
  func.func @transform_4(%arg0: i32) -> (i32, i32) {
    %c0_i32 = arith.constant 0 : i32
    %c0_i32_0 = arith.constant 0 : i32
    return %arg0, %c0_i32 : i32, i32
  }
}

module attributes {stable_mosaic.version = 14 : i64} {
  func.func @body(%arg0: i32, %arg1: memref<2x1000x128xf32, #tpu.memory_space<vmem>>, %arg2: memref<1000x1xf32, #tpu.memory_space<vmem>>, %arg3: memref<1000x128xf32, #tpu.memory_space<vmem>>, %arg4: memref<1000x128xf32, #tpu.memory_space<vmem>>) attributes {dimension_semantics = [#tpu.dimension_semantics<arbitrary>], iteration_bounds = array<i64: 10>, scalar_prefetch = 0 : i64, scratch_operands = 0 : i64, tpu.core_type = #tpu.core_type<tc>, window_params = [{transform_indices = @transform_0, window_bounds = array<i64: 2, 1000, 128>}, {transform_indices = @transform_1, window_bounds = array<i64: 1000, 1>}, {transform_indices = @transform_2, window_bounds = array<i64: 1000, 128>}, {transform_indices = @transform_3, window_bounds = array<i64: 1000, 128>}]} {
    %get3A = arith.constant 0 : index
    %get3A_0 = arith.constant 0 : index
    %get3A_1 = arith.constant 0 : index
    %get3A_2 = vector.load %arg1[%get3A, %get3A_0, %get3A_1] : memref<2x1000x128xf32, #tpu.memory_space<vmem>>, vector<1x1000x128xf32>
    %get3A_3 = vector.shape_cast %get3A_2 : vector<1x1000x128xf32> to vector<1000x128xf32>
    %get3A_4 = arith.constant 1 : index
    %get3A_5 = arith.constant 0 : index
    %get3A_6 = arith.constant 0 : index
    %get3A_7 = vector.load %arg1[%get3A_4, %get3A_5, %get3A_6] : memref<2x1000x128xf32, #tpu.memory_space<vmem>>, vector<1x1000x128xf32>
    %get3A_8 = vector.shape_cast %get3A_7 : vector<1x1000x128xf32> to vector<1000x128xf32>
    %add3A = arith.addf %get3A_3, %get3A_8 : vector<1000x128xf32>
    %get3A_9 = arith.constant 0 : index
    %get3A_10 = arith.constant 0 : index
    %get3A_11 = vector.load %arg2[%get3A_9, %get3A_10] : memref<1000x1xf32, #tpu.memory_space<vmem>>, vector<1000x1xf32>
    %mul3A = vector.broadcast %get3A_11 : vector<1000x1xf32> to vector<1000x128xf32>
    %mul3A_12 = arith.mulf %add3A, %mul3A : vector<1000x128xf32>
    %get3A_13 = arith.constant 0 : index
    %get3A_14 = arith.constant 0 : index
    %get3A_15 = vector.load %arg3[%get3A_13, %get3A_14] : memref<1000x128xf32, #tpu.memory_space<vmem>>, vector<1000x128xf32>
    %add3A_16 = arith.addf %get3A_15, %mul3A_12 : vector<1000x128xf32>
    %mul3A_17 = arith.constant 2.500000e-01 : f32
    %mul3A_18 = vector.broadcast %mul3A_17 : f32 to vector<1000x128xf32>
    %mul3A_19 = arith.mulf %add3A_16, %mul3A_18 : vector<1000x128xf32>
    %swap3A = arith.constant 0 : index
    %swap3A_20 = arith.constant 0 : index
    %swap3A_21 = vector.load %arg4[%swap3A, %swap3A_20] : memref<1000x128xf32, #tpu.memory_space<vmem>>, vector<1000x128xf32>
    tpu.vector_store %arg4[%swap3A, %swap3A_20], %mul3A_19 {strides = array<i32>} : memref<1000x128xf32, #tpu.memory_space<vmem>>, vector<1000x128xf32>,
    return
  }
  func.func @transform_0(%arg0: i32) -> (i32, i32, i32) {
    %c0_i32 = arith.constant 0 : i32
    %c0_i32_0 = arith.constant 0 : i32
    %c0_i32_1 = arith.constant 0 : i32
    return %c0_i32, %arg0, %c0_i32_0 : i32, i32, i32
  }
  func.func @transform_1(%arg0: i32) -> (i32, i32) {
    %c0_i32 = arith.constant 0 : i32
    %c0_i32_0 = arith.constant 0 : i32
    return %arg0, %c0_i32 : i32, i32
  }
  func.func @transform_2(%arg0: i32) -> (i32, i32) {
    %c0_i32 = arith.constant 0 : i32
    %c0_i32_0 = arith.constant 0 : i32
    return %arg0, %c0_i32 : i32, i32
  }
  func.func @transform_3(%arg0: i32) -> (i32, i32) {
    %c0_i32 = arith.constant 0 : i32
    %c0_i32_0 = arith.constant 0 : i32
    return %arg0, %c0_i32 : i32, i32
  }
}

</mosaic_0001>

<sc_bundles>
// kernel: kernel.10.cloned.1.call-start
scs
__scs_entry_jumppad:
0x0: {  	(pc) =	sbr.rel $0x88, $3  }
0x1: {  	(tag) =	ssettag $0x0;
	lr =	simm.s32 $0x1  }
0x2: {  	[smem:$0x3F9E] =	sst lr;
	_ =	strace $0xD0000000  }
0x3: {  	_ = 	snop  }
0x4: {  	_ = 	snop  }
0x5: {  	_ = 	snop  }
0x6: {  	_ = 	snop  }
0x7: {  	_ = 	snop  }
__scs_overlays_trampoline_lowered:
0x8: {  	[smem:$0x3FAD] =	sst s0  }
0x9: {  	[smem:$0x3FAE] =	sst s1  }
0xa: {  	[smem:$0x3FAF] =	sst s2  }
0xb: {  	[smem:$0x3FB0] =	sst s3  }
0xc: {  	[smem:$0x3FB1] =	sst s4  }
0xd: {  	[smem:$0x3FB2] =	sst s5  }
0xe: {  	[smem:$0x3FB3] =	sst s6  }
0xf: {  	[smem:$0x3FB4] =	sst s7  }
0x10: {  	[smem:$0x3FB5] =	sst s8  }
0x11: {  	[smem:$0x3FB6] =	sst s9;
	s0 =	simm.s32 @!p0 $0x0  }
0x12: {  	s1 =	sld [smem:$0x3F9C];
	s0 =	simm.s32 @p0 $0x1  }
0x13: {  	[smem:$0x3FB7] =	sst s0;
	s0 =	simm.s32 @!p1 $0x0  }
0x14: {  	s2 =	sld [smem:$0x3F9B];
	s0 =	simm.s32 @p1 $0x1  }
0x15: {  	[smem:$0x3FB8] =	sst s0;
	s0 =	simm.s32 @!p2 $0x0  }
0x16: {  	s3 =	sld [smem:$0x3FDB];
	s0 =	simm.s32 @p2 $0x1  }
0x17: {  	s4 =	simm.s32 $0x1BF5;
	[smem:$0x3FBA] =	sst s0  }
0x18: {  	s0 =	sld [smem:$0x3F9D];
	_ =	swait.ge [sflag:s4], $0x0  }
0x19: {  	s7 =	sld [smem:$0x3F9E]  }
0x1a: {  	s8 =	sadd.s32 $0xFFFFE003, lr  }
0x1b: {  	s9 =	sadd.s32 $0xFFFFFEF7, lr;
	s5 =	simm.s32 $0xFFFFFFFF;
	p2 =	slt.u32 s8, $0xFFFFF086  }
0x1c: {  	p1 =	slt.u32 s9, $0xF7A;
	s5 =	simm.s32 @!p2 $0x0  }
0x1d: {  	s5 =	simm.s32 @p1 $0x1;
	p0 =	seq.s32 s7, s2  }
0x1e: {  	s7 =	smul.u32 @!p0 $0xF7A, s2;
	p2 =	seq.s32 @!p0 s5, $0x0  }
0x1f: {  	s9 =	smul.u32 $0xF7A, s1;
	s8 =	simm.s32 @!p0 $0x1BF5;
	p2 =	por !p2, p0  }
0x20: {  	[sflag:s8] =	ssyncset.s32 @!p0 $0xFFFFF086;
	s6 =	sadd.s32 @!p0 s3, s7;
	s7 =	simm.s32 @!p0 $0x108  }
0x21: {  	s3 =	sadd.s32 s3, s9;
	s6 =	sadd.s32 @!p0 $0x88, s6;
	s7 =	simm.s32 @p2 $0x1082  }
0x22: {  	[simem:s7], [sflag:s8] =	dma.local @!p0 [hbm:s6], $0xF7A  }
0x23: {  	s9 =	sor.u32 $0xD0000000, s2;
	s6 =	simm.s32 $0x108;
	_ =	swait.ge @!p0 [sflag:s8], $0x0  }
0x24: {  	s3 =	sadd.s32 $0x88, s3;
	s6 =	simm.s32 @!p1 $0x1082;
	[sflag:s4] =	ssyncset.s32 $0xFFFFF086  }
0x25: {  	[simem:s6], [sflag:s4] =	dma.local [hbm:s3], $0xF7A  }
0x26: {  	[smem:$0x3F9E] =	sst s1;
	(tag) =	ssettag s2;
	_ =	strace s9  }
0x27: {  	s1 =	sld [smem:$0x3FAE]  }
0x28: {  	s2 =	sld [smem:$0x3FAF]  }
0x29: {  	s4 =	sld [smem:$0x3FB1]  }
0x2a: {  	p0 =	seq.s32 s5, $0x0;
	s5 =	sld [smem:$0x3FB2]  }
0x2b: {  	s6 =	sld [smem:$0x3FB3]  }
0x2c: {  	s7 =	sld [smem:$0x3FB4]  }
0x2d: {  	s3 =	simm.s32 $0x108;
	s8 =	sld [smem:$0x3FB5]  }
0x2e: {  	s3 =	simm.s32 @!p0 $0x1082;
	s9 =	sld [smem:$0x3FB6]  }
0x2f: {  	lr =	sadd.s32 s0, s3;
	s0 =	sld [smem:$0x3FAD]  }
0x30: {  	s3 =	sld [smem:$0x3FB0]  }
0x31: {  	[smem:$0x3FB9] =	sst s10  }
0x32: {  	s10 =	sld [smem:$0x3FB7];
	_ =	sdelay $0x3  }
0x33: {  	p0 =	seq.s32 s10, $0x1;
	s10 =	sld [smem:$0x3FB9];
	_ =	sdelay $0x3  }
0x34: {  	[smem:$0x3FB9] =	sst s10  }
0x35: {  	s10 =	sld [smem:$0x3FB8];
	_ =	sdelay $0x3  }
0x36: {  	p1 =	seq.s32 s10, $0x1;
	s10 =	sld [smem:$0x3FB9];
	_ =	sdelay $0x3  }
0x37: {  	[smem:$0x3FB9] =	sst s10  }
0x38: {  	s10 =	sld [smem:$0x3FBA]  }
0x39: {  	_ = 	snop;
	(pc) =	sbr.ind lr, $3  }
0x3a: {  	_ = 	snop  }
0x3b: {  	_ = 	snop  }
0x3c: {  	p2 =	seq.s32 s10, $0x1;
	s10 =	sld [smem:$0x3FB9]  }
0x3d: {  	_ =	shalt  }
0x3e: {  	_ =	shalt  }
0x3f: {  	_ =	shalt  }
0x40: {  	_ =	shalt  }
0x41: {  	_ =	shalt  }
0x42: {  	_ =	shalt  }
0x43: {  	_ =	shalt  }
0x44: {  	_ =	shalt  }
0x45: {  	_ =	shalt  }
0x46: {  	_ =	shalt  }
0x47: {  	_ =	shalt  }
0x48: {  	_ =	shalt  }
0x49: {  	_ =	shalt  }
0x4a: {  	_ =	shalt  }
0x4b: {  	_ =	shalt  }
0x4c: {  	_ =	shalt  }
0x4d: {  	_ =	shalt  }
0x4e: {  	_ =	shalt  }
0x4f: {  	_ =	shalt  }
0x50: {  	_ =	shalt  }
0x51: {  	_ =	shalt  }
0x52: {  	_ =	shalt  }
0x53: {  	_ =	shalt  }
0x54: {  	_ =	shalt  }
0x55: {  	_ =	shalt  }
0x56: {  	_ =	shalt  }
0x57: {  	_ =	shalt  }
0x58: {  	_ =	shalt  }
0x59: {  	_ =	shalt  }
0x5a: {  	_ =	shalt  }
0x5b: {  	_ =	shalt  }
0x5c: {  	_ =	shalt  }
0x5d: {  	_ =	shalt  }
0x5e: {  	_ =	shalt  }
0x5f: {  	_ =	shalt  }
0x60: {  	_ =	shalt  }
0x61: {  	_ =	shalt  }
0x62: {  	_ =	shalt  }
0x63: {  	_ =	shalt  }
0x64: {  	_ =	shalt  }
0x65: {  	_ =	shalt  }
0x66: {  	_ =	shalt  }
0x67: {  	_ =	shalt  }
0x68: {  	_ =	shalt  }
0x69: {  	_ =	shalt  }
0x6a: {  	_ =	shalt  }
0x6b: {  	_ =	shalt  }
0x6c: {  	_ =	shalt  }
0x6d: {  	_ =	shalt  }
0x6e: {  	_ =	shalt  }
0x6f: {  	_ =	shalt  }
0x70: {  	_ =	shalt  }
0x71: {  	_ =	shalt  }
0x72: {  	_ =	shalt  }
0x73: {  	_ =	shalt  }
0x74: {  	_ =	shalt  }
0x75: {  	_ =	shalt  }
0x76: {  	_ =	shalt  }
0x77: {  	_ =	shalt  }
0x78: {  	_ =	shalt  }
0x79: {  	_ =	shalt  }
0x7a: {  	_ =	shalt  }
0x7b: {  	_ =	shalt  }
0x7c: {  	_ =	shalt  }
0x7d: {  	_ =	shalt  }
0x7e: {  	_ =	shalt  }
0x7f: {  	_ =	shalt  }
0x80: {  	_ =	shalt  }
0x81: {  	_ =	shalt  }
0x82: {  	_ =	shalt  }
0x83: {  	_ =	shalt  }
0x84: {  	_ =	shalt  }
0x85: {  	_ =	shalt  }
0x86: {  	_ =	shalt  }
0x87: {  	_ =	shalt  }
.Lfunc_end0:
.L_simem_size_0:
called_computation_lowered:
.L_overlay_start_0:
0x88: {  	s2 =	sld [smem:$0x3FD9]  }
0x89: {  	s3 =	sld [smem:$0x3FFE];
	_ =	sdelay $0x1  }
0x8a: {  	s1 =	srdreg.scid  }
0x8b: {  	s0 =	sand.u32 $0x1, s1  }
0x8c: {  	s14 =	sshll.u32 s0, $0xA;
	s2 =	sadd.s32 s3, s2  }
0x8d: {  	s2 =	sadd.s32 s2, s14  }
0x8e: {  	[smem:$0x3FC5] =	sst s2  }
0x8f: {  	_ = 	snop  }
0x90: {  	s2 =	sld [smem:$0x3FD0];
	_ =	sdelay $0x2  }
0x91: {  	s15 =	simm.s32 $0xA;
	s4 =	simm.s32 $0x10  }
0x92: {  	[smem:s4], [sflag:s15] =	dma.local [hbm:s2], $0x1  }
0x93: {  	_ =	swait.eq [sflag:s15], $0x1  }
0x94: {  	[sflag:s15] =	ssyncset.done $0x0  }
0x95: {  	s16 =	sld [smem:$0x10];
	[sflag:s15] =	ssyncadd.s32 $0xFFFFFFFF  }
0x96: {  	s17 =	sld [smem:$0x11];
	(tm) =	ssettm $0x1  }
0x97: {  	s18 =	sld [smem:$0x3FFB];
	_ =	sdelay $0x3  }
0x98: {  	_ =	strace s18  }
0x99: {  	s4 =	sld [smem:$0x3FFC];
	_ =	sdelay $0x3  }
0x9a: {  	_ =	strace s4  }
0x9b: {  	s4 =	sld [smem:$0x3FFD];
	_ =	sdelay $0x3  }
0x9c: {  	_ =	strace s4  }
0x9d: {  	_ =	strace $0x8FFFFFFF  }
0x9e: {  	s19 =	sld [smem:$0x3FDB];
	_ =	sdelay $0x1  }
0x9f: {  	s5 =	simm.s32 $_scs_section_size  }
0xa0: {  	s6 =	simm.s32 $_size__tile_overlayer_lowered;
	s7 =	simm.s32 $_tile_overlayer_lowered  }
0xa1: {  	s22 =	simm.s32 $0x1BFF;
	s21 =	sshll.u32 s7, $0x1;
	s4 =	sadd.s32 s5, s19  }
0xa2: {  	s8 =	simm.s32 $0x0;
	s20 =	sshll.u32 s6, $0x1;
	s6 =	sadd.s32 s21, s4  }
0xa3: {  	[timem:s8], [sflag:s22] =	dma.local [hbm:s6], s20  }
0xa4: {  	_ =	swait.ge [sflag:s22], s20  }
0xa5: {  	s5 =	ssub.s32 $0x0, s20;
	[sflag:s22] =	ssyncset.done $0x0  }
0xa6: {  	[sflag:s22] =	ssyncadd.s32 s5;
	_ =	sdelay $0x1  }
0xa7: {  	s23 =	simm.s32 $0x1B8B  }
0xa8: {  	_ =	swait.ge [sflag:s23], $0x1  }
0xa9: {  	[sflag:s23] =	ssyncset.done $0x0  }
0xaa: {  	s25 =	simm.s32 $0x1B8E;
	s24 =	sld [smem:$0x3FFE];
	[sflag:s23] =	ssyncadd.s32 $0xFFFFFFFF  }
0xab: {  	s26 =	simm.s32 $execute0_lowered;
	[smem:$0x3FD2] =	sst s25  }
0xac: {  	s6 =	sshll.u32 s26, $0x1;
	_ =	strace $0x80000046;
	[dreg:$0x1] =	wrdreg $0xFFFFFFFF  }
0xad: {  	s28 =	simm.s32 $_size_execute0_lowered;
	s4 =	sadd.s32 s4, s6;
	[dreg:$0x0] =	wrdreg $0x0  }
0xae: {  	s6 =	sshll.u32 s28, $0x1;
	[dreg:$0x2] =	wrdreg s4  }
0xaf: {  	[dreg:$0x3] =	wrdreg s6  }
0xb0: {  	[dreg:$0x4] =	wrdreg $0xC0  }
0xb1: {  	_ =	task [dreg:s8], $0x5FFFF  }
0xb2: {  	[dreg:$0x1] =	wrdreg $0xFFFFFFFF  }
0xb3: {  	[dreg:$0x0] =	wrdreg $0x60  }
0xb4: {  	[dreg:$0x2] =	wrdreg s17  }
0xb5: {  	[dreg:$0x3] =	wrdreg s16  }
0xb6: {  	[dreg:$0x4] =	wrdreg s24  }
0xb7: {  	[dreg:$0x5] =	wrdreg $0x0  }
0xb8: {  	[dreg:$0x6] =	wrdreg $0x9  }
0xb9: {  	_ =	task.clear_ibuf [dreg:s8], $0x7FFFF;
	_ =	strace $0x90000046  }
0xba: {  	s29 =	simm.s32 $0x9;
	_ =	strace $0x80000048  }
0xbb: {  	_ =	swait.ge [sflag:s29], $0x1  }
0xbc: {  	[sflag:s29] =	ssyncadd.s32 $0xFFFFFFFF  }
0xbd: {  	_ =	strace $0x90000048  }
0xbe: {  	_ =	sfence  }
0xbf: {  	s30 =	sld [smem:$0x0];
	_ =	sdelay $0x2  }
0xc0: {  	s31 =	sshll.u32 s1, $0xD;
	s1 =	sshrl.u32 s1, $0x2  }
0xc1: {  	s3 =	sand.u32 $0x4000, s31;
	s1 =	sadd.s32 s1, s30  }
0xc2: {  	s0 =	sor.u32 s3, s0;
	s1 =	sshll.u32 s1, $0x11  }
0xc3: {  	s0 =	sor.u32 s1, s0  }
0xc4: {  	s0 =	sadd.s32 $0x8F2B, s0  }
0xc5: {  	[sflag:s0] =	ssyncadd.remote.s32 $0x1  }
0xc6: {  	_ =	sfence.sel $0xFFFF  }
0xc7: {  	[dreg:$0x0] =	wrdreg $0xFFFFFFFF;
	(pc) =	sbr.abs _section_cstart, $3  }
0xc8: {  	[dreg:$0x1] =	wrdreg $0xFFFFFFFF  }
0xc9: {  	_ =	task.clear_ibuf [dreg:s8], $0x2FFFF;
	_ =	strace $0x9FFFFFFF  }
0xca: {  	(tm) =	ssettm $0x7FFFFFFF  }
0xcb: {  	_ =	shalt  }
tec
execute0_lowered:
.L_overlay_start_1:
0x0: {  	(tag) =	ssettag $0x1  }
0x1: {  	s1 =	rddreg [dreg:$0x0]  }
0x2: {  	s6 =	rddreg [dreg:$0x1]  }
0x3: {  	s7 =	rddreg [dreg:$0x2]  }
0x4: {  	s3 =	rddreg [dreg:$0x3]  }
0x5: {  	s0 =	rddreg [dreg:$0x4]  }
0x6: {  	s5 =	srdreg.scid;
	s2 =	stileid.u32;
	s4 =	simm.s32 $0x0  }
0x7: {  	s16 =	simm.s32 $0x13980;
	s17 =	simm.s32 $0x13880;
	s18 =	simm.s32 $0x50  }
0x8: {  	s19 =	simm.s32 $0x13900;
	s20 =	simm.s32 $0x4;
	s21 =	simm.s32 $0x1  }
0x9: {  	s22 =	simm.s32 $0x3;
	s23 =	simm.s32 $0x2;
	s9 =	smul.u32 $0x13800, s2  }
0xa: {  	s24 =	simm.s32 $0x0;
	s8 =	sand.u32 $0x1, s5;
	s12 =	smul.u32 $0x4E000, s2  }
0xb: {  	[smem:$0x7FF] =	sst s4;
	s10 =	sshll.u32 s2, $0x1;
	s13 =	smul.u32 $0x4E20, s2  }
0xc: {  	s29 =	sshll.u32 s2, $0x6;
	s5 =	smul.u32 $0x138800, s8;
	_ =	strace $0x80000047  }
0xd: {  	s10 =	sor.u32 s8, s10;
	s25 =	ssub.s32 $0x2, s8;
	s8 =	smul.u32 $0x2710, s8  }
0xe: {  	s10 =	smul.u32 $0x2710, s10;
	s14 =	sshrl.u32 s25, $0x1;
	s12 =	sshrl.u32 s12, $0x2  }
0xf: {  	s26 =	sshrl.u32 s9, $0x3;
	s11 =	sadd.s32 s9, s5;
	s5 =	sadd.s32 $0x1C00, s7  }
0x10: {  	s14 =	ssub.s32 s25, s14;
	s15 =	sadd.s32 s12, s3;
	s6 =	sadd.s32 s6, s26  }
0x11: {  	s13 =	sadd.s32 s8, s13;
	s8 =	sor.u32 $0x1C05, s29;
	s11 =	sshrl.u32 s11, $0x3  }
0x12: {  	s28 =	sshrl.u32 s10, $0x3;
	s30 =	sadd.s32 $0xF0, s13;
	s13 =	sadd.s32 $0xA0, s13  }
0x13: {  	s11 =	sadd.s32 s11, s7;
	s7 =	sadd.s32 s1, s28;
	s31 =	sshrl.u32 s30, $0x3  }
0x14: {  	s9 =	sadd.s32 $0xA, s7;
	s10 =	sadd.s32 $0x2200, s11;
	s11 =	smax.u32 s14, $0x1  }
0x15: {  	s12 =	sadd.s32 s31, s1;
	s14 =	sshrl.u32 s15, $0x3;
	s15 =	simm.s32 $0x5  }
.LBB2_1:
0x16: {  	[spmem:s14], [sflag:s8] =	dma.local [hbm:s6], $0x2800  }
0x17: {  	_ =	swait.ge [sflag:s15], $0x2800  }
0x18: {  	[sflag:s15] =	ssyncset.done $0x0  }
0x19: {  	[sflag:s15] =	ssyncadd.s32 $0xFFFFD800  }
0x1a: {  	[tilespmem:s16], [sflag:$0x5] =	stream.linear.gather [hbm4b:s5+s4], $0x2800, $0x38;
	[tilespmem:$0x16180] =	vst v63  }
0x1b: {  	_ =	swait.ge [sflag:s15], $0x2800  }
0x1c: {  	[sflag:s15] =	ssyncset.done $0x0  }
0x1d: {  	[sflag:s15] =	ssyncadd.s32 $0xFFFFD800  }
0x1e: {  	[bflag:$0x0] =	sbarrier.arrive $0xFFFF  }
0x1f: {  	[tilespmem:s17], [sflag:$0x5] =	stream.linear.gather [hbm4b:s7+s4], $0x50, $0x38;
	[tilespmem:$0x16180] =	vst v63  }
0x20: {  	_ =	swait.ge [sflag:s15], $0x50  }
0x21: {  	[sflag:s15] =	ssyncset.done $0x0  }
0x22: {  	[sflag:s15] =	ssyncadd.s32 $0xFFFFFFB0  }
0x23: {  	[spmem:s3] =	stream.indirect.scatter.add.f32 [tilespmem:s16], [sflag:$0x1], $0x80, s17, s18, $0xb8;
	[tilespmem:$0x16180] =	vst v63  }
0x24: {  	_ = 	snop  }
0x25: {  	[tilespmem:s19], [sflag:$0x4] =	stream.linear.gather [hbm4b:s9+s4], $0x50, $0x38;
	[tilespmem:$0x16180] =	vst v63  }
0x26: {  	_ =	swait.ge [sflag:s20], $0x50  }
0x27: {  	[sflag:s20] =	ssyncset.done $0x0  }
0x28: {  	[sflag:s20] =	ssyncadd.s32 $0xFFFFFFB0  }
0x29: {  	[spmem:s3] =	stream.indirect.scatter.add.f32 [tilespmem:s16], [sflag:$0x2], $0x80, s19, s18, $0xb8;
	[tilespmem:$0x16180] =	vst v63  }
0x2a: {  	_ =	swait.ge [sflag:s21], $0x2800  }
0x2b: {  	s25 =	sshrl.u32 s13, $0x3;
	[sflag:s21] =	ssyncset.done $0x0  }
0x2c: {  	s25 =	sadd.s32 s1, s25;
	[sflag:s21] =	ssyncadd.s32 $0xFFFFD800  }
0x2d: {  	[tilespmem:s17], [sflag:$0x3] =	stream.linear.gather [hbm4b:s25+s4], $0x50, $0x38;
	[tilespmem:$0x16180] =	vst v63  }
0x2e: {  	_ =	swait.ge [sflag:s22], $0x50  }
0x2f: {  	[sflag:s22] =	ssyncset.done $0x0  }
0x30: {  	[sflag:s22] =	ssyncadd.s32 $0xFFFFFFB0  }
0x31: {  	[spmem:s3] =	stream.indirect.scatter.add.f32 [tilespmem:s16], [sflag:$0x1], $0x80, s17, s18, $0xb8;
	[tilespmem:$0x16180] =	vst v63  }
0x32: {  	_ =	swait.ge [sflag:s23], $0x2800  }
0x33: {  	s28 =	sadd.s32 $0x0, s12;
	[sflag:s23] =	ssyncset.done $0x0  }
0x34: {  	s26 =	sadd.s32 $0xA0, s13;
	s25 =	simm.s32 $0x14;
	[sflag:s23] =	ssyncadd.s32 $0xFFFFD800  }
.LBB2_2:
0x35: {  	[tilespmem:s19], [sflag:$0x4] =	stream.linear.gather [hbm4b:s28+s4], $0x50, $0x38;
	[tilespmem:$0x16180] =	vst v63  }
0x36: {  	s28 =	smov.u32 s25  }
0x37: {  	p0 =	sne.s32 s25, $0x4C4;
	s25 =	sadd.s32 $0x14, s25;
	_ =	swait.ge [sflag:s20], $0x50  }
0x38: {  	[sflag:s20] =	ssyncset.done $0x0  }
0x39: {  	[sflag:s20] =	ssyncadd.s32 $0xFFFFFFB0  }
0x3a: {  	[spmem:s3] =	stream.indirect.scatter.add.f32 [tilespmem:s16], [sflag:$0x2], $0x80, s19, s18, $0xb8;
	[tilespmem:$0x16180] =	vst v63  }
0x3b: {  	_ =	swait.ge [sflag:s21], $0x2800  }
0x3c: {  	s29 =	sshrl.u32 s26, $0x3;
	[sflag:s21] =	ssyncset.done $0x0  }
0x3d: {  	s29 =	sadd.s32 s1, s29;
	[sflag:s21] =	ssyncadd.s32 $0xFFFFD800  }
0x3e: {  	[tilespmem:s17], [sflag:$0x3] =	stream.linear.gather [hbm4b:s29+s4], $0x50, $0x38;
	[tilespmem:$0x16180] =	vst v63  }
0x3f: {  	_ =	swait.ge [sflag:s22], $0x50  }
0x40: {  	[sflag:s22] =	ssyncset.done $0x0  }
.Ltmp0:
0x41: {  	[sflag:s22] =	ssyncadd.s32 $0xFFFFFFB0;
	(pc) =	sbr.rel @p0 .LBB2_2-.Ltmp0, $4  }
0x42: {  	[spmem:s3] =	stream.indirect.scatter.add.f32 [tilespmem:s16], [sflag:$0x1], $0x80, s17, s18, $0xb8;
	[tilespmem:$0x16180] =	vst v63  }
0x43: {  	_ =	swait.ge [sflag:s23], $0x2800  }
0x44: {  	[sflag:s23] =	ssyncset.done $0x0  }
0x45: {  	s26 =	sadd.s32 $0xA0, s26;
	s28 =	sadd.s32 s28, s12;
	[sflag:s23] =	ssyncadd.s32 $0xFFFFD800  }
0x46: {  	[tilespmem:s19], [sflag:$0x4] =	stream.linear.gather [hbm4b:s28+s4], $0x50, $0x38;
	[tilespmem:$0x16180] =	vst v63  }
0x47: {  	_ =	swait.ge [sflag:s21], $0x2800  }
0x48: {  	[sflag:s21] =	ssyncset.done $0x0  }
0x49: {  	[sflag:s21] =	ssyncadd.s32 $0xFFFFD800  }
0x4a: {  	_ =	swait.ge [sflag:s20], $0x50  }
0x4b: {  	s24 =	sadd.s32 $0x1, s24;
	[sflag:s20] =	ssyncset.done $0x0  }
0x4c: {  	p0 =	sne.s32 s24, s11;
	[sflag:s20] =	ssyncadd.s32 $0xFFFFFFB0  }
.Ltmp1:
0x4d: {  	[bflag:$0x0] =	sbarrier.arrive $0xFFFF;
	(pc) =	sbr.rel @p0 .LBB2_1-.Ltmp1, $4  }
0x4e: {  	[hbm:s10], [sflag:s8] =	dma.local [spmem:s14], $0x2800  }
0x4f: {  	_ =	swait.ge [sflag:s15], $0x2800  }
0x50: {  	[sflag:s15] =	ssyncset.done $0x0  }
0x51: {  	[sflag:s15] =	ssyncadd.s32 $0xFFFFD800  }
0x52: {  	_ =	sfence.sel $0x180000  }
0x53: {  	[bflag:$0x0] =	sbarrier.arrive $0xFFFF  }
0x54: {  	p0 =	sne.s32 s2, $0x0;
	_ =	strace $0x90000047  }
0x55: {  	s0 =	sadd.s32 @!p0 $0x100000, s0;
	[bflag:$0x2] =	sbarrier.arrive $0xFFFF  }
0x56: {  	[sflag:s0] =	ssyncadd.tile.s32 @!p0 $0x1;
	_ =	shalt  }
.Lfunc_end2:
_tile_overlayer_lowered:
.L_overlay_start_2:
0x57: {  	(tag) =	ssettag $0x2  }
0x58: {  	s0 =	rddreg [dreg:$0x0];
	s2 =	stileid.u32  }
0x59: {  	s1 =	rddreg [dreg:$0x1];
	p0 =	sne.s32 s2, $0x0  }
0x5a: {  	s3 =	rddreg [dreg:$0x2];
	[bflag:$0x3] =	sbarrier.arrive $0xFFFF;
	s2 =	simm.s32 @!p0 $0x1C05  }
0x5b: {  	[timem:s3], [sflag:s2] =	dma.local @!p0 [hbm:s0], s1  }
0x5c: {  	s0 =	simm.s32 @!p0 $0x5  }
0x5d: {  	_ =	swait.ge @!p0 [sflag:s0], s1  }
0x5e: {  	s1 =	ssub.s32 @!p0 $0x0, s1;
	[sflag:s0] =	ssyncset.done @!p0 $0x0  }
0x5f: {  	[sflag:s0] =	ssyncadd.s32 @!p0 s1  }
0x60: {  	[bflag:$0x3] =	sbarrier.arrive $0xFFFF  }
0x61: {  	_ =	shalt  }

// kernel: kernel.13.cloned.1.call-start
scs
__scs_entry_jumppad:
0x0: {  	(pc) =	sbr.rel $0x88, $3  }
0x1: {  	(tag) =	ssettag $0x0;
	lr =	simm.s32 $0x1  }
0x2: {  	[smem:$0x3F9E] =	sst lr;
	_ =	strace $0xD0000000  }
0x3: {  	_ = 	snop  }
0x4: {  	_ = 	snop  }
0x5: {  	_ = 	snop  }
0x6: {  	_ = 	snop  }
0x7: {  	_ = 	snop  }
__scs_overlays_trampoline_lowered:
0x8: {  	[smem:$0x3FAD] =	sst s0  }
0x9: {  	[smem:$0x3FAE] =	sst s1  }
0xa: {  	[smem:$0x3FAF] =	sst s2  }
0xb: {  	[smem:$0x3FB0] =	sst s3  }
0xc: {  	[smem:$0x3FB1] =	sst s4  }
0xd: {  	[smem:$0x3FB2] =	sst s5  }
0xe: {  	[smem:$0x3FB3] =	sst s6  }
0xf: {  	[smem:$0x3FB4] =	sst s7  }
0x10: {  	[smem:$0x3FB5] =	sst s8  }
0x11: {  	[smem:$0x3FB6] =	sst s9;
	s0 =	simm.s32 @!p0 $0x0  }
0x12: {  	s1 =	sld [smem:$0x3F9C];
	s0 =	simm.s32 @p0 $0x1  }
0x13: {  	[smem:$0x3FB7] =	sst s0;
	s0 =	simm.s32 @!p1 $0x0  }
0x14: {  	s2 =	sld [smem:$0x3F9B];
	s0 =	simm.s32 @p1 $0x1  }
0x15: {  	[smem:$0x3FB8] =	sst s0;
	s0 =	simm.s32 @!p2 $0x0  }
0x16: {  	s3 =	sld [smem:$0x3FDB];
	s0 =	simm.s32 @p2 $0x1  }
0x17: {  	s4 =	simm.s32 $0x1BF5;
	[smem:$0x3FBA] =	sst s0  }
0x18: {  	s0 =	sld [smem:$0x3F9D];
	_ =	swait.ge [sflag:s4], $0x0  }
0x19: {  	s7 =	sld [smem:$0x3F9E]  }
0x1a: {  	s8 =	sadd.s32 $0xFFFFE003, lr  }
0x1b: {  	s9 =	sadd.s32 $0xFFFFFEF7, lr;
	s5 =	simm.s32 $0xFFFFFFFF;
	p2 =	slt.u32 s8, $0xFFFFF086  }
0x1c: {  	p1 =	slt.u32 s9, $0xF7A;
	s5 =	simm.s32 @!p2 $0x0  }
0x1d: {  	s5 =	simm.s32 @p1 $0x1;
	p0 =	seq.s32 s7, s2  }
0x1e: {  	s7 =	smul.u32 @!p0 $0xF7A, s2;
	p2 =	seq.s32 @!p0 s5, $0x0  }
0x1f: {  	s9 =	smul.u32 $0xF7A, s1;
	s8 =	simm.s32 @!p0 $0x1BF5;
	p2 =	por !p2, p0  }
0x20: {  	[sflag:s8] =	ssyncset.s32 @!p0 $0xFFFFF086;
	s6 =	sadd.s32 @!p0 s3, s7;
	s7 =	simm.s32 @!p0 $0x108  }
0x21: {  	s3 =	sadd.s32 s3, s9;
	s6 =	sadd.s32 @!p0 $0x88, s6;
	s7 =	simm.s32 @p2 $0x1082  }
0x22: {  	[simem:s7], [sflag:s8] =	dma.local @!p0 [hbm:s6], $0xF7A  }
0x23: {  	s9 =	sor.u32 $0xD0000000, s2;
	s6 =	simm.s32 $0x108;
	_ =	swait.ge @!p0 [sflag:s8], $0x0  }
0x24: {  	s3 =	sadd.s32 $0x88, s3;
	s6 =	simm.s32 @!p1 $0x1082;
	[sflag:s4] =	ssyncset.s32 $0xFFFFF086  }
0x25: {  	[simem:s6], [sflag:s4] =	dma.local [hbm:s3], $0xF7A  }
0x26: {  	[smem:$0x3F9E] =	sst s1;
	(tag) =	ssettag s2;
	_ =	strace s9  }
0x27: {  	s1 =	sld [smem:$0x3FAE]  }
0x28: {  	s2 =	sld [smem:$0x3FAF]  }
0x29: {  	s4 =	sld [smem:$0x3FB1]  }
0x2a: {  	p0 =	seq.s32 s5, $0x0;
	s5 =	sld [smem:$0x3FB2]  }
0x2b: {  	s6 =	sld [smem:$0x3FB3]  }
0x2c: {  	s7 =	sld [smem:$0x3FB4]  }
0x2d: {  	s3 =	simm.s32 $0x108;
	s8 =	sld [smem:$0x3FB5]  }
0x2e: {  	s3 =	simm.s32 @!p0 $0x1082;
	s9 =	sld [smem:$0x3FB6]  }
0x2f: {  	lr =	sadd.s32 s0, s3;
	s0 =	sld [smem:$0x3FAD]  }
0x30: {  	s3 =	sld [smem:$0x3FB0]  }
0x31: {  	[smem:$0x3FB9] =	sst s10  }
0x32: {  	s10 =	sld [smem:$0x3FB7];
	_ =	sdelay $0x3  }
0x33: {  	p0 =	seq.s32 s10, $0x1;
	s10 =	sld [smem:$0x3FB9];
	_ =	sdelay $0x3  }
0x34: {  	[smem:$0x3FB9] =	sst s10  }
0x35: {  	s10 =	sld [smem:$0x3FB8];
	_ =	sdelay $0x3  }
0x36: {  	p1 =	seq.s32 s10, $0x1;
	s10 =	sld [smem:$0x3FB9];
	_ =	sdelay $0x3  }
0x37: {  	[smem:$0x3FB9] =	sst s10  }
0x38: {  	s10 =	sld [smem:$0x3FBA]  }
0x39: {  	_ = 	snop;
	(pc) =	sbr.ind lr, $3  }
0x3a: {  	_ = 	snop  }
0x3b: {  	_ = 	snop  }
0x3c: {  	p2 =	seq.s32 s10, $0x1;
	s10 =	sld [smem:$0x3FB9]  }
0x3d: {  	_ =	shalt  }
0x3e: {  	_ =	shalt  }
0x3f: {  	_ =	shalt  }
0x40: {  	_ =	shalt  }
0x41: {  	_ =	shalt  }
0x42: {  	_ =	shalt  }
0x43: {  	_ =	shalt  }
0x44: {  	_ =	shalt  }
0x45: {  	_ =	shalt  }
0x46: {  	_ =	shalt  }
0x47: {  	_ =	shalt  }
0x48: {  	_ =	shalt  }
0x49: {  	_ =	shalt  }
0x4a: {  	_ =	shalt  }
0x4b: {  	_ =	shalt  }
0x4c: {  	_ =	shalt  }
0x4d: {  	_ =	shalt  }
0x4e: {  	_ =	shalt  }
0x4f: {  	_ =	shalt  }
0x50: {  	_ =	shalt  }
0x51: {  	_ =	shalt  }
0x52: {  	_ =	shalt  }
0x53: {  	_ =	shalt  }
0x54: {  	_ =	shalt  }
0x55: {  	_ =	shalt  }
0x56: {  	_ =	shalt  }
0x57: {  	_ =	shalt  }
0x58: {  	_ =	shalt  }
0x59: {  	_ =	shalt  }
0x5a: {  	_ =	shalt  }
0x5b: {  	_ =	shalt  }
0x5c: {  	_ =	shalt  }
0x5d: {  	_ =	shalt  }
0x5e: {  	_ =	shalt  }
0x5f: {  	_ =	shalt  }
0x60: {  	_ =	shalt  }
0x61: {  	_ =	shalt  }
0x62: {  	_ =	shalt  }
0x63: {  	_ =	shalt  }
0x64: {  	_ =	shalt  }
0x65: {  	_ =	shalt  }
0x66: {  	_ =	shalt  }
0x67: {  	_ =	shalt  }
0x68: {  	_ =	shalt  }
0x69: {  	_ =	shalt  }
0x6a: {  	_ =	shalt  }
0x6b: {  	_ =	shalt  }
0x6c: {  	_ =	shalt  }
0x6d: {  	_ =	shalt  }
0x6e: {  	_ =	shalt  }
0x6f: {  	_ =	shalt  }
0x70: {  	_ =	shalt  }
0x71: {  	_ =	shalt  }
0x72: {  	_ =	shalt  }
0x73: {  	_ =	shalt  }
0x74: {  	_ =	shalt  }
0x75: {  	_ =	shalt  }
0x76: {  	_ =	shalt  }
0x77: {  	_ =	shalt  }
0x78: {  	_ =	shalt  }
0x79: {  	_ =	shalt  }
0x7a: {  	_ =	shalt  }
0x7b: {  	_ =	shalt  }
0x7c: {  	_ =	shalt  }
0x7d: {  	_ =	shalt  }
0x7e: {  	_ =	shalt  }
0x7f: {  	_ =	shalt  }
0x80: {  	_ =	shalt  }
0x81: {  	_ =	shalt  }
0x82: {  	_ =	shalt  }
0x83: {  	_ =	shalt  }
0x84: {  	_ =	shalt  }
0x85: {  	_ =	shalt  }
0x86: {  	_ =	shalt  }
0x87: {  	_ =	shalt  }
.Lfunc_end0:
.L_simem_size_0:
called_computation.1_lowered:
.L_overlay_start_0:
0x88: {  	s2 =	sld [smem:$0x3FD9]  }
0x89: {  	s3 =	sld [smem:$0x3FFE];
	_ =	sdelay $0x1  }
0x8a: {  	s1 =	srdreg.scid  }
0x8b: {  	s0 =	sand.u32 $0x1, s1  }
0x8c: {  	s14 =	sshll.u32 s0, $0xA;
	s2 =	sadd.s32 s3, s2  }
0x8d: {  	s2 =	sadd.s32 s2, s14  }
0x8e: {  	[smem:$0x3FC5] =	sst s2  }
0x8f: {  	_ = 	snop  }
0x90: {  	s2 =	sld [smem:$0x3FD0];
	_ =	sdelay $0x2  }
0x91: {  	s15 =	simm.s32 $0xA;
	s4 =	simm.s32 $0x10  }
0x92: {  	[smem:s4], [sflag:s15] =	dma.local [hbm:s2], $0x1  }
0x93: {  	_ =	swait.eq [sflag:s15], $0x1  }
0x94: {  	s16 =	sld [smem:$0x10];
	[sflag:s15] =	ssyncset.done $0x0  }
0x95: {  	s17 =	sld [smem:$0x11];
	[sflag:s15] =	ssyncadd.s32 $0xFFFFFFFF  }
0x96: {  	s18 =	sld [smem:$0x12];
	(tm) =	ssettm $0x1  }
0x97: {  	s5 =	sld [smem:$0x3FFB];
	_ =	sdelay $0x3  }
0x98: {  	_ =	strace s5  }
0x99: {  	s5 =	sld [smem:$0x3FFC];
	_ =	sdelay $0x3  }
0x9a: {  	_ =	strace s5  }
0x9b: {  	s5 =	sld [smem:$0x3FFD];
	_ =	sdelay $0x3  }
0x9c: {  	_ =	strace s5  }
0x9d: {  	_ =	strace $0x8FFFFFFF  }
0x9e: {  	s19 =	sld [smem:$0x3FDB];
	_ =	sdelay $0x1  }
0x9f: {  	s6 =	simm.s32 $_scs_section_size  }
0xa0: {  	s7 =	simm.s32 $_size__tile_overlayer_lowered;
	s8 =	simm.s32 $_tile_overlayer_lowered  }
0xa1: {  	s22 =	simm.s32 $0x1BFF;
	s21 =	sshll.u32 s8, $0x1;
	s5 =	sadd.s32 s6, s19  }
0xa2: {  	s9 =	simm.s32 $0x0;
	s20 =	sshll.u32 s7, $0x1;
	s7 =	sadd.s32 s21, s5  }
0xa3: {  	[timem:s9], [sflag:s22] =	dma.local [hbm:s7], s20  }
0xa4: {  	_ =	swait.ge [sflag:s22], s20  }
0xa5: {  	s6 =	ssub.s32 $0x0, s20;
	[sflag:s22] =	ssyncset.done $0x0  }
0xa6: {  	[sflag:s22] =	ssyncadd.s32 s6;
	_ =	sdelay $0x1  }
0xa7: {  	s23 =	simm.s32 $0x1B8B  }
0xa8: {  	_ =	swait.ge [sflag:s23], $0x1  }
0xa9: {  	[sflag:s23] =	ssyncset.done $0x0  }
0xaa: {  	s25 =	simm.s32 $0x1B8E;
	s24 =	sld [smem:$0x3FFE];
	[sflag:s23] =	ssyncadd.s32 $0xFFFFFFFF  }
0xab: {  	s26 =	simm.s32 $execute0_lowered;
	[smem:$0x3FD2] =	sst s25  }
0xac: {  	s7 =	sshll.u32 s26, $0x1;
	_ =	strace $0x80000049;
	[dreg:$0x1] =	wrdreg $0xFFFFFFFF  }
0xad: {  	s28 =	simm.s32 $_size_execute0_lowered;
	s5 =	sadd.s32 s5, s7;
	[dreg:$0x0] =	wrdreg $0x0  }
0xae: {  	s7 =	sshll.u32 s28, $0x1;
	[dreg:$0x2] =	wrdreg s5  }
0xaf: {  	[dreg:$0x3] =	wrdreg s7  }
0xb0: {  	[dreg:$0x4] =	wrdreg $0xC0  }
0xb1: {  	_ =	task [dreg:s9], $0x5FFFF  }
0xb2: {  	[dreg:$0x1] =	wrdreg $0xFFFFFFFF  }
0xb3: {  	[dreg:$0x0] =	wrdreg $0x60  }
0xb4: {  	[dreg:$0x2] =	wrdreg s24  }
0xb5: {  	[dreg:$0x3] =	wrdreg s18  }
0xb6: {  	[dreg:$0x4] =	wrdreg s17  }
0xb7: {  	[dreg:$0x5] =	wrdreg s16  }
0xb8: {  	[dreg:$0x6] =	wrdreg $0x0  }
0xb9: {  	[dreg:$0x7] =	wrdreg $0x9  }
0xba: {  	_ =	task.clear_ibuf [dreg:s9], $0x8FFFF;
	_ =	strace $0x90000049  }
0xbb: {  	s29 =	simm.s32 $0x9;
	_ =	strace $0x8000004B  }
0xbc: {  	_ =	swait.ge [sflag:s29], $0x1  }
0xbd: {  	[sflag:s29] =	ssyncadd.s32 $0xFFFFFFFF  }
0xbe: {  	_ =	strace $0x9000004B  }
0xbf: {  	_ =	sfence  }
0xc0: {  	s30 =	sld [smem:$0x0];
	_ =	sdelay $0x2  }
0xc1: {  	s31 =	sshll.u32 s1, $0xD;
	s1 =	sshrl.u32 s1, $0x2  }
0xc2: {  	s3 =	sand.u32 $0x4000, s31;
	s1 =	sadd.s32 s1, s30  }
0xc3: {  	s0 =	sor.u32 s3, s0;
	s1 =	sshll.u32 s1, $0x11  }
0xc4: {  	s0 =	sor.u32 s1, s0  }
0xc5: {  	s0 =	sadd.s32 $0x8F2B, s0  }
0xc6: {  	[sflag:s0] =	ssyncadd.remote.s32 $0x1  }
0xc7: {  	_ =	sfence.sel $0xFFFF  }
0xc8: {  	[dreg:$0x0] =	wrdreg $0xFFFFFFFF;
	(pc) =	sbr.abs _section_cstart, $3  }
0xc9: {  	[dreg:$0x1] =	wrdreg $0xFFFFFFFF  }
0xca: {  	_ =	task.clear_ibuf [dreg:s9], $0x2FFFF;
	_ =	strace $0x9FFFFFFF  }
0xcb: {  	(tm) =	ssettm $0x7FFFFFFF  }
tec
execute0_lowered:
.L_overlay_start_1:
0x0: {  	(tag) =	ssettag $0x1  }
0x1: {  	s0 =	rddreg [dreg:$0x0]  }
0x2: {  	s1 =	rddreg [dreg:$0x1]  }
0x3: {  	s4 =	rddreg [dreg:$0x2]  }
0x4: {  	s7 =	rddreg [dreg:$0x3]  }
0x5: {  	s2 =	rddreg [dreg:$0x4];
	s3 =	simm.s32 $0x0;
	s5 =	srdreg.scid  }
0x6: {  	s13 =	stileid.u32;
	s28 =	simm.s32 $0xD;
	s30 =	simm.s32 $0x50  }
0x7: {  	s31 =	simm.s32 $0x13E80;
	s29 =	simm.s32 $0x13B00;
	s21 =	smul.u32 $0x13800, s13  }
0x8: {  	s8 =	sand.u32 $0x1, s5;
	s6 =	sshll.u32 s13, $0x1;
	s25 =	smul.u32 $0x4E20, s13  }
0x9: {  	[smem:$0x7FF] =	sst s3;
	s9 =	smul.u32 $0x138800, s8;
	s6 =	sor.u32 s8, s6  }
0xa: {  	_ =	strace $0x8000004A;
	s10 =	ssub.s32 $0x2, s8;
	s8 =	smul.u32 $0x2710, s8  }
0xb: {  	s11 =	smul.u32 $0x2710, s6;
	s22 =	sshrl.u32 s10, $0x1;
	s12 =	sshrl.u32 s21, $0x3  }
0xc: {  	s6 =	sadd.s32 s21, s9;
	s5 =	ssub.s32 s10, s22;
	s7 =	sadd.s32 s7, s12  }
0xd: {  	s8 =	sadd.s32 s8, s25;
	[dreg:$0x12] =	wrdreg s7;
	s7 =	sshrl.u32 s11, $0x3  }
0xe: {  	s20 =	sadd.s32 $0x410, s8;
	s12 =	sadd.s32 $0x370, s8;
	s23 =	sadd.s32 s1, s7  }
0xf: {  	s24 =	sadd.s32 s4, s7;
	s26 =	sadd.s32 $0xA, s7;
	[dreg:$0x13] =	wrdreg s23  }
0x10: {  	s6 =	sshrl.u32 s6, $0x3;
	[dreg:$0x14] =	wrdreg s24;
	s14 =	sadd.s32 s1, s26  }
0x11: {  	s11 =	sadd.s32 $0x14, s7;
	s10 =	sadd.s32 s4, s26;
	[dreg:$0x15] =	wrdreg s14  }
0x12: {  	s17 =	sadd.s32 $0x1E, s7;
	s15 =	sadd.s32 s1, s11;
	[dreg:$0x16] =	wrdreg s10  }
0x13: {  	s19 =	sadd.s32 $0x28, s7;
	s16 =	sadd.s32 s4, s11;
	[dreg:$0x17] =	wrdreg s15  }
0x14: {  	s22 =	sshrl.u32 s20, $0x3;
	s18 =	sadd.s32 s1, s17;
	[dreg:$0x18] =	wrdreg s16  }
0x15: {  	s20 =	sadd.s32 $0x32, s7;
	s21 =	sadd.s32 s1, s19;
	[dreg:$0x19] =	wrdreg s18  }
0x16: {  	s6 =	sadd.s32 s6, s0;
	s9 =	sadd.s32 s4, s19;
	[dreg:$0x1b] =	wrdreg s21  }
0x17: {  	s23 =	sadd.s32 s22, s4;
	s24 =	sadd.s32 $0x3C0, s8;
	[dreg:$0x1c] =	wrdreg s9  }
0x18: {  	s25 =	sadd.s32 s22, s1;
	s22 =	sadd.s32 s1, s20;
	[dreg:$0x6] =	wrdreg s23  }
0x19: {  	s10 =	sadd.s32 s4, s17;
	s26 =	sshrl.u32 s24, $0x3;
	[dreg:$0x7] =	wrdreg s25  }
0x1a: {  	s15 =	sshrl.u32 s12, $0x3;
	s17 =	sadd.s32 $0x320, s8;
	[dreg:$0x1d] =	wrdreg s22  }
0x1b: {  	s23 =	sadd.s32 $0x2D0, s8;
	s8 =	sadd.s32 $0x280, s8;
	s25 =	sadd.s32 $0x3C, s7  }
0x1c: {  	s7 =	sadd.s32 $0x46, s7;
	[dreg:$0x1a] =	wrdreg s10;
	s11 =	sadd.s32 s26, s4  }
0x1d: {  	s22 =	simm.s32 $0xB;
	s14 =	sadd.s32 s26, s1;
	[dreg:$0x8] =	wrdreg s11  }
0x1e: {  	s16 =	sadd.s32 s15, s4;
	s18 =	sadd.s32 s15, s1;
	[dreg:$0x9] =	wrdreg s14  }
0x1f: {  	s19 =	sshrl.u32 s17, $0x3;
	s9 =	sshrl.u32 s23, $0x3;
	[dreg:$0xa] =	wrdreg s16  }
0x20: {  	s8 =	sshrl.u32 s8, $0x3;
	s12 =	sadd.s32 s4, s25;
	[dreg:$0xb] =	wrdreg s18  }
0x21: {  	s17 =	sadd.s32 $0x28E00, s6;
	s23 =	simm.s32 $0x6;
	[smem:$0x7F6] =	sst s12  }
0x22: {  	s21 =	sadd.s32 s19, s4;
	s11 =	sadd.s32 s4, s20;
	[smem:$0x7FA] =	sst s17  }
0x23: {  	s10 =	sadd.s32 s19, s1;
	s24 =	sadd.s32 s9, s4;
	[dreg:$0xc] =	wrdreg s21  }
0x24: {  	s9 =	sadd.s32 s9, s1;
	s26 =	sadd.s32 s8, s4;
	[dreg:$0x1e] =	wrdreg s11  }
0x25: {  	s4 =	sadd.s32 s4, s7;
	s14 =	smul.u32 $0x4E000, s13;
	[dreg:$0xd] =	wrdreg s10  }
0x26: {  	s7 =	sadd.s32 s1, s7;
	s16 =	sshll.u32 s13, $0x6;
	[dreg:$0xe] =	wrdreg s24  }
0x27: {  	s18 =	smax.u32 s5, $0x1;
	s5 =	simm.s32 $0x13B80;
	[dreg:$0xf] =	wrdreg s9  }
0x28: {  	s13 =	simm.s32 $0x13D00;
	s12 =	simm.s32 $0x18E80;
	[dreg:$0x10] =	wrdreg s26  }
0x29: {  	s20 =	simm.s32 $0x13A80;
	s19 =	simm.s32 $0x0;
	[smem:$0x7F7] =	sst s4  }
0x2a: {  	s11 =	sadd.s32 s1, s25;
	[smem:$0x7F8] =	sst s7;
	s1 =	sadd.s32 s8, s1  }
0x2b: {  	s21 =	sadd.s32 $0x1C00, s0;
	[smem:$0x7FB] =	sst s18;
	s4 =	simm.s32 $0x13880  }
0x2c: {  	s9 =	simm.s32 $0x13900;
	s10 =	simm.s32 $0x13980;
	s8 =	simm.s32 $0x1  }
0x2d: {  	s24 =	simm.s32 $0x5;
	s25 =	simm.s32 $0xC;
	[smem:$0x7FC] =	sst s19  }
0x2e: {  	s26 =	simm.s32 $0x7;
	[dreg:$0x1f] =	wrdreg s11;
	s15 =	sshrl.u32 s14, $0x2  }
0x2f: {  	[dreg:$0x11] =	wrdreg s1;
	s1 =	sor.u32 $0x1C0D, s16;
	s14 =	simm.s32 $0x13C80  }
0x30: {  	s11 =	simm.s32 $0x9;
	s0 =	sadd.s32 s15, s2;
	[smem:$0x7FD] =	sst s1  }
0x31: {  	s16 =	simm.s32 $0xA;
	s15 =	simm.s32 $0x13A00;
	[smem:$0x7F9] =	sst s0  }
.LBB2_1:
0x32: {  	s0 =	sld [smem:$0x7F9];
	_ =	sdelay $0x2  }
0x33: {  	s17 =	rddreg [dreg:$0x12];
	s19 =	sshrl.u32 s0, $0x3  }
0x34: {  	[smem:$0x7F5] =	sst s19  }
0x35: {  	[spmem:s19], [sflag:s1] =	dma.local [hbm:s17], $0x2800  }
0x36: {  	_ =	swait.ge [sflag:s28], $0x2800  }
0x37: {  	[sflag:s28] =	ssyncset.done $0x0  }
0x38: {  	[sflag:s28] =	ssyncadd.s32 $0xFFFFD800  }
0x39: {  	[bflag:$0x0] =	sbarrier.arrive $0xFFFF  }
0x3a: {  	s18 =	rddreg [dreg:$0x13]  }
0x3b: {  	[tilespmem:s4], [sflag:$0xD] =	stream.linear.gather [hbm4b:s18+s3], $0x50, $0x38;
	[tilespmem:$0x1B680] =	vst v63  }
0x3c: {  	_ =	swait.ge [sflag:s28], $0x50  }
0x3d: {  	[sflag:s28] =	ssyncset.done $0x0  }
0x3e: {  	s19 =	rddreg [dreg:$0x14];
	[sflag:s28] =	ssyncadd.s32 $0xFFFFFFB0  }
0x3f: {  	[tilespmem:s5], [sflag:$0xD] =	stream.linear.gather [hbm4b:s19+s3], $0x50, $0x38;
	[tilespmem:$0x1B680] =	vst v63  }
0x40: {  	_ =	swait.ge [sflag:s28], $0x50  }
0x41: {  	[sflag:s28] =	ssyncset.done $0x0  }
0x42: {  	[sflag:s28] =	ssyncadd.s32 $0xFFFFFFB0  }
0x43: {  	[tilespmem:s31], [sflag:$0x1] =	stream.indirect.gather [hbm4b:s21+s30], $0x80, s4, s30, $0xb8;
	[tilespmem:$0x1B680] =	vst v63  }
0x44: {  	s1 =	rddreg [dreg:$0x15]  }
0x45: {  	[tilespmem:s9], [sflag:$0x8] =	stream.linear.gather [hbm4b:s1+s3], $0x50, $0x38;
	[tilespmem:$0x1B680] =	vst v63  }
0x46: {  	s6 =	simm.s32 $0x13C00;
	s2 =	rddreg [dreg:$0x16]  }
0x47: {  	[tilespmem:s6], [sflag:$0x8] =	stream.linear.gather [hbm4b:s2+s3], $0x50, $0x38;
	[tilespmem:$0x1B680] =	vst v63  }
0x48: {  	s7 =	rddreg [dreg:$0x17]  }
0x49: {  	[tilespmem:s10], [sflag:$0x9] =	stream.linear.gather [hbm4b:s7+s3], $0x50, $0x38;
	[tilespmem:$0x1B680] =	vst v63  }
0x4a: {  	s17 =	rddreg [dreg:$0x18];
	s6 =	simm.s32 $0x8  }
0x4b: {  	[tilespmem:s14], [sflag:$0x9] =	stream.linear.gather [hbm4b:s17+s3], $0x50, $0x38;
	[tilespmem:$0x1B680] =	vst v63  }
0x4c: {  	_ =	swait.ge [sflag:s6], $0x50  }
0x4d: {  	[sflag:s6] =	ssyncset.done $0x0  }
0x4e: {  	[sflag:s6] =	ssyncadd.s32 $0xFFFFFFB0  }
0x4f: {  	_ =	swait.ge [sflag:s6], $0x50  }
0x50: {  	[sflag:s6] =	ssyncset.done $0x0  }
0x51: {  	s7 =	simm.s32 $0x16680;
	[sflag:s6] =	ssyncadd.s32 $0xFFFFFFB0  }
0x52: {  	[tilespmem:s7], [sflag:$0x2] =	stream.indirect.gather [hbm4b:s21+s30], $0x80, s9, s30, $0xb8;
	[tilespmem:$0x1B680] =	vst v63  }
0x53: {  	_ =	swait.ge [sflag:s8], $0x2800  }
0x54: {  	[sflag:s8] =	ssyncset.done $0x0  }
0x55: {  	[sflag:s8] =	ssyncadd.s32 $0xFFFFD800  }
0x56: {  	s2 =	rddreg [dreg:$0x4]  }
0x57: {  	[spmem:s2] =	stream.indirect.scatter.add.f32 [tilespmem:s31], [sflag:$0x4], $0x80, s5, s30, $0xb8;
	[tilespmem:$0x1B680] =	vst v63  }
0x58: {  	s18 =	rddreg [dreg:$0x19]  }
0x59: {  	[tilespmem:s15], [sflag:$0xA] =	stream.linear.gather [hbm4b:s18+s3], $0x50, $0x38;
	[tilespmem:$0x1B680] =	vst v63  }
0x5a: {  	s19 =	rddreg [dreg:$0x1a]  }
0x5b: {  	[tilespmem:s13], [sflag:$0xA] =	stream.linear.gather [hbm4b:s19+s3], $0x50, $0x38;
	[tilespmem:$0x1B680] =	vst v63  }
0x5c: {  	_ =	swait.ge [sflag:s11], $0x50  }
0x5d: {  	[sflag:s11] =	ssyncset.done $0x0  }
0x5e: {  	[sflag:s11] =	ssyncadd.s32 $0xFFFFFFB0  }
0x5f: {  	_ =	swait.ge [sflag:s11], $0x50  }
0x60: {  	[sflag:s11] =	ssyncset.done $0x0  }
0x61: {  	s13 =	simm.s32 $0x2;
	[sflag:s11] =	ssyncadd.s32 $0xFFFFFFB0  }
0x62: {  	[tilespmem:s12], [sflag:$0x3] =	stream.indirect.gather [hbm4b:s21+s30], $0x80, s10, s30, $0xb8;
	[tilespmem:$0x1B680] =	vst v63  }
0x63: {  	_ =	swait.ge [sflag:s13], $0x2800  }
0x64: {  	[sflag:s13] =	ssyncset.done $0x0  }
0x65: {  	s1 =	simm.s32 $0x13C00;
	[sflag:s13] =	ssyncadd.s32 $0xFFFFD800  }
0x66: {  	[spmem:s2] =	stream.indirect.scatter.add.f32 [tilespmem:s7], [sflag:$0x5], $0x80, s1, s30, $0xb8;
	[tilespmem:$0x1B680] =	vst v63  }
0x67: {  	s17 =	rddreg [dreg:$0x1b]  }
0x68: {  	[tilespmem:s20], [sflag:$0xB] =	stream.linear.gather [hbm4b:s17+s3], $0x50, $0x38;
	[tilespmem:$0x1B680] =	vst v63  }
0x69: {  	s18 =	rddreg [dreg:$0x1c];
	s1 =	simm.s32 $0x13D80  }
0x6a: {  	[tilespmem:s1], [sflag:$0xB] =	stream.linear.gather [hbm4b:s18+s3], $0x50, $0x38;
	[tilespmem:$0x1B680] =	vst v63  }
0x6b: {  	_ =	swait.ge [sflag:s16], $0x50  }
0x6c: {  	[sflag:s16] =	ssyncset.done $0x0  }
0x6d: {  	[sflag:s16] =	ssyncadd.s32 $0xFFFFFFB0  }
0x6e: {  	_ =	swait.ge [sflag:s16], $0x50  }
0x6f: {  	[sflag:s16] =	ssyncset.done $0x0  }
0x70: {  	s17 =	simm.s32 $0x4;
	[sflag:s16] =	ssyncadd.s32 $0xFFFFFFB0  }
0x71: {  	_ =	swait.ge [sflag:s17], $0x2800  }
0x72: {  	[sflag:s17] =	ssyncset.done $0x0  }
0x73: {  	s18 =	simm.s32 $0x3;
	[sflag:s17] =	ssyncadd.s32 $0xFFFFD800  }
0x74: {  	[tilespmem:s31], [sflag:$0x1] =	stream.indirect.gather [hbm4b:s21+s30], $0x80, s15, s30, $0xb8;
	[tilespmem:$0x1B680] =	vst v63  }
0x75: {  	_ =	swait.ge [sflag:s18], $0x2800  }
0x76: {  	[sflag:s18] =	ssyncset.done $0x0  }
0x77: {  	[sflag:s18] =	ssyncadd.s32 $0xFFFFD800  }
0x78: {  	[spmem:s2] =	stream.indirect.scatter.add.f32 [tilespmem:s12], [sflag:$0x6], $0x80, s14, s30, $0xb8;
	[tilespmem:$0x1B680] =	vst v63  }
0x79: {  	s19 =	rddreg [dreg:$0x1d]  }
0x7a: {  	[tilespmem:s29], [sflag:$0xC] =	stream.linear.gather [hbm4b:s19+s3], $0x50, $0x38;
	[tilespmem:$0x1B680] =	vst v63  }
0x7b: {  	s0 =	rddreg [dreg:$0x1e];
	s19 =	simm.s32 $0x13E00  }
0x7c: {  	[tilespmem:s19], [sflag:$0xC] =	stream.linear.gather [hbm4b:s0+s3], $0x50, $0x38;
	[tilespmem:$0x1B680] =	vst v63  }
0x7d: {  	_ =	swait.ge [sflag:s22], $0x50  }
0x7e: {  	[sflag:s22] =	ssyncset.done $0x0  }
0x7f: {  	[sflag:s22] =	ssyncadd.s32 $0xFFFFFFB0  }
0x80: {  	_ =	swait.ge [sflag:s22], $0x50  }
0x81: {  	[sflag:s22] =	ssyncset.done $0x0  }
0x82: {  	[sflag:s22] =	ssyncadd.s32 $0xFFFFFFB0  }
0x83: {  	_ =	swait.ge [sflag:s24], $0x2800  }
0x84: {  	[sflag:s24] =	ssyncset.done $0x0  }
0x85: {  	[sflag:s24] =	ssyncadd.s32 $0xFFFFD800  }
0x86: {  	[tilespmem:s7], [sflag:$0x2] =	stream.indirect.gather [hbm4b:s21+s30], $0x80, s20, s30, $0xb8;
	[tilespmem:$0x1B680] =	vst v63  }
0x87: {  	_ =	swait.ge [sflag:s8], $0x2800  }
0x88: {  	[sflag:s8] =	ssyncset.done $0x0  }
0x89: {  	s28 =	simm.s32 $0x13D00;
	[sflag:s8] =	ssyncadd.s32 $0xFFFFD800  }
0x8a: {  	[spmem:s2] =	stream.indirect.scatter.add.f32 [tilespmem:s31], [sflag:$0x4], $0x80, s28, s30, $0xb8;
	[tilespmem:$0x1B680] =	vst v63  }
0x8b: {  	s0 =	rddreg [dreg:$0x1f]  }
0x8c: {  	[tilespmem:s4], [sflag:$0x7] =	stream.linear.gather [hbm4b:s0+s3], $0x50, $0x38;
	[tilespmem:$0x1B680] =	vst v63  }
0x8d: {  	s4 =	sld [smem:$0x7F6];
	_ =	sdelay $0x2  }
0x8e: {  	[tilespmem:s5], [sflag:$0x7] =	stream.linear.gather [hbm4b:s4+s3], $0x50, $0x38;
	[tilespmem:$0x1B680] =	vst v63  }
0x8f: {  	s4 =	sld [smem:$0x7F8];
	_ =	sdelay $0x1  }
0x90: {  	s5 =	sld [smem:$0x7F7]  }
0x91: {  	[tilespmem:s9], [sflag:$0x8] =	stream.linear.gather [hbm4b:s4+s3], $0x50, $0x38;
	[tilespmem:$0x1B680] =	vst v63  }
0x92: {  	s9 =	simm.s32 $0x13C00  }
0x93: {  	[tilespmem:s9], [sflag:$0x8] =	stream.linear.gather [hbm4b:s5+s3], $0x50, $0x38;
	[tilespmem:$0x1B680] =	vst v63  }
0x94: {  	_ =	swait.ge [sflag:s25], $0x50  }
0x95: {  	[sflag:s25] =	ssyncset.done $0x0  }
0x96: {  	[sflag:s25] =	ssyncadd.s32 $0xFFFFFFB0  }
0x97: {  	_ =	swait.ge [sflag:s25], $0x50  }
0x98: {  	[sflag:s25] =	ssyncset.done $0x0  }
0x99: {  	[sflag:s25] =	ssyncadd.s32 $0xFFFFFFB0  }
0x9a: {  	_ =	swait.ge [sflag:s23], $0x2800  }
0x9b: {  	[sflag:s23] =	ssyncset.done $0x0  }
0x9c: {  	[sflag:s23] =	ssyncadd.s32 $0xFFFFD800  }
0x9d: {  	[tilespmem:s12], [sflag:$0x3] =	stream.indirect.gather [hbm4b:s21+s30], $0x80, s29, s30, $0xb8;
	[tilespmem:$0x1B680] =	vst v63  }
0x9e: {  	_ =	swait.ge [sflag:s13], $0x2800  }
0x9f: {  	[sflag:s13] =	ssyncset.done $0x0  }
0xa0: {  	s28 =	rddreg [dreg:$0x11];
	[sflag:s13] =	ssyncadd.s32 $0xFFFFD800  }
0xa1: {  	[spmem:s2] =	stream.indirect.scatter.add.f32 [tilespmem:s7], [sflag:$0x5], $0x80, s1, s30, $0xb8;
	[tilespmem:$0x1B680] =	vst v63  }
0xa2: {  	s29 =	rddreg [dreg:$0x10];
	s28 =	sadd.s32 $0x0, s28  }
0xa3: {  	[tilespmem:s10], [sflag:$0x9] =	stream.linear.gather [hbm4b:s28+s3], $0x50, $0x38;
	[tilespmem:$0x1B680] =	vst v63  }
0xa4: {  	s28 =	sadd.s32 $0x0, s29  }
0xa5: {  	[tilespmem:s14], [sflag:$0x9] =	stream.linear.gather [hbm4b:s28+s3], $0x50, $0x38;
	[tilespmem:$0x1B680] =	vst v63  }
0xa6: {  	_ =	swait.ge [sflag:s26], $0x50  }
0xa7: {  	[sflag:s26] =	ssyncset.done $0x0  }
0xa8: {  	[sflag:s26] =	ssyncadd.s32 $0xFFFFFFB0  }
0xa9: {  	_ =	swait.ge [sflag:s26], $0x50  }
0xaa: {  	[sflag:s26] =	ssyncset.done $0x0  }
0xab: {  	[sflag:s26] =	ssyncadd.s32 $0xFFFFFFB0  }
0xac: {  	_ =	swait.ge [sflag:s17], $0x2800  }
0xad: {  	[sflag:s17] =	ssyncset.done $0x0  }
0xae: {  	s0 =	simm.s32 $0x13880;
	[sflag:s17] =	ssyncadd.s32 $0xFFFFD800  }
0xaf: {  	[tilespmem:s31], [sflag:$0x1] =	stream.indirect.gather [hbm4b:s21+s30], $0x80, s0, s30, $0xb8;
	[tilespmem:$0x1B680] =	vst v63  }
0xb0: {  	_ =	swait.ge [sflag:s18], $0x2800  }
0xb1: {  	[sflag:s18] =	ssyncset.done $0x0  }
0xb2: {  	s19 =	simm.s32 $0x13E00;
	s28 =	rddreg [dreg:$0xf];
	[sflag:s18] =	ssyncadd.s32 $0xFFFFD800  }
0xb3: {  	[spmem:s2] =	stream.indirect.scatter.add.f32 [tilespmem:s12], [sflag:$0x6], $0x80, s19, s30, $0xb8;
	[tilespmem:$0x1B680] =	vst v63  }
0xb4: {  	s29 =	rddreg [dreg:$0xe];
	s28 =	sadd.s32 $0x0, s28  }
0xb5: {  	[tilespmem:s15], [sflag:$0xA] =	stream.linear.gather [hbm4b:s28+s3], $0x50, $0x38;
	[tilespmem:$0x1B680] =	vst v63  }
0xb6: {  	s18 =	simm.s32 $0x13D00;
	s28 =	sadd.s32 $0x0, s29  }
0xb7: {  	[tilespmem:s18], [sflag:$0xA] =	stream.linear.gather [hbm4b:s28+s3], $0x50, $0x38;
	[tilespmem:$0x1B680] =	vst v63  }
0xb8: {  	_ =	swait.ge [sflag:s6], $0x50  }
0xb9: {  	[sflag:s6] =	ssyncset.done $0x0  }
0xba: {  	[sflag:s6] =	ssyncadd.s32 $0xFFFFFFB0  }
0xbb: {  	_ =	swait.ge [sflag:s6], $0x50  }
0xbc: {  	[sflag:s6] =	ssyncset.done $0x0  }
0xbd: {  	[sflag:s6] =	ssyncadd.s32 $0xFFFFFFB0  }
0xbe: {  	_ =	swait.ge [sflag:s24], $0x2800  }
0xbf: {  	[sflag:s24] =	ssyncset.done $0x0  }
0xc0: {  	s5 =	simm.s32 $0x13900;
	[sflag:s24] =	ssyncadd.s32 $0xFFFFD800  }
0xc1: {  	[tilespmem:s7], [sflag:$0x2] =	stream.indirect.gather [hbm4b:s21+s30], $0x80, s5, s30, $0xb8;
	[tilespmem:$0x1B680] =	vst v63  }
0xc2: {  	_ =	swait.ge [sflag:s8], $0x2800  }
0xc3: {  	[sflag:s8] =	ssyncset.done $0x0  }
0xc4: {  	s4 =	simm.s32 $0x13B80;
	s28 =	rddreg [dreg:$0xd];
	[sflag:s8] =	ssyncadd.s32 $0xFFFFD800  }
0xc5: {  	[spmem:s2] =	stream.indirect.scatter.add.f32 [tilespmem:s31], [sflag:$0x4], $0x80, s4, s30, $0xb8;
	[tilespmem:$0x1B680] =	vst v63  }
0xc6: {  	s29 =	rddreg [dreg:$0xc];
	s28 =	sadd.s32 $0x0, s28  }
0xc7: {  	[tilespmem:s20], [sflag:$0xB] =	stream.linear.gather [hbm4b:s28+s3], $0x50, $0x38;
	[tilespmem:$0x1B680] =	vst v63  }
0xc8: {  	s28 =	sadd.s32 $0x0, s29  }
0xc9: {  	[tilespmem:s1], [sflag:$0xB] =	stream.linear.gather [hbm4b:s28+s3], $0x50, $0x38;
	[tilespmem:$0x1B680] =	vst v63  }
0xca: {  	_ =	swait.ge [sflag:s11], $0x50  }
0xcb: {  	[sflag:s11] =	ssyncset.done $0x0  }
0xcc: {  	[sflag:s11] =	ssyncadd.s32 $0xFFFFFFB0  }
0xcd: {  	_ =	swait.ge [sflag:s11], $0x50  }
0xce: {  	[sflag:s11] =	ssyncset.done $0x0  }
0xcf: {  	[sflag:s11] =	ssyncadd.s32 $0xFFFFFFB0  }
0xd0: {  	_ =	swait.ge [sflag:s23], $0x2800  }
0xd1: {  	[sflag:s23] =	ssyncset.done $0x0  }
0xd2: {  	[sflag:s23] =	ssyncadd.s32 $0xFFFFD800  }
0xd3: {  	[tilespmem:s12], [sflag:$0x3] =	stream.indirect.gather [hbm4b:s21+s30], $0x80, s10, s30, $0xb8;
	[tilespmem:$0x1B680] =	vst v63  }
0xd4: {  	_ =	swait.ge [sflag:s13], $0x2800  }
0xd5: {  	[sflag:s13] =	ssyncset.done $0x0  }
0xd6: {  	s28 =	rddreg [dreg:$0xb];
	[sflag:s13] =	ssyncadd.s32 $0xFFFFD800;
	s13 =	simm.s32 $0x13C00  }
0xd7: {  	[spmem:s2] =	stream.indirect.scatter.add.f32 [tilespmem:s7], [sflag:$0x5], $0x80, s13, s30, $0xb8;
	[tilespmem:$0x1B680] =	vst v63  }
0xd8: {  	s9 =	simm.s32 $0x13B00;
	s29 =	rddreg [dreg:$0xa];
	s28 =	sadd.s32 $0x0, s28  }
0xd9: {  	[tilespmem:s9], [sflag:$0xC] =	stream.linear.gather [hbm4b:s28+s3], $0x50, $0x38;
	[tilespmem:$0x1B680] =	vst v63  }
0xda: {  	s28 =	sadd.s32 $0x0, s29  }
0xdb: {  	[tilespmem:s19], [sflag:$0xC] =	stream.linear.gather [hbm4b:s28+s3], $0x50, $0x38;
	[tilespmem:$0x1B680] =	vst v63  }
0xdc: {  	_ =	swait.ge [sflag:s16], $0x50  }
0xdd: {  	[sflag:s16] =	ssyncset.done $0x0  }
0xde: {  	[sflag:s16] =	ssyncadd.s32 $0xFFFFFFB0  }
0xdf: {  	_ =	swait.ge [sflag:s16], $0x50  }
0xe0: {  	[sflag:s16] =	ssyncset.done $0x0  }
0xe1: {  	[sflag:s16] =	ssyncadd.s32 $0xFFFFFFB0  }
0xe2: {  	_ =	swait.ge [sflag:s17], $0x2800  }
0xe3: {  	[sflag:s17] =	ssyncset.done $0x0  }
0xe4: {  	s11 =	simm.s32 $0x3;
	[sflag:s17] =	ssyncadd.s32 $0xFFFFD800  }
0xe5: {  	[tilespmem:s31], [sflag:$0x1] =	stream.indirect.gather [hbm4b:s21+s30], $0x80, s15, s30, $0xb8;
	[tilespmem:$0x1B680] =	vst v63  }
0xe6: {  	_ =	swait.ge [sflag:s11], $0x2800  }
0xe7: {  	[sflag:s11] =	ssyncset.done $0x0  }
0xe8: {  	s28 =	rddreg [dreg:$0x9];
	[sflag:s11] =	ssyncadd.s32 $0xFFFFD800  }
0xe9: {  	[spmem:s2] =	stream.indirect.scatter.add.f32 [tilespmem:s12], [sflag:$0x6], $0x80, s14, s30, $0xb8;
	[tilespmem:$0x1B680] =	vst v63  }
0xea: {  	s29 =	rddreg [dreg:$0x8];
	s28 =	sadd.s32 $0x0, s28  }
0xeb: {  	[tilespmem:s0], [sflag:$0x7] =	stream.linear.gather [hbm4b:s28+s3], $0x50, $0x38;
	[tilespmem:$0x1B680] =	vst v63  }
0xec: {  	s28 =	sadd.s32 $0x0, s29  }
0xed: {  	[tilespmem:s4], [sflag:$0x7] =	stream.linear.gather [hbm4b:s28+s3], $0x50, $0x38;
	[tilespmem:$0x1B680] =	vst v63  }
0xee: {  	_ =	swait.ge [sflag:s22], $0x50  }
0xef: {  	[sflag:s22] =	ssyncset.done $0x0  }
0xf0: {  	[sflag:s22] =	ssyncadd.s32 $0xFFFFFFB0  }
0xf1: {  	_ =	swait.ge [sflag:s22], $0x50  }
0xf2: {  	[sflag:s22] =	ssyncset.done $0x0  }
0xf3: {  	[sflag:s22] =	ssyncadd.s32 $0xFFFFFFB0  }
0xf4: {  	_ =	swait.ge [sflag:s24], $0x2800  }
0xf5: {  	[sflag:s24] =	ssyncset.done $0x0  }
0xf6: {  	[sflag:s24] =	ssyncadd.s32 $0xFFFFD800  }
0xf7: {  	[tilespmem:s7], [sflag:$0x2] =	stream.indirect.gather [hbm4b:s21+s30], $0x80, s20, s30, $0xb8;
	[tilespmem:$0x1B680] =	vst v63  }
0xf8: {  	_ =	swait.ge [sflag:s8], $0x2800  }
0xf9: {  	[sflag:s8] =	ssyncset.done $0x0  }
0xfa: {  	s28 =	rddreg [dreg:$0x7];
	[sflag:s8] =	ssyncadd.s32 $0xFFFFD800  }
0xfb: {  	[spmem:s2] =	stream.indirect.scatter.add.f32 [tilespmem:s31], [sflag:$0x4], $0x80, s18, s30, $0xb8;
	[tilespmem:$0x1B680] =	vst v63  }
0xfc: {  	s29 =	rddreg [dreg:$0x6];
	s28 =	sadd.s32 $0x0, s28  }
0xfd: {  	[tilespmem:s5], [sflag:$0x8] =	stream.linear.gather [hbm4b:s28+s3], $0x50, $0x38;
	[tilespmem:$0x1B680] =	vst v63  }
0xfe: {  	s13 =	simm.s32 $0x9;
	s29 =	sadd.s32 $0x0, s29;
	s28 =	simm.s32 $0x3C  }
.LBB2_2:
0xff: {  	s10 =	simm.s32 $0x13C00  }
0x100: {  	[tilespmem:s10], [sflag:$0x8] =	stream.linear.gather [hbm4b:s29+s3], $0x50, $0x38;
	[tilespmem:$0x1B680] =	vst v63  }
0x101: {  	_ =	swait.ge [sflag:s25], $0x50  }
0x102: {  	[sflag:s25] =	ssyncset.done $0x0  }
0x103: {  	[sflag:s25] =	ssyncadd.s32 $0xFFFFFFB0  }
0x104: {  	_ =	swait.ge [sflag:s25], $0x50  }
0x105: {  	[sflag:s25] =	ssyncset.done $0x0  }
0x106: {  	[sflag:s25] =	ssyncadd.s32 $0xFFFFFFB0  }
0x107: {  	_ =	swait.ge [sflag:s23], $0x2800  }
0x108: {  	[sflag:s23] =	ssyncset.done $0x0  }
0x109: {  	s20 =	simm.s32 $0x13B00;
	s16 =	simm.s32 $0x2;
	[sflag:s23] =	ssyncadd.s32 $0xFFFFD800  }
0x10a: {  	[tilespmem:s12], [sflag:$0x3] =	stream.indirect.gather [hbm4b:s21+s30], $0x80, s20, s30, $0xb8;
	[tilespmem:$0x1B680] =	vst v63  }
0x10b: {  	_ =	swait.ge [sflag:s16], $0x2800  }
0x10c: {  	[sflag:s16] =	ssyncset.done $0x0  }
0x10d: {  	s14 =	simm.s32 $0x13D80;
	s0 =	rddreg [dreg:$0x11];
	[sflag:s16] =	ssyncadd.s32 $0xFFFFD800  }
0x10e: {  	s19 =	simm.s32 $0x16680;
	s29 =	smov.u32 s28;
	s6 =	rddreg [dreg:$0x4]  }
0x10f: {  	[spmem:s6] =	stream.indirect.scatter.add.f32 [tilespmem:s19], [sflag:$0x5], $0x80, s14, s30, $0xb8;
	[tilespmem:$0x1B680] =	vst v63  }
0x110: {  	s17 =	simm.s32 $0x13980;
	s1 =	rddreg [dreg:$0x10];
	s0 =	sadd.s32 s29, s0  }
0x111: {  	[tilespmem:s17], [sflag:$0x9] =	stream.linear.gather [hbm4b:s0+s3], $0x50, $0x38;
	[tilespmem:$0x1B680] =	vst v63  }
0x112: {  	s12 =	simm.s32 $0x13C80;
	s4 =	sadd.s32 s29, s1  }
0x113: {  	[tilespmem:s12], [sflag:$0x9] =	stream.linear.gather [hbm4b:s4+s3], $0x50, $0x38;
	[tilespmem:$0x1B680] =	vst v63  }
0x114: {  	_ =	swait.ge [sflag:s26], $0x50  }
0x115: {  	[sflag:s26] =	ssyncset.done $0x0  }
0x116: {  	[sflag:s26] =	ssyncadd.s32 $0xFFFFFFB0  }
0x117: {  	_ =	swait.ge [sflag:s26], $0x50  }
0x118: {  	[sflag:s26] =	ssyncset.done $0x0  }
0x119: {  	s18 =	simm.s32 $0x4;
	[sflag:s26] =	ssyncadd.s32 $0xFFFFFFB0  }
0x11a: {  	_ =	swait.ge [sflag:s18], $0x2800  }
0x11b: {  	[sflag:s18] =	ssyncset.done $0x0  }
0x11c: {  	s7 =	simm.s32 $0x13880;
	[sflag:s18] =	ssyncadd.s32 $0xFFFFD800  }
0x11d: {  	[tilespmem:s31], [sflag:$0x1] =	stream.indirect.gather [hbm4b:s21+s30], $0x80, s7, s30, $0xb8;
	[tilespmem:$0x1B680] =	vst v63  }
0x11e: {  	_ =	swait.ge [sflag:s11], $0x2800  }
0x11f: {  	s2 =	simm.s32 $0x18E80;
	[sflag:s11] =	ssyncset.done $0x0  }
0x120: {  	s31 =	simm.s32 $0x13E00;
	s5 =	rddreg [dreg:$0xf];
	[sflag:s11] =	ssyncadd.s32 $0xFFFFD800  }
0x121: {  	[spmem:s6] =	stream.indirect.scatter.add.f32 [tilespmem:s2], [sflag:$0x6], $0x80, s31, s30, $0xb8;
	[tilespmem:$0x1B680] =	vst v63  }
0x122: {  	s15 =	rddreg [dreg:$0xe];
	s0 =	sadd.s32 s29, s5;
	s11 =	simm.s32 $0x13A00  }
0x123: {  	[tilespmem:s11], [sflag:$0xA] =	stream.linear.gather [hbm4b:s0+s3], $0x50, $0x38;
	[tilespmem:$0x1B680] =	vst v63  }
0x124: {  	s4 =	sadd.s32 s29, s15;
	s5 =	simm.s32 $0x13D00;
	s15 =	simm.s32 $0x8  }
0x125: {  	[tilespmem:s5], [sflag:$0xA] =	stream.linear.gather [hbm4b:s4+s3], $0x50, $0x38;
	[tilespmem:$0x1B680] =	vst v63  }
0x126: {  	_ =	swait.ge [sflag:s15], $0x50  }
0x127: {  	[sflag:s15] =	ssyncset.done $0x0  }
0x128: {  	[sflag:s15] =	ssyncadd.s32 $0xFFFFFFB0  }
0x129: {  	_ =	swait.ge [sflag:s15], $0x50  }
0x12a: {  	[sflag:s15] =	ssyncset.done $0x0  }
0x12b: {  	[sflag:s15] =	ssyncadd.s32 $0xFFFFFFB0  }
0x12c: {  	_ =	swait.ge [sflag:s24], $0x2800  }
0x12d: {  	[sflag:s24] =	ssyncset.done $0x0  }
0x12e: {  	s15 =	simm.s32 $0x13900;
	[sflag:s24] =	ssyncadd.s32 $0xFFFFD800  }
0x12f: {  	[tilespmem:s19], [sflag:$0x2] =	stream.indirect.gather [hbm4b:s21+s30], $0x80, s15, s30, $0xb8;
	[tilespmem:$0x1B680] =	vst v63  }
0x130: {  	_ =	swait.ge [sflag:s8], $0x2800  }
0x131: {  	s9 =	simm.s32 $0x13E80;
	[sflag:s8] =	ssyncset.done $0x0  }
0x132: {  	s4 =	simm.s32 $0x13B80;
	s0 =	rddreg [dreg:$0xd];
	[sflag:s8] =	ssyncadd.s32 $0xFFFFD800  }
0x133: {  	[spmem:s6] =	stream.indirect.scatter.add.f32 [tilespmem:s9], [sflag:$0x4], $0x80, s4, s30, $0xb8;
	[tilespmem:$0x1B680] =	vst v63  }
0x134: {  	s1 =	rddreg [dreg:$0xc];
	s0 =	sadd.s32 s29, s0;
	s8 =	simm.s32 $0x13A80  }
0x135: {  	[tilespmem:s8], [sflag:$0xB] =	stream.linear.gather [hbm4b:s0+s3], $0x50, $0x38;
	[tilespmem:$0x1B680] =	vst v63  }
0x136: {  	s1 =	sadd.s32 s29, s1  }
0x137: {  	[tilespmem:s14], [sflag:$0xB] =	stream.linear.gather [hbm4b:s1+s3], $0x50, $0x38;
	[tilespmem:$0x1B680] =	vst v63  }
0x138: {  	_ =	swait.ge [sflag:s13], $0x50  }
0x139: {  	[sflag:s13] =	ssyncset.done $0x0  }
0x13a: {  	[sflag:s13] =	ssyncadd.s32 $0xFFFFFFB0  }
0x13b: {  	_ =	swait.ge [sflag:s13], $0x50  }
0x13c: {  	[sflag:s13] =	ssyncset.done $0x0  }
0x13d: {  	[sflag:s13] =	ssyncadd.s32 $0xFFFFFFB0  }
0x13e: {  	_ =	swait.ge [sflag:s23], $0x2800  }
0x13f: {  	[sflag:s23] =	ssyncset.done $0x0  }
0x140: {  	[sflag:s23] =	ssyncadd.s32 $0xFFFFD800  }
0x141: {  	[tilespmem:s2], [sflag:$0x3] =	stream.indirect.gather [hbm4b:s21+s30], $0x80, s17, s30, $0xb8;
	[tilespmem:$0x1B680] =	vst v63  }
0x142: {  	_ =	swait.ge [sflag:s16], $0x2800  }
0x143: {  	[sflag:s16] =	ssyncset.done $0x0  }
0x144: {  	s1 =	rddreg [dreg:$0xb];
	[sflag:s16] =	ssyncadd.s32 $0xFFFFD800  }
0x145: {  	[spmem:s6] =	stream.indirect.scatter.add.f32 [tilespmem:s19], [sflag:$0x5], $0x80, s10, s30, $0xb8;
	[tilespmem:$0x1B680] =	vst v63  }
0x146: {  	s17 =	rddreg [dreg:$0xa];
	s0 =	sadd.s32 s29, s1  }
0x147: {  	[tilespmem:s20], [sflag:$0xC] =	stream.linear.gather [hbm4b:s0+s3], $0x50, $0x38;
	[tilespmem:$0x1B680] =	vst v63  }
0x148: {  	s16 =	simm.s32 $0xA;
	s1 =	sadd.s32 s29, s17  }
0x149: {  	[tilespmem:s31], [sflag:$0xC] =	stream.linear.gather [hbm4b:s1+s3], $0x50, $0x38;
	[tilespmem:$0x1B680] =	vst v63  }
0x14a: {  	_ =	swait.ge [sflag:s16], $0x50  }
0x14b: {  	[sflag:s16] =	ssyncset.done $0x0  }
0x14c: {  	[sflag:s16] =	ssyncadd.s32 $0xFFFFFFB0  }
0x14d: {  	_ =	swait.ge [sflag:s16], $0x50  }
0x14e: {  	[sflag:s16] =	ssyncset.done $0x0  }
0x14f: {  	[sflag:s16] =	ssyncadd.s32 $0xFFFFFFB0  }
0x150: {  	_ =	swait.ge [sflag:s18], $0x2800  }
0x151: {  	[sflag:s18] =	ssyncset.done $0x0  }
0x152: {  	s31 =	simm.s32 $0x13E80;
	[sflag:s18] =	ssyncadd.s32 $0xFFFFD800  }
0x153: {  	[tilespmem:s31], [sflag:$0x1] =	stream.indirect.gather [hbm4b:s21+s30], $0x80, s11, s30, $0xb8;
	[tilespmem:$0x1B680] =	vst v63  }
0x154: {  	s11 =	simm.s32 $0x3  }
0x155: {  	_ =	swait.ge [sflag:s11], $0x2800  }
0x156: {  	[sflag:s11] =	ssyncset.done $0x0  }
0x157: {  	s10 =	rddreg [dreg:$0x9];
	[sflag:s11] =	ssyncadd.s32 $0xFFFFD800  }
0x158: {  	[spmem:s6] =	stream.indirect.scatter.add.f32 [tilespmem:s2], [sflag:$0x6], $0x80, s12, s30, $0xb8;
	[tilespmem:$0x1B680] =	vst v63  }
0x159: {  	s17 =	rddreg [dreg:$0x8];
	s0 =	sadd.s32 s29, s10  }
0x15a: {  	[tilespmem:s7], [sflag:$0x7] =	stream.linear.gather [hbm4b:s0+s3], $0x50, $0x38;
	[tilespmem:$0x1B680] =	vst v63  }
0x15b: {  	s18 =	sadd.s32 s29, s17  }
0x15c: {  	[tilespmem:s4], [sflag:$0x7] =	stream.linear.gather [hbm4b:s18+s3], $0x50, $0x38;
	[tilespmem:$0x1B680] =	vst v63  }
0x15d: {  	_ =	swait.ge [sflag:s22], $0x50  }
0x15e: {  	[sflag:s22] =	ssyncset.done $0x0  }
0x15f: {  	[sflag:s22] =	ssyncadd.s32 $0xFFFFFFB0  }
0x160: {  	_ =	swait.ge [sflag:s22], $0x50  }
0x161: {  	[sflag:s22] =	ssyncset.done $0x0  }
0x162: {  	[sflag:s22] =	ssyncadd.s32 $0xFFFFFFB0  }
0x163: {  	_ =	swait.ge [sflag:s24], $0x2800  }
0x164: {  	[sflag:s24] =	ssyncset.done $0x0  }
0x165: {  	[sflag:s24] =	ssyncadd.s32 $0xFFFFD800  }
0x166: {  	[tilespmem:s19], [sflag:$0x2] =	stream.indirect.gather [hbm4b:s21+s30], $0x80, s8, s30, $0xb8;
	[tilespmem:$0x1B680] =	vst v63  }
0x167: {  	p0 =	sne.s32 s28, $0x474;
	s28 =	sadd.s32 $0x3C, s28;
	s8 =	simm.s32 $0x1  }
0x168: {  	s9 =	simm.s32 $0x13D80;
	s14 =	simm.s32 $0x13C00;
	_ =	swait.ge [sflag:s8], $0x2800  }
.Ltmp0:
0x169: {  	[sflag:s8] =	ssyncset.done $0x0;
	s19 =	rddreg [dreg:$0x7];
	(pc) =	sbr.rel @p0 .LBB2_2-.Ltmp0, $4  }
0x16a: {  	s12 =	simm.s32 $0x18E80;
	s20 =	rddreg [dreg:$0x6];
	[sflag:s8] =	ssyncadd.s32 $0xFFFFD800  }
0x16b: {  	[spmem:s6] =	stream.indirect.scatter.add.f32 [tilespmem:s31], [sflag:$0x4], $0x80, s5, s30, $0xb8;
	[tilespmem:$0x1B680] =	vst v63  }
0x16c: {  	s7 =	simm.s32 $0x16680;
	s0 =	sadd.s32 s29, s19;
	s29 =	sadd.s32 s29, s20  }
0x16d: {  	[tilespmem:s15], [sflag:$0x8] =	stream.linear.gather [hbm4b:s0+s3], $0x50, $0x38;
	[tilespmem:$0x1B680] =	vst v63  }
0x16e: {  	[tilespmem:s14], [sflag:$0x8] =	stream.linear.gather [hbm4b:s29+s3], $0x50, $0x38;
	[tilespmem:$0x1B680] =	vst v63  }
0x16f: {  	s0 =	simm.s32 $0x2  }
0x170: {  	_ =	swait.ge [sflag:s0], $0x2800  }
0x171: {  	[sflag:s0] =	ssyncset.done $0x0  }
0x172: {  	[sflag:s0] =	ssyncadd.s32 $0xFFFFD800  }
0x173: {  	s0 =	rddreg [dreg:$0x4]  }
0x174: {  	[spmem:s0] =	stream.indirect.scatter.add.f32 [tilespmem:s7], [sflag:$0x5], $0x80, s9, s30, $0xb8;
	[tilespmem:$0x1B680] =	vst v63  }
0x175: {  	_ =	swait.ge [sflag:s23], $0x2800  }
0x176: {  	[sflag:s23] =	ssyncset.done $0x0  }
0x177: {  	s15 =	simm.s32 $0x4;
	[sflag:s23] =	ssyncadd.s32 $0xFFFFD800  }
0x178: {  	_ =	swait.ge [sflag:s15], $0x2800  }
0x179: {  	[sflag:s15] =	ssyncset.done $0x0  }
0x17a: {  	[sflag:s15] =	ssyncadd.s32 $0xFFFFD800  }
0x17b: {  	_ =	swait.ge [sflag:s24], $0x2800  }
0x17c: {  	[sflag:s24] =	ssyncset.done $0x0  }
0x17d: {  	[sflag:s24] =	ssyncadd.s32 $0xFFFFD800  }
0x17e: {  	_ =	swait.ge [sflag:s25], $0x50  }
0x17f: {  	[sflag:s25] =	ssyncset.done $0x0  }
0x180: {  	[sflag:s25] =	ssyncadd.s32 $0xFFFFFFB0  }
0x181: {  	_ =	swait.ge [sflag:s25], $0x50  }
0x182: {  	[sflag:s25] =	ssyncset.done $0x0  }
0x183: {  	[sflag:s25] =	ssyncadd.s32 $0xFFFFFFB0  }
0x184: {  	_ =	swait.ge [sflag:s26], $0x50  }
0x185: {  	[sflag:s26] =	ssyncset.done $0x0  }
0x186: {  	[sflag:s26] =	ssyncadd.s32 $0xFFFFFFB0  }
0x187: {  	_ =	swait.ge [sflag:s26], $0x50  }
0x188: {  	[sflag:s26] =	ssyncset.done $0x0  }
0x189: {  	s17 =	simm.s32 $0x8;
	[sflag:s26] =	ssyncadd.s32 $0xFFFFFFB0  }
0x18a: {  	_ =	swait.ge [sflag:s17], $0x50  }
0x18b: {  	[sflag:s17] =	ssyncset.done $0x0  }
0x18c: {  	[sflag:s17] =	ssyncadd.s32 $0xFFFFFFB0  }
0x18d: {  	_ =	swait.ge [sflag:s17], $0x50  }
0x18e: {  	[sflag:s17] =	ssyncset.done $0x0  }
0x18f: {  	[sflag:s17] =	ssyncadd.s32 $0xFFFFFFB0  }
0x190: {  	[bflag:$0x0] =	sbarrier.arrive $0xFFFF  }
0x191: {  	s1 =	sld [smem:$0x7FD]  }
0x192: {  	s18 =	sld [smem:$0x7FA]  }
0x193: {  	s4 =	sld [smem:$0x7F5];
	_ =	sdelay $0x1  }
0x194: {  	s28 =	simm.s32 $0xD  }
0x195: {  	[hbm:s18], [sflag:s1] =	dma.local [spmem:s4], $0x2800  }
0x196: {  	_ =	swait.ge [sflag:s28], $0x2800  }
0x197: {  	s19 =	sld [smem:$0x7FC]  }
0x198: {  	s20 =	sld [smem:$0x7FB];
	_ =	sdelay $0x1  }
0x199: {  	s4 =	sadd.s32 $0x1, s19  }
0x19a: {  	p0 =	sne.s32 s4, s20  }
.Ltmp1:
0x19b: {  	s5 =	simm.s32 $0x13B80;
	(pc) =	sbr.rel @p0 .LBB2_1-.Ltmp1, $4  }
0x19c: {  	s10 =	simm.s32 $0x13980;
	s14 =	simm.s32 $0x13C80;
	s13 =	simm.s32 $0x13D00  }
0x19d: {  	s29 =	simm.s32 $0x13B00;
	s11 =	simm.s32 $0x9;
	[sflag:s28] =	ssyncset.done $0x0  }
0x19e: {  	s9 =	simm.s32 $0x13900;
	s15 =	simm.s32 $0x13A00;
	[sflag:s28] =	ssyncadd.s32 $0xFFFFD800  }
0x19f: {  	[smem:$0x7FC] =	sst s4;
	s4 =	simm.s32 $0x13880;
	s20 =	simm.s32 $0x13A80  }
0x1a0: {  	_ =	sfence.sel $0x180000  }
0x1a1: {  	[bflag:$0x0] =	sbarrier.arrive $0xFFFF  }
0x1a2: {  	_ =	strace $0x9000004A  }
0x1a3: {  	s0 =	stileid.u32;
	[bflag:$0x2] =	sbarrier.arrive $0xFFFF  }
0x1a4: {  	p0 =	sne.s32 s0, $0x0;
	s0 =	rddreg [dreg:$0x5]  }
0x1a5: {  	s0 =	sadd.s32 @!p0 $0x100000, s0  }
0x1a6: {  	[sflag:s0] =	ssyncadd.tile.s32 @!p0 $0x1;
	_ =	shalt  }
.Lfunc_end2:
_tile_overlayer_lowered:
.L_overlay_start_2:
0x1a7: {  	(tag) =	ssettag $0x2  }
0x1a8: {  	s0 =	rddreg [dreg:$0x0];
	s2 =	stileid.u32  }
0x1a9: {  	s1 =	rddreg [dreg:$0x1];
	p0 =	sne.s32 s2, $0x0  }
0x1aa: {  	s3 =	rddreg [dreg:$0x2];
	[bflag:$0x3] =	sbarrier.arrive $0xFFFF;
	s2 =	simm.s32 @!p0 $0x1C0D  }
0x1ab: {  	[timem:s3], [sflag:s2] =	dma.local @!p0 [hbm:s0], s1  }
0x1ac: {  	s0 =	simm.s32 @!p0 $0xD  }
0x1ad: {  	_ =	swait.ge @!p0 [sflag:s0], s1  }
0x1ae: {  	s1 =	ssub.s32 @!p0 $0x0, s1;
	[sflag:s0] =	ssyncset.done @!p0 $0x0  }
0x1af: {  	[sflag:s0] =	ssyncadd.s32 @!p0 s1  }
0x1b0: {  	[bflag:$0x3] =	sbarrier.arrive $0xFFFF  }
0x1b1: {  	_ =	shalt  }

// kernel: kernel.16.cloned.1.call-start
scs
__scs_entry_jumppad:
0x0: {  	(pc) =	sbr.rel $0x88, $3  }
0x1: {  	(tag) =	ssettag $0x0;
	lr =	simm.s32 $0x1  }
0x2: {  	[smem:$0x3F9E] =	sst lr;
	_ =	strace $0xD0000000  }
0x3: {  	_ = 	snop  }
0x4: {  	_ = 	snop  }
0x5: {  	_ = 	snop  }
0x6: {  	_ = 	snop  }
0x7: {  	_ = 	snop  }
__scs_overlays_trampoline_lowered:
0x8: {  	[smem:$0x3FAD] =	sst s0  }
0x9: {  	[smem:$0x3FAE] =	sst s1  }
0xa: {  	[smem:$0x3FAF] =	sst s2  }
0xb: {  	[smem:$0x3FB0] =	sst s3  }
0xc: {  	[smem:$0x3FB1] =	sst s4  }
0xd: {  	[smem:$0x3FB2] =	sst s5  }
0xe: {  	[smem:$0x3FB3] =	sst s6  }
0xf: {  	[smem:$0x3FB4] =	sst s7  }
0x10: {  	[smem:$0x3FB5] =	sst s8  }
0x11: {  	[smem:$0x3FB6] =	sst s9;
	s0 =	simm.s32 @!p0 $0x0  }
0x12: {  	s1 =	sld [smem:$0x3F9C];
	s0 =	simm.s32 @p0 $0x1  }
0x13: {  	[smem:$0x3FB7] =	sst s0;
	s0 =	simm.s32 @!p1 $0x0  }
0x14: {  	s2 =	sld [smem:$0x3F9B];
	s0 =	simm.s32 @p1 $0x1  }
0x15: {  	[smem:$0x3FB8] =	sst s0;
	s0 =	simm.s32 @!p2 $0x0  }
0x16: {  	s3 =	sld [smem:$0x3FDB];
	s0 =	simm.s32 @p2 $0x1  }
0x17: {  	s4 =	simm.s32 $0x1BF5;
	[smem:$0x3FBA] =	sst s0  }
0x18: {  	s0 =	sld [smem:$0x3F9D];
	_ =	swait.ge [sflag:s4], $0x0  }
0x19: {  	s7 =	sld [smem:$0x3F9E]  }
0x1a: {  	s8 =	sadd.s32 $0xFFFFE003, lr  }
0x1b: {  	s9 =	sadd.s32 $0xFFFFFEF7, lr;
	s5 =	simm.s32 $0xFFFFFFFF;
	p2 =	slt.u32 s8, $0xFFFFF086  }
0x1c: {  	p1 =	slt.u32 s9, $0xF7A;
	s5 =	simm.s32 @!p2 $0x0  }
0x1d: {  	s5 =	simm.s32 @p1 $0x1;
	p0 =	seq.s32 s7, s2  }
0x1e: {  	s7 =	smul.u32 @!p0 $0xF7A, s2;
	p2 =	seq.s32 @!p0 s5, $0x0  }
0x1f: {  	s9 =	smul.u32 $0xF7A, s1;
	s8 =	simm.s32 @!p0 $0x1BF5;
	p2 =	por !p2, p0  }
0x20: {  	[sflag:s8] =	ssyncset.s32 @!p0 $0xFFFFF086;
	s6 =	sadd.s32 @!p0 s3, s7;
	s7 =	simm.s32 @!p0 $0x108  }
0x21: {  	s3 =	sadd.s32 s3, s9;
	s6 =	sadd.s32 @!p0 $0x88, s6;
	s7 =	simm.s32 @p2 $0x1082  }
0x22: {  	[simem:s7], [sflag:s8] =	dma.local @!p0 [hbm:s6], $0xF7A  }
0x23: {  	s9 =	sor.u32 $0xD0000000, s2;
	s6 =	simm.s32 $0x108;
	_ =	swait.ge @!p0 [sflag:s8], $0x0  }
0x24: {  	s3 =	sadd.s32 $0x88, s3;
	s6 =	simm.s32 @!p1 $0x1082;
	[sflag:s4] =	ssyncset.s32 $0xFFFFF086  }
0x25: {  	[simem:s6], [sflag:s4] =	dma.local [hbm:s3], $0xF7A  }
0x26: {  	[smem:$0x3F9E] =	sst s1;
	(tag) =	ssettag s2;
	_ =	strace s9  }
0x27: {  	s1 =	sld [smem:$0x3FAE]  }
0x28: {  	s2 =	sld [smem:$0x3FAF]  }
0x29: {  	s4 =	sld [smem:$0x3FB1]  }
0x2a: {  	p0 =	seq.s32 s5, $0x0;
	s5 =	sld [smem:$0x3FB2]  }
0x2b: {  	s6 =	sld [smem:$0x3FB3]  }
0x2c: {  	s7 =	sld [smem:$0x3FB4]  }
0x2d: {  	s3 =	simm.s32 $0x108;
	s8 =	sld [smem:$0x3FB5]  }
0x2e: {  	s3 =	simm.s32 @!p0 $0x1082;
	s9 =	sld [smem:$0x3FB6]  }
0x2f: {  	lr =	sadd.s32 s0, s3;
	s0 =	sld [smem:$0x3FAD]  }
0x30: {  	s3 =	sld [smem:$0x3FB0]  }
0x31: {  	[smem:$0x3FB9] =	sst s10  }
0x32: {  	s10 =	sld [smem:$0x3FB7];
	_ =	sdelay $0x3  }
0x33: {  	p0 =	seq.s32 s10, $0x1;
	s10 =	sld [smem:$0x3FB9];
	_ =	sdelay $0x3  }
0x34: {  	[smem:$0x3FB9] =	sst s10  }
0x35: {  	s10 =	sld [smem:$0x3FB8];
	_ =	sdelay $0x3  }
0x36: {  	p1 =	seq.s32 s10, $0x1;
	s10 =	sld [smem:$0x3FB9];
	_ =	sdelay $0x3  }
0x37: {  	[smem:$0x3FB9] =	sst s10  }
0x38: {  	s10 =	sld [smem:$0x3FBA]  }
0x39: {  	_ = 	snop;
	(pc) =	sbr.ind lr, $3  }
0x3a: {  	_ = 	snop  }
0x3b: {  	_ = 	snop  }
0x3c: {  	p2 =	seq.s32 s10, $0x1;
	s10 =	sld [smem:$0x3FB9]  }
0x3d: {  	_ =	shalt  }
0x3e: {  	_ =	shalt  }
0x3f: {  	_ =	shalt  }
0x40: {  	_ =	shalt  }
0x41: {  	_ =	shalt  }
0x42: {  	_ =	shalt  }
0x43: {  	_ =	shalt  }
0x44: {  	_ =	shalt  }
0x45: {  	_ =	shalt  }
0x46: {  	_ =	shalt  }
0x47: {  	_ =	shalt  }
0x48: {  	_ =	shalt  }
0x49: {  	_ =	shalt  }
0x4a: {  	_ =	shalt  }
0x4b: {  	_ =	shalt  }
0x4c: {  	_ =	shalt  }
0x4d: {  	_ =	shalt  }
0x4e: {  	_ =	shalt  }
0x4f: {  	_ =	shalt  }
0x50: {  	_ =	shalt  }
0x51: {  	_ =	shalt  }
0x52: {  	_ =	shalt  }
0x53: {  	_ =	shalt  }
0x54: {  	_ =	shalt  }
0x55: {  	_ =	shalt  }
0x56: {  	_ =	shalt  }
0x57: {  	_ =	shalt  }
0x58: {  	_ =	shalt  }
0x59: {  	_ =	shalt  }
0x5a: {  	_ =	shalt  }
0x5b: {  	_ =	shalt  }
0x5c: {  	_ =	shalt  }
0x5d: {  	_ =	shalt  }
0x5e: {  	_ =	shalt  }
0x5f: {  	_ =	shalt  }
0x60: {  	_ =	shalt  }
0x61: {  	_ =	shalt  }
0x62: {  	_ =	shalt  }
0x63: {  	_ =	shalt  }
0x64: {  	_ =	shalt  }
0x65: {  	_ =	shalt  }
0x66: {  	_ =	shalt  }
0x67: {  	_ =	shalt  }
0x68: {  	_ =	shalt  }
0x69: {  	_ =	shalt  }
0x6a: {  	_ =	shalt  }
0x6b: {  	_ =	shalt  }
0x6c: {  	_ =	shalt  }
0x6d: {  	_ =	shalt  }
0x6e: {  	_ =	shalt  }
0x6f: {  	_ =	shalt  }
0x70: {  	_ =	shalt  }
0x71: {  	_ =	shalt  }
0x72: {  	_ =	shalt  }
0x73: {  	_ =	shalt  }
0x74: {  	_ =	shalt  }
0x75: {  	_ =	shalt  }
0x76: {  	_ =	shalt  }
0x77: {  	_ =	shalt  }
0x78: {  	_ =	shalt  }
0x79: {  	_ =	shalt  }
0x7a: {  	_ =	shalt  }
0x7b: {  	_ =	shalt  }
0x7c: {  	_ =	shalt  }
0x7d: {  	_ =	shalt  }
0x7e: {  	_ =	shalt  }
0x7f: {  	_ =	shalt  }
0x80: {  	_ =	shalt  }
0x81: {  	_ =	shalt  }
0x82: {  	_ =	shalt  }
0x83: {  	_ =	shalt  }
0x84: {  	_ =	shalt  }
0x85: {  	_ =	shalt  }
0x86: {  	_ =	shalt  }
0x87: {  	_ =	shalt  }
.Lfunc_end0:
.L_simem_size_0:
called_computation.2_lowered:
.L_overlay_start_0:
0x88: {  	s2 =	sld [smem:$0x3FD9]  }
0x89: {  	s3 =	sld [smem:$0x3FFE];
	_ =	sdelay $0x1  }
0x8a: {  	s1 =	srdreg.scid  }
0x8b: {  	s0 =	sand.u32 $0x1, s1  }
0x8c: {  	s14 =	sshll.u32 s0, $0xA;
	s2 =	sadd.s32 s3, s2  }
0x8d: {  	s2 =	sadd.s32 s2, s14  }
0x8e: {  	[smem:$0x3FC5] =	sst s2  }
0x8f: {  	_ = 	snop  }
0x90: {  	s2 =	sld [smem:$0x3FD0];
	_ =	sdelay $0x2  }
0x91: {  	s15 =	simm.s32 $0xA;
	s4 =	simm.s32 $0x10  }
0x92: {  	[smem:s4], [sflag:s15] =	dma.local [hbm:s2], $0x1  }
0x93: {  	_ =	swait.eq [sflag:s15], $0x1  }
0x94: {  	s16 =	sld [smem:$0x10];
	[sflag:s15] =	ssyncset.done $0x0  }
0x95: {  	s17 =	sld [smem:$0x11];
	[sflag:s15] =	ssyncadd.s32 $0xFFFFFFFF  }
0x96: {  	s18 =	sld [smem:$0x12];
	(tm) =	ssettm $0x1  }
0x97: {  	s5 =	sld [smem:$0x3FFB];
	_ =	sdelay $0x3  }
0x98: {  	_ =	strace s5  }
0x99: {  	s5 =	sld [smem:$0x3FFC];
	_ =	sdelay $0x3  }
0x9a: {  	_ =	strace s5  }
0x9b: {  	s5 =	sld [smem:$0x3FFD];
	_ =	sdelay $0x3  }
0x9c: {  	_ =	strace s5  }
0x9d: {  	_ =	strace $0x8FFFFFFF  }
0x9e: {  	s19 =	sld [smem:$0x3FDB];
	_ =	sdelay $0x1  }
0x9f: {  	s6 =	simm.s32 $_scs_section_size  }
0xa0: {  	s7 =	simm.s32 $_size__tile_overlayer_lowered;
	s8 =	simm.s32 $_tile_overlayer_lowered  }
0xa1: {  	s22 =	simm.s32 $0x1BFF;
	s21 =	sshll.u32 s8, $0x1;
	s5 =	sadd.s32 s6, s19  }
0xa2: {  	s9 =	simm.s32 $0x0;
	s20 =	sshll.u32 s7, $0x1;
	s7 =	sadd.s32 s21, s5  }
0xa3: {  	[timem:s9], [sflag:s22] =	dma.local [hbm:s7], s20  }
0xa4: {  	_ =	swait.ge [sflag:s22], s20  }
0xa5: {  	s6 =	ssub.s32 $0x0, s20;
	[sflag:s22] =	ssyncset.done $0x0  }
0xa6: {  	[sflag:s22] =	ssyncadd.s32 s6;
	_ =	sdelay $0x1  }
0xa7: {  	s23 =	simm.s32 $0x1B8B  }
0xa8: {  	_ =	swait.ge [sflag:s23], $0x1  }
0xa9: {  	[sflag:s23] =	ssyncset.done $0x0  }
0xaa: {  	s25 =	simm.s32 $0x1B8E;
	s24 =	sld [smem:$0x3FFE];
	[sflag:s23] =	ssyncadd.s32 $0xFFFFFFFF  }
0xab: {  	s26 =	simm.s32 $execute0_lowered;
	[smem:$0x3FD2] =	sst s25  }
0xac: {  	s7 =	sshll.u32 s26, $0x1;
	_ =	strace $0x8000004C;
	[dreg:$0x1] =	wrdreg $0xFFFFFFFF  }
0xad: {  	s28 =	simm.s32 $_size_execute0_lowered;
	s5 =	sadd.s32 s5, s7;
	[dreg:$0x0] =	wrdreg $0x0  }
0xae: {  	s7 =	sshll.u32 s28, $0x1;
	[dreg:$0x2] =	wrdreg s5  }
0xaf: {  	[dreg:$0x3] =	wrdreg s7  }
0xb0: {  	[dreg:$0x4] =	wrdreg $0xC0  }
0xb1: {  	_ =	task [dreg:s9], $0x5FFFF  }
0xb2: {  	[dreg:$0x1] =	wrdreg $0xFFFFFFFF  }
0xb3: {  	[dreg:$0x0] =	wrdreg $0x60  }
0xb4: {  	[dreg:$0x2] =	wrdreg s24  }
0xb5: {  	[dreg:$0x3] =	wrdreg s18  }
0xb6: {  	[dreg:$0x4] =	wrdreg s17  }
0xb7: {  	[dreg:$0x5] =	wrdreg s16  }
0xb8: {  	[dreg:$0x6] =	wrdreg $0x0  }
0xb9: {  	[dreg:$0x7] =	wrdreg $0x9  }
0xba: {  	_ =	task.clear_ibuf [dreg:s9], $0x8FFFF;
	_ =	strace $0x9000004C  }
0xbb: {  	s29 =	simm.s32 $0x9;
	_ =	strace $0x8000004E  }
0xbc: {  	_ =	swait.ge [sflag:s29], $0x1  }
0xbd: {  	[sflag:s29] =	ssyncadd.s32 $0xFFFFFFFF  }
0xbe: {  	_ =	strace $0x9000004E  }
0xbf: {  	_ =	sfence  }
0xc0: {  	s30 =	sld [smem:$0x0];
	_ =	sdelay $0x2  }
0xc1: {  	s31 =	sshll.u32 s1, $0xD;
	s1 =	sshrl.u32 s1, $0x2  }
0xc2: {  	s3 =	sand.u32 $0x4000, s31;
	s1 =	sadd.s32 s1, s30  }
0xc3: {  	s0 =	sor.u32 s3, s0;
	s1 =	sshll.u32 s1, $0x11  }
0xc4: {  	s0 =	sor.u32 s1, s0  }
0xc5: {  	s0 =	sadd.s32 $0x8F2B, s0  }
0xc6: {  	[sflag:s0] =	ssyncadd.remote.s32 $0x1  }
0xc7: {  	_ =	sfence.sel $0xFFFF  }
0xc8: {  	[dreg:$0x0] =	wrdreg $0xFFFFFFFF;
	(pc) =	sbr.abs _section_cstart, $3  }
0xc9: {  	[dreg:$0x1] =	wrdreg $0xFFFFFFFF  }
0xca: {  	_ =	task.clear_ibuf [dreg:s9], $0x2FFFF;
	_ =	strace $0x9FFFFFFF  }
0xcb: {  	(tm) =	ssettm $0x7FFFFFFF  }
tec
execute0_lowered:
.L_overlay_start_1:
0x0: {  	(tag) =	ssettag $0x1  }
0x1: {  	s0 =	rddreg [dreg:$0x0]  }
0x2: {  	s1 =	rddreg [dreg:$0x1]  }
0x3: {  	s4 =	rddreg [dreg:$0x2]  }
0x4: {  	s7 =	rddreg [dreg:$0x3]  }
0x5: {  	s2 =	rddreg [dreg:$0x4];
	s3 =	simm.s32 $0x0;
	s5 =	srdreg.scid  }
0x6: {  	s13 =	stileid.u32;
	s28 =	simm.s32 $0xD;
	s30 =	simm.s32 $0x50  }
0x7: {  	s31 =	simm.s32 $0x13E80;
	s29 =	simm.s32 $0x13B00;
	s21 =	smul.u32 $0x13800, s13  }
0x8: {  	s8 =	sand.u32 $0x1, s5;
	s6 =	sshll.u32 s13, $0x1;
	s25 =	smul.u32 $0x4E20, s13  }
0x9: {  	[smem:$0x7FF] =	sst s3;
	s9 =	smul.u32 $0x138800, s8;
	s6 =	sor.u32 s8, s6  }
0xa: {  	_ =	strace $0x8000004D;
	s10 =	ssub.s32 $0x2, s8;
	s8 =	smul.u32 $0x2710, s8  }
0xb: {  	s11 =	smul.u32 $0x2710, s6;
	s22 =	sshrl.u32 s10, $0x1;
	s12 =	sshrl.u32 s21, $0x3  }
0xc: {  	s6 =	sadd.s32 s21, s9;
	s5 =	ssub.s32 s10, s22;
	s7 =	sadd.s32 s7, s12  }
0xd: {  	s8 =	sadd.s32 s8, s25;
	[dreg:$0x12] =	wrdreg s7;
	s7 =	sshrl.u32 s11, $0x3  }
0xe: {  	s20 =	sadd.s32 $0x410, s8;
	s12 =	sadd.s32 $0x370, s8;
	s23 =	sadd.s32 s1, s7  }
0xf: {  	s24 =	sadd.s32 s4, s7;
	s26 =	sadd.s32 $0xA, s7;
	[dreg:$0x13] =	wrdreg s23  }
0x10: {  	s6 =	sshrl.u32 s6, $0x3;
	[dreg:$0x14] =	wrdreg s24;
	s14 =	sadd.s32 s1, s26  }
0x11: {  	s11 =	sadd.s32 $0x14, s7;
	s10 =	sadd.s32 s4, s26;
	[dreg:$0x15] =	wrdreg s14  }
0x12: {  	s17 =	sadd.s32 $0x1E, s7;
	s15 =	sadd.s32 s1, s11;
	[dreg:$0x16] =	wrdreg s10  }
0x13: {  	s19 =	sadd.s32 $0x28, s7;
	s16 =	sadd.s32 s4, s11;
	[dreg:$0x17] =	wrdreg s15  }
0x14: {  	s22 =	sshrl.u32 s20, $0x3;
	s18 =	sadd.s32 s1, s17;
	[dreg:$0x18] =	wrdreg s16  }
0x15: {  	s20 =	sadd.s32 $0x32, s7;
	s21 =	sadd.s32 s1, s19;
	[dreg:$0x19] =	wrdreg s18  }
0x16: {  	s6 =	sadd.s32 s6, s0;
	s9 =	sadd.s32 s4, s19;
	[dreg:$0x1b] =	wrdreg s21  }
0x17: {  	s23 =	sadd.s32 s22, s4;
	s24 =	sadd.s32 $0x3C0, s8;
	[dreg:$0x1c] =	wrdreg s9  }
0x18: {  	s25 =	sadd.s32 s22, s1;
	s22 =	sadd.s32 s1, s20;
	[dreg:$0x6] =	wrdreg s23  }
0x19: {  	s10 =	sadd.s32 s4, s17;
	s26 =	sshrl.u32 s24, $0x3;
	[dreg:$0x7] =	wrdreg s25  }
0x1a: {  	s15 =	sshrl.u32 s12, $0x3;
	s17 =	sadd.s32 $0x320, s8;
	[dreg:$0x1d] =	wrdreg s22  }
0x1b: {  	s23 =	sadd.s32 $0x2D0, s8;
	s8 =	sadd.s32 $0x280, s8;
	s25 =	sadd.s32 $0x3C, s7  }
0x1c: {  	s7 =	sadd.s32 $0x46, s7;
	[dreg:$0x1a] =	wrdreg s10;
	s11 =	sadd.s32 s26, s4  }
0x1d: {  	s22 =	simm.s32 $0xB;
	s14 =	sadd.s32 s26, s1;
	[dreg:$0x8] =	wrdreg s11  }
0x1e: {  	s16 =	sadd.s32 s15, s4;
	s18 =	sadd.s32 s15, s1;
	[dreg:$0x9] =	wrdreg s14  }
0x1f: {  	s19 =	sshrl.u32 s17, $0x3;
	s9 =	sshrl.u32 s23, $0x3;
	[dreg:$0xa] =	wrdreg s16  }
0x20: {  	s8 =	sshrl.u32 s8, $0x3;
	s12 =	sadd.s32 s4, s25;
	[dreg:$0xb] =	wrdreg s18  }
0x21: {  	s17 =	sadd.s32 $0x28E00, s6;
	s23 =	simm.s32 $0x6;
	[smem:$0x7F6] =	sst s12  }
0x22: {  	s21 =	sadd.s32 s19, s4;
	s11 =	sadd.s32 s4, s20;
	[smem:$0x7FA] =	sst s17  }
0x23: {  	s10 =	sadd.s32 s19, s1;
	s24 =	sadd.s32 s9, s4;
	[dreg:$0xc] =	wrdreg s21  }
0x24: {  	s9 =	sadd.s32 s9, s1;
	s26 =	sadd.s32 s8, s4;
	[dreg:$0x1e] =	wrdreg s11  }
0x25: {  	s4 =	sadd.s32 s4, s7;
	s14 =	smul.u32 $0x4E000, s13;
	[dreg:$0xd] =	wrdreg s10  }
0x26: {  	s7 =	sadd.s32 s1, s7;
	s16 =	sshll.u32 s13, $0x6;
	[dreg:$0xe] =	wrdreg s24  }
0x27: {  	s18 =	smax.u32 s5, $0x1;
	s5 =	simm.s32 $0x13B80;
	[dreg:$0xf] =	wrdreg s9  }
0x28: {  	s13 =	simm.s32 $0x13D00;
	s12 =	simm.s32 $0x18E80;
	[dreg:$0x10] =	wrdreg s26  }
0x29: {  	s20 =	simm.s32 $0x13A80;
	s19 =	simm.s32 $0x0;
	[smem:$0x7F7] =	sst s4  }
0x2a: {  	s11 =	sadd.s32 s1, s25;
	[smem:$0x7F8] =	sst s7;
	s1 =	sadd.s32 s8, s1  }
0x2b: {  	s21 =	sadd.s32 $0x1C00, s0;
	[smem:$0x7FB] =	sst s18;
	s4 =	simm.s32 $0x13880  }
0x2c: {  	s9 =	simm.s32 $0x13900;
	s10 =	simm.s32 $0x13980;
	s8 =	simm.s32 $0x1  }
0x2d: {  	s24 =	simm.s32 $0x5;
	s25 =	simm.s32 $0xC;
	[smem:$0x7FC] =	sst s19  }
0x2e: {  	s26 =	simm.s32 $0x7;
	[dreg:$0x1f] =	wrdreg s11;
	s15 =	sshrl.u32 s14, $0x2  }
0x2f: {  	[dreg:$0x11] =	wrdreg s1;
	s1 =	sor.u32 $0x1C0D, s16;
	s14 =	simm.s32 $0x13C80  }
0x30: {  	s11 =	simm.s32 $0x9;
	s0 =	sadd.s32 s15, s2;
	[smem:$0x7FD] =	sst s1  }
0x31: {  	s16 =	simm.s32 $0xA;
	s15 =	simm.s32 $0x13A00;
	[smem:$0x7F9] =	sst s0  }
.LBB2_1:
0x32: {  	s0 =	sld [smem:$0x7F9];
	_ =	sdelay $0x2  }
0x33: {  	s17 =	rddreg [dreg:$0x12];
	s19 =	sshrl.u32 s0, $0x3  }
0x34: {  	[smem:$0x7F5] =	sst s19  }
0x35: {  	[spmem:s19], [sflag:s1] =	dma.local [hbm:s17], $0x2800  }
0x36: {  	_ =	swait.ge [sflag:s28], $0x2800  }
0x37: {  	[sflag:s28] =	ssyncset.done $0x0  }
0x38: {  	[sflag:s28] =	ssyncadd.s32 $0xFFFFD800  }
0x39: {  	[bflag:$0x0] =	sbarrier.arrive $0xFFFF  }
0x3a: {  	s18 =	rddreg [dreg:$0x13]  }
0x3b: {  	[tilespmem:s4], [sflag:$0xD] =	stream.linear.gather [hbm4b:s18+s3], $0x50, $0x38;
	[tilespmem:$0x1B680] =	vst v63  }
0x3c: {  	_ =	swait.ge [sflag:s28], $0x50  }
0x3d: {  	[sflag:s28] =	ssyncset.done $0x0  }
0x3e: {  	s19 =	rddreg [dreg:$0x14];
	[sflag:s28] =	ssyncadd.s32 $0xFFFFFFB0  }
0x3f: {  	[tilespmem:s5], [sflag:$0xD] =	stream.linear.gather [hbm4b:s19+s3], $0x50, $0x38;
	[tilespmem:$0x1B680] =	vst v63  }
0x40: {  	_ =	swait.ge [sflag:s28], $0x50  }
0x41: {  	[sflag:s28] =	ssyncset.done $0x0  }
0x42: {  	[sflag:s28] =	ssyncadd.s32 $0xFFFFFFB0  }
0x43: {  	[tilespmem:s31], [sflag:$0x1] =	stream.indirect.gather [hbm4b:s21+s30], $0x80, s4, s30, $0xb8;
	[tilespmem:$0x1B680] =	vst v63  }
0x44: {  	s1 =	rddreg [dreg:$0x15]  }
0x45: {  	[tilespmem:s9], [sflag:$0x8] =	stream.linear.gather [hbm4b:s1+s3], $0x50, $0x38;
	[tilespmem:$0x1B680] =	vst v63  }
0x46: {  	s6 =	simm.s32 $0x13C00;
	s2 =	rddreg [dreg:$0x16]  }
0x47: {  	[tilespmem:s6], [sflag:$0x8] =	stream.linear.gather [hbm4b:s2+s3], $0x50, $0x38;
	[tilespmem:$0x1B680] =	vst v63  }
0x48: {  	s7 =	rddreg [dreg:$0x17]  }
0x49: {  	[tilespmem:s10], [sflag:$0x9] =	stream.linear.gather [hbm4b:s7+s3], $0x50, $0x38;
	[tilespmem:$0x1B680] =	vst v63  }
0x4a: {  	s17 =	rddreg [dreg:$0x18];
	s6 =	simm.s32 $0x8  }
0x4b: {  	[tilespmem:s14], [sflag:$0x9] =	stream.linear.gather [hbm4b:s17+s3], $0x50, $0x38;
	[tilespmem:$0x1B680] =	vst v63  }
0x4c: {  	_ =	swait.ge [sflag:s6], $0x50  }
0x4d: {  	[sflag:s6] =	ssyncset.done $0x0  }
0x4e: {  	[sflag:s6] =	ssyncadd.s32 $0xFFFFFFB0  }
0x4f: {  	_ =	swait.ge [sflag:s6], $0x50  }
0x50: {  	[sflag:s6] =	ssyncset.done $0x0  }
0x51: {  	s7 =	simm.s32 $0x16680;
	[sflag:s6] =	ssyncadd.s32 $0xFFFFFFB0  }
0x52: {  	[tilespmem:s7], [sflag:$0x2] =	stream.indirect.gather [hbm4b:s21+s30], $0x80, s9, s30, $0xb8;
	[tilespmem:$0x1B680] =	vst v63  }
0x53: {  	_ =	swait.ge [sflag:s8], $0x2800  }
0x54: {  	[sflag:s8] =	ssyncset.done $0x0  }
0x55: {  	[sflag:s8] =	ssyncadd.s32 $0xFFFFD800  }
0x56: {  	s2 =	rddreg [dreg:$0x4]  }
0x57: {  	[spmem:s2] =	stream.indirect.scatter.add.f32 [tilespmem:s31], [sflag:$0x4], $0x80, s5, s30, $0xb8;
	[tilespmem:$0x1B680] =	vst v63  }
0x58: {  	s18 =	rddreg [dreg:$0x19]  }
0x59: {  	[tilespmem:s15], [sflag:$0xA] =	stream.linear.gather [hbm4b:s18+s3], $0x50, $0x38;
	[tilespmem:$0x1B680] =	vst v63  }
0x5a: {  	s19 =	rddreg [dreg:$0x1a]  }
0x5b: {  	[tilespmem:s13], [sflag:$0xA] =	stream.linear.gather [hbm4b:s19+s3], $0x50, $0x38;
	[tilespmem:$0x1B680] =	vst v63  }
0x5c: {  	_ =	swait.ge [sflag:s11], $0x50  }
0x5d: {  	[sflag:s11] =	ssyncset.done $0x0  }
0x5e: {  	[sflag:s11] =	ssyncadd.s32 $0xFFFFFFB0  }
0x5f: {  	_ =	swait.ge [sflag:s11], $0x50  }
0x60: {  	[sflag:s11] =	ssyncset.done $0x0  }
0x61: {  	s13 =	simm.s32 $0x2;
	[sflag:s11] =	ssyncadd.s32 $0xFFFFFFB0  }
0x62: {  	[tilespmem:s12], [sflag:$0x3] =	stream.indirect.gather [hbm4b:s21+s30], $0x80, s10, s30, $0xb8;
	[tilespmem:$0x1B680] =	vst v63  }
0x63: {  	_ =	swait.ge [sflag:s13], $0x2800  }
0x64: {  	[sflag:s13] =	ssyncset.done $0x0  }
0x65: {  	s1 =	simm.s32 $0x13C00;
	[sflag:s13] =	ssyncadd.s32 $0xFFFFD800  }
0x66: {  	[spmem:s2] =	stream.indirect.scatter.add.f32 [tilespmem:s7], [sflag:$0x5], $0x80, s1, s30, $0xb8;
	[tilespmem:$0x1B680] =	vst v63  }
0x67: {  	s17 =	rddreg [dreg:$0x1b]  }
0x68: {  	[tilespmem:s20], [sflag:$0xB] =	stream.linear.gather [hbm4b:s17+s3], $0x50, $0x38;
	[tilespmem:$0x1B680] =	vst v63  }
0x69: {  	s18 =	rddreg [dreg:$0x1c];
	s1 =	simm.s32 $0x13D80  }
0x6a: {  	[tilespmem:s1], [sflag:$0xB] =	stream.linear.gather [hbm4b:s18+s3], $0x50, $0x38;
	[tilespmem:$0x1B680] =	vst v63  }
0x6b: {  	_ =	swait.ge [sflag:s16], $0x50  }
0x6c: {  	[sflag:s16] =	ssyncset.done $0x0  }
0x6d: {  	[sflag:s16] =	ssyncadd.s32 $0xFFFFFFB0  }
0x6e: {  	_ =	swait.ge [sflag:s16], $0x50  }
0x6f: {  	[sflag:s16] =	ssyncset.done $0x0  }
0x70: {  	s17 =	simm.s32 $0x4;
	[sflag:s16] =	ssyncadd.s32 $0xFFFFFFB0  }
0x71: {  	_ =	swait.ge [sflag:s17], $0x2800  }
0x72: {  	[sflag:s17] =	ssyncset.done $0x0  }
0x73: {  	s18 =	simm.s32 $0x3;
	[sflag:s17] =	ssyncadd.s32 $0xFFFFD800  }
0x74: {  	[tilespmem:s31], [sflag:$0x1] =	stream.indirect.gather [hbm4b:s21+s30], $0x80, s15, s30, $0xb8;
	[tilespmem:$0x1B680] =	vst v63  }
0x75: {  	_ =	swait.ge [sflag:s18], $0x2800  }
0x76: {  	[sflag:s18] =	ssyncset.done $0x0  }
0x77: {  	[sflag:s18] =	ssyncadd.s32 $0xFFFFD800  }
0x78: {  	[spmem:s2] =	stream.indirect.scatter.add.f32 [tilespmem:s12], [sflag:$0x6], $0x80, s14, s30, $0xb8;
	[tilespmem:$0x1B680] =	vst v63  }
0x79: {  	s19 =	rddreg [dreg:$0x1d]  }
0x7a: {  	[tilespmem:s29], [sflag:$0xC] =	stream.linear.gather [hbm4b:s19+s3], $0x50, $0x38;
	[tilespmem:$0x1B680] =	vst v63  }
0x7b: {  	s0 =	rddreg [dreg:$0x1e];
	s19 =	simm.s32 $0x13E00  }
0x7c: {  	[tilespmem:s19], [sflag:$0xC] =	stream.linear.gather [hbm4b:s0+s3], $0x50, $0x38;
	[tilespmem:$0x1B680] =	vst v63  }
0x7d: {  	_ =	swait.ge [sflag:s22], $0x50  }
0x7e: {  	[sflag:s22] =	ssyncset.done $0x0  }
0x7f: {  	[sflag:s22] =	ssyncadd.s32 $0xFFFFFFB0  }
0x80: {  	_ =	swait.ge [sflag:s22], $0x50  }
0x81: {  	[sflag:s22] =	ssyncset.done $0x0  }
0x82: {  	[sflag:s22] =	ssyncadd.s32 $0xFFFFFFB0  }
0x83: {  	_ =	swait.ge [sflag:s24], $0x2800  }
0x84: {  	[sflag:s24] =	ssyncset.done $0x0  }
0x85: {  	[sflag:s24] =	ssyncadd.s32 $0xFFFFD800  }
0x86: {  	[tilespmem:s7], [sflag:$0x2] =	stream.indirect.gather [hbm4b:s21+s30], $0x80, s20, s30, $0xb8;
	[tilespmem:$0x1B680] =	vst v63  }
0x87: {  	_ =	swait.ge [sflag:s8], $0x2800  }
0x88: {  	[sflag:s8] =	ssyncset.done $0x0  }
0x89: {  	s28 =	simm.s32 $0x13D00;
	[sflag:s8] =	ssyncadd.s32 $0xFFFFD800  }
0x8a: {  	[spmem:s2] =	stream.indirect.scatter.add.f32 [tilespmem:s31], [sflag:$0x4], $0x80, s28, s30, $0xb8;
	[tilespmem:$0x1B680] =	vst v63  }
0x8b: {  	s0 =	rddreg [dreg:$0x1f]  }
0x8c: {  	[tilespmem:s4], [sflag:$0x7] =	stream.linear.gather [hbm4b:s0+s3], $0x50, $0x38;
	[tilespmem:$0x1B680] =	vst v63  }
0x8d: {  	s4 =	sld [smem:$0x7F6];
	_ =	sdelay $0x2  }
0x8e: {  	[tilespmem:s5], [sflag:$0x7] =	stream.linear.gather [hbm4b:s4+s3], $0x50, $0x38;
	[tilespmem:$0x1B680] =	vst v63  }
0x8f: {  	s4 =	sld [smem:$0x7F8];
	_ =	sdelay $0x1  }
0x90: {  	s5 =	sld [smem:$0x7F7]  }
0x91: {  	[tilespmem:s9], [sflag:$0x8] =	stream.linear.gather [hbm4b:s4+s3], $0x50, $0x38;
	[tilespmem:$0x1B680] =	vst v63  }
0x92: {  	s9 =	simm.s32 $0x13C00  }
0x93: {  	[tilespmem:s9], [sflag:$0x8] =	stream.linear.gather [hbm4b:s5+s3], $0x50, $0x38;
	[tilespmem:$0x1B680] =	vst v63  }
0x94: {  	_ =	swait.ge [sflag:s25], $0x50  }
0x95: {  	[sflag:s25] =	ssyncset.done $0x0  }
0x96: {  	[sflag:s25] =	ssyncadd.s32 $0xFFFFFFB0  }
0x97: {  	_ =	swait.ge [sflag:s25], $0x50  }
0x98: {  	[sflag:s25] =	ssyncset.done $0x0  }
0x99: {  	[sflag:s25] =	ssyncadd.s32 $0xFFFFFFB0  }
0x9a: {  	_ =	swait.ge [sflag:s23], $0x2800  }
0x9b: {  	[sflag:s23] =	ssyncset.done $0x0  }
0x9c: {  	[sflag:s23] =	ssyncadd.s32 $0xFFFFD800  }
0x9d: {  	[tilespmem:s12], [sflag:$0x3] =	stream.indirect.gather [hbm4b:s21+s30], $0x80, s29, s30, $0xb8;
	[tilespmem:$0x1B680] =	vst v63  }
0x9e: {  	_ =	swait.ge [sflag:s13], $0x2800  }
0x9f: {  	[sflag:s13] =	ssyncset.done $0x0  }
0xa0: {  	s28 =	rddreg [dreg:$0x11];
	[sflag:s13] =	ssyncadd.s32 $0xFFFFD800  }
0xa1: {  	[spmem:s2] =	stream.indirect.scatter.add.f32 [tilespmem:s7], [sflag:$0x5], $0x80, s1, s30, $0xb8;
	[tilespmem:$0x1B680] =	vst v63  }
0xa2: {  	s29 =	rddreg [dreg:$0x10];
	s28 =	sadd.s32 $0x0, s28  }
0xa3: {  	[tilespmem:s10], [sflag:$0x9] =	stream.linear.gather [hbm4b:s28+s3], $0x50, $0x38;
	[tilespmem:$0x1B680] =	vst v63  }
0xa4: {  	s28 =	sadd.s32 $0x0, s29  }
0xa5: {  	[tilespmem:s14], [sflag:$0x9] =	stream.linear.gather [hbm4b:s28+s3], $0x50, $0x38;
	[tilespmem:$0x1B680] =	vst v63  }
0xa6: {  	_ =	swait.ge [sflag:s26], $0x50  }
0xa7: {  	[sflag:s26] =	ssyncset.done $0x0  }
0xa8: {  	[sflag:s26] =	ssyncadd.s32 $0xFFFFFFB0  }
0xa9: {  	_ =	swait.ge [sflag:s26], $0x50  }
0xaa: {  	[sflag:s26] =	ssyncset.done $0x0  }
0xab: {  	[sflag:s26] =	ssyncadd.s32 $0xFFFFFFB0  }
0xac: {  	_ =	swait.ge [sflag:s17], $0x2800  }
0xad: {  	[sflag:s17] =	ssyncset.done $0x0  }
0xae: {  	s0 =	simm.s32 $0x13880;
	[sflag:s17] =	ssyncadd.s32 $0xFFFFD800  }
0xaf: {  	[tilespmem:s31], [sflag:$0x1] =	stream.indirect.gather [hbm4b:s21+s30], $0x80, s0, s30, $0xb8;
	[tilespmem:$0x1B680] =	vst v63  }
0xb0: {  	_ =	swait.ge [sflag:s18], $0x2800  }
0xb1: {  	[sflag:s18] =	ssyncset.done $0x0  }
0xb2: {  	s19 =	simm.s32 $0x13E00;
	s28 =	rddreg [dreg:$0xf];
	[sflag:s18] =	ssyncadd.s32 $0xFFFFD800  }
0xb3: {  	[spmem:s2] =	stream.indirect.scatter.add.f32 [tilespmem:s12], [sflag:$0x6], $0x80, s19, s30, $0xb8;
	[tilespmem:$0x1B680] =	vst v63  }
0xb4: {  	s29 =	rddreg [dreg:$0xe];
	s28 =	sadd.s32 $0x0, s28  }
0xb5: {  	[tilespmem:s15], [sflag:$0xA] =	stream.linear.gather [hbm4b:s28+s3], $0x50, $0x38;
	[tilespmem:$0x1B680] =	vst v63  }
0xb6: {  	s18 =	simm.s32 $0x13D00;
	s28 =	sadd.s32 $0x0, s29  }
0xb7: {  	[tilespmem:s18], [sflag:$0xA] =	stream.linear.gather [hbm4b:s28+s3], $0x50, $0x38;
	[tilespmem:$0x1B680] =	vst v63  }
0xb8: {  	_ =	swait.ge [sflag:s6], $0x50  }
0xb9: {  	[sflag:s6] =	ssyncset.done $0x0  }
0xba: {  	[sflag:s6] =	ssyncadd.s32 $0xFFFFFFB0  }
0xbb: {  	_ =	swait.ge [sflag:s6], $0x50  }
0xbc: {  	[sflag:s6] =	ssyncset.done $0x0  }
0xbd: {  	[sflag:s6] =	ssyncadd.s32 $0xFFFFFFB0  }
0xbe: {  	_ =	swait.ge [sflag:s24], $0x2800  }
0xbf: {  	[sflag:s24] =	ssyncset.done $0x0  }
0xc0: {  	s5 =	simm.s32 $0x13900;
	[sflag:s24] =	ssyncadd.s32 $0xFFFFD800  }
0xc1: {  	[tilespmem:s7], [sflag:$0x2] =	stream.indirect.gather [hbm4b:s21+s30], $0x80, s5, s30, $0xb8;
	[tilespmem:$0x1B680] =	vst v63  }
0xc2: {  	_ =	swait.ge [sflag:s8], $0x2800  }
0xc3: {  	[sflag:s8] =	ssyncset.done $0x0  }
0xc4: {  	s4 =	simm.s32 $0x13B80;
	s28 =	rddreg [dreg:$0xd];
	[sflag:s8] =	ssyncadd.s32 $0xFFFFD800  }
0xc5: {  	[spmem:s2] =	stream.indirect.scatter.add.f32 [tilespmem:s31], [sflag:$0x4], $0x80, s4, s30, $0xb8;
	[tilespmem:$0x1B680] =	vst v63  }
0xc6: {  	s29 =	rddreg [dreg:$0xc];
	s28 =	sadd.s32 $0x0, s28  }
0xc7: {  	[tilespmem:s20], [sflag:$0xB] =	stream.linear.gather [hbm4b:s28+s3], $0x50, $0x38;
	[tilespmem:$0x1B680] =	vst v63  }
0xc8: {  	s28 =	sadd.s32 $0x0, s29  }
0xc9: {  	[tilespmem:s1], [sflag:$0xB] =	stream.linear.gather [hbm4b:s28+s3], $0x50, $0x38;
	[tilespmem:$0x1B680] =	vst v63  }
0xca: {  	_ =	swait.ge [sflag:s11], $0x50  }
0xcb: {  	[sflag:s11] =	ssyncset.done $0x0  }
0xcc: {  	[sflag:s11] =	ssyncadd.s32 $0xFFFFFFB0  }
0xcd: {  	_ =	swait.ge [sflag:s11], $0x50  }
0xce: {  	[sflag:s11] =	ssyncset.done $0x0  }
0xcf: {  	[sflag:s11] =	ssyncadd.s32 $0xFFFFFFB0  }
0xd0: {  	_ =	swait.ge [sflag:s23], $0x2800  }
0xd1: {  	[sflag:s23] =	ssyncset.done $0x0  }
0xd2: {  	[sflag:s23] =	ssyncadd.s32 $0xFFFFD800  }
0xd3: {  	[tilespmem:s12], [sflag:$0x3] =	stream.indirect.gather [hbm4b:s21+s30], $0x80, s10, s30, $0xb8;
	[tilespmem:$0x1B680] =	vst v63  }
0xd4: {  	_ =	swait.ge [sflag:s13], $0x2800  }
0xd5: {  	[sflag:s13] =	ssyncset.done $0x0  }
0xd6: {  	s28 =	rddreg [dreg:$0xb];
	[sflag:s13] =	ssyncadd.s32 $0xFFFFD800;
	s13 =	simm.s32 $0x13C00  }
0xd7: {  	[spmem:s2] =	stream.indirect.scatter.add.f32 [tilespmem:s7], [sflag:$0x5], $0x80, s13, s30, $0xb8;
	[tilespmem:$0x1B680] =	vst v63  }
0xd8: {  	s9 =	simm.s32 $0x13B00;
	s29 =	rddreg [dreg:$0xa];
	s28 =	sadd.s32 $0x0, s28  }
0xd9: {  	[tilespmem:s9], [sflag:$0xC] =	stream.linear.gather [hbm4b:s28+s3], $0x50, $0x38;
	[tilespmem:$0x1B680] =	vst v63  }
0xda: {  	s28 =	sadd.s32 $0x0, s29  }
0xdb: {  	[tilespmem:s19], [sflag:$0xC] =	stream.linear.gather [hbm4b:s28+s3], $0x50, $0x38;
	[tilespmem:$0x1B680] =	vst v63  }
0xdc: {  	_ =	swait.ge [sflag:s16], $0x50  }
0xdd: {  	[sflag:s16] =	ssyncset.done $0x0  }
0xde: {  	[sflag:s16] =	ssyncadd.s32 $0xFFFFFFB0  }
0xdf: {  	_ =	swait.ge [sflag:s16], $0x50  }
0xe0: {  	[sflag:s16] =	ssyncset.done $0x0  }
0xe1: {  	[sflag:s16] =	ssyncadd.s32 $0xFFFFFFB0  }
0xe2: {  	_ =	swait.ge [sflag:s17], $0x2800  }
0xe3: {  	[sflag:s17] =	ssyncset.done $0x0  }
0xe4: {  	s11 =	simm.s32 $0x3;
	[sflag:s17] =	ssyncadd.s32 $0xFFFFD800  }
0xe5: {  	[tilespmem:s31], [sflag:$0x1] =	stream.indirect.gather [hbm4b:s21+s30], $0x80, s15, s30, $0xb8;
	[tilespmem:$0x1B680] =	vst v63  }
0xe6: {  	_ =	swait.ge [sflag:s11], $0x2800  }
0xe7: {  	[sflag:s11] =	ssyncset.done $0x0  }
0xe8: {  	s28 =	rddreg [dreg:$0x9];
	[sflag:s11] =	ssyncadd.s32 $0xFFFFD800  }
0xe9: {  	[spmem:s2] =	stream.indirect.scatter.add.f32 [tilespmem:s12], [sflag:$0x6], $0x80, s14, s30, $0xb8;
	[tilespmem:$0x1B680] =	vst v63  }
0xea: {  	s29 =	rddreg [dreg:$0x8];
	s28 =	sadd.s32 $0x0, s28  }
0xeb: {  	[tilespmem:s0], [sflag:$0x7] =	stream.linear.gather [hbm4b:s28+s3], $0x50, $0x38;
	[tilespmem:$0x1B680] =	vst v63  }
0xec: {  	s28 =	sadd.s32 $0x0, s29  }
0xed: {  	[tilespmem:s4], [sflag:$0x7] =	stream.linear.gather [hbm4b:s28+s3], $0x50, $0x38;
	[tilespmem:$0x1B680] =	vst v63  }
0xee: {  	_ =	swait.ge [sflag:s22], $0x50  }
0xef: {  	[sflag:s22] =	ssyncset.done $0x0  }
0xf0: {  	[sflag:s22] =	ssyncadd.s32 $0xFFFFFFB0  }
0xf1: {  	_ =	swait.ge [sflag:s22], $0x50  }
0xf2: {  	[sflag:s22] =	ssyncset.done $0x0  }
0xf3: {  	[sflag:s22] =	ssyncadd.s32 $0xFFFFFFB0  }
0xf4: {  	_ =	swait.ge [sflag:s24], $0x2800  }
0xf5: {  	[sflag:s24] =	ssyncset.done $0x0  }
0xf6: {  	[sflag:s24] =	ssyncadd.s32 $0xFFFFD800  }
0xf7: {  	[tilespmem:s7], [sflag:$0x2] =	stream.indirect.gather [hbm4b:s21+s30], $0x80, s20, s30, $0xb8;
	[tilespmem:$0x1B680] =	vst v63  }
0xf8: {  	_ =	swait.ge [sflag:s8], $0x2800  }
0xf9: {  	[sflag:s8] =	ssyncset.done $0x0  }
0xfa: {  	s28 =	rddreg [dreg:$0x7];
	[sflag:s8] =	ssyncadd.s32 $0xFFFFD800  }
0xfb: {  	[spmem:s2] =	stream.indirect.scatter.add.f32 [tilespmem:s31], [sflag:$0x4], $0x80, s18, s30, $0xb8;
	[tilespmem:$0x1B680] =	vst v63  }
0xfc: {  	s29 =	rddreg [dreg:$0x6];
	s28 =	sadd.s32 $0x0, s28  }
0xfd: {  	[tilespmem:s5], [sflag:$0x8] =	stream.linear.gather [hbm4b:s28+s3], $0x50, $0x38;
	[tilespmem:$0x1B680] =	vst v63  }
0xfe: {  	s13 =	simm.s32 $0x9;
	s29 =	sadd.s32 $0x0, s29;
	s28 =	simm.s32 $0x3C  }
.LBB2_2:
0xff: {  	s10 =	simm.s32 $0x13C00  }
0x100: {  	[tilespmem:s10], [sflag:$0x8] =	stream.linear.gather [hbm4b:s29+s3], $0x50, $0x38;
	[tilespmem:$0x1B680] =	vst v63  }
0x101: {  	_ =	swait.ge [sflag:s25], $0x50  }
0x102: {  	[sflag:s25] =	ssyncset.done $0x0  }
0x103: {  	[sflag:s25] =	ssyncadd.s32 $0xFFFFFFB0  }
0x104: {  	_ =	swait.ge [sflag:s25], $0x50  }
0x105: {  	[sflag:s25] =	ssyncset.done $0x0  }
0x106: {  	[sflag:s25] =	ssyncadd.s32 $0xFFFFFFB0  }
0x107: {  	_ =	swait.ge [sflag:s23], $0x2800  }
0x108: {  	[sflag:s23] =	ssyncset.done $0x0  }
0x109: {  	s20 =	simm.s32 $0x13B00;
	s16 =	simm.s32 $0x2;
	[sflag:s23] =	ssyncadd.s32 $0xFFFFD800  }
0x10a: {  	[tilespmem:s12], [sflag:$0x3] =	stream.indirect.gather [hbm4b:s21+s30], $0x80, s20, s30, $0xb8;
	[tilespmem:$0x1B680] =	vst v63  }
0x10b: {  	_ =	swait.ge [sflag:s16], $0x2800  }
0x10c: {  	[sflag:s16] =	ssyncset.done $0x0  }
0x10d: {  	s14 =	simm.s32 $0x13D80;
	s0 =	rddreg [dreg:$0x11];
	[sflag:s16] =	ssyncadd.s32 $0xFFFFD800  }
0x10e: {  	s19 =	simm.s32 $0x16680;
	s29 =	smov.u32 s28;
	s6 =	rddreg [dreg:$0x4]  }
0x10f: {  	[spmem:s6] =	stream.indirect.scatter.add.f32 [tilespmem:s19], [sflag:$0x5], $0x80, s14, s30, $0xb8;
	[tilespmem:$0x1B680] =	vst v63  }
0x110: {  	s17 =	simm.s32 $0x13980;
	s1 =	rddreg [dreg:$0x10];
	s0 =	sadd.s32 s29, s0  }
0x111: {  	[tilespmem:s17], [sflag:$0x9] =	stream.linear.gather [hbm4b:s0+s3], $0x50, $0x38;
	[tilespmem:$0x1B680] =	vst v63  }
0x112: {  	s12 =	simm.s32 $0x13C80;
	s4 =	sadd.s32 s29, s1  }
0x113: {  	[tilespmem:s12], [sflag:$0x9] =	stream.linear.gather [hbm4b:s4+s3], $0x50, $0x38;
	[tilespmem:$0x1B680] =	vst v63  }
0x114: {  	_ =	swait.ge [sflag:s26], $0x50  }
0x115: {  	[sflag:s26] =	ssyncset.done $0x0  }
0x116: {  	[sflag:s26] =	ssyncadd.s32 $0xFFFFFFB0  }
0x117: {  	_ =	swait.ge [sflag:s26], $0x50  }
0x118: {  	[sflag:s26] =	ssyncset.done $0x0  }
0x119: {  	s18 =	simm.s32 $0x4;
	[sflag:s26] =	ssyncadd.s32 $0xFFFFFFB0  }
0x11a: {  	_ =	swait.ge [sflag:s18], $0x2800  }
0x11b: {  	[sflag:s18] =	ssyncset.done $0x0  }
0x11c: {  	s7 =	simm.s32 $0x13880;
	[sflag:s18] =	ssyncadd.s32 $0xFFFFD800  }
0x11d: {  	[tilespmem:s31], [sflag:$0x1] =	stream.indirect.gather [hbm4b:s21+s30], $0x80, s7, s30, $0xb8;
	[tilespmem:$0x1B680] =	vst v63  }
0x11e: {  	_ =	swait.ge [sflag:s11], $0x2800  }
0x11f: {  	s2 =	simm.s32 $0x18E80;
	[sflag:s11] =	ssyncset.done $0x0  }
0x120: {  	s31 =	simm.s32 $0x13E00;
	s5 =	rddreg [dreg:$0xf];
	[sflag:s11] =	ssyncadd.s32 $0xFFFFD800  }
0x121: {  	[spmem:s6] =	stream.indirect.scatter.add.f32 [tilespmem:s2], [sflag:$0x6], $0x80, s31, s30, $0xb8;
	[tilespmem:$0x1B680] =	vst v63  }
0x122: {  	s15 =	rddreg [dreg:$0xe];
	s0 =	sadd.s32 s29, s5;
	s11 =	simm.s32 $0x13A00  }
0x123: {  	[tilespmem:s11], [sflag:$0xA] =	stream.linear.gather [hbm4b:s0+s3], $0x50, $0x38;
	[tilespmem:$0x1B680] =	vst v63  }
0x124: {  	s4 =	sadd.s32 s29, s15;
	s5 =	simm.s32 $0x13D00;
	s15 =	simm.s32 $0x8  }
0x125: {  	[tilespmem:s5], [sflag:$0xA] =	stream.linear.gather [hbm4b:s4+s3], $0x50, $0x38;
	[tilespmem:$0x1B680] =	vst v63  }
0x126: {  	_ =	swait.ge [sflag:s15], $0x50  }
0x127: {  	[sflag:s15] =	ssyncset.done $0x0  }
0x128: {  	[sflag:s15] =	ssyncadd.s32 $0xFFFFFFB0  }
0x129: {  	_ =	swait.ge [sflag:s15], $0x50  }
0x12a: {  	[sflag:s15] =	ssyncset.done $0x0  }
0x12b: {  	[sflag:s15] =	ssyncadd.s32 $0xFFFFFFB0  }
0x12c: {  	_ =	swait.ge [sflag:s24], $0x2800  }
0x12d: {  	[sflag:s24] =	ssyncset.done $0x0  }
0x12e: {  	s15 =	simm.s32 $0x13900;
	[sflag:s24] =	ssyncadd.s32 $0xFFFFD800  }
0x12f: {  	[tilespmem:s19], [sflag:$0x2] =	stream.indirect.gather [hbm4b:s21+s30], $0x80, s15, s30, $0xb8;
	[tilespmem:$0x1B680] =	vst v63  }
0x130: {  	_ =	swait.ge [sflag:s8], $0x2800  }
0x131: {  	s9 =	simm.s32 $0x13E80;
	[sflag:s8] =	ssyncset.done $0x0  }
0x132: {  	s4 =	simm.s32 $0x13B80;
	s0 =	rddreg [dreg:$0xd];
	[sflag:s8] =	ssyncadd.s32 $0xFFFFD800  }
0x133: {  	[spmem:s6] =	stream.indirect.scatter.add.f32 [tilespmem:s9], [sflag:$0x4], $0x80, s4, s30, $0xb8;
	[tilespmem:$0x1B680] =	vst v63  }
0x134: {  	s1 =	rddreg [dreg:$0xc];
	s0 =	sadd.s32 s29, s0;
	s8 =	simm.s32 $0x13A80  }
0x135: {  	[tilespmem:s8], [sflag:$0xB] =	stream.linear.gather [hbm4b:s0+s3], $0x50, $0x38;
	[tilespmem:$0x1B680] =	vst v63  }
0x136: {  	s1 =	sadd.s32 s29, s1  }
0x137: {  	[tilespmem:s14], [sflag:$0xB] =	stream.linear.gather [hbm4b:s1+s3], $0x50, $0x38;
	[tilespmem:$0x1B680] =	vst v63  }
0x138: {  	_ =	swait.ge [sflag:s13], $0x50  }
0x139: {  	[sflag:s13] =	ssyncset.done $0x0  }
0x13a: {  	[sflag:s13] =	ssyncadd.s32 $0xFFFFFFB0  }
0x13b: {  	_ =	swait.ge [sflag:s13], $0x50  }
0x13c: {  	[sflag:s13] =	ssyncset.done $0x0  }
0x13d: {  	[sflag:s13] =	ssyncadd.s32 $0xFFFFFFB0  }
0x13e: {  	_ =	swait.ge [sflag:s23], $0x2800  }
0x13f: {  	[sflag:s23] =	ssyncset.done $0x0  }
0x140: {  	[sflag:s23] =	ssyncadd.s32 $0xFFFFD800  }
0x141: {  	[tilespmem:s2], [sflag:$0x3] =	stream.indirect.gather [hbm4b:s21+s30], $0x80, s17, s30, $0xb8;
	[tilespmem:$0x1B680] =	vst v63  }
0x142: {  	_ =	swait.ge [sflag:s16], $0x2800  }
0x143: {  	[sflag:s16] =	ssyncset.done $0x0  }
0x144: {  	s1 =	rddreg [dreg:$0xb];
	[sflag:s16] =	ssyncadd.s32 $0xFFFFD800  }
0x145: {  	[spmem:s6] =	stream.indirect.scatter.add.f32 [tilespmem:s19], [sflag:$0x5], $0x80, s10, s30, $0xb8;
	[tilespmem:$0x1B680] =	vst v63  }
0x146: {  	s17 =	rddreg [dreg:$0xa];
	s0 =	sadd.s32 s29, s1  }
0x147: {  	[tilespmem:s20], [sflag:$0xC] =	stream.linear.gather [hbm4b:s0+s3], $0x50, $0x38;
	[tilespmem:$0x1B680] =	vst v63  }
0x148: {  	s16 =	simm.s32 $0xA;
	s1 =	sadd.s32 s29, s17  }
0x149: {  	[tilespmem:s31], [sflag:$0xC] =	stream.linear.gather [hbm4b:s1+s3], $0x50, $0x38;
	[tilespmem:$0x1B680] =	vst v63  }
0x14a: {  	_ =	swait.ge [sflag:s16], $0x50  }
0x14b: {  	[sflag:s16] =	ssyncset.done $0x0  }
0x14c: {  	[sflag:s16] =	ssyncadd.s32 $0xFFFFFFB0  }
0x14d: {  	_ =	swait.ge [sflag:s16], $0x50  }
0x14e: {  	[sflag:s16] =	ssyncset.done $0x0  }
0x14f: {  	[sflag:s16] =	ssyncadd.s32 $0xFFFFFFB0  }
0x150: {  	_ =	swait.ge [sflag:s18], $0x2800  }
0x151: {  	[sflag:s18] =	ssyncset.done $0x0  }
0x152: {  	s31 =	simm.s32 $0x13E80;
	[sflag:s18] =	ssyncadd.s32 $0xFFFFD800  }
0x153: {  	[tilespmem:s31], [sflag:$0x1] =	stream.indirect.gather [hbm4b:s21+s30], $0x80, s11, s30, $0xb8;
	[tilespmem:$0x1B680] =	vst v63  }
0x154: {  	s11 =	simm.s32 $0x3  }
0x155: {  	_ =	swait.ge [sflag:s11], $0x2800  }
0x156: {  	[sflag:s11] =	ssyncset.done $0x0  }
0x157: {  	s10 =	rddreg [dreg:$0x9];
	[sflag:s11] =	ssyncadd.s32 $0xFFFFD800  }
0x158: {  	[spmem:s6] =	stream.indirect.scatter.add.f32 [tilespmem:s2], [sflag:$0x6], $0x80, s12, s30, $0xb8;
	[tilespmem:$0x1B680] =	vst v63  }
0x159: {  	s17 =	rddreg [dreg:$0x8];
	s0 =	sadd.s32 s29, s10  }
0x15a: {  	[tilespmem:s7], [sflag:$0x7] =	stream.linear.gather [hbm4b:s0+s3], $0x50, $0x38;
	[tilespmem:$0x1B680] =	vst v63  }
0x15b: {  	s18 =	sadd.s32 s29, s17  }
0x15c: {  	[tilespmem:s4], [sflag:$0x7] =	stream.linear.gather [hbm4b:s18+s3], $0x50, $0x38;
	[tilespmem:$0x1B680] =	vst v63  }
0x15d: {  	_ =	swait.ge [sflag:s22], $0x50  }
0x15e: {  	[sflag:s22] =	ssyncset.done $0x0  }
0x15f: {  	[sflag:s22] =	ssyncadd.s32 $0xFFFFFFB0  }
0x160: {  	_ =	swait.ge [sflag:s22], $0x50  }
0x161: {  	[sflag:s22] =	ssyncset.done $0x0  }
0x162: {  	[sflag:s22] =	ssyncadd.s32 $0xFFFFFFB0  }
0x163: {  	_ =	swait.ge [sflag:s24], $0x2800  }
0x164: {  	[sflag:s24] =	ssyncset.done $0x0  }
0x165: {  	[sflag:s24] =	ssyncadd.s32 $0xFFFFD800  }
0x166: {  	[tilespmem:s19], [sflag:$0x2] =	stream.indirect.gather [hbm4b:s21+s30], $0x80, s8, s30, $0xb8;
	[tilespmem:$0x1B680] =	vst v63  }
0x167: {  	p0 =	sne.s32 s28, $0x474;
	s28 =	sadd.s32 $0x3C, s28;
	s8 =	simm.s32 $0x1  }
0x168: {  	s9 =	simm.s32 $0x13D80;
	s14 =	simm.s32 $0x13C00;
	_ =	swait.ge [sflag:s8], $0x2800  }
.Ltmp0:
0x169: {  	[sflag:s8] =	ssyncset.done $0x0;
	s19 =	rddreg [dreg:$0x7];
	(pc) =	sbr.rel @p0 .LBB2_2-.Ltmp0, $4  }
0x16a: {  	s12 =	simm.s32 $0x18E80;
	s20 =	rddreg [dreg:$0x6];
	[sflag:s8] =	ssyncadd.s32 $0xFFFFD800  }
0x16b: {  	[spmem:s6] =	stream.indirect.scatter.add.f32 [tilespmem:s31], [sflag:$0x4], $0x80, s5, s30, $0xb8;
	[tilespmem:$0x1B680] =	vst v63  }
0x16c: {  	s7 =	simm.s32 $0x16680;
	s0 =	sadd.s32 s29, s19;
	s29 =	sadd.s32 s29, s20  }
0x16d: {  	[tilespmem:s15], [sflag:$0x8] =	stream.linear.gather [hbm4b:s0+s3], $0x50, $0x38;
	[tilespmem:$0x1B680] =	vst v63  }
0x16e: {  	[tilespmem:s14], [sflag:$0x8] =	stream.linear.gather [hbm4b:s29+s3], $0x50, $0x38;
	[tilespmem:$0x1B680] =	vst v63  }
0x16f: {  	s0 =	simm.s32 $0x2  }
0x170: {  	_ =	swait.ge [sflag:s0], $0x2800  }
0x171: {  	[sflag:s0] =	ssyncset.done $0x0  }
0x172: {  	[sflag:s0] =	ssyncadd.s32 $0xFFFFD800  }
0x173: {  	s0 =	rddreg [dreg:$0x4]  }
0x174: {  	[spmem:s0] =	stream.indirect.scatter.add.f32 [tilespmem:s7], [sflag:$0x5], $0x80, s9, s30, $0xb8;
	[tilespmem:$0x1B680] =	vst v63  }
0x175: {  	_ =	swait.ge [sflag:s23], $0x2800  }
0x176: {  	[sflag:s23] =	ssyncset.done $0x0  }
0x177: {  	s15 =	simm.s32 $0x4;
	[sflag:s23] =	ssyncadd.s32 $0xFFFFD800  }
0x178: {  	_ =	swait.ge [sflag:s15], $0x2800  }
0x179: {  	[sflag:s15] =	ssyncset.done $0x0  }
0x17a: {  	[sflag:s15] =	ssyncadd.s32 $0xFFFFD800  }
0x17b: {  	_ =	swait.ge [sflag:s24], $0x2800  }
0x17c: {  	[sflag:s24] =	ssyncset.done $0x0  }
0x17d: {  	[sflag:s24] =	ssyncadd.s32 $0xFFFFD800  }
0x17e: {  	_ =	swait.ge [sflag:s25], $0x50  }
0x17f: {  	[sflag:s25] =	ssyncset.done $0x0  }
0x180: {  	[sflag:s25] =	ssyncadd.s32 $0xFFFFFFB0  }
0x181: {  	_ =	swait.ge [sflag:s25], $0x50  }
0x182: {  	[sflag:s25] =	ssyncset.done $0x0  }
0x183: {  	[sflag:s25] =	ssyncadd.s32 $0xFFFFFFB0  }
0x184: {  	_ =	swait.ge [sflag:s26], $0x50  }
0x185: {  	[sflag:s26] =	ssyncset.done $0x0  }
0x186: {  	[sflag:s26] =	ssyncadd.s32 $0xFFFFFFB0  }
0x187: {  	_ =	swait.ge [sflag:s26], $0x50  }
0x188: {  	[sflag:s26] =	ssyncset.done $0x0  }
0x189: {  	s17 =	simm.s32 $0x8;
	[sflag:s26] =	ssyncadd.s32 $0xFFFFFFB0  }
0x18a: {  	_ =	swait.ge [sflag:s17], $0x50  }
0x18b: {  	[sflag:s17] =	ssyncset.done $0x0  }
0x18c: {  	[sflag:s17] =	ssyncadd.s32 $0xFFFFFFB0  }
0x18d: {  	_ =	swait.ge [sflag:s17], $0x50  }
0x18e: {  	[sflag:s17] =	ssyncset.done $0x0  }
0x18f: {  	[sflag:s17] =	ssyncadd.s32 $0xFFFFFFB0  }
0x190: {  	[bflag:$0x0] =	sbarrier.arrive $0xFFFF  }
0x191: {  	s1 =	sld [smem:$0x7FD]  }
0x192: {  	s18 =	sld [smem:$0x7FA]  }
0x193: {  	s4 =	sld [smem:$0x7F5];
	_ =	sdelay $0x1  }
0x194: {  	s28 =	simm.s32 $0xD  }
0x195: {  	[hbm:s18], [sflag:s1] =	dma.local [spmem:s4], $0x2800  }
0x196: {  	_ =	swait.ge [sflag:s28], $0x2800  }
0x197: {  	s19 =	sld [smem:$0x7FC]  }
0x198: {  	s20 =	sld [smem:$0x7FB];
	_ =	sdelay $0x1  }
0x199: {  	s4 =	sadd.s32 $0x1, s19  }
0x19a: {  	p0 =	sne.s32 s4, s20  }
.Ltmp1:
0x19b: {  	s5 =	simm.s32 $0x13B80;
	(pc) =	sbr.rel @p0 .LBB2_1-.Ltmp1, $4  }
0x19c: {  	s10 =	simm.s32 $0x13980;
	s14 =	simm.s32 $0x13C80;
	s13 =	simm.s32 $0x13D00  }
0x19d: {  	s29 =	simm.s32 $0x13B00;
	s11 =	simm.s32 $0x9;
	[sflag:s28] =	ssyncset.done $0x0  }
0x19e: {  	s9 =	simm.s32 $0x13900;
	s15 =	simm.s32 $0x13A00;
	[sflag:s28] =	ssyncadd.s32 $0xFFFFD800  }
0x19f: {  	[smem:$0x7FC] =	sst s4;
	s4 =	simm.s32 $0x13880;
	s20 =	simm.s32 $0x13A80  }
0x1a0: {  	_ =	sfence.sel $0x180000  }
0x1a1: {  	[bflag:$0x0] =	sbarrier.arrive $0xFFFF  }
0x1a2: {  	_ =	strace $0x9000004D  }
0x1a3: {  	s0 =	stileid.u32;
	[bflag:$0x2] =	sbarrier.arrive $0xFFFF  }
0x1a4: {  	p0 =	sne.s32 s0, $0x0;
	s0 =	rddreg [dreg:$0x5]  }
0x1a5: {  	s0 =	sadd.s32 @!p0 $0x100000, s0  }
0x1a6: {  	[sflag:s0] =	ssyncadd.tile.s32 @!p0 $0x1;
	_ =	shalt  }
.Lfunc_end2:
_tile_overlayer_lowered:
.L_overlay_start_2:
0x1a7: {  	(tag) =	ssettag $0x2  }
0x1a8: {  	s0 =	rddreg [dreg:$0x0];
	s2 =	stileid.u32  }
0x1a9: {  	s1 =	rddreg [dreg:$0x1];
	p0 =	sne.s32 s2, $0x0  }
0x1aa: {  	s3 =	rddreg [dreg:$0x2];
	[bflag:$0x3] =	sbarrier.arrive $0xFFFF;
	s2 =	simm.s32 @!p0 $0x1C0D  }
0x1ab: {  	[timem:s3], [sflag:s2] =	dma.local @!p0 [hbm:s0], s1  }
0x1ac: {  	s0 =	simm.s32 @!p0 $0xD  }
0x1ad: {  	_ =	swait.ge @!p0 [sflag:s0], s1  }
0x1ae: {  	s1 =	ssub.s32 @!p0 $0x0, s1;
	[sflag:s0] =	ssyncset.done @!p0 $0x0  }
0x1af: {  	[sflag:s0] =	ssyncadd.s32 @!p0 s1  }
0x1b0: {  	[bflag:$0x3] =	sbarrier.arrive $0xFFFF  }
0x1b1: {  	_ =	shalt  }

// kernel: kernel.19.cloned.1.call-start
scs
__scs_entry_jumppad:
0x0: {  	(pc) =	sbr.rel $0x88, $3  }
0x1: {  	(tag) =	ssettag $0x0;
	lr =	simm.s32 $0x1  }
0x2: {  	[smem:$0x3F9E] =	sst lr;
	_ =	strace $0xD0000000  }
0x3: {  	_ = 	snop  }
0x4: {  	_ = 	snop  }
0x5: {  	_ = 	snop  }
0x6: {  	_ = 	snop  }
0x7: {  	_ = 	snop  }
__scs_overlays_trampoline_lowered:
0x8: {  	[smem:$0x3FAD] =	sst s0  }
0x9: {  	[smem:$0x3FAE] =	sst s1  }
0xa: {  	[smem:$0x3FAF] =	sst s2  }
0xb: {  	[smem:$0x3FB0] =	sst s3  }
0xc: {  	[smem:$0x3FB1] =	sst s4  }
0xd: {  	[smem:$0x3FB2] =	sst s5  }
0xe: {  	[smem:$0x3FB3] =	sst s6  }
0xf: {  	[smem:$0x3FB4] =	sst s7  }
0x10: {  	[smem:$0x3FB5] =	sst s8  }
0x11: {  	[smem:$0x3FB6] =	sst s9;
	s0 =	simm.s32 @!p0 $0x0  }
0x12: {  	s1 =	sld [smem:$0x3F9C];
	s0 =	simm.s32 @p0 $0x1  }
0x13: {  	[smem:$0x3FB7] =	sst s0;
	s0 =	simm.s32 @!p1 $0x0  }
0x14: {  	s2 =	sld [smem:$0x3F9B];
	s0 =	simm.s32 @p1 $0x1  }
0x15: {  	[smem:$0x3FB8] =	sst s0;
	s0 =	simm.s32 @!p2 $0x0  }
0x16: {  	s3 =	sld [smem:$0x3FDB];
	s0 =	simm.s32 @p2 $0x1  }
0x17: {  	s4 =	simm.s32 $0x1BF5;
	[smem:$0x3FBA] =	sst s0  }
0x18: {  	s0 =	sld [smem:$0x3F9D];
	_ =	swait.ge [sflag:s4], $0x0  }
0x19: {  	s7 =	sld [smem:$0x3F9E]  }
0x1a: {  	s8 =	sadd.s32 $0xFFFFE003, lr  }
0x1b: {  	s9 =	sadd.s32 $0xFFFFFEF7, lr;
	s5 =	simm.s32 $0xFFFFFFFF;
	p2 =	slt.u32 s8, $0xFFFFF086  }
0x1c: {  	p1 =	slt.u32 s9, $0xF7A;
	s5 =	simm.s32 @!p2 $0x0  }
0x1d: {  	s5 =	simm.s32 @p1 $0x1;
	p0 =	seq.s32 s7, s2  }
0x1e: {  	s7 =	smul.u32 @!p0 $0xF7A, s2;
	p2 =	seq.s32 @!p0 s5, $0x0  }
0x1f: {  	s9 =	smul.u32 $0xF7A, s1;
	s8 =	simm.s32 @!p0 $0x1BF5;
	p2 =	por !p2, p0  }
0x20: {  	[sflag:s8] =	ssyncset.s32 @!p0 $0xFFFFF086;
	s6 =	sadd.s32 @!p0 s3, s7;
	s7 =	simm.s32 @!p0 $0x108  }
0x21: {  	s3 =	sadd.s32 s3, s9;
	s6 =	sadd.s32 @!p0 $0x88, s6;
	s7 =	simm.s32 @p2 $0x1082  }
0x22: {  	[simem:s7], [sflag:s8] =	dma.local @!p0 [hbm:s6], $0xF7A  }
0x23: {  	s9 =	sor.u32 $0xD0000000, s2;
	s6 =	simm.s32 $0x108;
	_ =	swait.ge @!p0 [sflag:s8], $0x0  }
0x24: {  	s3 =	sadd.s32 $0x88, s3;
	s6 =	simm.s32 @!p1 $0x1082;
	[sflag:s4] =	ssyncset.s32 $0xFFFFF086  }
0x25: {  	[simem:s6], [sflag:s4] =	dma.local [hbm:s3], $0xF7A  }
0x26: {  	[smem:$0x3F9E] =	sst s1;
	(tag) =	ssettag s2;
	_ =	strace s9  }
0x27: {  	s1 =	sld [smem:$0x3FAE]  }
0x28: {  	s2 =	sld [smem:$0x3FAF]  }
0x29: {  	s4 =	sld [smem:$0x3FB1]  }
0x2a: {  	p0 =	seq.s32 s5, $0x0;
	s5 =	sld [smem:$0x3FB2]  }
0x2b: {  	s6 =	sld [smem:$0x3FB3]  }
0x2c: {  	s7 =	sld [smem:$0x3FB4]  }
0x2d: {  	s3 =	simm.s32 $0x108;
	s8 =	sld [smem:$0x3FB5]  }
0x2e: {  	s3 =	simm.s32 @!p0 $0x1082;
	s9 =	sld [smem:$0x3FB6]  }
0x2f: {  	lr =	sadd.s32 s0, s3;
	s0 =	sld [smem:$0x3FAD]  }
0x30: {  	s3 =	sld [smem:$0x3FB0]  }
0x31: {  	[smem:$0x3FB9] =	sst s10  }
0x32: {  	s10 =	sld [smem:$0x3FB7];
	_ =	sdelay $0x3  }
0x33: {  	p0 =	seq.s32 s10, $0x1;
	s10 =	sld [smem:$0x3FB9];
	_ =	sdelay $0x3  }
0x34: {  	[smem:$0x3FB9] =	sst s10  }
0x35: {  	s10 =	sld [smem:$0x3FB8];
	_ =	sdelay $0x3  }
0x36: {  	p1 =	seq.s32 s10, $0x1;
	s10 =	sld [smem:$0x3FB9];
	_ =	sdelay $0x3  }
0x37: {  	[smem:$0x3FB9] =	sst s10  }
0x38: {  	s10 =	sld [smem:$0x3FBA]  }
0x39: {  	_ = 	snop;
	(pc) =	sbr.ind lr, $3  }
0x3a: {  	_ = 	snop  }
0x3b: {  	_ = 	snop  }
0x3c: {  	p2 =	seq.s32 s10, $0x1;
	s10 =	sld [smem:$0x3FB9]  }
0x3d: {  	_ =	shalt  }
0x3e: {  	_ =	shalt  }
0x3f: {  	_ =	shalt  }
0x40: {  	_ =	shalt  }
0x41: {  	_ =	shalt  }
0x42: {  	_ =	shalt  }
0x43: {  	_ =	shalt  }
0x44: {  	_ =	shalt  }
0x45: {  	_ =	shalt  }
0x46: {  	_ =	shalt  }
0x47: {  	_ =	shalt  }
0x48: {  	_ =	shalt  }
0x49: {  	_ =	shalt  }
0x4a: {  	_ =	shalt  }
0x4b: {  	_ =	shalt  }
0x4c: {  	_ =	shalt  }
0x4d: {  	_ =	shalt  }
0x4e: {  	_ =	shalt  }
0x4f: {  	_ =	shalt  }
0x50: {  	_ =	shalt  }
0x51: {  	_ =	shalt  }
0x52: {  	_ =	shalt  }
0x53: {  	_ =	shalt  }
0x54: {  	_ =	shalt  }
0x55: {  	_ =	shalt  }
0x56: {  	_ =	shalt  }
0x57: {  	_ =	shalt  }
0x58: {  	_ =	shalt  }
0x59: {  	_ =	shalt  }
0x5a: {  	_ =	shalt  }
0x5b: {  	_ =	shalt  }
0x5c: {  	_ =	shalt  }
0x5d: {  	_ =	shalt  }
0x5e: {  	_ =	shalt  }
0x5f: {  	_ =	shalt  }
0x60: {  	_ =	shalt  }
0x61: {  	_ =	shalt  }
0x62: {  	_ =	shalt  }
0x63: {  	_ =	shalt  }
0x64: {  	_ =	shalt  }
0x65: {  	_ =	shalt  }
0x66: {  	_ =	shalt  }
0x67: {  	_ =	shalt  }
0x68: {  	_ =	shalt  }
0x69: {  	_ =	shalt  }
0x6a: {  	_ =	shalt  }
0x6b: {  	_ =	shalt  }
0x6c: {  	_ =	shalt  }
0x6d: {  	_ =	shalt  }
0x6e: {  	_ =	shalt  }
0x6f: {  	_ =	shalt  }
0x70: {  	_ =	shalt  }
0x71: {  	_ =	shalt  }
0x72: {  	_ =	shalt  }
0x73: {  	_ =	shalt  }
0x74: {  	_ =	shalt  }
0x75: {  	_ =	shalt  }
0x76: {  	_ =	shalt  }
0x77: {  	_ =	shalt  }
0x78: {  	_ =	shalt  }
0x79: {  	_ =	shalt  }
0x7a: {  	_ =	shalt  }
0x7b: {  	_ =	shalt  }
0x7c: {  	_ =	shalt  }
0x7d: {  	_ =	shalt  }
0x7e: {  	_ =	shalt  }
0x7f: {  	_ =	shalt  }
0x80: {  	_ =	shalt  }
0x81: {  	_ =	shalt  }
0x82: {  	_ =	shalt  }
0x83: {  	_ =	shalt  }
0x84: {  	_ =	shalt  }
0x85: {  	_ =	shalt  }
0x86: {  	_ =	shalt  }
0x87: {  	_ =	shalt  }
.Lfunc_end0:
.L_simem_size_0:
called_computation.3_lowered:
.L_overlay_start_0:
0x88: {  	s2 =	sld [smem:$0x3FD9]  }
0x89: {  	s3 =	sld [smem:$0x3FFE];
	_ =	sdelay $0x1  }
0x8a: {  	s1 =	srdreg.scid  }
0x8b: {  	s0 =	sand.u32 $0x1, s1  }
0x8c: {  	s14 =	sshll.u32 s0, $0xA;
	s2 =	sadd.s32 s3, s2  }
0x8d: {  	s2 =	sadd.s32 s2, s14  }
0x8e: {  	[smem:$0x3FC5] =	sst s2  }
0x8f: {  	_ = 	snop  }
0x90: {  	s2 =	sld [smem:$0x3FD0];
	_ =	sdelay $0x2  }
0x91: {  	s15 =	simm.s32 $0xA;
	s4 =	simm.s32 $0x10  }
0x92: {  	[smem:s4], [sflag:s15] =	dma.local [hbm:s2], $0x1  }
0x93: {  	_ =	swait.eq [sflag:s15], $0x1  }
0x94: {  	s16 =	sld [smem:$0x10];
	[sflag:s15] =	ssyncset.done $0x0  }
0x95: {  	s17 =	sld [smem:$0x11];
	[sflag:s15] =	ssyncadd.s32 $0xFFFFFFFF  }
0x96: {  	s18 =	sld [smem:$0x12];
	(tm) =	ssettm $0x1  }
0x97: {  	s5 =	sld [smem:$0x3FFB];
	_ =	sdelay $0x3  }
0x98: {  	_ =	strace s5  }
0x99: {  	s5 =	sld [smem:$0x3FFC];
	_ =	sdelay $0x3  }
0x9a: {  	_ =	strace s5  }
0x9b: {  	s5 =	sld [smem:$0x3FFD];
	_ =	sdelay $0x3  }
0x9c: {  	_ =	strace s5  }
0x9d: {  	_ =	strace $0x8FFFFFFF  }
0x9e: {  	s19 =	sld [smem:$0x3FDB];
	_ =	sdelay $0x1  }
0x9f: {  	s6 =	simm.s32 $_scs_section_size  }
0xa0: {  	s7 =	simm.s32 $_size__tile_overlayer_lowered;
	s8 =	simm.s32 $_tile_overlayer_lowered  }
0xa1: {  	s22 =	simm.s32 $0x1BFF;
	s21 =	sshll.u32 s8, $0x1;
	s5 =	sadd.s32 s6, s19  }
0xa2: {  	s9 =	simm.s32 $0x0;
	s20 =	sshll.u32 s7, $0x1;
	s7 =	sadd.s32 s21, s5  }
0xa3: {  	[timem:s9], [sflag:s22] =	dma.local [hbm:s7], s20  }
0xa4: {  	_ =	swait.ge [sflag:s22], s20  }
0xa5: {  	s6 =	ssub.s32 $0x0, s20;
	[sflag:s22] =	ssyncset.done $0x0  }
0xa6: {  	[sflag:s22] =	ssyncadd.s32 s6;
	_ =	sdelay $0x1  }
0xa7: {  	s23 =	simm.s32 $0x1B8B  }
0xa8: {  	_ =	swait.ge [sflag:s23], $0x1  }
0xa9: {  	[sflag:s23] =	ssyncset.done $0x0  }
0xaa: {  	s25 =	simm.s32 $0x1B8E;
	s24 =	sld [smem:$0x3FFE];
	[sflag:s23] =	ssyncadd.s32 $0xFFFFFFFF  }
0xab: {  	s26 =	simm.s32 $execute0_lowered;
	[smem:$0x3FD2] =	sst s25  }
0xac: {  	s7 =	sshll.u32 s26, $0x1;
	_ =	strace $0x8000004F;
	[dreg:$0x1] =	wrdreg $0xFFFFFFFF  }
0xad: {  	s28 =	simm.s32 $_size_execute0_lowered;
	s5 =	sadd.s32 s5, s7;
	[dreg:$0x0] =	wrdreg $0x0  }
0xae: {  	s7 =	sshll.u32 s28, $0x1;
	[dreg:$0x2] =	wrdreg s5  }
0xaf: {  	[dreg:$0x3] =	wrdreg s7  }
0xb0: {  	[dreg:$0x4] =	wrdreg $0xC0  }
0xb1: {  	_ =	task [dreg:s9], $0x5FFFF  }
0xb2: {  	[dreg:$0x1] =	wrdreg $0xFFFFFFFF  }
0xb3: {  	[dreg:$0x0] =	wrdreg $0x60  }
0xb4: {  	[dreg:$0x2] =	wrdreg s24  }
0xb5: {  	[dreg:$0x3] =	wrdreg s18  }
0xb6: {  	[dreg:$0x4] =	wrdreg s17  }
0xb7: {  	[dreg:$0x5] =	wrdreg s16  }
0xb8: {  	[dreg:$0x6] =	wrdreg $0x0  }
0xb9: {  	[dreg:$0x7] =	wrdreg $0x9  }
0xba: {  	_ =	task.clear_ibuf [dreg:s9], $0x8FFFF;
	_ =	strace $0x9000004F  }
0xbb: {  	s29 =	simm.s32 $0x9;
	_ =	strace $0x80000051  }
0xbc: {  	_ =	swait.ge [sflag:s29], $0x1  }
0xbd: {  	[sflag:s29] =	ssyncadd.s32 $0xFFFFFFFF  }
0xbe: {  	_ =	strace $0x90000051  }
0xbf: {  	_ =	sfence  }
0xc0: {  	s30 =	sld [smem:$0x0];
	_ =	sdelay $0x2  }
0xc1: {  	s31 =	sshll.u32 s1, $0xD;
	s1 =	sshrl.u32 s1, $0x2  }
0xc2: {  	s3 =	sand.u32 $0x4000, s31;
	s1 =	sadd.s32 s1, s30  }
0xc3: {  	s0 =	sor.u32 s3, s0;
	s1 =	sshll.u32 s1, $0x11  }
0xc4: {  	s0 =	sor.u32 s1, s0  }
0xc5: {  	s0 =	sadd.s32 $0x8F2B, s0  }
0xc6: {  	[sflag:s0] =	ssyncadd.remote.s32 $0x1  }
0xc7: {  	_ =	sfence.sel $0xFFFF  }
0xc8: {  	[dreg:$0x0] =	wrdreg $0xFFFFFFFF;
	(pc) =	sbr.abs _section_cstart, $3  }
0xc9: {  	[dreg:$0x1] =	wrdreg $0xFFFFFFFF  }
0xca: {  	_ =	task.clear_ibuf [dreg:s9], $0x2FFFF;
	_ =	strace $0x9FFFFFFF  }
0xcb: {  	(tm) =	ssettm $0x7FFFFFFF  }
tec
execute0_lowered:
.L_overlay_start_1:
0x0: {  	(tag) =	ssettag $0x1  }
0x1: {  	s0 =	rddreg [dreg:$0x0]  }
0x2: {  	s1 =	rddreg [dreg:$0x1]  }
0x3: {  	s4 =	rddreg [dreg:$0x2]  }
0x4: {  	s7 =	rddreg [dreg:$0x3]  }
0x5: {  	s2 =	rddreg [dreg:$0x4];
	s3 =	simm.s32 $0x0;
	s5 =	srdreg.scid  }
0x6: {  	s13 =	stileid.u32;
	s28 =	simm.s32 $0xD;
	s30 =	simm.s32 $0x50  }
0x7: {  	s31 =	simm.s32 $0x13E80;
	s29 =	simm.s32 $0x13B00;
	s21 =	smul.u32 $0x13800, s13  }
0x8: {  	s8 =	sand.u32 $0x1, s5;
	s6 =	sshll.u32 s13, $0x1;
	s25 =	smul.u32 $0x4E20, s13  }
0x9: {  	[smem:$0x7FF] =	sst s3;
	s9 =	smul.u32 $0x138800, s8;
	s6 =	sor.u32 s8, s6  }
0xa: {  	_ =	strace $0x80000050;
	s10 =	ssub.s32 $0x2, s8;
	s8 =	smul.u32 $0x2710, s8  }
0xb: {  	s11 =	smul.u32 $0x2710, s6;
	s22 =	sshrl.u32 s10, $0x1;
	s12 =	sshrl.u32 s21, $0x3  }
0xc: {  	s6 =	sadd.s32 s21, s9;
	s5 =	ssub.s32 s10, s22;
	s7 =	sadd.s32 s7, s12  }
0xd: {  	s8 =	sadd.s32 s8, s25;
	[dreg:$0x12] =	wrdreg s7;
	s7 =	sshrl.u32 s11, $0x3  }
0xe: {  	s20 =	sadd.s32 $0x410, s8;
	s12 =	sadd.s32 $0x370, s8;
	s23 =	sadd.s32 s1, s7  }
0xf: {  	s24 =	sadd.s32 s4, s7;
	s26 =	sadd.s32 $0xA, s7;
	[dreg:$0x13] =	wrdreg s23  }
0x10: {  	s6 =	sshrl.u32 s6, $0x3;
	[dreg:$0x14] =	wrdreg s24;
	s14 =	sadd.s32 s1, s26  }
0x11: {  	s11 =	sadd.s32 $0x14, s7;
	s10 =	sadd.s32 s4, s26;
	[dreg:$0x15] =	wrdreg s14  }
0x12: {  	s17 =	sadd.s32 $0x1E, s7;
	s15 =	sadd.s32 s1, s11;
	[dreg:$0x16] =	wrdreg s10  }
0x13: {  	s19 =	sadd.s32 $0x28, s7;
	s16 =	sadd.s32 s4, s11;
	[dreg:$0x17] =	wrdreg s15  }
0x14: {  	s22 =	sshrl.u32 s20, $0x3;
	s18 =	sadd.s32 s1, s17;
	[dreg:$0x18] =	wrdreg s16  }
0x15: {  	s20 =	sadd.s32 $0x32, s7;
	s21 =	sadd.s32 s1, s19;
	[dreg:$0x19] =	wrdreg s18  }
0x16: {  	s6 =	sadd.s32 s6, s0;
	s9 =	sadd.s32 s4, s19;
	[dreg:$0x1b] =	wrdreg s21  }
0x17: {  	s23 =	sadd.s32 s22, s4;
	s24 =	sadd.s32 $0x3C0, s8;
	[dreg:$0x1c] =	wrdreg s9  }
0x18: {  	s25 =	sadd.s32 s22, s1;
	s22 =	sadd.s32 s1, s20;
	[dreg:$0x6] =	wrdreg s23  }
0x19: {  	s10 =	sadd.s32 s4, s17;
	s26 =	sshrl.u32 s24, $0x3;
	[dreg:$0x7] =	wrdreg s25  }
0x1a: {  	s15 =	sshrl.u32 s12, $0x3;
	s17 =	sadd.s32 $0x320, s8;
	[dreg:$0x1d] =	wrdreg s22  }
0x1b: {  	s23 =	sadd.s32 $0x2D0, s8;
	s8 =	sadd.s32 $0x280, s8;
	s25 =	sadd.s32 $0x3C, s7  }
0x1c: {  	s7 =	sadd.s32 $0x46, s7;
	[dreg:$0x1a] =	wrdreg s10;
	s11 =	sadd.s32 s26, s4  }
0x1d: {  	s22 =	simm.s32 $0xB;
	s14 =	sadd.s32 s26, s1;
	[dreg:$0x8] =	wrdreg s11  }
0x1e: {  	s16 =	sadd.s32 s15, s4;
	s18 =	sadd.s32 s15, s1;
	[dreg:$0x9] =	wrdreg s14  }
0x1f: {  	s19 =	sshrl.u32 s17, $0x3;
	s9 =	sshrl.u32 s23, $0x3;
	[dreg:$0xa] =	wrdreg s16  }
0x20: {  	s8 =	sshrl.u32 s8, $0x3;
	s12 =	sadd.s32 s4, s25;
	[dreg:$0xb] =	wrdreg s18  }
0x21: {  	s17 =	sadd.s32 $0x28E00, s6;
	s23 =	simm.s32 $0x6;
	[smem:$0x7F6] =	sst s12  }
0x22: {  	s21 =	sadd.s32 s19, s4;
	s11 =	sadd.s32 s4, s20;
	[smem:$0x7FA] =	sst s17  }
0x23: {  	s10 =	sadd.s32 s19, s1;
	s24 =	sadd.s32 s9, s4;
	[dreg:$0xc] =	wrdreg s21  }
0x24: {  	s9 =	sadd.s32 s9, s1;
	s26 =	sadd.s32 s8, s4;
	[dreg:$0x1e] =	wrdreg s11  }
0x25: {  	s4 =	sadd.s32 s4, s7;
	s14 =	smul.u32 $0x4E000, s13;
	[dreg:$0xd] =	wrdreg s10  }
0x26: {  	s7 =	sadd.s32 s1, s7;
	s16 =	sshll.u32 s13, $0x6;
	[dreg:$0xe] =	wrdreg s24  }
0x27: {  	s18 =	smax.u32 s5, $0x1;
	s5 =	simm.s32 $0x13B80;
	[dreg:$0xf] =	wrdreg s9  }
0x28: {  	s13 =	simm.s32 $0x13D00;
	s12 =	simm.s32 $0x18E80;
	[dreg:$0x10] =	wrdreg s26  }
0x29: {  	s20 =	simm.s32 $0x13A80;
	s19 =	simm.s32 $0x0;
	[smem:$0x7F7] =	sst s4  }
0x2a: {  	s11 =	sadd.s32 s1, s25;
	[smem:$0x7F8] =	sst s7;
	s1 =	sadd.s32 s8, s1  }
0x2b: {  	s21 =	sadd.s32 $0x1C00, s0;
	[smem:$0x7FB] =	sst s18;
	s4 =	simm.s32 $0x13880  }
0x2c: {  	s9 =	simm.s32 $0x13900;
	s10 =	simm.s32 $0x13980;
	s8 =	simm.s32 $0x1  }
0x2d: {  	s24 =	simm.s32 $0x5;
	s25 =	simm.s32 $0xC;
	[smem:$0x7FC] =	sst s19  }
0x2e: {  	s26 =	simm.s32 $0x7;
	[dreg:$0x1f] =	wrdreg s11;
	s15 =	sshrl.u32 s14, $0x2  }
0x2f: {  	[dreg:$0x11] =	wrdreg s1;
	s1 =	sor.u32 $0x1C0D, s16;
	s14 =	simm.s32 $0x13C80  }
0x30: {  	s11 =	simm.s32 $0x9;
	s0 =	sadd.s32 s15, s2;
	[smem:$0x7FD] =	sst s1  }
0x31: {  	s16 =	simm.s32 $0xA;
	s15 =	simm.s32 $0x13A00;
	[smem:$0x7F9] =	sst s0  }
.LBB2_1:
0x32: {  	s0 =	sld [smem:$0x7F9];
	_ =	sdelay $0x2  }
0x33: {  	s17 =	rddreg [dreg:$0x12];
	s19 =	sshrl.u32 s0, $0x3  }
0x34: {  	[smem:$0x7F5] =	sst s19  }
0x35: {  	[spmem:s19], [sflag:s1] =	dma.local [hbm:s17], $0x2800  }
0x36: {  	_ =	swait.ge [sflag:s28], $0x2800  }
0x37: {  	[sflag:s28] =	ssyncset.done $0x0  }
0x38: {  	[sflag:s28] =	ssyncadd.s32 $0xFFFFD800  }
0x39: {  	[bflag:$0x0] =	sbarrier.arrive $0xFFFF  }
0x3a: {  	s18 =	rddreg [dreg:$0x13]  }
0x3b: {  	[tilespmem:s4], [sflag:$0xD] =	stream.linear.gather [hbm4b:s18+s3], $0x50, $0x38;
	[tilespmem:$0x1B680] =	vst v63  }
0x3c: {  	_ =	swait.ge [sflag:s28], $0x50  }
0x3d: {  	[sflag:s28] =	ssyncset.done $0x0  }
0x3e: {  	s19 =	rddreg [dreg:$0x14];
	[sflag:s28] =	ssyncadd.s32 $0xFFFFFFB0  }
0x3f: {  	[tilespmem:s5], [sflag:$0xD] =	stream.linear.gather [hbm4b:s19+s3], $0x50, $0x38;
	[tilespmem:$0x1B680] =	vst v63  }
0x40: {  	_ =	swait.ge [sflag:s28], $0x50  }
0x41: {  	[sflag:s28] =	ssyncset.done $0x0  }
0x42: {  	[sflag:s28] =	ssyncadd.s32 $0xFFFFFFB0  }
0x43: {  	[tilespmem:s31], [sflag:$0x1] =	stream.indirect.gather [hbm4b:s21+s30], $0x80, s4, s30, $0xb8;
	[tilespmem:$0x1B680] =	vst v63  }
0x44: {  	s1 =	rddreg [dreg:$0x15]  }
0x45: {  	[tilespmem:s9], [sflag:$0x8] =	stream.linear.gather [hbm4b:s1+s3], $0x50, $0x38;
	[tilespmem:$0x1B680] =	vst v63  }
0x46: {  	s6 =	simm.s32 $0x13C00;
	s2 =	rddreg [dreg:$0x16]  }
0x47: {  	[tilespmem:s6], [sflag:$0x8] =	stream.linear.gather [hbm4b:s2+s3], $0x50, $0x38;
	[tilespmem:$0x1B680] =	vst v63  }
0x48: {  	s7 =	rddreg [dreg:$0x17]  }
0x49: {  	[tilespmem:s10], [sflag:$0x9] =	stream.linear.gather [hbm4b:s7+s3], $0x50, $0x38;
	[tilespmem:$0x1B680] =	vst v63  }
0x4a: {  	s17 =	rddreg [dreg:$0x18];
	s6 =	simm.s32 $0x8  }
0x4b: {  	[tilespmem:s14], [sflag:$0x9] =	stream.linear.gather [hbm4b:s17+s3], $0x50, $0x38;
	[tilespmem:$0x1B680] =	vst v63  }
0x4c: {  	_ =	swait.ge [sflag:s6], $0x50  }
0x4d: {  	[sflag:s6] =	ssyncset.done $0x0  }
0x4e: {  	[sflag:s6] =	ssyncadd.s32 $0xFFFFFFB0  }
0x4f: {  	_ =	swait.ge [sflag:s6], $0x50  }
0x50: {  	[sflag:s6] =	ssyncset.done $0x0  }
0x51: {  	s7 =	simm.s32 $0x16680;
	[sflag:s6] =	ssyncadd.s32 $0xFFFFFFB0  }
0x52: {  	[tilespmem:s7], [sflag:$0x2] =	stream.indirect.gather [hbm4b:s21+s30], $0x80, s9, s30, $0xb8;
	[tilespmem:$0x1B680] =	vst v63  }
0x53: {  	_ =	swait.ge [sflag:s8], $0x2800  }
0x54: {  	[sflag:s8] =	ssyncset.done $0x0  }
0x55: {  	[sflag:s8] =	ssyncadd.s32 $0xFFFFD800  }
0x56: {  	s2 =	rddreg [dreg:$0x4]  }
0x57: {  	[spmem:s2] =	stream.indirect.scatter.add.f32 [tilespmem:s31], [sflag:$0x4], $0x80, s5, s30, $0xb8;
	[tilespmem:$0x1B680] =	vst v63  }
0x58: {  	s18 =	rddreg [dreg:$0x19]  }
0x59: {  	[tilespmem:s15], [sflag:$0xA] =	stream.linear.gather [hbm4b:s18+s3], $0x50, $0x38;
	[tilespmem:$0x1B680] =	vst v63  }
0x5a: {  	s19 =	rddreg [dreg:$0x1a]  }
0x5b: {  	[tilespmem:s13], [sflag:$0xA] =	stream.linear.gather [hbm4b:s19+s3], $0x50, $0x38;
	[tilespmem:$0x1B680] =	vst v63  }
0x5c: {  	_ =	swait.ge [sflag:s11], $0x50  }
0x5d: {  	[sflag:s11] =	ssyncset.done $0x0  }
0x5e: {  	[sflag:s11] =	ssyncadd.s32 $0xFFFFFFB0  }
0x5f: {  	_ =	swait.ge [sflag:s11], $0x50  }
0x60: {  	[sflag:s11] =	ssyncset.done $0x0  }
0x61: {  	s13 =	simm.s32 $0x2;
	[sflag:s11] =	ssyncadd.s32 $0xFFFFFFB0  }
0x62: {  	[tilespmem:s12], [sflag:$0x3] =	stream.indirect.gather [hbm4b:s21+s30], $0x80, s10, s30, $0xb8;
	[tilespmem:$0x1B680] =	vst v63  }
0x63: {  	_ =	swait.ge [sflag:s13], $0x2800  }
0x64: {  	[sflag:s13] =	ssyncset.done $0x0  }
0x65: {  	s1 =	simm.s32 $0x13C00;
	[sflag:s13] =	ssyncadd.s32 $0xFFFFD800  }
0x66: {  	[spmem:s2] =	stream.indirect.scatter.add.f32 [tilespmem:s7], [sflag:$0x5], $0x80, s1, s30, $0xb8;
	[tilespmem:$0x1B680] =	vst v63  }
0x67: {  	s17 =	rddreg [dreg:$0x1b]  }
0x68: {  	[tilespmem:s20], [sflag:$0xB] =	stream.linear.gather [hbm4b:s17+s3], $0x50, $0x38;
	[tilespmem:$0x1B680] =	vst v63  }
0x69: {  	s18 =	rddreg [dreg:$0x1c];
	s1 =	simm.s32 $0x13D80  }
0x6a: {  	[tilespmem:s1], [sflag:$0xB] =	stream.linear.gather [hbm4b:s18+s3], $0x50, $0x38;
	[tilespmem:$0x1B680] =	vst v63  }
0x6b: {  	_ =	swait.ge [sflag:s16], $0x50  }
0x6c: {  	[sflag:s16] =	ssyncset.done $0x0  }
0x6d: {  	[sflag:s16] =	ssyncadd.s32 $0xFFFFFFB0  }
0x6e: {  	_ =	swait.ge [sflag:s16], $0x50  }
0x6f: {  	[sflag:s16] =	ssyncset.done $0x0  }
0x70: {  	s17 =	simm.s32 $0x4;
	[sflag:s16] =	ssyncadd.s32 $0xFFFFFFB0  }
0x71: {  	_ =	swait.ge [sflag:s17], $0x2800  }
0x72: {  	[sflag:s17] =	ssyncset.done $0x0  }
0x73: {  	s18 =	simm.s32 $0x3;
	[sflag:s17] =	ssyncadd.s32 $0xFFFFD800  }
0x74: {  	[tilespmem:s31], [sflag:$0x1] =	stream.indirect.gather [hbm4b:s21+s30], $0x80, s15, s30, $0xb8;
	[tilespmem:$0x1B680] =	vst v63  }
0x75: {  	_ =	swait.ge [sflag:s18], $0x2800  }
0x76: {  	[sflag:s18] =	ssyncset.done $0x0  }
0x77: {  	[sflag:s18] =	ssyncadd.s32 $0xFFFFD800  }
0x78: {  	[spmem:s2] =	stream.indirect.scatter.add.f32 [tilespmem:s12], [sflag:$0x6], $0x80, s14, s30, $0xb8;
	[tilespmem:$0x1B680] =	vst v63  }
0x79: {  	s19 =	rddreg [dreg:$0x1d]  }
0x7a: {  	[tilespmem:s29], [sflag:$0xC] =	stream.linear.gather [hbm4b:s19+s3], $0x50, $0x38;
	[tilespmem:$0x1B680] =	vst v63  }
0x7b: {  	s0 =	rddreg [dreg:$0x1e];
	s19 =	simm.s32 $0x13E00  }
0x7c: {  	[tilespmem:s19], [sflag:$0xC] =	stream.linear.gather [hbm4b:s0+s3], $0x50, $0x38;
	[tilespmem:$0x1B680] =	vst v63  }
0x7d: {  	_ =	swait.ge [sflag:s22], $0x50  }
0x7e: {  	[sflag:s22] =	ssyncset.done $0x0  }
0x7f: {  	[sflag:s22] =	ssyncadd.s32 $0xFFFFFFB0  }
0x80: {  	_ =	swait.ge [sflag:s22], $0x50  }
0x81: {  	[sflag:s22] =	ssyncset.done $0x0  }
0x82: {  	[sflag:s22] =	ssyncadd.s32 $0xFFFFFFB0  }
0x83: {  	_ =	swait.ge [sflag:s24], $0x2800  }
0x84: {  	[sflag:s24] =	ssyncset.done $0x0  }
0x85: {  	[sflag:s24] =	ssyncadd.s32 $0xFFFFD800  }
0x86: {  	[tilespmem:s7], [sflag:$0x2] =	stream.indirect.gather [hbm4b:s21+s30], $0x80, s20, s30, $0xb8;
	[tilespmem:$0x1B680] =	vst v63  }
0x87: {  	_ =	swait.ge [sflag:s8], $0x2800  }
0x88: {  	[sflag:s8] =	ssyncset.done $0x0  }
0x89: {  	s28 =	simm.s32 $0x13D00;
	[sflag:s8] =	ssyncadd.s32 $0xFFFFD800  }
0x8a: {  	[spmem:s2] =	stream.indirect.scatter.add.f32 [tilespmem:s31], [sflag:$0x4], $0x80, s28, s30, $0xb8;
	[tilespmem:$0x1B680] =	vst v63  }
0x8b: {  	s0 =	rddreg [dreg:$0x1f]  }
0x8c: {  	[tilespmem:s4], [sflag:$0x7] =	stream.linear.gather [hbm4b:s0+s3], $0x50, $0x38;
	[tilespmem:$0x1B680] =	vst v63  }
0x8d: {  	s4 =	sld [smem:$0x7F6];
	_ =	sdelay $0x2  }
0x8e: {  	[tilespmem:s5], [sflag:$0x7] =	stream.linear.gather [hbm4b:s4+s3], $0x50, $0x38;
	[tilespmem:$0x1B680] =	vst v63  }
0x8f: {  	s4 =	sld [smem:$0x7F8];
	_ =	sdelay $0x1  }
0x90: {  	s5 =	sld [smem:$0x7F7]  }
0x91: {  	[tilespmem:s9], [sflag:$0x8] =	stream.linear.gather [hbm4b:s4+s3], $0x50, $0x38;
	[tilespmem:$0x1B680] =	vst v63  }
0x92: {  	s9 =	simm.s32 $0x13C00  }
0x93: {  	[tilespmem:s9], [sflag:$0x8] =	stream.linear.gather [hbm4b:s5+s3], $0x50, $0x38;
	[tilespmem:$0x1B680] =	vst v63  }
0x94: {  	_ =	swait.ge [sflag:s25], $0x50  }
0x95: {  	[sflag:s25] =	ssyncset.done $0x0  }
0x96: {  	[sflag:s25] =	ssyncadd.s32 $0xFFFFFFB0  }
0x97: {  	_ =	swait.ge [sflag:s25], $0x50  }
0x98: {  	[sflag:s25] =	ssyncset.done $0x0  }
0x99: {  	[sflag:s25] =	ssyncadd.s32 $0xFFFFFFB0  }
0x9a: {  	_ =	swait.ge [sflag:s23], $0x2800  }
0x9b: {  	[sflag:s23] =	ssyncset.done $0x0  }
0x9c: {  	[sflag:s23] =	ssyncadd.s32 $0xFFFFD800  }
0x9d: {  	[tilespmem:s12], [sflag:$0x3] =	stream.indirect.gather [hbm4b:s21+s30], $0x80, s29, s30, $0xb8;
	[tilespmem:$0x1B680] =	vst v63  }
0x9e: {  	_ =	swait.ge [sflag:s13], $0x2800  }
0x9f: {  	[sflag:s13] =	ssyncset.done $0x0  }
0xa0: {  	s28 =	rddreg [dreg:$0x11];
	[sflag:s13] =	ssyncadd.s32 $0xFFFFD800  }
0xa1: {  	[spmem:s2] =	stream.indirect.scatter.add.f32 [tilespmem:s7], [sflag:$0x5], $0x80, s1, s30, $0xb8;
	[tilespmem:$0x1B680] =	vst v63  }
0xa2: {  	s29 =	rddreg [dreg:$0x10];
	s28 =	sadd.s32 $0x0, s28  }
0xa3: {  	[tilespmem:s10], [sflag:$0x9] =	stream.linear.gather [hbm4b:s28+s3], $0x50, $0x38;
	[tilespmem:$0x1B680] =	vst v63  }
0xa4: {  	s28 =	sadd.s32 $0x0, s29  }
0xa5: {  	[tilespmem:s14], [sflag:$0x9] =	stream.linear.gather [hbm4b:s28+s3], $0x50, $0x38;
	[tilespmem:$0x1B680] =	vst v63  }
0xa6: {  	_ =	swait.ge [sflag:s26], $0x50  }
0xa7: {  	[sflag:s26] =	ssyncset.done $0x0  }
0xa8: {  	[sflag:s26] =	ssyncadd.s32 $0xFFFFFFB0  }
0xa9: {  	_ =	swait.ge [sflag:s26], $0x50  }
0xaa: {  	[sflag:s26] =	ssyncset.done $0x0  }
0xab: {  	[sflag:s26] =	ssyncadd.s32 $0xFFFFFFB0  }
0xac: {  	_ =	swait.ge [sflag:s17], $0x2800  }
0xad: {  	[sflag:s17] =	ssyncset.done $0x0  }
0xae: {  	s0 =	simm.s32 $0x13880;
	[sflag:s17] =	ssyncadd.s32 $0xFFFFD800  }
0xaf: {  	[tilespmem:s31], [sflag:$0x1] =	stream.indirect.gather [hbm4b:s21+s30], $0x80, s0, s30, $0xb8;
	[tilespmem:$0x1B680] =	vst v63  }
0xb0: {  	_ =	swait.ge [sflag:s18], $0x2800  }
0xb1: {  	[sflag:s18] =	ssyncset.done $0x0  }
0xb2: {  	s19 =	simm.s32 $0x13E00;
	s28 =	rddreg [dreg:$0xf];
	[sflag:s18] =	ssyncadd.s32 $0xFFFFD800  }
0xb3: {  	[spmem:s2] =	stream.indirect.scatter.add.f32 [tilespmem:s12], [sflag:$0x6], $0x80, s19, s30, $0xb8;
	[tilespmem:$0x1B680] =	vst v63  }
0xb4: {  	s29 =	rddreg [dreg:$0xe];
	s28 =	sadd.s32 $0x0, s28  }
0xb5: {  	[tilespmem:s15], [sflag:$0xA] =	stream.linear.gather [hbm4b:s28+s3], $0x50, $0x38;
	[tilespmem:$0x1B680] =	vst v63  }
0xb6: {  	s18 =	simm.s32 $0x13D00;
	s28 =	sadd.s32 $0x0, s29  }
0xb7: {  	[tilespmem:s18], [sflag:$0xA] =	stream.linear.gather [hbm4b:s28+s3], $0x50, $0x38;
	[tilespmem:$0x1B680] =	vst v63  }
0xb8: {  	_ =	swait.ge [sflag:s6], $0x50  }
0xb9: {  	[sflag:s6] =	ssyncset.done $0x0  }
0xba: {  	[sflag:s6] =	ssyncadd.s32 $0xFFFFFFB0  }
0xbb: {  	_ =	swait.ge [sflag:s6], $0x50  }
0xbc: {  	[sflag:s6] =	ssyncset.done $0x0  }
0xbd: {  	[sflag:s6] =	ssyncadd.s32 $0xFFFFFFB0  }
0xbe: {  	_ =	swait.ge [sflag:s24], $0x2800  }
0xbf: {  	[sflag:s24] =	ssyncset.done $0x0  }
0xc0: {  	s5 =	simm.s32 $0x13900;
	[sflag:s24] =	ssyncadd.s32 $0xFFFFD800  }
0xc1: {  	[tilespmem:s7], [sflag:$0x2] =	stream.indirect.gather [hbm4b:s21+s30], $0x80, s5, s30, $0xb8;
	[tilespmem:$0x1B680] =	vst v63  }
0xc2: {  	_ =	swait.ge [sflag:s8], $0x2800  }
0xc3: {  	[sflag:s8] =	ssyncset.done $0x0  }
0xc4: {  	s4 =	simm.s32 $0x13B80;
	s28 =	rddreg [dreg:$0xd];
	[sflag:s8] =	ssyncadd.s32 $0xFFFFD800  }
0xc5: {  	[spmem:s2] =	stream.indirect.scatter.add.f32 [tilespmem:s31], [sflag:$0x4], $0x80, s4, s30, $0xb8;
	[tilespmem:$0x1B680] =	vst v63  }
0xc6: {  	s29 =	rddreg [dreg:$0xc];
	s28 =	sadd.s32 $0x0, s28  }
0xc7: {  	[tilespmem:s20], [sflag:$0xB] =	stream.linear.gather [hbm4b:s28+s3], $0x50, $0x38;
	[tilespmem:$0x1B680] =	vst v63  }
0xc8: {  	s28 =	sadd.s32 $0x0, s29  }
0xc9: {  	[tilespmem:s1], [sflag:$0xB] =	stream.linear.gather [hbm4b:s28+s3], $0x50, $0x38;
	[tilespmem:$0x1B680] =	vst v63  }
0xca: {  	_ =	swait.ge [sflag:s11], $0x50  }
0xcb: {  	[sflag:s11] =	ssyncset.done $0x0  }
0xcc: {  	[sflag:s11] =	ssyncadd.s32 $0xFFFFFFB0  }
0xcd: {  	_ =	swait.ge [sflag:s11], $0x50  }
0xce: {  	[sflag:s11] =	ssyncset.done $0x0  }
0xcf: {  	[sflag:s11] =	ssyncadd.s32 $0xFFFFFFB0  }
0xd0: {  	_ =	swait.ge [sflag:s23], $0x2800  }
0xd1: {  	[sflag:s23] =	ssyncset.done $0x0  }
0xd2: {  	[sflag:s23] =	ssyncadd.s32 $0xFFFFD800  }
0xd3: {  	[tilespmem:s12], [sflag:$0x3] =	stream.indirect.gather [hbm4b:s21+s30], $0x80, s10, s30, $0xb8;
	[tilespmem:$0x1B680] =	vst v63  }
0xd4: {  	_ =	swait.ge [sflag:s13], $0x2800  }
0xd5: {  	[sflag:s13] =	ssyncset.done $0x0  }
0xd6: {  	s28 =	rddreg [dreg:$0xb];
	[sflag:s13] =	ssyncadd.s32 $0xFFFFD800;
	s13 =	simm.s32 $0x13C00  }
0xd7: {  	[spmem:s2] =	stream.indirect.scatter.add.f32 [tilespmem:s7], [sflag:$0x5], $0x80, s13, s30, $0xb8;
	[tilespmem:$0x1B680] =	vst v63  }
0xd8: {  	s9 =	simm.s32 $0x13B00;
	s29 =	rddreg [dreg:$0xa];
	s28 =	sadd.s32 $0x0, s28  }
0xd9: {  	[tilespmem:s9], [sflag:$0xC] =	stream.linear.gather [hbm4b:s28+s3], $0x50, $0x38;
	[tilespmem:$0x1B680] =	vst v63  }
0xda: {  	s28 =	sadd.s32 $0x0, s29  }
0xdb: {  	[tilespmem:s19], [sflag:$0xC] =	stream.linear.gather [hbm4b:s28+s3], $0x50, $0x38;
	[tilespmem:$0x1B680] =	vst v63  }
0xdc: {  	_ =	swait.ge [sflag:s16], $0x50  }
0xdd: {  	[sflag:s16] =	ssyncset.done $0x0  }
0xde: {  	[sflag:s16] =	ssyncadd.s32 $0xFFFFFFB0  }
0xdf: {  	_ =	swait.ge [sflag:s16], $0x50  }
0xe0: {  	[sflag:s16] =	ssyncset.done $0x0  }
0xe1: {  	[sflag:s16] =	ssyncadd.s32 $0xFFFFFFB0  }
0xe2: {  	_ =	swait.ge [sflag:s17], $0x2800  }
0xe3: {  	[sflag:s17] =	ssyncset.done $0x0  }
0xe4: {  	s11 =	simm.s32 $0x3;
	[sflag:s17] =	ssyncadd.s32 $0xFFFFD800  }
0xe5: {  	[tilespmem:s31], [sflag:$0x1] =	stream.indirect.gather [hbm4b:s21+s30], $0x80, s15, s30, $0xb8;
	[tilespmem:$0x1B680] =	vst v63  }
0xe6: {  	_ =	swait.ge [sflag:s11], $0x2800  }
0xe7: {  	[sflag:s11] =	ssyncset.done $0x0  }
0xe8: {  	s28 =	rddreg [dreg:$0x9];
	[sflag:s11] =	ssyncadd.s32 $0xFFFFD800  }
0xe9: {  	[spmem:s2] =	stream.indirect.scatter.add.f32 [tilespmem:s12], [sflag:$0x6], $0x80, s14, s30, $0xb8;
	[tilespmem:$0x1B680] =	vst v63  }
0xea: {  	s29 =	rddreg [dreg:$0x8];
	s28 =	sadd.s32 $0x0, s28  }
0xeb: {  	[tilespmem:s0], [sflag:$0x7] =	stream.linear.gather [hbm4b:s28+s3], $0x50, $0x38;
	[tilespmem:$0x1B680] =	vst v63  }
0xec: {  	s28 =	sadd.s32 $0x0, s29  }
0xed: {  	[tilespmem:s4], [sflag:$0x7] =	stream.linear.gather [hbm4b:s28+s3], $0x50, $0x38;
	[tilespmem:$0x1B680] =	vst v63  }
0xee: {  	_ =	swait.ge [sflag:s22], $0x50  }
0xef: {  	[sflag:s22] =	ssyncset.done $0x0  }
0xf0: {  	[sflag:s22] =	ssyncadd.s32 $0xFFFFFFB0  }
0xf1: {  	_ =	swait.ge [sflag:s22], $0x50  }
0xf2: {  	[sflag:s22] =	ssyncset.done $0x0  }
0xf3: {  	[sflag:s22] =	ssyncadd.s32 $0xFFFFFFB0  }
0xf4: {  	_ =	swait.ge [sflag:s24], $0x2800  }
0xf5: {  	[sflag:s24] =	ssyncset.done $0x0  }
0xf6: {  	[sflag:s24] =	ssyncadd.s32 $0xFFFFD800  }
0xf7: {  	[tilespmem:s7], [sflag:$0x2] =	stream.indirect.gather [hbm4b:s21+s30], $0x80, s20, s30, $0xb8;
	[tilespmem:$0x1B680] =	vst v63  }
0xf8: {  	_ =	swait.ge [sflag:s8], $0x2800  }
0xf9: {  	[sflag:s8] =	ssyncset.done $0x0  }
0xfa: {  	s28 =	rddreg [dreg:$0x7];
	[sflag:s8] =	ssyncadd.s32 $0xFFFFD800  }
0xfb: {  	[spmem:s2] =	stream.indirect.scatter.add.f32 [tilespmem:s31], [sflag:$0x4], $0x80, s18, s30, $0xb8;
	[tilespmem:$0x1B680] =	vst v63  }
0xfc: {  	s29 =	rddreg [dreg:$0x6];
	s28 =	sadd.s32 $0x0, s28  }
0xfd: {  	[tilespmem:s5], [sflag:$0x8] =	stream.linear.gather [hbm4b:s28+s3], $0x50, $0x38;
	[tilespmem:$0x1B680] =	vst v63  }
0xfe: {  	s13 =	simm.s32 $0x9;
	s29 =	sadd.s32 $0x0, s29;
	s28 =	simm.s32 $0x3C  }
.LBB2_2:
0xff: {  	s10 =	simm.s32 $0x13C00  }
0x100: {  	[tilespmem:s10], [sflag:$0x8] =	stream.linear.gather [hbm4b:s29+s3], $0x50, $0x38;
	[tilespmem:$0x1B680] =	vst v63  }
0x101: {  	_ =	swait.ge [sflag:s25], $0x50  }
0x102: {  	[sflag:s25] =	ssyncset.done $0x0  }
0x103: {  	[sflag:s25] =	ssyncadd.s32 $0xFFFFFFB0  }
0x104: {  	_ =	swait.ge [sflag:s25], $0x50  }
0x105: {  	[sflag:s25] =	ssyncset.done $0x0  }
0x106: {  	[sflag:s25] =	ssyncadd.s32 $0xFFFFFFB0  }
0x107: {  	_ =	swait.ge [sflag:s23], $0x2800  }
0x108: {  	[sflag:s23] =	ssyncset.done $0x0  }
0x109: {  	s20 =	simm.s32 $0x13B00;
	s16 =	simm.s32 $0x2;
	[sflag:s23] =	ssyncadd.s32 $0xFFFFD800  }
0x10a: {  	[tilespmem:s12], [sflag:$0x3] =	stream.indirect.gather [hbm4b:s21+s30], $0x80, s20, s30, $0xb8;
	[tilespmem:$0x1B680] =	vst v63  }
0x10b: {  	_ =	swait.ge [sflag:s16], $0x2800  }
0x10c: {  	[sflag:s16] =	ssyncset.done $0x0  }
0x10d: {  	s14 =	simm.s32 $0x13D80;
	s0 =	rddreg [dreg:$0x11];
	[sflag:s16] =	ssyncadd.s32 $0xFFFFD800  }
0x10e: {  	s19 =	simm.s32 $0x16680;
	s29 =	smov.u32 s28;
	s6 =	rddreg [dreg:$0x4]  }
0x10f: {  	[spmem:s6] =	stream.indirect.scatter.add.f32 [tilespmem:s19], [sflag:$0x5], $0x80, s14, s30, $0xb8;
	[tilespmem:$0x1B680] =	vst v63  }
0x110: {  	s17 =	simm.s32 $0x13980;
	s1 =	rddreg [dreg:$0x10];
	s0 =	sadd.s32 s29, s0  }
0x111: {  	[tilespmem:s17], [sflag:$0x9] =	stream.linear.gather [hbm4b:s0+s3], $0x50, $0x38;
	[tilespmem:$0x1B680] =	vst v63  }
0x112: {  	s12 =	simm.s32 $0x13C80;
	s4 =	sadd.s32 s29, s1  }
0x113: {  	[tilespmem:s12], [sflag:$0x9] =	stream.linear.gather [hbm4b:s4+s3], $0x50, $0x38;
	[tilespmem:$0x1B680] =	vst v63  }
0x114: {  	_ =	swait.ge [sflag:s26], $0x50  }
0x115: {  	[sflag:s26] =	ssyncset.done $0x0  }
0x116: {  	[sflag:s26] =	ssyncadd.s32 $0xFFFFFFB0  }
0x117: {  	_ =	swait.ge [sflag:s26], $0x50  }
0x118: {  	[sflag:s26] =	ssyncset.done $0x0  }
0x119: {  	s18 =	simm.s32 $0x4;
	[sflag:s26] =	ssyncadd.s32 $0xFFFFFFB0  }
0x11a: {  	_ =	swait.ge [sflag:s18], $0x2800  }
0x11b: {  	[sflag:s18] =	ssyncset.done $0x0  }
0x11c: {  	s7 =	simm.s32 $0x13880;
	[sflag:s18] =	ssyncadd.s32 $0xFFFFD800  }
0x11d: {  	[tilespmem:s31], [sflag:$0x1] =	stream.indirect.gather [hbm4b:s21+s30], $0x80, s7, s30, $0xb8;
	[tilespmem:$0x1B680] =	vst v63  }
0x11e: {  	_ =	swait.ge [sflag:s11], $0x2800  }
0x11f: {  	s2 =	simm.s32 $0x18E80;
	[sflag:s11] =	ssyncset.done $0x0  }
0x120: {  	s31 =	simm.s32 $0x13E00;
	s5 =	rddreg [dreg:$0xf];
	[sflag:s11] =	ssyncadd.s32 $0xFFFFD800  }
0x121: {  	[spmem:s6] =	stream.indirect.scatter.add.f32 [tilespmem:s2], [sflag:$0x6], $0x80, s31, s30, $0xb8;
	[tilespmem:$0x1B680] =	vst v63  }
0x122: {  	s15 =	rddreg [dreg:$0xe];
	s0 =	sadd.s32 s29, s5;
	s11 =	simm.s32 $0x13A00  }
0x123: {  	[tilespmem:s11], [sflag:$0xA] =	stream.linear.gather [hbm4b:s0+s3], $0x50, $0x38;
	[tilespmem:$0x1B680] =	vst v63  }
0x124: {  	s4 =	sadd.s32 s29, s15;
	s5 =	simm.s32 $0x13D00;
	s15 =	simm.s32 $0x8  }
0x125: {  	[tilespmem:s5], [sflag:$0xA] =	stream.linear.gather [hbm4b:s4+s3], $0x50, $0x38;
	[tilespmem:$0x1B680] =	vst v63  }
0x126: {  	_ =	swait.ge [sflag:s15], $0x50  }
0x127: {  	[sflag:s15] =	ssyncset.done $0x0  }
0x128: {  	[sflag:s15] =	ssyncadd.s32 $0xFFFFFFB0  }
0x129: {  	_ =	swait.ge [sflag:s15], $0x50  }
0x12a: {  	[sflag:s15] =	ssyncset.done $0x0  }
0x12b: {  	[sflag:s15] =	ssyncadd.s32 $0xFFFFFFB0  }
0x12c: {  	_ =	swait.ge [sflag:s24], $0x2800  }
0x12d: {  	[sflag:s24] =	ssyncset.done $0x0  }
0x12e: {  	s15 =	simm.s32 $0x13900;
	[sflag:s24] =	ssyncadd.s32 $0xFFFFD800  }
0x12f: {  	[tilespmem:s19], [sflag:$0x2] =	stream.indirect.gather [hbm4b:s21+s30], $0x80, s15, s30, $0xb8;
	[tilespmem:$0x1B680] =	vst v63  }
0x130: {  	_ =	swait.ge [sflag:s8], $0x2800  }
0x131: {  	s9 =	simm.s32 $0x13E80;
	[sflag:s8] =	ssyncset.done $0x0  }
0x132: {  	s4 =	simm.s32 $0x13B80;
	s0 =	rddreg [dreg:$0xd];
	[sflag:s8] =	ssyncadd.s32 $0xFFFFD800  }
0x133: {  	[spmem:s6] =	stream.indirect.scatter.add.f32 [tilespmem:s9], [sflag:$0x4], $0x80, s4, s30, $0xb8;
	[tilespmem:$0x1B680] =	vst v63  }
0x134: {  	s1 =	rddreg [dreg:$0xc];
	s0 =	sadd.s32 s29, s0;
	s8 =	simm.s32 $0x13A80  }
0x135: {  	[tilespmem:s8], [sflag:$0xB] =	stream.linear.gather [hbm4b:s0+s3], $0x50, $0x38;
	[tilespmem:$0x1B680] =	vst v63  }
0x136: {  	s1 =	sadd.s32 s29, s1  }
0x137: {  	[tilespmem:s14], [sflag:$0xB] =	stream.linear.gather [hbm4b:s1+s3], $0x50, $0x38;
	[tilespmem:$0x1B680] =	vst v63  }
0x138: {  	_ =	swait.ge [sflag:s13], $0x50  }
0x139: {  	[sflag:s13] =	ssyncset.done $0x0  }
0x13a: {  	[sflag:s13] =	ssyncadd.s32 $0xFFFFFFB0  }
0x13b: {  	_ =	swait.ge [sflag:s13], $0x50  }
0x13c: {  	[sflag:s13] =	ssyncset.done $0x0  }
0x13d: {  	[sflag:s13] =	ssyncadd.s32 $0xFFFFFFB0  }
0x13e: {  	_ =	swait.ge [sflag:s23], $0x2800  }
0x13f: {  	[sflag:s23] =	ssyncset.done $0x0  }
0x140: {  	[sflag:s23] =	ssyncadd.s32 $0xFFFFD800  }
0x141: {  	[tilespmem:s2], [sflag:$0x3] =	stream.indirect.gather [hbm4b:s21+s30], $0x80, s17, s30, $0xb8;
	[tilespmem:$0x1B680] =	vst v63  }
0x142: {  	_ =	swait.ge [sflag:s16], $0x2800  }
0x143: {  	[sflag:s16] =	ssyncset.done $0x0  }
0x144: {  	s1 =	rddreg [dreg:$0xb];
	[sflag:s16] =	ssyncadd.s32 $0xFFFFD800  }
0x145: {  	[spmem:s6] =	stream.indirect.scatter.add.f32 [tilespmem:s19], [sflag:$0x5], $0x80, s10, s30, $0xb8;
	[tilespmem:$0x1B680] =	vst v63  }
0x146: {  	s17 =	rddreg [dreg:$0xa];
	s0 =	sadd.s32 s29, s1  }
0x147: {  	[tilespmem:s20], [sflag:$0xC] =	stream.linear.gather [hbm4b:s0+s3], $0x50, $0x38;
	[tilespmem:$0x1B680] =	vst v63  }
0x148: {  	s16 =	simm.s32 $0xA;
	s1 =	sadd.s32 s29, s17  }
0x149: {  	[tilespmem:s31], [sflag:$0xC] =	stream.linear.gather [hbm4b:s1+s3], $0x50, $0x38;
	[tilespmem:$0x1B680] =	vst v63  }
0x14a: {  	_ =	swait.ge [sflag:s16], $0x50  }
0x14b: {  	[sflag:s16] =	ssyncset.done $0x0  }
0x14c: {  	[sflag:s16] =	ssyncadd.s32 $0xFFFFFFB0  }
0x14d: {  	_ =	swait.ge [sflag:s16], $0x50  }
0x14e: {  	[sflag:s16] =	ssyncset.done $0x0  }
0x14f: {  	[sflag:s16] =	ssyncadd.s32 $0xFFFFFFB0  }
0x150: {  	_ =	swait.ge [sflag:s18], $0x2800  }
0x151: {  	[sflag:s18] =	ssyncset.done $0x0  }
0x152: {  	s31 =	simm.s32 $0x13E80;
	[sflag:s18] =	ssyncadd.s32 $0xFFFFD800  }
0x153: {  	[tilespmem:s31], [sflag:$0x1] =	stream.indirect.gather [hbm4b:s21+s30], $0x80, s11, s30, $0xb8;
	[tilespmem:$0x1B680] =	vst v63  }
0x154: {  	s11 =	simm.s32 $0x3  }
0x155: {  	_ =	swait.ge [sflag:s11], $0x2800  }
0x156: {  	[sflag:s11] =	ssyncset.done $0x0  }
0x157: {  	s10 =	rddreg [dreg:$0x9];
	[sflag:s11] =	ssyncadd.s32 $0xFFFFD800  }
0x158: {  	[spmem:s6] =	stream.indirect.scatter.add.f32 [tilespmem:s2], [sflag:$0x6], $0x80, s12, s30, $0xb8;
	[tilespmem:$0x1B680] =	vst v63  }
0x159: {  	s17 =	rddreg [dreg:$0x8];
	s0 =	sadd.s32 s29, s10  }
0x15a: {  	[tilespmem:s7], [sflag:$0x7] =	stream.linear.gather [hbm4b:s0+s3], $0x50, $0x38;
	[tilespmem:$0x1B680] =	vst v63  }
0x15b: {  	s18 =	sadd.s32 s29, s17  }
0x15c: {  	[tilespmem:s4], [sflag:$0x7] =	stream.linear.gather [hbm4b:s18+s3], $0x50, $0x38;
	[tilespmem:$0x1B680] =	vst v63  }
0x15d: {  	_ =	swait.ge [sflag:s22], $0x50  }
0x15e: {  	[sflag:s22] =	ssyncset.done $0x0  }
0x15f: {  	[sflag:s22] =	ssyncadd.s32 $0xFFFFFFB0  }
0x160: {  	_ =	swait.ge [sflag:s22], $0x50  }
0x161: {  	[sflag:s22] =	ssyncset.done $0x0  }
0x162: {  	[sflag:s22] =	ssyncadd.s32 $0xFFFFFFB0  }
0x163: {  	_ =	swait.ge [sflag:s24], $0x2800  }
0x164: {  	[sflag:s24] =	ssyncset.done $0x0  }
0x165: {  	[sflag:s24] =	ssyncadd.s32 $0xFFFFD800  }
0x166: {  	[tilespmem:s19], [sflag:$0x2] =	stream.indirect.gather [hbm4b:s21+s30], $0x80, s8, s30, $0xb8;
	[tilespmem:$0x1B680] =	vst v63  }
0x167: {  	p0 =	sne.s32 s28, $0x474;
	s28 =	sadd.s32 $0x3C, s28;
	s8 =	simm.s32 $0x1  }
0x168: {  	s9 =	simm.s32 $0x13D80;
	s14 =	simm.s32 $0x13C00;
	_ =	swait.ge [sflag:s8], $0x2800  }
.Ltmp0:
0x169: {  	[sflag:s8] =	ssyncset.done $0x0;
	s19 =	rddreg [dreg:$0x7];
	(pc) =	sbr.rel @p0 .LBB2_2-.Ltmp0, $4  }
0x16a: {  	s12 =	simm.s32 $0x18E80;
	s20 =	rddreg [dreg:$0x6];
	[sflag:s8] =	ssyncadd.s32 $0xFFFFD800  }
0x16b: {  	[spmem:s6] =	stream.indirect.scatter.add.f32 [tilespmem:s31], [sflag:$0x4], $0x80, s5, s30, $0xb8;
	[tilespmem:$0x1B680] =	vst v63  }
0x16c: {  	s7 =	simm.s32 $0x16680;
	s0 =	sadd.s32 s29, s19;
	s29 =	sadd.s32 s29, s20  }
0x16d: {  	[tilespmem:s15], [sflag:$0x8] =	stream.linear.gather [hbm4b:s0+s3], $0x50, $0x38;
	[tilespmem:$0x1B680] =	vst v63  }
0x16e: {  	[tilespmem:s14], [sflag:$0x8] =	stream.linear.gather [hbm4b:s29+s3], $0x50, $0x38;
	[tilespmem:$0x1B680] =	vst v63  }
0x16f: {  	s0 =	simm.s32 $0x2  }
0x170: {  	_ =	swait.ge [sflag:s0], $0x2800  }
0x171: {  	[sflag:s0] =	ssyncset.done $0x0  }
0x172: {  	[sflag:s0] =	ssyncadd.s32 $0xFFFFD800  }
0x173: {  	s0 =	rddreg [dreg:$0x4]  }
0x174: {  	[spmem:s0] =	stream.indirect.scatter.add.f32 [tilespmem:s7], [sflag:$0x5], $0x80, s9, s30, $0xb8;
	[tilespmem:$0x1B680] =	vst v63  }
0x175: {  	_ =	swait.ge [sflag:s23], $0x2800  }
0x176: {  	[sflag:s23] =	ssyncset.done $0x0  }
0x177: {  	s15 =	simm.s32 $0x4;
	[sflag:s23] =	ssyncadd.s32 $0xFFFFD800  }
0x178: {  	_ =	swait.ge [sflag:s15], $0x2800  }
0x179: {  	[sflag:s15] =	ssyncset.done $0x0  }
0x17a: {  	[sflag:s15] =	ssyncadd.s32 $0xFFFFD800  }
0x17b: {  	_ =	swait.ge [sflag:s24], $0x2800  }
0x17c: {  	[sflag:s24] =	ssyncset.done $0x0  }
0x17d: {  	[sflag:s24] =	ssyncadd.s32 $0xFFFFD800  }
0x17e: {  	_ =	swait.ge [sflag:s25], $0x50  }
0x17f: {  	[sflag:s25] =	ssyncset.done $0x0  }
0x180: {  	[sflag:s25] =	ssyncadd.s32 $0xFFFFFFB0  }
0x181: {  	_ =	swait.ge [sflag:s25], $0x50  }
0x182: {  	[sflag:s25] =	ssyncset.done $0x0  }
0x183: {  	[sflag:s25] =	ssyncadd.s32 $0xFFFFFFB0  }
0x184: {  	_ =	swait.ge [sflag:s26], $0x50  }
0x185: {  	[sflag:s26] =	ssyncset.done $0x0  }
0x186: {  	[sflag:s26] =	ssyncadd.s32 $0xFFFFFFB0  }
0x187: {  	_ =	swait.ge [sflag:s26], $0x50  }
0x188: {  	[sflag:s26] =	ssyncset.done $0x0  }
0x189: {  	s17 =	simm.s32 $0x8;
	[sflag:s26] =	ssyncadd.s32 $0xFFFFFFB0  }
0x18a: {  	_ =	swait.ge [sflag:s17], $0x50  }
0x18b: {  	[sflag:s17] =	ssyncset.done $0x0  }
0x18c: {  	[sflag:s17] =	ssyncadd.s32 $0xFFFFFFB0  }
0x18d: {  	_ =	swait.ge [sflag:s17], $0x50  }
0x18e: {  	[sflag:s17] =	ssyncset.done $0x0  }
0x18f: {  	[sflag:s17] =	ssyncadd.s32 $0xFFFFFFB0  }
0x190: {  	[bflag:$0x0] =	sbarrier.arrive $0xFFFF  }
0x191: {  	s1 =	sld [smem:$0x7FD]  }
0x192: {  	s18 =	sld [smem:$0x7FA]  }
0x193: {  	s4 =	sld [smem:$0x7F5];
	_ =	sdelay $0x1  }
0x194: {  	s28 =	simm.s32 $0xD  }
0x195: {  	[hbm:s18], [sflag:s1] =	dma.local [spmem:s4], $0x2800  }
0x196: {  	_ =	swait.ge [sflag:s28], $0x2800  }
0x197: {  	s19 =	sld [smem:$0x7FC]  }
0x198: {  	s20 =	sld [smem:$0x7FB];
	_ =	sdelay $0x1  }
0x199: {  	s4 =	sadd.s32 $0x1, s19  }
0x19a: {  	p0 =	sne.s32 s4, s20  }
.Ltmp1:
0x19b: {  	s5 =	simm.s32 $0x13B80;
	(pc) =	sbr.rel @p0 .LBB2_1-.Ltmp1, $4  }
0x19c: {  	s10 =	simm.s32 $0x13980;
	s14 =	simm.s32 $0x13C80;
	s13 =	simm.s32 $0x13D00  }
0x19d: {  	s29 =	simm.s32 $0x13B00;
	s11 =	simm.s32 $0x9;
	[sflag:s28] =	ssyncset.done $0x0  }
0x19e: {  	s9 =	simm.s32 $0x13900;
	s15 =	simm.s32 $0x13A00;
	[sflag:s28] =	ssyncadd.s32 $0xFFFFD800  }
0x19f: {  	[smem:$0x7FC] =	sst s4;
	s4 =	simm.s32 $0x13880;
	s20 =	simm.s32 $0x13A80  }
0x1a0: {  	_ =	sfence.sel $0x180000  }
0x1a1: {  	[bflag:$0x0] =	sbarrier.arrive $0xFFFF  }
0x1a2: {  	_ =	strace $0x90000050  }
0x1a3: {  	s0 =	stileid.u32;
	[bflag:$0x2] =	sbarrier.arrive $0xFFFF  }
0x1a4: {  	p0 =	sne.s32 s0, $0x0;
	s0 =	rddreg [dreg:$0x5]  }
0x1a5: {  	s0 =	sadd.s32 @!p0 $0x100000, s0  }
0x1a6: {  	[sflag:s0] =	ssyncadd.tile.s32 @!p0 $0x1;
	_ =	shalt  }
.Lfunc_end2:
_tile_overlayer_lowered:
.L_overlay_start_2:
0x1a7: {  	(tag) =	ssettag $0x2  }
0x1a8: {  	s0 =	rddreg [dreg:$0x0];
	s2 =	stileid.u32  }
0x1a9: {  	s1 =	rddreg [dreg:$0x1];
	p0 =	sne.s32 s2, $0x0  }
0x1aa: {  	s3 =	rddreg [dreg:$0x2];
	[bflag:$0x3] =	sbarrier.arrive $0xFFFF;
	s2 =	simm.s32 @!p0 $0x1C0D  }
0x1ab: {  	[timem:s3], [sflag:s2] =	dma.local @!p0 [hbm:s0], s1  }
0x1ac: {  	s0 =	simm.s32 @!p0 $0xD  }
0x1ad: {  	_ =	swait.ge @!p0 [sflag:s0], s1  }
0x1ae: {  	s1 =	ssub.s32 @!p0 $0x0, s1;
	[sflag:s0] =	ssyncset.done @!p0 $0x0  }
0x1af: {  	[sflag:s0] =	ssyncadd.s32 @!p0 s1  }
0x1b0: {  	[bflag:$0x3] =	sbarrier.arrive $0xFFFF  }
0x1b1: {  	_ =	shalt  }

</sc_bundles>
